<compile_context>
chip_gen: v7x
topology: tpu7x:2x2x1
jax: 0.10.2.dev20260603
libtpu: 0.0.44.dev20260713+nightly
codegen_flags: <defaults>
</compile_context>

<pallas_src>
import dataclasses
import functools

import jax
import jax.numpy as jnp
from jax import lax
from jax.experimental import pallas as pl
from jax.experimental.pallas import tpu as pltpu
from jax.experimental.pallas import tpu_sc as plsc

N = 10000
E = 320000
D_IN = 128
D_HID = 256
D_OUT = 128

NC, NS = 2, 16
BLK = 128
EB = 2560
E_PAD = EB * BLK
N_TAB = 10240
N_BINS = 10240

_mesh = plsc.VectorSubcoreMesh(
    core_axis_name="c", subcore_axis_name="s", num_cores=NC, num_subcores=NS)

_sc_params = pltpu.CompilerParams()
if "needs_layout_passes" in pltpu.CompilerParams.__dataclass_fields__:
  _sc_params = dataclasses.replace(_sc_params, needs_layout_passes=False)


def _hist_body(idx_hbm, out_hbm, idxbuf, histbuf):
  c = lax.axis_index("c")
  s = lax.axis_index("s")
  rpt = EB // NS
  ones16 = jnp.full((16,), 1.0, jnp.float32)

  for k in (0, 1):
    @pl.loop(0, N_BINS // 16)
    def _(i):
      histbuf[pl.ds(i * 16, 16)] = jnp.zeros((16,), jnp.float32)

    pltpu.sync_copy(idx_hbm.at[c, k, pl.ds(s * rpt, rpt)], idxbuf)

    @pl.loop(0, rpt * 8)
    def _(i):
      idx16 = idxbuf[i // 8, pl.ds((i % 8) * 16, 16)]
      plsc.addupdate_scatter(histbuf, [idx16], ones16)

    pltpu.sync_copy(histbuf, out_hbm.at[c, k, s])


def _sc_hist(idx_all):
  kern = pl.kernel(
      _hist_body,
      out_type=jax.ShapeDtypeStruct((2, 2, NS, N_BINS), jnp.float32),
      mesh=_mesh,
      scratch_types=[
          pltpu.VMEM((EB // NS, BLK), jnp.int32),
          pltpu.VMEM((N_BINS,), jnp.float32),
      ],
      compiler_params=_sc_params,
  )
  return kern(idx_all)


LCAP = 164 * 128


def _compact_body(idx_hbm, lsrc_out, ldst_out, cnt_out):
  pl.run_scoped(
      functools.partial(_compact_inner, idx_hbm, lsrc_out, ldst_out, cnt_out),
      pltpu.VMEM((16, BLK), jnp.int32),
      pltpu.VMEM((16, BLK), jnp.int32),
      pltpu.VMEM((LCAP,), jnp.int32),
      pltpu.VMEM((LCAP,), jnp.int32),
      pltpu.VMEM((LCAP,), jnp.int32),
      pltpu.VMEM((LCAP,), jnp.int32),
      pltpu.VMEM((128,), jnp.int32),
  )


def _compact_inner(idx_hbm, lsrc_out, ldst_out, cnt_out,
                   sidx, didx, ls0, ld0, ls1, ld1, cbuf):
  c = lax.axis_index("c")
  s = lax.axis_index("s")
  rpt = EB // NS
  lane = lax.iota(jnp.int32, 16)
  trash_src = N + ((s * 16 + lane) % (N_TAB - N))
  trash_dst = NHALF + s * 16 + lane

  def chunk(k, carry):
    p0, p1 = carry
    pltpu.sync_copy(idx_hbm.at[c, 0, pl.ds(s * rpt + k * 16, 16)], sidx)
    pltpu.sync_copy(idx_hbm.at[c, 1, pl.ds(s * rpt + k * 16, 16)], didx)

    def grp(i, pp):
      q0, q1 = pp
      r = i // 8
      g = (i % 8) * 16
      src16 = sidx[r, pl.ds(g, 16)]
      dst16 = didx[r, pl.ds(g, 16)]
      m0 = dst16 < NHALF
      i0 = m0.astype(jnp.int32)
      cs0 = plsc.cumsum(i0)
      n0 = jnp.max(cs0)
      e0 = cs0 - i0
      plsc.store_scatter(ls0, [q0 + e0], src16, mask=m0)
      plsc.store_scatter(ld0, [q0 + e0], dst16, mask=m0)
      m1 = jnp.logical_not(m0)
      i1 = jnp.int32(1) - i0
      e1 = plsc.cumsum(i1) - i1
      plsc.store_scatter(ls1, [q1 + e1], src16, mask=m1)
      plsc.store_scatter(ld1, [q1 + e1], dst16 - NHALF, mask=m1)
      return (q0 + n0, q1 + (16 - n0))

    return lax.fori_loop(0, 16 * 8, grp, (p0, p1))

  p0, p1 = lax.fori_loop(0, 10, chunk, (jnp.int32(0), jnp.int32(0)))

  @pl.loop(0, 16)
  def _(k):
    off = k * 16 + lane
    plsc.store_scatter(ls0, [p0 + off], trash_src)
    plsc.store_scatter(ld0, [p0 + off], trash_dst)
    plsc.store_scatter(ls1, [p1 + off], trash_src)
    plsc.store_scatter(ld1, [p1 + off], trash_dst)

  nb0 = 2 * ((p0 + 255) // 256)
  nb1 = 2 * ((p1 + 255) // 256)

  @pl.loop(0, 8)
  def _(k):
    cbuf[pl.ds(k * 16, 16)] = jnp.where(lane == 0, nb0,
                                        jnp.where(lane == 1, nb1, 0))

  pltpu.sync_copy(ls0, lsrc_out.at[c, 0, pl.ds(s * LCAP, LCAP)])
  pltpu.sync_copy(ld0, ldst_out.at[c, 0, pl.ds(s * LCAP, LCAP)])
  pltpu.sync_copy(ls1, lsrc_out.at[c, 1, pl.ds(s * LCAP, LCAP)])
  pltpu.sync_copy(ld1, ldst_out.at[c, 1, pl.ds(s * LCAP, LCAP)])
  pltpu.sync_copy(cbuf, cnt_out.at[c, pl.ds(s * 128, 128)])


def _sc_compact(idx_all):
  kern = pl.kernel(
      _compact_body,
      out_type=(
          jax.ShapeDtypeStruct((2, 2, NS * LCAP), jnp.int32),
          jax.ShapeDtypeStruct((2, 2, NS * LCAP), jnp.int32),
          jax.ShapeDtypeStruct((2, NS * 128), jnp.int32),
      ),
      mesh=_mesh,
      scratch_types=[],
      compiler_params=_sc_params,
  )
  return kern(idx_all)


NHALF = N_TAB // 2
ACC_ROWS = 5376


def _make_scatter_body(n_tabs):

  def body(tab_hbm, lsrc_hbm, ldst_hbm, cnt_hbm, out_hbm, accum, gsem):
    pl.run_scoped(
        functools.partial(_scatter_inner, tab_hbm, lsrc_hbm, ldst_hbm,
                          cnt_hbm, out_hbm, accum, gsem),
        pltpu.VMEM((LCAP // 128, BLK), jnp.int32),
        pltpu.VMEM((LCAP // 128, BLK), jnp.int32),
        pltpu.VMEM((2, BLK, 128), jnp.float32),
        pltpu.VMEM((16, 128), jnp.float32),
        pltpu.VMEM((128,), jnp.int32),
    )

  def _scatter_inner(tab_hbm, lsrc_hbm, ldst_hbm, cnt_hbm, out_hbm, accum,
                     gsem, srcbuf, dstbuf, gbuf, zbuf, cbuf):
    c = lax.axis_index("c")
    s = lax.axis_index("s")

    @pl.loop(0, 16 * 8)
    def _(i):
      zbuf[i // 8, pl.ds((i % 8) * 16, 16)] = jnp.zeros((16,), jnp.float32)

    pltpu.sync_copy(lsrc_hbm.at[c, s], srcbuf)
    pltpu.sync_copy(ldst_hbm.at[c, s], dstbuf)
    pltpu.sync_copy(cnt_hbm.at[pl.ds(s * 128, 128)], cbuf)
    lane = lax.iota(jnp.int32, 16)
    cv = cbuf[pl.ds(0, 16)]
    nb = jnp.minimum(jnp.max(jnp.where(lane == c, cv, 0)), LCAP // 128)

    for f in range(n_tabs):
      tabf = tab_hbm if n_tabs == 1 else tab_hbm.at[f]
      for k in range(21):
        pltpu.sync_copy(zbuf, accum.at[pl.ds(s * 336 + k * 16, 16)])
      plsc.subcore_barrier()

      @pl.loop(0, nb // 2)
      def _(i2):
        gd = [pltpu.async_copy(tabf.at[srcbuf.at[i2 * 2 + j]], gbuf.at[j],
                               gsem.at[j]) for j in range(2)]
        for j in range(2):
          gd[j].wait()
          pltpu.sync_copy(gbuf.at[j], accum.at[dstbuf.at[i2 * 2 + j]],
                          add=True)

      plsc.subcore_barrier()
      if n_tabs == 1:
        pltpu.sync_copy(accum.at[pl.ds(s * 336, 336)],
                        out_hbm.at[c, pl.ds(s * 336, 336)])
      else:
        pltpu.sync_copy(accum.at[pl.ds(s * 336, 336)],
                        out_hbm.at[c, f, pl.ds(s * 336, 336)])

  return body


def _sc_scatter(tab, lsrc, ldst, cnt, n_tabs):
  out_shape = ((NC, ACC_ROWS, 128) if n_tabs == 1
               else (NC, n_tabs, ACC_ROWS, 128))
  kern = pl.kernel(
      _make_scatter_body(n_tabs),
      out_type=jax.ShapeDtypeStruct(out_shape, jnp.float32),
      mesh=_mesh,
      scratch_types=[
          pltpu.VMEM_SHARED((ACC_ROWS, 128), jnp.float32),
          pltpu.SemaphoreType.DMA((2,)),
      ],
      compiler_params=_sc_params,
  )
  return kern(tab, lsrc, ldst, cnt)


def _dot(a, b):
  return lax.dot_general(a, b, (((1,), (0,)), ((), ())),
                         precision=lax.Precision.HIGHEST,
                         preferred_element_type=jnp.float32)


def _degt_body(deg_ref, o_ref):
  r = lax.broadcasted_iota(jnp.int32, (64, 4), 0) // 16
  j = lax.broadcasted_iota(jnp.int32, (64, 4), 1)
  sel = (r == j).astype(jnp.float32)
  o_ref[...] = lax.dot_general(deg_ref[...], sel, (((0,), (0,)), ((), ())),
                               precision=lax.Precision.HIGHEST,
                               preferred_element_type=jnp.float32)


def _prep_body(x_ref, degt_ref, o_ref):
  ns1 = lax.rsqrt(jnp.maximum(degt_ref[:, 0:1], 1.0))
  o_ref[...] = x_ref[...] * ns1


def _mid_body(p_ref, degt_ref, w1_ref, b1_ref, o_ref):
  h = _dot(p_ref[0], w1_ref[...])
  nd1 = lax.rsqrt(jnp.maximum(degt_ref[:, 1:2], 1.0))
  ns2 = lax.rsqrt(jnp.maximum(degt_ref[:, 2:3], 1.0))
  xn2 = (h * nd1 + b1_ref[...]) * ns2
  o_ref[0] = xn2[:, :128]
  o_ref[1] = xn2[:, 128:]


def _final_body(a_ref, degt_ref, w2_ref, b2_ref, wfc_ref, bfc_ref, o_ref):
  h2 = _dot(a_ref[0, 0], w2_ref[0:128, :]) + _dot(a_ref[0, 1], w2_ref[128:256, :])
  nd2 = lax.rsqrt(jnp.maximum(degt_ref[:, 3:4], 1.0))
  rst = h2 * nd2 + b2_ref[...]
  o_ref[...] = _dot(rst, wfc_ref[...]) + bfc_ref[...]


def _tc_degt(deg):
  return pl.pallas_call(
      _degt_body,
      out_shape=jax.ShapeDtypeStruct((N_BINS, 4), jnp.float32))(deg)


_BR = 1280


def _tc_prep(x_pad, degt):
  return pl.pallas_call(
      _prep_body,
      grid=(N_TAB // _BR,),
      in_specs=[
          pl.BlockSpec((_BR, 128), lambda i: (i, 0)),
          pl.BlockSpec((_BR, 4), lambda i: (i, 0)),
      ],
      out_specs=pl.BlockSpec((_BR, 128), lambda i: (i, 0)),
      out_shape=jax.ShapeDtypeStruct((N_TAB, 128), jnp.float32))(x_pad, degt)


def _tc_mid(p, degt, W1, b1):
  return pl.pallas_call(
      _mid_body,
      grid=(N_TAB // _BR,),
      in_specs=[
          pl.BlockSpec((1, _BR, 128), lambda i: (i // 4, i % 4, 0)),
          pl.BlockSpec((_BR, 4), lambda i: (i, 0)),
          pl.BlockSpec((128, 256), lambda i: (0, 0)),
          pl.BlockSpec((1, 256), lambda i: (0, 0)),
      ],
      out_specs=pl.BlockSpec((2, _BR, 128), lambda i: (0, i, 0)),
      out_shape=jax.ShapeDtypeStruct((2, N_TAB, 128), jnp.float32))(
          p, degt, W1, b1)


def _tc_final(a, degt, W2, b2, Wfc, bfc):
  return pl.pallas_call(
      _final_body,
      grid=(N_TAB // _BR,),
      in_specs=[
          pl.BlockSpec((1, 2, _BR, 128), lambda i: (i // 4, 0, i % 4, 0)),
          pl.BlockSpec((_BR, 4), lambda i: (i, 0)),
          pl.BlockSpec((256, 256), lambda i: (0, 0)),
          pl.BlockSpec((1, 256), lambda i: (0, 0)),
          pl.BlockSpec((256, 128), lambda i: (0, 0)),
          pl.BlockSpec((1, 128), lambda i: (0, 0)),
      ],
      out_specs=pl.BlockSpec((_BR, 128), lambda i: (i, 0)),
      out_shape=jax.ShapeDtypeStruct((N_TAB, D_OUT), jnp.float32))(
          a, degt, W2, b2, Wfc, bfc)


@jax.jit
def _run(x, edge_index1, edge_index2, W1, b1, W2, b2, Wfc, bfc):
  i32 = jnp.int32
  pad = N + jnp.arange(E_PAD - E, dtype=i32) % (N_TAB - N)

  def prep_idx(v):
    return jnp.concatenate([v.astype(i32), pad]).reshape(EB, BLK)

  s1, d1 = prep_idx(edge_index1[0]), prep_idx(edge_index1[1])
  s2, d2 = prep_idx(edge_index2[0]), prep_idx(edge_index2[1])

  idx_all = jnp.stack([jnp.stack([s1, d1]), jnp.stack([s2, d2])])
  deg = _sc_hist(idx_all)
  lsrc, ldst, cnt = _sc_compact(idx_all)
  lsrc = lsrc.reshape(2, 2, NS, LCAP // 128, 128)
  ldst = ldst.reshape(2, 2, NS, LCAP // 128, 128)
  degt = _tc_degt(deg.reshape(4 * NS, N_BINS))

  x_pad = jnp.zeros((N_TAB, D_IN), jnp.float32).at[:N].set(x)
  xn = _tc_prep(x_pad, degt)

  p = _sc_scatter(xn, lsrc[0], ldst[0], cnt[0], n_tabs=1)
  xh = _tc_mid(p, degt, W1, b1.reshape(1, -1))

  a = _sc_scatter(xh, lsrc[1], ldst[1], cnt[1], n_tabs=2)
  out = _tc_final(a, degt, W2, b2.reshape(1, -1), Wfc, bfc.reshape(1, -1))
  return out[:N]


def kernel(x, edge_index1, edge_index2, W1, b1, W2, b2, Wfc, bfc):
  return _run(x, edge_index1, edge_index2, W1, b1, W2, b2, Wfc, bfc)

# --- scband reference (transcript-rebuilt; emitter-appended) ---
"""Pipeline reference for scband-gcn-55009941128030 (READ-ONLY COPY).

The authoritative reference and input builder live on the scoring server;
editing this copy changes nothing except your own understanding.
"""

import jax, jax.numpy as jnp
import numpy as np

N_NODES = 10000
N_EDGES = 320000
IN_DIM = 128
HID_DIM = 256
OUT_DIM = 128


def setup_inputs(seed: int = 0) -> dict:
    key = jax.random.key(seed)
    ks = jax.random.split(key, 10)
    x = jax.random.normal(ks[0], (N_NODES, IN_DIM), dtype=jnp.float32)
    edge_index1 = jax.random.randint(ks[1], (2, N_EDGES), 0, N_NODES, dtype=jnp.int64)
    edge_index2 = jax.random.randint(ks[2], (2, N_EDGES), 0, N_NODES, dtype=jnp.int64)
    # learned params (DGL GraphConv: weight [in, out] + bias; then final Linear)
    W1 = jax.random.normal(ks[3], (IN_DIM, HID_DIM), dtype=jnp.float32) * (1.0 / np.sqrt(IN_DIM))
    b1 = jnp.zeros((HID_DIM,), dtype=jnp.float32)
    W2 = jax.random.normal(ks[4], (HID_DIM, HID_DIM), dtype=jnp.float32) * (1.0 / np.sqrt(HID_DIM))
    b2 = jnp.zeros((HID_DIM,), dtype=jnp.float32)
    Wfc = jax.random.normal(ks[5], (HID_DIM, OUT_DIM), dtype=jnp.float32) * (1.0 / np.sqrt(HID_DIM))
    bfc = jnp.zeros((OUT_DIM,), dtype=jnp.float32)
    return {"x": x, "edge_index1": edge_index1, "edge_index2": edge_index2,
            "W1": W1, "b1": b1, "W2": W2, "b2": b2, "Wfc": Wfc, "bfc": bfc}


def _graph_conv(x, edge_index, W, b):
    # DGL GraphConv, norm='both':
    #   feat = feat * out_deg(src)^{-1/2}; h = feat @ W; agg = scatter_add over dst;
    #   rst = agg * in_deg(dst)^{-1/2} + b
    src = edge_index[0]
    dst = edge_index[1]
    ones = jnp.ones((edge_index.shape[1],), dtype=jnp.float32)
    out_deg = jnp.zeros((N_NODES,), dtype=jnp.float32).at[src].add(ones)
    in_deg = jnp.zeros((N_NODES,), dtype=jnp.float32).at[dst].add(ones)
    norm_src = jnp.power(jnp.clip(out_deg, 1.0, None), -0.5)
    norm_dst = jnp.power(jnp.clip(in_deg, 1.0, None), -0.5)
    h = x * norm_src[:, None]
    h = h @ W
    msgs = jnp.take(h, src, axis=0)
    agg = jnp.zeros((N_NODES, h.shape[1]), dtype=h.dtype).at[dst].add(msgs)
    rst = agg * norm_dst[:, None] + b
    return rst


def reference(x, edge_index1, edge_index2, W1, b1, W2, b2, Wfc, bfc):
    h = _graph_conv(x, edge_index1, W1, b1)
    h = h.reshape(h.shape[0], -1)  # flatten(1)
    h = _graph_conv(h, edge_index2, W2, b2)
    h = h.reshape(h.shape[0], -1)
    out = h @ Wfc + bfc
    return out

if __name__ == "__main__":
    import jax
    _d = setup_inputs()
    print(jax.jit(kernel)(*tuple(_d.values())))

</pallas_src>

<mosaic_0001>
#map = affine_map<(d0, d1) -> (0, 0, 0, 0)>
#map1 = affine_map<(d0, d1) -> (0, 0, 0)>
#map2 = affine_map<(d0, d1) -> (0, 0)>
module attributes {stable_mosaic.version = 14 : i64} {
  func.func @_compact_body(%arg0: i32, %arg1: i32, %arg2: memref<2x2x2560x128xi32, #tpu.memory_space<hbm>>, %arg3: memref<2x2x335872xi32, #tpu.memory_space<hbm>>, %arg4: memref<2x2x335872xi32, #tpu.memory_space<hbm>>, %arg5: memref<2x2048xi32, #tpu.memory_space<hbm>>) attributes {dimension_semantics = [#tpu.dimension_semantics<core_parallel>, #tpu.dimension_semantics<subcore_parallel>], iteration_bounds = array<i64: 2, 16>, scalar_prefetch = 0 : i64, scratch_operands = 0 : i64, tpu.core_type = #tpu.core_type<sc_vector_subcore>, window_params = [{transform_indices = #map}, {transform_indices = #map1}, {transform_indices = #map1}, {transform_indices = #map2}]} {
    "tpu.region"() ({
      %run_scoped3A = memref.alloca() : memref<16x128xi32, #tpu.memory_space<vmem>>
      %run_scoped3A_0 = memref.alloca() : memref<16x128xi32, #tpu.memory_space<vmem>>
      %run_scoped3A_1 = memref.alloca() : memref<20992xi32, #tpu.memory_space<vmem>>
      %run_scoped3A_2 = memref.alloca() : memref<20992xi32, #tpu.memory_space<vmem>>
      %run_scoped3A_3 = memref.alloca() : memref<20992xi32, #tpu.memory_space<vmem>>
      %run_scoped3A_4 = memref.alloca() : memref<20992xi32, #tpu.memory_space<vmem>>
      %run_scoped3A_5 = memref.alloca() : memref<128xi32, #tpu.memory_space<vmem>>
      %iota3A = tpu.iota {dimensions = array<i32: 0>} : vector<16xi32>
      %mul3A = arith.constant 16 : i32
      %mul3A_6 = arith.muli %arg1, %mul3A : i32
      %add3A = vector.broadcast %mul3A_6 : i32 to vector<16xi32>
      %add3A_7 = arith.addi %add3A, %iota3A : vector<16xi32>
      %jit3A = arith.constant 240 : i32
      %eq3A = arith.constant 0 : i32
      %eq3A_8 = arith.cmpi eq, %jit3A, %eq3A : i32
      %jit3A_9 = arith.constant 1 : i32
      %select_n3A = arith.select %eq3A_8, %jit3A_9, %jit3A : i32
      %rem3A = vector.broadcast %select_n3A : i32 to vector<16xi32>
      %rem3A_10 = arith.remsi %add3A_7, %rem3A : vector<16xi32>
      %ne3A = arith.constant 0 : i32
      %ne3A_11 = vector.broadcast %ne3A : i32 to vector<16xi32>
      %ne3A_12 = arith.cmpi ne, %rem3A_10, %ne3A_11 : vector<16xi32>
      %lt3A = arith.constant 0 : i32
      %lt3A_13 = vector.broadcast %lt3A : i32 to vector<16xi32>
      %lt3A_14 = arith.cmpi slt, %rem3A_10, %lt3A_13 : vector<16xi32>
      %lt3A_15 = arith.constant 0 : i32
      %lt3A_16 = arith.cmpi slt, %select_n3A, %lt3A_15 : i32
      %ne3A_17 = vector.broadcast %lt3A_16 : i1 to vector<16xi1>
      %ne3A_18 = vector.broadcast %ne3A_17 : vector<16xi1> to vector<16xi1>
      %ne3A_19 = arith.xori %lt3A_14, %ne3A_18 : vector<16xi1>
      %and3A = arith.andi %ne3A_19, %ne3A_12 : vector<16xi1>
      %add3A_20 = vector.broadcast %select_n3A : i32 to vector<16xi32>
      %add3A_21 = arith.addi %rem3A_10, %add3A_20 : vector<16xi32>
      %select_n3A_22 = arith.select %and3A, %add3A_21, %rem3A_10 : vector<16xi1>, vector<16xi32>
      %add3A_23 = arith.constant 10000 : i32
      %add3A_24 = vector.broadcast %add3A_23 : i32 to vector<16xi32>
      %add3A_25 = arith.addi %add3A_24, %select_n3A_22 : vector<16xi32>
      %mul3A_26 = arith.constant 16 : i32
      %mul3A_27 = arith.muli %arg1, %mul3A_26 : i32
      %add3A_28 = arith.constant 5120 : i32
      %add3A_29 = arith.addi %add3A_28, %mul3A_27 : i32
      %add3A_30 = vector.broadcast %add3A_29 : i32 to vector<16xi32>
      %add3A_31 = arith.addi %add3A_30, %iota3A : vector<16xi32>
      %scan3A = arith.constant 0 : i32
      %scan3A_32 = arith.constant 0 : i32
      %scan3A_33 = arith.constant 0 : i32
      %scan3A_34 = arith.constant 10 : i32
      %scan3A_35 = arith.addi %scan3A_33, %scan3A_34 : i32
      %scan3A_36 = arith.constant 1 : i32
      %scan3A_37:2 = scf.for %scan3A_116 = %scan3A_33 to %scan3A_35 step %scan3A_36 iter_args(%scan3A_117 = %scan3A, %scan3A_118 = %scan3A_32) -> (i32, i32)  : i32 {
        %mul3A_119 = arith.constant 160 : i32
        %mul3A_120 = arith.muli %arg1, %mul3A_119 : i32
        %mul3A_121 = arith.constant 16 : i32
        %mul3A_122 = arith.muli %scan3A_116, %mul3A_121 : i32
        %add3A_123 = arith.addi %mul3A_120, %mul3A_122 : i32
        %run_scoped3A_124 = arith.constant 0 : i32
        "tpu.region"() ({
          %run_scoped3A_137 = tpu.sem_alloc : memref<!tpu.dma_semaphore, #tpu.memory_space<semaphore_mem>>
          %dma_start3A = arith.constant 0 : i32
          %dma_start3A_138 = tpu.memref_slice %arg2[%arg0, %run_scoped3A_124, %add3A_123, %dma_start3A] : memref<2x2x2560x128xi32, #tpu.memory_space<hbm>> -> memref<1x1x16x128xi32, #tpu.memory_space<hbm>>
          %dma_start3A_139 = tpu.memref_squeeze %dma_start3A_138 : memref<1x1x16x128xi32, #tpu.memory_space<hbm>> -> memref<16x128xi32, #tpu.memory_space<hbm>>
          %dma_start3A_140 = arith.constant 0 : i32
          %dma_start3A_141 = tpu.memref_slice %arg2[%arg0, %run_scoped3A_124, %add3A_123, %dma_start3A_140] : memref<2x2x2560x128xi32, #tpu.memory_space<hbm>> -> memref<1x1x16x128xi32, #tpu.memory_space<hbm>>
          %dma_start3A_142 = tpu.memref_squeeze %dma_start3A_141 : memref<1x1x16x128xi32, #tpu.memory_space<hbm>> -> memref<16x128xi32, #tpu.memory_space<hbm>>
          tpu.enqueue_dma source(%dma_start3A_142 : memref<16x128xi32, #tpu.memory_space<hbm>>) target(%run_scoped3A : memref<16x128xi32, #tpu.memory_space<vmem>>) target_semaphore(%run_scoped3A_137 : memref<!tpu.dma_semaphore, #tpu.memory_space<semaphore_mem>>)
          %dma_wait3A = arith.constant 0 : i32
          %dma_wait3A_143 = tpu.memref_slice %arg2[%arg0, %run_scoped3A_124, %add3A_123, %dma_wait3A] : memref<2x2x2560x128xi32, #tpu.memory_space<hbm>> -> memref<1x1x16x128xi32, #tpu.memory_space<hbm>>
          %dma_wait3A_144 = tpu.memref_squeeze %dma_wait3A_143 : memref<1x1x16x128xi32, #tpu.memory_space<hbm>> -> memref<16x128xi32, #tpu.memory_space<hbm>>
          %dma_wait3A_145 = arith.constant 0 : i32
          %dma_wait3A_146 = tpu.memref_slice %arg2[%arg0, %run_scoped3A_124, %add3A_123, %dma_wait3A_145] : memref<2x2x2560x128xi32, #tpu.memory_space<hbm>> -> memref<1x1x16x128xi32, #tpu.memory_space<hbm>>
          %dma_wait3A_147 = tpu.memref_squeeze %dma_wait3A_146 : memref<1x1x16x128xi32, #tpu.memory_space<hbm>> -> memref<16x128xi32, #tpu.memory_space<hbm>>
          tpu.wait_dma2 semaphore(%run_scoped3A_137 : memref<!tpu.dma_semaphore, #tpu.memory_space<semaphore_mem>>) src(%dma_wait3A_147 : memref<16x128xi32, #tpu.memory_space<hbm>>) dst(%run_scoped3A : memref<16x128xi32, #tpu.memory_space<vmem>>)
          tpu.yield
        }) : () -> ()
        %mul3A_125 = arith.constant 160 : i32
        %mul3A_126 = arith.muli %arg1, %mul3A_125 : i32
        %mul3A_127 = arith.constant 16 : i32
        %mul3A_128 = arith.muli %scan3A_116, %mul3A_127 : i32
        %add3A_129 = arith.addi %mul3A_126, %mul3A_128 : i32
        %run_scoped3A_130 = arith.constant 1 : i32
        "tpu.region"() ({
          %run_scoped3A_137 = tpu.sem_alloc : memref<!tpu.dma_semaphore, #tpu.memory_space<semaphore_mem>>
          %dma_start3A = arith.constant 0 : i32
          %dma_start3A_138 = tpu.memref_slice %arg2[%arg0, %run_scoped3A_130, %add3A_129, %dma_start3A] : memref<2x2x2560x128xi32, #tpu.memory_space<hbm>> -> memref<1x1x16x128xi32, #tpu.memory_space<hbm>>
          %dma_start3A_139 = tpu.memref_squeeze %dma_start3A_138 : memref<1x1x16x128xi32, #tpu.memory_space<hbm>> -> memref<16x128xi32, #tpu.memory_space<hbm>>
          %dma_start3A_140 = arith.constant 0 : i32
          %dma_start3A_141 = tpu.memref_slice %arg2[%arg0, %run_scoped3A_130, %add3A_129, %dma_start3A_140] : memref<2x2x2560x128xi32, #tpu.memory_space<hbm>> -> memref<1x1x16x128xi32, #tpu.memory_space<hbm>>
          %dma_start3A_142 = tpu.memref_squeeze %dma_start3A_141 : memref<1x1x16x128xi32, #tpu.memory_space<hbm>> -> memref<16x128xi32, #tpu.memory_space<hbm>>
          tpu.enqueue_dma source(%dma_start3A_142 : memref<16x128xi32, #tpu.memory_space<hbm>>) target(%run_scoped3A_0 : memref<16x128xi32, #tpu.memory_space<vmem>>) target_semaphore(%run_scoped3A_137 : memref<!tpu.dma_semaphore, #tpu.memory_space<semaphore_mem>>)
          %dma_wait3A = arith.constant 0 : i32
          %dma_wait3A_143 = tpu.memref_slice %arg2[%arg0, %run_scoped3A_130, %add3A_129, %dma_wait3A] : memref<2x2x2560x128xi32, #tpu.memory_space<hbm>> -> memref<1x1x16x128xi32, #tpu.memory_space<hbm>>
          %dma_wait3A_144 = tpu.memref_squeeze %dma_wait3A_143 : memref<1x1x16x128xi32, #tpu.memory_space<hbm>> -> memref<16x128xi32, #tpu.memory_space<hbm>>
          %dma_wait3A_145 = arith.constant 0 : i32
          %dma_wait3A_146 = tpu.memref_slice %arg2[%arg0, %run_scoped3A_130, %add3A_129, %dma_wait3A_145] : memref<2x2x2560x128xi32, #tpu.memory_space<hbm>> -> memref<1x1x16x128xi32, #tpu.memory_space<hbm>>
          %dma_wait3A_147 = tpu.memref_squeeze %dma_wait3A_146 : memref<1x1x16x128xi32, #tpu.memory_space<hbm>> -> memref<16x128xi32, #tpu.memory_space<hbm>>
          tpu.wait_dma2 semaphore(%run_scoped3A_137 : memref<!tpu.dma_semaphore, #tpu.memory_space<semaphore_mem>>) src(%dma_wait3A_147 : memref<16x128xi32, #tpu.memory_space<hbm>>) dst(%run_scoped3A_0 : memref<16x128xi32, #tpu.memory_space<vmem>>)
          tpu.yield
        }) : () -> ()
        %scan3A_131 = arith.constant 0 : i32
        %scan3A_132 = arith.constant 128 : i32
        %scan3A_133 = arith.addi %scan3A_131, %scan3A_132 : i32
        %scan3A_134 = arith.constant 1 : i32
        %scan3A_135:2 = scf.for %scan3A_137 = %scan3A_131 to %scan3A_133 step %scan3A_134 iter_args(%scan3A_138 = %scan3A_117, %scan3A_139 = %scan3A_118) -> (i32, i32)  : i32 {
          %jit3A_140 = arith.constant 8 : i32
          %div3A_141 = arith.divsi %scan3A_137, %jit3A_140 : i32
          %sign3A_142 = arith.constant 0 : i32
          %sign3A_143 = arith.cmpi sgt, %scan3A_137, %sign3A_142 : i32
          %sign3A_144 = arith.extui %sign3A_143 : i1 to i32
          %sign3A_145 = arith.constant 0 : i32
          %sign3A_146 = arith.cmpi slt, %scan3A_137, %sign3A_145 : i32
          %sign3A_147 = arith.extui %sign3A_146 : i1 to i32
          %sign3A_148 = arith.subi %sign3A_144, %sign3A_147 : i32
          %sign3A_149 = arith.constant 0 : i32
          %sign3A_150 = arith.cmpi sgt, %jit3A_140, %sign3A_149 : i32
          %sign3A_151 = arith.extui %sign3A_150 : i1 to i32
          %sign3A_152 = arith.constant 0 : i32
          %sign3A_153 = arith.cmpi slt, %jit3A_140, %sign3A_152 : i32
          %sign3A_154 = arith.extui %sign3A_153 : i1 to i32
          %sign3A_155 = arith.subi %sign3A_151, %sign3A_154 : i32
          %ne3A_156 = arith.cmpi ne, %sign3A_148, %sign3A_155 : i32
          %rem3A_157 = arith.remsi %scan3A_137, %jit3A_140 : i32
          %ne3A_158 = arith.constant 0 : i32
          %ne3A_159 = arith.cmpi ne, %rem3A_157, %ne3A_158 : i32
          %and3A_160 = arith.andi %ne3A_156, %ne3A_159 : i1
          %sub3A_161 = arith.constant 1 : i32
          %sub3A_162 = arith.subi %div3A_141, %sub3A_161 : i32
          %select_n3A_163 = arith.select %and3A_160, %sub3A_162, %div3A_141 : i32
          %jit3A_164 = arith.constant 8 : i32
          %eq3A_165 = arith.constant 0 : i32
          %eq3A_166 = arith.cmpi eq, %jit3A_164, %eq3A_165 : i32
          %jit3A_167 = arith.constant 1 : i32
          %select_n3A_168 = arith.select %eq3A_166, %jit3A_167, %jit3A_164 : i32
          %rem3A_169 = arith.remsi %scan3A_137, %select_n3A_168 : i32
          %ne3A_170 = arith.constant 0 : i32
          %ne3A_171 = arith.cmpi ne, %rem3A_169, %ne3A_170 : i32
          %lt3A_172 = arith.constant 0 : i32
          %lt3A_173 = arith.cmpi slt, %rem3A_169, %lt3A_172 : i32
          %lt3A_174 = arith.constant 0 : i32
          %lt3A_175 = arith.cmpi slt, %select_n3A_168, %lt3A_174 : i32
          %ne3A_176 = arith.xori %lt3A_173, %lt3A_175 : i1
          %and3A_177 = arith.andi %ne3A_176, %ne3A_171 : i1
          %add3A_178 = arith.addi %rem3A_169, %select_n3A_168 : i32
          %select_n3A_179 = arith.select %and3A_177, %add3A_178, %rem3A_169 : i32
          %mul3A_180 = arith.constant 16 : i32
          %mul3A_181 = arith.muli %select_n3A_179, %mul3A_180 : i32
          %get3A = arith.index_cast %select_n3A_163 : i32 to index
          %get3A_182 = arith.index_cast %mul3A_181 : i32 to index
          %get3A_183 = tpu.vector_load %run_scoped3A[%get3A, %get3A_182] {strides = array<i32>} : memref<16x128xi32, #tpu.memory_space<vmem>>, vector<16xi32>,
          %get3A_184 = arith.index_cast %select_n3A_163 : i32 to index
          %get3A_185 = arith.index_cast %mul3A_181 : i32 to index
          %get3A_186 = tpu.vector_load %run_scoped3A_0[%get3A_184, %get3A_185] {strides = array<i32>} : memref<16x128xi32, #tpu.memory_space<vmem>>, vector<16xi32>,
          %lt3A_187 = arith.constant 5120 : i32
          %lt3A_188 = vector.broadcast %lt3A_187 : i32 to vector<16xi32>
          %lt3A_189 = arith.cmpi slt, %get3A_186, %lt3A_188 : vector<16xi32>
          %convert_element_type3A = arith.extui %lt3A_189 : vector<16xi1> to vector<16xi32>
          %broadcast_in_dim3A = arith.constant true
          %broadcast_in_dim3A_190 = vector.broadcast %broadcast_in_dim3A : i1 to vector<16xi1>
          %masked_cumsum3A = tpu.scan <sum>, %convert_element_type3A masked %broadcast_in_dim3A_190 : vector<16xi32>, vector<16xi1> -> vector<16xi32>
          %reduce_max3A = arith.constant true
          %reduce_max3A_191 = vector.broadcast %reduce_max3A : i1 to vector<16xi1>
          %reduce_max3A_192 = arith.constant -2147483648 : i32
          %reduce_max3A_193 = vector.broadcast %reduce_max3A_192 : i32 to vector<16xi32>
          %reduce_max3A_194 = arith.xori %masked_cumsum3A, %reduce_max3A_193 : vector<16xi32>
          %reduce_max3A_195 = tpu.scan <max>, %reduce_max3A_194 masked %reduce_max3A_191 : vector<16xi32>, vector<16xi1> -> vector<16xi32>
          %reduce_max3A_196 = arith.xori %reduce_max3A_195, %reduce_max3A_193 : vector<16xi32>
          %reduce_max3A_197 = vector.extract %reduce_max3A_196[15] : i32 from vector<16xi32>
          %sub3A_198 = arith.subi %masked_cumsum3A, %convert_element_type3A : vector<16xi32>
          %add3A_199 = vector.broadcast %scan3A_138 : i32 to vector<16xi32>
          %add3A_200 = arith.addi %add3A_199, %sub3A_198 : vector<16xi32>
          tpu.vector_store_idx %run_scoped3A_1[%add3A_200], %get3A_183 masked %lt3A_189 : memref<20992xi32, #tpu.memory_space<vmem>>[vector<16xi32>], vector<16xi32>, vector<16xi1>
          %add3A_201 = vector.broadcast %scan3A_138 : i32 to vector<16xi32>
          %add3A_202 = arith.addi %add3A_201, %sub3A_198 : vector<16xi32>
          tpu.vector_store_idx %run_scoped3A_2[%add3A_202], %get3A_186 masked %lt3A_189 : memref<20992xi32, #tpu.memory_space<vmem>>[vector<16xi32>], vector<16xi32>, vector<16xi1>
          %not3A = arith.constant dense<true> : vector<16xi1>
          %not3A_203 = arith.xori %lt3A_189, %not3A : vector<16xi1>
          %sub3A_204 = arith.constant 1 : i32
          %sub3A_205 = vector.broadcast %sub3A_204 : i32 to vector<16xi32>
          %sub3A_206 = arith.subi %sub3A_205, %convert_element_type3A : vector<16xi32>
          %broadcast_in_dim3A_207 = arith.constant true
          %broadcast_in_dim3A_208 = vector.broadcast %broadcast_in_dim3A_207 : i1 to vector<16xi1>
          %masked_cumsum3A_209 = tpu.scan <sum>, %sub3A_206 masked %broadcast_in_dim3A_208 : vector<16xi32>, vector<16xi1> -> vector<16xi32>
          %sub3A_210 = arith.subi %masked_cumsum3A_209, %sub3A_206 : vector<16xi32>
          %add3A_211 = vector.broadcast %scan3A_139 : i32 to vector<16xi32>
          %add3A_212 = arith.addi %add3A_211, %sub3A_210 : vector<16xi32>
          tpu.vector_store_idx %run_scoped3A_3[%add3A_212], %get3A_183 masked %not3A_203 : memref<20992xi32, #tpu.memory_space<vmem>>[vector<16xi32>], vector<16xi32>, vector<16xi1>
          %add3A_213 = vector.broadcast %scan3A_139 : i32 to vector<16xi32>
          %add3A_214 = arith.addi %add3A_213, %sub3A_210 : vector<16xi32>
          %sub3A_215 = arith.constant 5120 : i32
          %sub3A_216 = vector.broadcast %sub3A_215 : i32 to vector<16xi32>
          %sub3A_217 = arith.subi %get3A_186, %sub3A_216 : vector<16xi32>
          tpu.vector_store_idx %run_scoped3A_4[%add3A_214], %sub3A_217 masked %not3A_203 : memref<20992xi32, #tpu.memory_space<vmem>>[vector<16xi32>], vector<16xi32>, vector<16xi1>
          %add3A_218 = arith.addi %scan3A_138, %reduce_max3A_197 : i32
          %sub3A_219 = arith.constant 16 : i32
          %sub3A_220 = arith.subi %sub3A_219, %reduce_max3A_197 : i32
          %add3A_221 = arith.addi %scan3A_139, %sub3A_220 : i32
          scf.yield %add3A_218, %add3A_221 : i32, i32
        }
        %scan3A_136 = arith.constant 128 : i32
        scf.yield %scan3A_135#0, %scan3A_135#1 : i32, i32
      }
      %scan3A_38 = arith.constant 10 : i32
      %scan3A_39 = arith.constant 0 : i32
      %scan3A_40 = arith.constant 16 : i32
      %scan3A_41 = arith.addi %scan3A_39, %scan3A_40 : i32
      %scan3A_42 = arith.constant 1 : i32
      scf.for %scan3A_116 = %scan3A_39 to %scan3A_41 step %scan3A_42  : i32 {
        %mul3A_117 = arith.constant 1 : i32
        %mul3A_118 = arith.muli %scan3A_116, %mul3A_117 : i32
        %add3A_119 = arith.constant 0 : i32
        %add3A_120 = arith.addi %add3A_119, %mul3A_118 : i32
        %mul3A_121 = arith.constant 16 : i32
        %mul3A_122 = arith.muli %add3A_120, %mul3A_121 : i32
        %add3A_123 = vector.broadcast %mul3A_122 : i32 to vector<16xi32>
        %add3A_124 = arith.addi %add3A_123, %iota3A : vector<16xi32>
        %add3A_125 = vector.broadcast %scan3A_37#0 : i32 to vector<16xi32>
        %add3A_126 = arith.addi %add3A_125, %add3A_124 : vector<16xi32>
        tpu.vector_store_idx %run_scoped3A_1[%add3A_126], %add3A_25 : memref<20992xi32, #tpu.memory_space<vmem>>[vector<16xi32>], vector<16xi32>,
        %add3A_127 = vector.broadcast %scan3A_37#0 : i32 to vector<16xi32>
        %add3A_128 = arith.addi %add3A_127, %add3A_124 : vector<16xi32>
        tpu.vector_store_idx %run_scoped3A_2[%add3A_128], %add3A_31 : memref<20992xi32, #tpu.memory_space<vmem>>[vector<16xi32>], vector<16xi32>,
        %add3A_129 = vector.broadcast %scan3A_37#1 : i32 to vector<16xi32>
        %add3A_130 = arith.addi %add3A_129, %add3A_124 : vector<16xi32>
        tpu.vector_store_idx %run_scoped3A_3[%add3A_130], %add3A_25 : memref<20992xi32, #tpu.memory_space<vmem>>[vector<16xi32>], vector<16xi32>,
        %add3A_131 = vector.broadcast %scan3A_37#1 : i32 to vector<16xi32>
        %add3A_132 = arith.addi %add3A_131, %add3A_124 : vector<16xi32>
        tpu.vector_store_idx %run_scoped3A_4[%add3A_132], %add3A_31 : memref<20992xi32, #tpu.memory_space<vmem>>[vector<16xi32>], vector<16xi32>,
      }
      %scan3A_43 = arith.constant 16 : i32
      %add3A_44 = arith.constant 255 : i32
      %add3A_45 = arith.addi %scan3A_37#0, %add3A_44 : i32
      %jit3A_46 = arith.constant 256 : i32
      %div3A = arith.divsi %add3A_45, %jit3A_46 : i32
      %sign3A = arith.constant 0 : i32
      %sign3A_47 = arith.cmpi sgt, %add3A_45, %sign3A : i32
      %sign3A_48 = arith.extui %sign3A_47 : i1 to i32
      %sign3A_49 = arith.constant 0 : i32
      %sign3A_50 = arith.cmpi slt, %add3A_45, %sign3A_49 : i32
      %sign3A_51 = arith.extui %sign3A_50 : i1 to i32
      %sign3A_52 = arith.subi %sign3A_48, %sign3A_51 : i32
      %sign3A_53 = arith.constant 0 : i32
      %sign3A_54 = arith.cmpi sgt, %jit3A_46, %sign3A_53 : i32
      %sign3A_55 = arith.extui %sign3A_54 : i1 to i32
      %sign3A_56 = arith.constant 0 : i32
      %sign3A_57 = arith.cmpi slt, %jit3A_46, %sign3A_56 : i32
      %sign3A_58 = arith.extui %sign3A_57 : i1 to i32
      %sign3A_59 = arith.subi %sign3A_55, %sign3A_58 : i32
      %ne3A_60 = arith.cmpi ne, %sign3A_52, %sign3A_59 : i32
      %rem3A_61 = arith.remsi %add3A_45, %jit3A_46 : i32
      %ne3A_62 = arith.constant 0 : i32
      %ne3A_63 = arith.cmpi ne, %rem3A_61, %ne3A_62 : i32
      %and3A_64 = arith.andi %ne3A_60, %ne3A_63 : i1
      %sub3A = arith.constant 1 : i32
      %sub3A_65 = arith.subi %div3A, %sub3A : i32
      %select_n3A_66 = arith.select %and3A_64, %sub3A_65, %div3A : i32
      %mul3A_67 = arith.constant 2 : i32
      %mul3A_68 = arith.muli %mul3A_67, %select_n3A_66 : i32
      %add3A_69 = arith.constant 255 : i32
      %add3A_70 = arith.addi %scan3A_37#1, %add3A_69 : i32
      %jit3A_71 = arith.constant 256 : i32
      %div3A_72 = arith.divsi %add3A_70, %jit3A_71 : i32
      %sign3A_73 = arith.constant 0 : i32
      %sign3A_74 = arith.cmpi sgt, %add3A_70, %sign3A_73 : i32
      %sign3A_75 = arith.extui %sign3A_74 : i1 to i32
      %sign3A_76 = arith.constant 0 : i32
      %sign3A_77 = arith.cmpi slt, %add3A_70, %sign3A_76 : i32
      %sign3A_78 = arith.extui %sign3A_77 : i1 to i32
      %sign3A_79 = arith.subi %sign3A_75, %sign3A_78 : i32
      %sign3A_80 = arith.constant 0 : i32
      %sign3A_81 = arith.cmpi sgt, %jit3A_71, %sign3A_80 : i32
      %sign3A_82 = arith.extui %sign3A_81 : i1 to i32
      %sign3A_83 = arith.constant 0 : i32
      %sign3A_84 = arith.cmpi slt, %jit3A_71, %sign3A_83 : i32
      %sign3A_85 = arith.extui %sign3A_84 : i1 to i32
      %sign3A_86 = arith.subi %sign3A_82, %sign3A_85 : i32
      %ne3A_87 = arith.cmpi ne, %sign3A_79, %sign3A_86 : i32
      %rem3A_88 = arith.remsi %add3A_70, %jit3A_71 : i32
      %ne3A_89 = arith.constant 0 : i32
      %ne3A_90 = arith.cmpi ne, %rem3A_88, %ne3A_89 : i32
      %and3A_91 = arith.andi %ne3A_87, %ne3A_90 : i1
      %sub3A_92 = arith.constant 1 : i32
      %sub3A_93 = arith.subi %div3A_72, %sub3A_92 : i32
      %select_n3A_94 = arith.select %and3A_91, %sub3A_93, %div3A_72 : i32
      %mul3A_95 = arith.constant 2 : i32
      %mul3A_96 = arith.muli %mul3A_95, %select_n3A_94 : i32
      %scan3A_97 = arith.constant 0 : i32
      %scan3A_98 = arith.constant 8 : i32
      %scan3A_99 = arith.addi %scan3A_97, %scan3A_98 : i32
      %scan3A_100 = arith.constant 1 : i32
      scf.for %scan3A_116 = %scan3A_97 to %scan3A_99 step %scan3A_100  : i32 {
        %mul3A_117 = arith.constant 1 : i32
        %mul3A_118 = arith.muli %scan3A_116, %mul3A_117 : i32
        %add3A_119 = arith.constant 0 : i32
        %add3A_120 = arith.addi %add3A_119, %mul3A_118 : i32
        %eq3A_121 = arith.constant 0 : i32
        %eq3A_122 = vector.broadcast %eq3A_121 : i32 to vector<16xi32>
        %eq3A_123 = arith.cmpi eq, %iota3A, %eq3A_122 : vector<16xi32>
        %eq3A_124 = arith.constant 1 : i32
        %eq3A_125 = vector.broadcast %eq3A_124 : i32 to vector<16xi32>
        %eq3A_126 = arith.cmpi eq, %iota3A, %eq3A_125 : vector<16xi32>
        %jit3A_127 = arith.constant 0 : i32
        %broadcast_in_dim3A = vector.broadcast %mul3A_96 : i32 to vector<16xi32>
        %broadcast_in_dim3A_128 = vector.broadcast %jit3A_127 : i32 to vector<16xi32>
        %select_n3A_129 = arith.select %eq3A_126, %broadcast_in_dim3A, %broadcast_in_dim3A_128 : vector<16xi1>, vector<16xi32>
        %broadcast_in_dim3A_130 = vector.broadcast %mul3A_68 : i32 to vector<16xi32>
        %select_n3A_131 = arith.select %eq3A_123, %broadcast_in_dim3A_130, %select_n3A_129 : vector<16xi1>, vector<16xi32>
        %mul3A_132 = arith.constant 16 : i32
        %mul3A_133 = arith.muli %add3A_120, %mul3A_132 : i32
        %swap3A = arith.index_cast %mul3A_133 : i32 to index
        %swap3A_134 = tpu.vector_load %run_scoped3A_5[%swap3A] {strides = array<i32>} : memref<128xi32, #tpu.memory_space<vmem>>, vector<16xi32>,
        tpu.vector_store %run_scoped3A_5[%swap3A], %select_n3A_131 {strides = array<i32>} : memref<128xi32, #tpu.memory_space<vmem>>, vector<16xi32>,
      }
      %scan3A_101 = arith.constant 8 : i32
      %mul3A_102 = arith.constant 20992 : i32
      %mul3A_103 = arith.muli %arg1, %mul3A_102 : i32
      %run_scoped3A_104 = arith.constant 0 : i32
      "tpu.region"() ({
        %run_scoped3A_116 = tpu.sem_alloc : memref<!tpu.dma_semaphore, #tpu.memory_space<semaphore_mem>>
        %dma_start3A = tpu.memref_slice %arg3[%arg0, %run_scoped3A_104, %mul3A_103] : memref<2x2x335872xi32, #tpu.memory_space<hbm>> -> memref<1x1x20992xi32, #tpu.memory_space<hbm>>
        %dma_start3A_117 = tpu.memref_squeeze %dma_start3A : memref<1x1x20992xi32, #tpu.memory_space<hbm>> -> memref<20992xi32, #tpu.memory_space<hbm>>
        %dma_start3A_118 = tpu.memref_slice %arg3[%arg0, %run_scoped3A_104, %mul3A_103] : memref<2x2x335872xi32, #tpu.memory_space<hbm>> -> memref<1x1x20992xi32, #tpu.memory_space<hbm>>
        %dma_start3A_119 = tpu.memref_squeeze %dma_start3A_118 : memref<1x1x20992xi32, #tpu.memory_space<hbm>> -> memref<20992xi32, #tpu.memory_space<hbm>>
        tpu.enqueue_dma source(%run_scoped3A_1 : memref<20992xi32, #tpu.memory_space<vmem>>) target(%dma_start3A_119 : memref<20992xi32, #tpu.memory_space<hbm>>) target_semaphore(%run_scoped3A_116 : memref<!tpu.dma_semaphore, #tpu.memory_space<semaphore_mem>>)
        %dma_wait3A = tpu.memref_slice %arg3[%arg0, %run_scoped3A_104, %mul3A_103] : memref<2x2x335872xi32, #tpu.memory_space<hbm>> -> memref<1x1x20992xi32, #tpu.memory_space<hbm>>
        %dma_wait3A_120 = tpu.memref_squeeze %dma_wait3A : memref<1x1x20992xi32, #tpu.memory_space<hbm>> -> memref<20992xi32, #tpu.memory_space<hbm>>
        %dma_wait3A_121 = tpu.memref_slice %arg3[%arg0, %run_scoped3A_104, %mul3A_103] : memref<2x2x335872xi32, #tpu.memory_space<hbm>> -> memref<1x1x20992xi32, #tpu.memory_space<hbm>>
        %dma_wait3A_122 = tpu.memref_squeeze %dma_wait3A_121 : memref<1x1x20992xi32, #tpu.memory_space<hbm>> -> memref<20992xi32, #tpu.memory_space<hbm>>
        tpu.wait_dma2 semaphore(%run_scoped3A_116 : memref<!tpu.dma_semaphore, #tpu.memory_space<semaphore_mem>>) src(%run_scoped3A_1 : memref<20992xi32, #tpu.memory_space<vmem>>) dst(%dma_wait3A_122 : memref<20992xi32, #tpu.memory_space<hbm>>)
        tpu.yield
      }) : () -> ()
      %mul3A_105 = arith.constant 20992 : i32
      %mul3A_106 = arith.muli %arg1, %mul3A_105 : i32
      %run_scoped3A_107 = arith.constant 0 : i32
      "tpu.region"() ({
        %run_scoped3A_116 = tpu.sem_alloc : memref<!tpu.dma_semaphore, #tpu.memory_space<semaphore_mem>>
        %dma_start3A = tpu.memref_slice %arg4[%arg0, %run_scoped3A_107, %mul3A_106] : memref<2x2x335872xi32, #tpu.memory_space<hbm>> -> memref<1x1x20992xi32, #tpu.memory_space<hbm>>
        %dma_start3A_117 = tpu.memref_squeeze %dma_start3A : memref<1x1x20992xi32, #tpu.memory_space<hbm>> -> memref<20992xi32, #tpu.memory_space<hbm>>
        %dma_start3A_118 = tpu.memref_slice %arg4[%arg0, %run_scoped3A_107, %mul3A_106] : memref<2x2x335872xi32, #tpu.memory_space<hbm>> -> memref<1x1x20992xi32, #tpu.memory_space<hbm>>
        %dma_start3A_119 = tpu.memref_squeeze %dma_start3A_118 : memref<1x1x20992xi32, #tpu.memory_space<hbm>> -> memref<20992xi32, #tpu.memory_space<hbm>>
        tpu.enqueue_dma source(%run_scoped3A_2 : memref<20992xi32, #tpu.memory_space<vmem>>) target(%dma_start3A_119 : memref<20992xi32, #tpu.memory_space<hbm>>) target_semaphore(%run_scoped3A_116 : memref<!tpu.dma_semaphore, #tpu.memory_space<semaphore_mem>>)
        %dma_wait3A = tpu.memref_slice %arg4[%arg0, %run_scoped3A_107, %mul3A_106] : memref<2x2x335872xi32, #tpu.memory_space<hbm>> -> memref<1x1x20992xi32, #tpu.memory_space<hbm>>
        %dma_wait3A_120 = tpu.memref_squeeze %dma_wait3A : memref<1x1x20992xi32, #tpu.memory_space<hbm>> -> memref<20992xi32, #tpu.memory_space<hbm>>
        %dma_wait3A_121 = tpu.memref_slice %arg4[%arg0, %run_scoped3A_107, %mul3A_106] : memref<2x2x335872xi32, #tpu.memory_space<hbm>> -> memref<1x1x20992xi32, #tpu.memory_space<hbm>>
        %dma_wait3A_122 = tpu.memref_squeeze %dma_wait3A_121 : memref<1x1x20992xi32, #tpu.memory_space<hbm>> -> memref<20992xi32, #tpu.memory_space<hbm>>
        tpu.wait_dma2 semaphore(%run_scoped3A_116 : memref<!tpu.dma_semaphore, #tpu.memory_space<semaphore_mem>>) src(%run_scoped3A_2 : memref<20992xi32, #tpu.memory_space<vmem>>) dst(%dma_wait3A_122 : memref<20992xi32, #tpu.memory_space<hbm>>)
        tpu.yield
      }) : () -> ()
      %mul3A_108 = arith.constant 20992 : i32
      %mul3A_109 = arith.muli %arg1, %mul3A_108 : i32
      %run_scoped3A_110 = arith.constant 1 : i32
      "tpu.region"() ({
        %run_scoped3A_116 = tpu.sem_alloc : memref<!tpu.dma_semaphore, #tpu.memory_space<semaphore_mem>>
        %dma_start3A = tpu.memref_slice %arg3[%arg0, %run_scoped3A_110, %mul3A_109] : memref<2x2x335872xi32, #tpu.memory_space<hbm>> -> memref<1x1x20992xi32, #tpu.memory_space<hbm>>
        %dma_start3A_117 = tpu.memref_squeeze %dma_start3A : memref<1x1x20992xi32, #tpu.memory_space<hbm>> -> memref<20992xi32, #tpu.memory_space<hbm>>
        %dma_start3A_118 = tpu.memref_slice %arg3[%arg0, %run_scoped3A_110, %mul3A_109] : memref<2x2x335872xi32, #tpu.memory_space<hbm>> -> memref<1x1x20992xi32, #tpu.memory_space<hbm>>
        %dma_start3A_119 = tpu.memref_squeeze %dma_start3A_118 : memref<1x1x20992xi32, #tpu.memory_space<hbm>> -> memref<20992xi32, #tpu.memory_space<hbm>>
        tpu.enqueue_dma source(%run_scoped3A_3 : memref<20992xi32, #tpu.memory_space<vmem>>) target(%dma_start3A_119 : memref<20992xi32, #tpu.memory_space<hbm>>) target_semaphore(%run_scoped3A_116 : memref<!tpu.dma_semaphore, #tpu.memory_space<semaphore_mem>>)
        %dma_wait3A = tpu.memref_slice %arg3[%arg0, %run_scoped3A_110, %mul3A_109] : memref<2x2x335872xi32, #tpu.memory_space<hbm>> -> memref<1x1x20992xi32, #tpu.memory_space<hbm>>
        %dma_wait3A_120 = tpu.memref_squeeze %dma_wait3A : memref<1x1x20992xi32, #tpu.memory_space<hbm>> -> memref<20992xi32, #tpu.memory_space<hbm>>
        %dma_wait3A_121 = tpu.memref_slice %arg3[%arg0, %run_scoped3A_110, %mul3A_109] : memref<2x2x335872xi32, #tpu.memory_space<hbm>> -> memref<1x1x20992xi32, #tpu.memory_space<hbm>>
        %dma_wait3A_122 = tpu.memref_squeeze %dma_wait3A_121 : memref<1x1x20992xi32, #tpu.memory_space<hbm>> -> memref<20992xi32, #tpu.memory_space<hbm>>
        tpu.wait_dma2 semaphore(%run_scoped3A_116 : memref<!tpu.dma_semaphore, #tpu.memory_space<semaphore_mem>>) src(%run_scoped3A_3 : memref<20992xi32, #tpu.memory_space<vmem>>) dst(%dma_wait3A_122 : memref<20992xi32, #tpu.memory_space<hbm>>)
        tpu.yield
      }) : () -> ()
      %mul3A_111 = arith.constant 20992 : i32
      %mul3A_112 = arith.muli %arg1, %mul3A_111 : i32
      %run_scoped3A_113 = arith.constant 1 : i32
      "tpu.region"() ({
        %run_scoped3A_116 = tpu.sem_alloc : memref<!tpu.dma_semaphore, #tpu.memory_space<semaphore_mem>>
        %dma_start3A = tpu.memref_slice %arg4[%arg0, %run_scoped3A_113, %mul3A_112] : memref<2x2x335872xi32, #tpu.memory_space<hbm>> -> memref<1x1x20992xi32, #tpu.memory_space<hbm>>
        %dma_start3A_117 = tpu.memref_squeeze %dma_start3A : memref<1x1x20992xi32, #tpu.memory_space<hbm>> -> memref<20992xi32, #tpu.memory_space<hbm>>
        %dma_start3A_118 = tpu.memref_slice %arg4[%arg0, %run_scoped3A_113, %mul3A_112] : memref<2x2x335872xi32, #tpu.memory_space<hbm>> -> memref<1x1x20992xi32, #tpu.memory_space<hbm>>
        %dma_start3A_119 = tpu.memref_squeeze %dma_start3A_118 : memref<1x1x20992xi32, #tpu.memory_space<hbm>> -> memref<20992xi32, #tpu.memory_space<hbm>>
        tpu.enqueue_dma source(%run_scoped3A_4 : memref<20992xi32, #tpu.memory_space<vmem>>) target(%dma_start3A_119 : memref<20992xi32, #tpu.memory_space<hbm>>) target_semaphore(%run_scoped3A_116 : memref<!tpu.dma_semaphore, #tpu.memory_space<semaphore_mem>>)
        %dma_wait3A = tpu.memref_slice %arg4[%arg0, %run_scoped3A_113, %mul3A_112] : memref<2x2x335872xi32, #tpu.memory_space<hbm>> -> memref<1x1x20992xi32, #tpu.memory_space<hbm>>
        %dma_wait3A_120 = tpu.memref_squeeze %dma_wait3A : memref<1x1x20992xi32, #tpu.memory_space<hbm>> -> memref<20992xi32, #tpu.memory_space<hbm>>
        %dma_wait3A_121 = tpu.memref_slice %arg4[%arg0, %run_scoped3A_113, %mul3A_112] : memref<2x2x335872xi32, #tpu.memory_space<hbm>> -> memref<1x1x20992xi32, #tpu.memory_space<hbm>>
        %dma_wait3A_122 = tpu.memref_squeeze %dma_wait3A_121 : memref<1x1x20992xi32, #tpu.memory_space<hbm>> -> memref<20992xi32, #tpu.memory_space<hbm>>
        tpu.wait_dma2 semaphore(%run_scoped3A_116 : memref<!tpu.dma_semaphore, #tpu.memory_space<semaphore_mem>>) src(%run_scoped3A_4 : memref<20992xi32, #tpu.memory_space<vmem>>) dst(%dma_wait3A_122 : memref<20992xi32, #tpu.memory_space<hbm>>)
        tpu.yield
      }) : () -> ()
      %mul3A_114 = arith.constant 128 : i32
      %mul3A_115 = arith.muli %arg1, %mul3A_114 : i32
      "tpu.region"() ({
        %run_scoped3A_116 = tpu.sem_alloc : memref<!tpu.dma_semaphore, #tpu.memory_space<semaphore_mem>>
        %dma_start3A = tpu.memref_slice %arg5[%arg0, %mul3A_115] : memref<2x2048xi32, #tpu.memory_space<hbm>> -> memref<1x128xi32, #tpu.memory_space<hbm>>
        %dma_start3A_117 = tpu.memref_squeeze %dma_start3A : memref<1x128xi32, #tpu.memory_space<hbm>> -> memref<128xi32, #tpu.memory_space<hbm>>
        %dma_start3A_118 = tpu.memref_slice %arg5[%arg0, %mul3A_115] : memref<2x2048xi32, #tpu.memory_space<hbm>> -> memref<1x128xi32, #tpu.memory_space<hbm>>
        %dma_start3A_119 = tpu.memref_squeeze %dma_start3A_118 : memref<1x128xi32, #tpu.memory_space<hbm>> -> memref<128xi32, #tpu.memory_space<hbm>>
        tpu.enqueue_dma source(%run_scoped3A_5 : memref<128xi32, #tpu.memory_space<vmem>>) target(%dma_start3A_119 : memref<128xi32, #tpu.memory_space<hbm>>) target_semaphore(%run_scoped3A_116 : memref<!tpu.dma_semaphore, #tpu.memory_space<semaphore_mem>>)
        %dma_wait3A = tpu.memref_slice %arg5[%arg0, %mul3A_115] : memref<2x2048xi32, #tpu.memory_space<hbm>> -> memref<1x128xi32, #tpu.memory_space<hbm>>
        %dma_wait3A_120 = tpu.memref_squeeze %dma_wait3A : memref<1x128xi32, #tpu.memory_space<hbm>> -> memref<128xi32, #tpu.memory_space<hbm>>
        %dma_wait3A_121 = tpu.memref_slice %arg5[%arg0, %mul3A_115] : memref<2x2048xi32, #tpu.memory_space<hbm>> -> memref<1x128xi32, #tpu.memory_space<hbm>>
        %dma_wait3A_122 = tpu.memref_squeeze %dma_wait3A_121 : memref<1x128xi32, #tpu.memory_space<hbm>> -> memref<128xi32, #tpu.memory_space<hbm>>
        tpu.wait_dma2 semaphore(%run_scoped3A_116 : memref<!tpu.dma_semaphore, #tpu.memory_space<semaphore_mem>>) src(%run_scoped3A_5 : memref<128xi32, #tpu.memory_space<vmem>>) dst(%dma_wait3A_122 : memref<128xi32, #tpu.memory_space<hbm>>)
        tpu.yield
      }) : () -> ()
      tpu.yield
    }) : () -> ()
    return
  }
}

#map = affine_map<(d0, d1) -> (0, 0, 0)>
#map1 = affine_map<(d0, d1) -> (0, 0, 0, 0)>
#map2 = affine_map<(d0, d1) -> (0)>
module attributes {stable_mosaic.version = 14 : i64} {
  func.func @body(%arg0: i32, %arg1: i32, %arg2: memref<2x10240x128xf32, #tpu.memory_space<hbm>>, %arg3: memref<2x16x164x128xi32, #tpu.memory_space<hbm>>, %arg4: memref<2x16x164x128xi32, #tpu.memory_space<hbm>>, %arg5: memref<2048xi32, #tpu.memory_space<hbm>>, %arg6: memref<2x2x5376x128xf32, #tpu.memory_space<hbm>>, %arg7: memref<5376x128xf32, #tpu.memory_space<vmem_shared>>, %arg8: memref<2x!tpu.dma_semaphore, #tpu.memory_space<semaphore_mem>>) attributes {dimension_semantics = [#tpu.dimension_semantics<core_parallel>, #tpu.dimension_semantics<subcore_parallel>], iteration_bounds = array<i64: 2, 16>, scalar_prefetch = 0 : i64, scratch_operands = 2 : i64, tpu.core_type = #tpu.core_type<sc_vector_subcore>, window_params = [{transform_indices = #map}, {transform_indices = #map1}, {transform_indices = #map1}, {transform_indices = #map2}, {transform_indices = #map1}]} {
    "tpu.region"() ({
      %run_scoped3A = memref.alloca() : memref<164x128xi32, #tpu.memory_space<vmem>>
      %run_scoped3A_0 = memref.alloca() : memref<164x128xi32, #tpu.memory_space<vmem>>
      %run_scoped3A_1 = memref.alloca() : memref<2x128x128xf32, #tpu.memory_space<vmem>>
      %run_scoped3A_2 = memref.alloca() : memref<16x128xf32, #tpu.memory_space<vmem>>
      %run_scoped3A_3 = memref.alloca() : memref<128xi32, #tpu.memory_space<vmem>>
      %scan3A = arith.constant 0 : i32
      %scan3A_4 = arith.constant 128 : i32
      %scan3A_5 = arith.addi %scan3A, %scan3A_4 : i32
      %scan3A_6 = arith.constant 1 : i32
      scf.for %scan3A_280 = %scan3A to %scan3A_5 step %scan3A_6  : i32 {
        %mul3A_281 = arith.constant 1 : i32
        %mul3A_282 = arith.muli %scan3A_280, %mul3A_281 : i32
        %add3A_283 = arith.constant 0 : i32
        %add3A_284 = arith.addi %add3A_283, %mul3A_282 : i32
        %broadcast_in_dim3A_285 = arith.constant 0.000000e+00 : f32
        %broadcast_in_dim3A_286 = vector.broadcast %broadcast_in_dim3A_285 : f32 to vector<16xf32>
        %jit3A_287 = arith.constant 8 : i32
        %div3A_288 = arith.divsi %add3A_284, %jit3A_287 : i32
        %sign3A_289 = arith.constant 0 : i32
        %sign3A_290 = arith.cmpi sgt, %add3A_284, %sign3A_289 : i32
        %sign3A_291 = arith.extui %sign3A_290 : i1 to i32
        %sign3A_292 = arith.constant 0 : i32
        %sign3A_293 = arith.cmpi slt, %add3A_284, %sign3A_292 : i32
        %sign3A_294 = arith.extui %sign3A_293 : i1 to i32
        %sign3A_295 = arith.subi %sign3A_291, %sign3A_294 : i32
        %sign3A_296 = arith.constant 0 : i32
        %sign3A_297 = arith.cmpi sgt, %jit3A_287, %sign3A_296 : i32
        %sign3A_298 = arith.extui %sign3A_297 : i1 to i32
        %sign3A_299 = arith.constant 0 : i32
        %sign3A_300 = arith.cmpi slt, %jit3A_287, %sign3A_299 : i32
        %sign3A_301 = arith.extui %sign3A_300 : i1 to i32
        %sign3A_302 = arith.subi %sign3A_298, %sign3A_301 : i32
        %ne3A_303 = arith.cmpi ne, %sign3A_295, %sign3A_302 : i32
        %rem3A_304 = arith.remsi %add3A_284, %jit3A_287 : i32
        %ne3A_305 = arith.constant 0 : i32
        %ne3A_306 = arith.cmpi ne, %rem3A_304, %ne3A_305 : i32
        %and3A_307 = arith.andi %ne3A_303, %ne3A_306 : i1
        %sub3A_308 = arith.constant 1 : i32
        %sub3A_309 = arith.subi %div3A_288, %sub3A_308 : i32
        %select_n3A_310 = arith.select %and3A_307, %sub3A_309, %div3A_288 : i32
        %jit3A_311 = arith.constant 8 : i32
        %eq3A_312 = arith.constant 0 : i32
        %eq3A_313 = arith.cmpi eq, %jit3A_311, %eq3A_312 : i32
        %jit3A_314 = arith.constant 1 : i32
        %select_n3A_315 = arith.select %eq3A_313, %jit3A_314, %jit3A_311 : i32
        %rem3A_316 = arith.remsi %add3A_284, %select_n3A_315 : i32
        %ne3A_317 = arith.constant 0 : i32
        %ne3A_318 = arith.cmpi ne, %rem3A_316, %ne3A_317 : i32
        %lt3A = arith.constant 0 : i32
        %lt3A_319 = arith.cmpi slt, %rem3A_316, %lt3A : i32
        %lt3A_320 = arith.constant 0 : i32
        %lt3A_321 = arith.cmpi slt, %select_n3A_315, %lt3A_320 : i32
        %ne3A_322 = arith.xori %lt3A_319, %lt3A_321 : i1
        %and3A_323 = arith.andi %ne3A_322, %ne3A_318 : i1
        %add3A_324 = arith.addi %rem3A_316, %select_n3A_315 : i32
        %select_n3A_325 = arith.select %and3A_323, %add3A_324, %rem3A_316 : i32
        %mul3A_326 = arith.constant 16 : i32
        %mul3A_327 = arith.muli %select_n3A_325, %mul3A_326 : i32
        %swap3A = arith.index_cast %select_n3A_310 : i32 to index
        %swap3A_328 = arith.index_cast %mul3A_327 : i32 to index
        %swap3A_329 = tpu.vector_load %run_scoped3A_2[%swap3A, %swap3A_328] {strides = array<i32>} : memref<16x128xf32, #tpu.memory_space<vmem>>, vector<16xf32>,
        tpu.vector_store %run_scoped3A_2[%swap3A, %swap3A_328], %broadcast_in_dim3A_286 {strides = array<i32>} : memref<16x128xf32, #tpu.memory_space<vmem>>, vector<16xf32>,
      }
      %scan3A_7 = arith.constant 128 : i32
      "tpu.region"() ({
        %run_scoped3A_280 = tpu.sem_alloc : memref<!tpu.dma_semaphore, #tpu.memory_space<semaphore_mem>>
        %dma_start3A = arith.constant 0 : i32
        %dma_start3A_281 = arith.constant 0 : i32
        %dma_start3A_282 = tpu.memref_slice %arg3[%arg0, %arg1, %dma_start3A, %dma_start3A_281] : memref<2x16x164x128xi32, #tpu.memory_space<hbm>> -> memref<1x1x164x128xi32, #tpu.memory_space<hbm>>
        %dma_start3A_283 = tpu.memref_squeeze %dma_start3A_282 : memref<1x1x164x128xi32, #tpu.memory_space<hbm>> -> memref<164x128xi32, #tpu.memory_space<hbm>>
        %dma_start3A_284 = arith.constant 0 : i32
        %dma_start3A_285 = arith.constant 0 : i32
        %dma_start3A_286 = tpu.memref_slice %arg3[%arg0, %arg1, %dma_start3A_284, %dma_start3A_285] : memref<2x16x164x128xi32, #tpu.memory_space<hbm>> -> memref<1x1x164x128xi32, #tpu.memory_space<hbm>>
        %dma_start3A_287 = tpu.memref_squeeze %dma_start3A_286 : memref<1x1x164x128xi32, #tpu.memory_space<hbm>> -> memref<164x128xi32, #tpu.memory_space<hbm>>
        tpu.enqueue_dma source(%dma_start3A_287 : memref<164x128xi32, #tpu.memory_space<hbm>>) target(%run_scoped3A : memref<164x128xi32, #tpu.memory_space<vmem>>) target_semaphore(%run_scoped3A_280 : memref<!tpu.dma_semaphore, #tpu.memory_space<semaphore_mem>>)
        %dma_wait3A = arith.constant 0 : i32
        %dma_wait3A_288 = arith.constant 0 : i32
        %dma_wait3A_289 = tpu.memref_slice %arg3[%arg0, %arg1, %dma_wait3A, %dma_wait3A_288] : memref<2x16x164x128xi32, #tpu.memory_space<hbm>> -> memref<1x1x164x128xi32, #tpu.memory_space<hbm>>
        %dma_wait3A_290 = tpu.memref_squeeze %dma_wait3A_289 : memref<1x1x164x128xi32, #tpu.memory_space<hbm>> -> memref<164x128xi32, #tpu.memory_space<hbm>>
        %dma_wait3A_291 = arith.constant 0 : i32
        %dma_wait3A_292 = arith.constant 0 : i32
        %dma_wait3A_293 = tpu.memref_slice %arg3[%arg0, %arg1, %dma_wait3A_291, %dma_wait3A_292] : memref<2x16x164x128xi32, #tpu.memory_space<hbm>> -> memref<1x1x164x128xi32, #tpu.memory_space<hbm>>
        %dma_wait3A_294 = tpu.memref_squeeze %dma_wait3A_293 : memref<1x1x164x128xi32, #tpu.memory_space<hbm>> -> memref<164x128xi32, #tpu.memory_space<hbm>>
        tpu.wait_dma2 semaphore(%run_scoped3A_280 : memref<!tpu.dma_semaphore, #tpu.memory_space<semaphore_mem>>) src(%dma_wait3A_294 : memref<164x128xi32, #tpu.memory_space<hbm>>) dst(%run_scoped3A : memref<164x128xi32, #tpu.memory_space<vmem>>)
        tpu.yield
      }) : () -> ()
      "tpu.region"() ({
        %run_scoped3A_280 = tpu.sem_alloc : memref<!tpu.dma_semaphore, #tpu.memory_space<semaphore_mem>>
        %dma_start3A = arith.constant 0 : i32
        %dma_start3A_281 = arith.constant 0 : i32
        %dma_start3A_282 = tpu.memref_slice %arg4[%arg0, %arg1, %dma_start3A, %dma_start3A_281] : memref<2x16x164x128xi32, #tpu.memory_space<hbm>> -> memref<1x1x164x128xi32, #tpu.memory_space<hbm>>
        %dma_start3A_283 = tpu.memref_squeeze %dma_start3A_282 : memref<1x1x164x128xi32, #tpu.memory_space<hbm>> -> memref<164x128xi32, #tpu.memory_space<hbm>>
        %dma_start3A_284 = arith.constant 0 : i32
        %dma_start3A_285 = arith.constant 0 : i32
        %dma_start3A_286 = tpu.memref_slice %arg4[%arg0, %arg1, %dma_start3A_284, %dma_start3A_285] : memref<2x16x164x128xi32, #tpu.memory_space<hbm>> -> memref<1x1x164x128xi32, #tpu.memory_space<hbm>>
        %dma_start3A_287 = tpu.memref_squeeze %dma_start3A_286 : memref<1x1x164x128xi32, #tpu.memory_space<hbm>> -> memref<164x128xi32, #tpu.memory_space<hbm>>
        tpu.enqueue_dma source(%dma_start3A_287 : memref<164x128xi32, #tpu.memory_space<hbm>>) target(%run_scoped3A_0 : memref<164x128xi32, #tpu.memory_space<vmem>>) target_semaphore(%run_scoped3A_280 : memref<!tpu.dma_semaphore, #tpu.memory_space<semaphore_mem>>)
        %dma_wait3A = arith.constant 0 : i32
        %dma_wait3A_288 = arith.constant 0 : i32
        %dma_wait3A_289 = tpu.memref_slice %arg4[%arg0, %arg1, %dma_wait3A, %dma_wait3A_288] : memref<2x16x164x128xi32, #tpu.memory_space<hbm>> -> memref<1x1x164x128xi32, #tpu.memory_space<hbm>>
        %dma_wait3A_290 = tpu.memref_squeeze %dma_wait3A_289 : memref<1x1x164x128xi32, #tpu.memory_space<hbm>> -> memref<164x128xi32, #tpu.memory_space<hbm>>
        %dma_wait3A_291 = arith.constant 0 : i32
        %dma_wait3A_292 = arith.constant 0 : i32
        %dma_wait3A_293 = tpu.memref_slice %arg4[%arg0, %arg1, %dma_wait3A_291, %dma_wait3A_292] : memref<2x16x164x128xi32, #tpu.memory_space<hbm>> -> memref<1x1x164x128xi32, #tpu.memory_space<hbm>>
        %dma_wait3A_294 = tpu.memref_squeeze %dma_wait3A_293 : memref<1x1x164x128xi32, #tpu.memory_space<hbm>> -> memref<164x128xi32, #tpu.memory_space<hbm>>
        tpu.wait_dma2 semaphore(%run_scoped3A_280 : memref<!tpu.dma_semaphore, #tpu.memory_space<semaphore_mem>>) src(%dma_wait3A_294 : memref<164x128xi32, #tpu.memory_space<hbm>>) dst(%run_scoped3A_0 : memref<164x128xi32, #tpu.memory_space<vmem>>)
        tpu.yield
      }) : () -> ()
      %mul3A = arith.constant 128 : i32
      %mul3A_8 = arith.muli %arg1, %mul3A : i32
      "tpu.region"() ({
        %run_scoped3A_280 = tpu.sem_alloc : memref<!tpu.dma_semaphore, #tpu.memory_space<semaphore_mem>>
        %dma_start3A = tpu.memref_slice %arg5[%mul3A_8] : memref<2048xi32, #tpu.memory_space<hbm>> -> memref<128xi32, #tpu.memory_space<hbm>>
        %dma_start3A_281 = tpu.memref_slice %arg5[%mul3A_8] : memref<2048xi32, #tpu.memory_space<hbm>> -> memref<128xi32, #tpu.memory_space<hbm>>
        tpu.enqueue_dma source(%dma_start3A_281 : memref<128xi32, #tpu.memory_space<hbm>>) target(%run_scoped3A_3 : memref<128xi32, #tpu.memory_space<vmem>>) target_semaphore(%run_scoped3A_280 : memref<!tpu.dma_semaphore, #tpu.memory_space<semaphore_mem>>)
        %dma_wait3A = tpu.memref_slice %arg5[%mul3A_8] : memref<2048xi32, #tpu.memory_space<hbm>> -> memref<128xi32, #tpu.memory_space<hbm>>
        %dma_wait3A_282 = tpu.memref_slice %arg5[%mul3A_8] : memref<2048xi32, #tpu.memory_space<hbm>> -> memref<128xi32, #tpu.memory_space<hbm>>
        tpu.wait_dma2 semaphore(%run_scoped3A_280 : memref<!tpu.dma_semaphore, #tpu.memory_space<semaphore_mem>>) src(%dma_wait3A_282 : memref<128xi32, #tpu.memory_space<hbm>>) dst(%run_scoped3A_3 : memref<128xi32, #tpu.memory_space<vmem>>)
        tpu.yield
      }) : () -> ()
      %iota3A = tpu.iota {dimensions = array<i32: 0>} : vector<16xi32>
      %get3A = arith.constant 0 : index
      %get3A_9 = tpu.vector_load %run_scoped3A_3[%get3A] {strides = array<i32>} : memref<128xi32, #tpu.memory_space<vmem>>, vector<16xi32>,
      %eq3A = vector.broadcast %arg0 : i32 to vector<16xi32>
      %eq3A_10 = arith.cmpi eq, %iota3A, %eq3A : vector<16xi32>
      %jit3A = arith.constant 0 : i32
      %broadcast_in_dim3A = vector.broadcast %jit3A : i32 to vector<16xi32>
      %select_n3A = arith.select %eq3A_10, %get3A_9, %broadcast_in_dim3A : vector<16xi1>, vector<16xi32>
      %reduce_max3A = arith.constant true
      %reduce_max3A_11 = vector.broadcast %reduce_max3A : i1 to vector<16xi1>
      %reduce_max3A_12 = arith.constant -2147483648 : i32
      %reduce_max3A_13 = vector.broadcast %reduce_max3A_12 : i32 to vector<16xi32>
      %reduce_max3A_14 = arith.xori %select_n3A, %reduce_max3A_13 : vector<16xi32>
      %reduce_max3A_15 = tpu.scan <max>, %reduce_max3A_14 masked %reduce_max3A_11 : vector<16xi32>, vector<16xi1> -> vector<16xi32>
      %reduce_max3A_16 = arith.xori %reduce_max3A_15, %reduce_max3A_13 : vector<16xi32>
      %reduce_max3A_17 = vector.extract %reduce_max3A_16[15] : i32 from vector<16xi32>
      %min3A = arith.constant 164 : i32
      %min3A_18 = arith.minsi %reduce_max3A_17, %min3A : i32
      %mul3A_19 = arith.constant 336 : i32
      %mul3A_20 = arith.muli %arg1, %mul3A_19 : i32
      %add3A = arith.constant 0 : i32
      %add3A_21 = arith.addi %mul3A_20, %add3A : i32
      "tpu.region"() ({
        %run_scoped3A_280 = tpu.sem_alloc : memref<!tpu.dma_semaphore, #tpu.memory_space<semaphore_mem>>
        %dma_start3A = arith.constant 0 : i32
        %dma_start3A_281 = tpu.memref_slice %arg7[%add3A_21, %dma_start3A] : memref<5376x128xf32, #tpu.memory_space<vmem_shared>> -> memref<16x128xf32, #tpu.memory_space<vmem_shared>>
        %dma_start3A_282 = arith.constant 0 : i32
        %dma_start3A_283 = tpu.memref_slice %arg7[%add3A_21, %dma_start3A_282] : memref<5376x128xf32, #tpu.memory_space<vmem_shared>> -> memref<16x128xf32, #tpu.memory_space<vmem_shared>>
        tpu.enqueue_dma source(%run_scoped3A_2 : memref<16x128xf32, #tpu.memory_space<vmem>>) target(%dma_start3A_283 : memref<16x128xf32, #tpu.memory_space<vmem_shared>>) target_semaphore(%run_scoped3A_280 : memref<!tpu.dma_semaphore, #tpu.memory_space<semaphore_mem>>)
        %dma_wait3A = arith.constant 0 : i32
        %dma_wait3A_284 = tpu.memref_slice %arg7[%add3A_21, %dma_wait3A] : memref<5376x128xf32, #tpu.memory_space<vmem_shared>> -> memref<16x128xf32, #tpu.memory_space<vmem_shared>>
        %dma_wait3A_285 = arith.constant 0 : i32
        %dma_wait3A_286 = tpu.memref_slice %arg7[%add3A_21, %dma_wait3A_285] : memref<5376x128xf32, #tpu.memory_space<vmem_shared>> -> memref<16x128xf32, #tpu.memory_space<vmem_shared>>
        tpu.wait_dma2 semaphore(%run_scoped3A_280 : memref<!tpu.dma_semaphore, #tpu.memory_space<semaphore_mem>>) src(%run_scoped3A_2 : memref<16x128xf32, #tpu.memory_space<vmem>>) dst(%dma_wait3A_286 : memref<16x128xf32, #tpu.memory_space<vmem_shared>>)
        tpu.yield
      }) : () -> ()
      %mul3A_22 = arith.constant 336 : i32
      %mul3A_23 = arith.muli %arg1, %mul3A_22 : i32
      %add3A_24 = arith.constant 16 : i32
      %add3A_25 = arith.addi %mul3A_23, %add3A_24 : i32
      "tpu.region"() ({
        %run_scoped3A_280 = tpu.sem_alloc : memref<!tpu.dma_semaphore, #tpu.memory_space<semaphore_mem>>
        %dma_start3A = arith.constant 0 : i32
        %dma_start3A_281 = tpu.memref_slice %arg7[%add3A_25, %dma_start3A] : memref<5376x128xf32, #tpu.memory_space<vmem_shared>> -> memref<16x128xf32, #tpu.memory_space<vmem_shared>>
        %dma_start3A_282 = arith.constant 0 : i32
        %dma_start3A_283 = tpu.memref_slice %arg7[%add3A_25, %dma_start3A_282] : memref<5376x128xf32, #tpu.memory_space<vmem_shared>> -> memref<16x128xf32, #tpu.memory_space<vmem_shared>>
        tpu.enqueue_dma source(%run_scoped3A_2 : memref<16x128xf32, #tpu.memory_space<vmem>>) target(%dma_start3A_283 : memref<16x128xf32, #tpu.memory_space<vmem_shared>>) target_semaphore(%run_scoped3A_280 : memref<!tpu.dma_semaphore, #tpu.memory_space<semaphore_mem>>)
        %dma_wait3A = arith.constant 0 : i32
        %dma_wait3A_284 = tpu.memref_slice %arg7[%add3A_25, %dma_wait3A] : memref<5376x128xf32, #tpu.memory_space<vmem_shared>> -> memref<16x128xf32, #tpu.memory_space<vmem_shared>>
        %dma_wait3A_285 = arith.constant 0 : i32
        %dma_wait3A_286 = tpu.memref_slice %arg7[%add3A_25, %dma_wait3A_285] : memref<5376x128xf32, #tpu.memory_space<vmem_shared>> -> memref<16x128xf32, #tpu.memory_space<vmem_shared>>
        tpu.wait_dma2 semaphore(%run_scoped3A_280 : memref<!tpu.dma_semaphore, #tpu.memory_space<semaphore_mem>>) src(%run_scoped3A_2 : memref<16x128xf32, #tpu.memory_space<vmem>>) dst(%dma_wait3A_286 : memref<16x128xf32, #tpu.memory_space<vmem_shared>>)
        tpu.yield
      }) : () -> ()
      %mul3A_26 = arith.constant 336 : i32
      %mul3A_27 = arith.muli %arg1, %mul3A_26 : i32
      %add3A_28 = arith.constant 32 : i32
      %add3A_29 = arith.addi %mul3A_27, %add3A_28 : i32
      "tpu.region"() ({
        %run_scoped3A_280 = tpu.sem_alloc : memref<!tpu.dma_semaphore, #tpu.memory_space<semaphore_mem>>
        %dma_start3A = arith.constant 0 : i32
        %dma_start3A_281 = tpu.memref_slice %arg7[%add3A_29, %dma_start3A] : memref<5376x128xf32, #tpu.memory_space<vmem_shared>> -> memref<16x128xf32, #tpu.memory_space<vmem_shared>>
        %dma_start3A_282 = arith.constant 0 : i32
        %dma_start3A_283 = tpu.memref_slice %arg7[%add3A_29, %dma_start3A_282] : memref<5376x128xf32, #tpu.memory_space<vmem_shared>> -> memref<16x128xf32, #tpu.memory_space<vmem_shared>>
        tpu.enqueue_dma source(%run_scoped3A_2 : memref<16x128xf32, #tpu.memory_space<vmem>>) target(%dma_start3A_283 : memref<16x128xf32, #tpu.memory_space<vmem_shared>>) target_semaphore(%run_scoped3A_280 : memref<!tpu.dma_semaphore, #tpu.memory_space<semaphore_mem>>)
        %dma_wait3A = arith.constant 0 : i32
        %dma_wait3A_284 = tpu.memref_slice %arg7[%add3A_29, %dma_wait3A] : memref<5376x128xf32, #tpu.memory_space<vmem_shared>> -> memref<16x128xf32, #tpu.memory_space<vmem_shared>>
        %dma_wait3A_285 = arith.constant 0 : i32
        %dma_wait3A_286 = tpu.memref_slice %arg7[%add3A_29, %dma_wait3A_285] : memref<5376x128xf32, #tpu.memory_space<vmem_shared>> -> memref<16x128xf32, #tpu.memory_space<vmem_shared>>
        tpu.wait_dma2 semaphore(%run_scoped3A_280 : memref<!tpu.dma_semaphore, #tpu.memory_space<semaphore_mem>>) src(%run_scoped3A_2 : memref<16x128xf32, #tpu.memory_space<vmem>>) dst(%dma_wait3A_286 : memref<16x128xf32, #tpu.memory_space<vmem_shared>>)
        tpu.yield
      }) : () -> ()
      %mul3A_30 = arith.constant 336 : i32
      %mul3A_31 = arith.muli %arg1, %mul3A_30 : i32
      %add3A_32 = arith.constant 48 : i32
      %add3A_33 = arith.addi %mul3A_31, %add3A_32 : i32
      "tpu.region"() ({
        %run_scoped3A_280 = tpu.sem_alloc : memref<!tpu.dma_semaphore, #tpu.memory_space<semaphore_mem>>
        %dma_start3A = arith.constant 0 : i32
        %dma_start3A_281 = tpu.memref_slice %arg7[%add3A_33, %dma_start3A] : memref<5376x128xf32, #tpu.memory_space<vmem_shared>> -> memref<16x128xf32, #tpu.memory_space<vmem_shared>>
        %dma_start3A_282 = arith.constant 0 : i32
        %dma_start3A_283 = tpu.memref_slice %arg7[%add3A_33, %dma_start3A_282] : memref<5376x128xf32, #tpu.memory_space<vmem_shared>> -> memref<16x128xf32, #tpu.memory_space<vmem_shared>>
        tpu.enqueue_dma source(%run_scoped3A_2 : memref<16x128xf32, #tpu.memory_space<vmem>>) target(%dma_start3A_283 : memref<16x128xf32, #tpu.memory_space<vmem_shared>>) target_semaphore(%run_scoped3A_280 : memref<!tpu.dma_semaphore, #tpu.memory_space<semaphore_mem>>)
        %dma_wait3A = arith.constant 0 : i32
        %dma_wait3A_284 = tpu.memref_slice %arg7[%add3A_33, %dma_wait3A] : memref<5376x128xf32, #tpu.memory_space<vmem_shared>> -> memref<16x128xf32, #tpu.memory_space<vmem_shared>>
        %dma_wait3A_285 = arith.constant 0 : i32
        %dma_wait3A_286 = tpu.memref_slice %arg7[%add3A_33, %dma_wait3A_285] : memref<5376x128xf32, #tpu.memory_space<vmem_shared>> -> memref<16x128xf32, #tpu.memory_space<vmem_shared>>
        tpu.wait_dma2 semaphore(%run_scoped3A_280 : memref<!tpu.dma_semaphore, #tpu.memory_space<semaphore_mem>>) src(%run_scoped3A_2 : memref<16x128xf32, #tpu.memory_space<vmem>>) dst(%dma_wait3A_286 : memref<16x128xf32, #tpu.memory_space<vmem_shared>>)
        tpu.yield
      }) : () -> ()
      %mul3A_34 = arith.constant 336 : i32
      %mul3A_35 = arith.muli %arg1, %mul3A_34 : i32
      %add3A_36 = arith.constant 64 : i32
      %add3A_37 = arith.addi %mul3A_35, %add3A_36 : i32
      "tpu.region"() ({
        %run_scoped3A_280 = tpu.sem_alloc : memref<!tpu.dma_semaphore, #tpu.memory_space<semaphore_mem>>
        %dma_start3A = arith.constant 0 : i32
        %dma_start3A_281 = tpu.memref_slice %arg7[%add3A_37, %dma_start3A] : memref<5376x128xf32, #tpu.memory_space<vmem_shared>> -> memref<16x128xf32, #tpu.memory_space<vmem_shared>>
        %dma_start3A_282 = arith.constant 0 : i32
        %dma_start3A_283 = tpu.memref_slice %arg7[%add3A_37, %dma_start3A_282] : memref<5376x128xf32, #tpu.memory_space<vmem_shared>> -> memref<16x128xf32, #tpu.memory_space<vmem_shared>>
        tpu.enqueue_dma source(%run_scoped3A_2 : memref<16x128xf32, #tpu.memory_space<vmem>>) target(%dma_start3A_283 : memref<16x128xf32, #tpu.memory_space<vmem_shared>>) target_semaphore(%run_scoped3A_280 : memref<!tpu.dma_semaphore, #tpu.memory_space<semaphore_mem>>)
        %dma_wait3A = arith.constant 0 : i32
        %dma_wait3A_284 = tpu.memref_slice %arg7[%add3A_37, %dma_wait3A] : memref<5376x128xf32, #tpu.memory_space<vmem_shared>> -> memref<16x128xf32, #tpu.memory_space<vmem_shared>>
        %dma_wait3A_285 = arith.constant 0 : i32
        %dma_wait3A_286 = tpu.memref_slice %arg7[%add3A_37, %dma_wait3A_285] : memref<5376x128xf32, #tpu.memory_space<vmem_shared>> -> memref<16x128xf32, #tpu.memory_space<vmem_shared>>
        tpu.wait_dma2 semaphore(%run_scoped3A_280 : memref<!tpu.dma_semaphore, #tpu.memory_space<semaphore_mem>>) src(%run_scoped3A_2 : memref<16x128xf32, #tpu.memory_space<vmem>>) dst(%dma_wait3A_286 : memref<16x128xf32, #tpu.memory_space<vmem_shared>>)
        tpu.yield
      }) : () -> ()
      %mul3A_38 = arith.constant 336 : i32
      %mul3A_39 = arith.muli %arg1, %mul3A_38 : i32
      %add3A_40 = arith.constant 80 : i32
      %add3A_41 = arith.addi %mul3A_39, %add3A_40 : i32
      "tpu.region"() ({
        %run_scoped3A_280 = tpu.sem_alloc : memref<!tpu.dma_semaphore, #tpu.memory_space<semaphore_mem>>
        %dma_start3A = arith.constant 0 : i32
        %dma_start3A_281 = tpu.memref_slice %arg7[%add3A_41, %dma_start3A] : memref<5376x128xf32, #tpu.memory_space<vmem_shared>> -> memref<16x128xf32, #tpu.memory_space<vmem_shared>>
        %dma_start3A_282 = arith.constant 0 : i32
        %dma_start3A_283 = tpu.memref_slice %arg7[%add3A_41, %dma_start3A_282] : memref<5376x128xf32, #tpu.memory_space<vmem_shared>> -> memref<16x128xf32, #tpu.memory_space<vmem_shared>>
        tpu.enqueue_dma source(%run_scoped3A_2 : memref<16x128xf32, #tpu.memory_space<vmem>>) target(%dma_start3A_283 : memref<16x128xf32, #tpu.memory_space<vmem_shared>>) target_semaphore(%run_scoped3A_280 : memref<!tpu.dma_semaphore, #tpu.memory_space<semaphore_mem>>)
        %dma_wait3A = arith.constant 0 : i32
        %dma_wait3A_284 = tpu.memref_slice %arg7[%add3A_41, %dma_wait3A] : memref<5376x128xf32, #tpu.memory_space<vmem_shared>> -> memref<16x128xf32, #tpu.memory_space<vmem_shared>>
        %dma_wait3A_285 = arith.constant 0 : i32
        %dma_wait3A_286 = tpu.memref_slice %arg7[%add3A_41, %dma_wait3A_285] : memref<5376x128xf32, #tpu.memory_space<vmem_shared>> -> memref<16x128xf32, #tpu.memory_space<vmem_shared>>
        tpu.wait_dma2 semaphore(%run_scoped3A_280 : memref<!tpu.dma_semaphore, #tpu.memory_space<semaphore_mem>>) src(%run_scoped3A_2 : memref<16x128xf32, #tpu.memory_space<vmem>>) dst(%dma_wait3A_286 : memref<16x128xf32, #tpu.memory_space<vmem_shared>>)
        tpu.yield
      }) : () -> ()
      %mul3A_42 = arith.constant 336 : i32
      %mul3A_43 = arith.muli %arg1, %mul3A_42 : i32
      %add3A_44 = arith.constant 96 : i32
      %add3A_45 = arith.addi %mul3A_43, %add3A_44 : i32
      "tpu.region"() ({
        %run_scoped3A_280 = tpu.sem_alloc : memref<!tpu.dma_semaphore, #tpu.memory_space<semaphore_mem>>
        %dma_start3A = arith.constant 0 : i32
        %dma_start3A_281 = tpu.memref_slice %arg7[%add3A_45, %dma_start3A] : memref<5376x128xf32, #tpu.memory_space<vmem_shared>> -> memref<16x128xf32, #tpu.memory_space<vmem_shared>>
        %dma_start3A_282 = arith.constant 0 : i32
        %dma_start3A_283 = tpu.memref_slice %arg7[%add3A_45, %dma_start3A_282] : memref<5376x128xf32, #tpu.memory_space<vmem_shared>> -> memref<16x128xf32, #tpu.memory_space<vmem_shared>>
        tpu.enqueue_dma source(%run_scoped3A_2 : memref<16x128xf32, #tpu.memory_space<vmem>>) target(%dma_start3A_283 : memref<16x128xf32, #tpu.memory_space<vmem_shared>>) target_semaphore(%run_scoped3A_280 : memref<!tpu.dma_semaphore, #tpu.memory_space<semaphore_mem>>)
        %dma_wait3A = arith.constant 0 : i32
        %dma_wait3A_284 = tpu.memref_slice %arg7[%add3A_45, %dma_wait3A] : memref<5376x128xf32, #tpu.memory_space<vmem_shared>> -> memref<16x128xf32, #tpu.memory_space<vmem_shared>>
        %dma_wait3A_285 = arith.constant 0 : i32
        %dma_wait3A_286 = tpu.memref_slice %arg7[%add3A_45, %dma_wait3A_285] : memref<5376x128xf32, #tpu.memory_space<vmem_shared>> -> memref<16x128xf32, #tpu.memory_space<vmem_shared>>
        tpu.wait_dma2 semaphore(%run_scoped3A_280 : memref<!tpu.dma_semaphore, #tpu.memory_space<semaphore_mem>>) src(%run_scoped3A_2 : memref<16x128xf32, #tpu.memory_space<vmem>>) dst(%dma_wait3A_286 : memref<16x128xf32, #tpu.memory_space<vmem_shared>>)
        tpu.yield
      }) : () -> ()
      %mul3A_46 = arith.constant 336 : i32
      %mul3A_47 = arith.muli %arg1, %mul3A_46 : i32
      %add3A_48 = arith.constant 112 : i32
      %add3A_49 = arith.addi %mul3A_47, %add3A_48 : i32
      "tpu.region"() ({
        %run_scoped3A_280 = tpu.sem_alloc : memref<!tpu.dma_semaphore, #tpu.memory_space<semaphore_mem>>
        %dma_start3A = arith.constant 0 : i32
        %dma_start3A_281 = tpu.memref_slice %arg7[%add3A_49, %dma_start3A] : memref<5376x128xf32, #tpu.memory_space<vmem_shared>> -> memref<16x128xf32, #tpu.memory_space<vmem_shared>>
        %dma_start3A_282 = arith.constant 0 : i32
        %dma_start3A_283 = tpu.memref_slice %arg7[%add3A_49, %dma_start3A_282] : memref<5376x128xf32, #tpu.memory_space<vmem_shared>> -> memref<16x128xf32, #tpu.memory_space<vmem_shared>>
        tpu.enqueue_dma source(%run_scoped3A_2 : memref<16x128xf32, #tpu.memory_space<vmem>>) target(%dma_start3A_283 : memref<16x128xf32, #tpu.memory_space<vmem_shared>>) target_semaphore(%run_scoped3A_280 : memref<!tpu.dma_semaphore, #tpu.memory_space<semaphore_mem>>)
        %dma_wait3A = arith.constant 0 : i32
        %dma_wait3A_284 = tpu.memref_slice %arg7[%add3A_49, %dma_wait3A] : memref<5376x128xf32, #tpu.memory_space<vmem_shared>> -> memref<16x128xf32, #tpu.memory_space<vmem_shared>>
        %dma_wait3A_285 = arith.constant 0 : i32
        %dma_wait3A_286 = tpu.memref_slice %arg7[%add3A_49, %dma_wait3A_285] : memref<5376x128xf32, #tpu.memory_space<vmem_shared>> -> memref<16x128xf32, #tpu.memory_space<vmem_shared>>
        tpu.wait_dma2 semaphore(%run_scoped3A_280 : memref<!tpu.dma_semaphore, #tpu.memory_space<semaphore_mem>>) src(%run_scoped3A_2 : memref<16x128xf32, #tpu.memory_space<vmem>>) dst(%dma_wait3A_286 : memref<16x128xf32, #tpu.memory_space<vmem_shared>>)
        tpu.yield
      }) : () -> ()
      %mul3A_50 = arith.constant 336 : i32
      %mul3A_51 = arith.muli %arg1, %mul3A_50 : i32
      %add3A_52 = arith.constant 128 : i32
      %add3A_53 = arith.addi %mul3A_51, %add3A_52 : i32
      "tpu.region"() ({
        %run_scoped3A_280 = tpu.sem_alloc : memref<!tpu.dma_semaphore, #tpu.memory_space<semaphore_mem>>
        %dma_start3A = arith.constant 0 : i32
        %dma_start3A_281 = tpu.memref_slice %arg7[%add3A_53, %dma_start3A] : memref<5376x128xf32, #tpu.memory_space<vmem_shared>> -> memref<16x128xf32, #tpu.memory_space<vmem_shared>>
        %dma_start3A_282 = arith.constant 0 : i32
        %dma_start3A_283 = tpu.memref_slice %arg7[%add3A_53, %dma_start3A_282] : memref<5376x128xf32, #tpu.memory_space<vmem_shared>> -> memref<16x128xf32, #tpu.memory_space<vmem_shared>>
        tpu.enqueue_dma source(%run_scoped3A_2 : memref<16x128xf32, #tpu.memory_space<vmem>>) target(%dma_start3A_283 : memref<16x128xf32, #tpu.memory_space<vmem_shared>>) target_semaphore(%run_scoped3A_280 : memref<!tpu.dma_semaphore, #tpu.memory_space<semaphore_mem>>)
        %dma_wait3A = arith.constant 0 : i32
        %dma_wait3A_284 = tpu.memref_slice %arg7[%add3A_53, %dma_wait3A] : memref<5376x128xf32, #tpu.memory_space<vmem_shared>> -> memref<16x128xf32, #tpu.memory_space<vmem_shared>>
        %dma_wait3A_285 = arith.constant 0 : i32
        %dma_wait3A_286 = tpu.memref_slice %arg7[%add3A_53, %dma_wait3A_285] : memref<5376x128xf32, #tpu.memory_space<vmem_shared>> -> memref<16x128xf32, #tpu.memory_space<vmem_shared>>
        tpu.wait_dma2 semaphore(%run_scoped3A_280 : memref<!tpu.dma_semaphore, #tpu.memory_space<semaphore_mem>>) src(%run_scoped3A_2 : memref<16x128xf32, #tpu.memory_space<vmem>>) dst(%dma_wait3A_286 : memref<16x128xf32, #tpu.memory_space<vmem_shared>>)
        tpu.yield
      }) : () -> ()
      %mul3A_54 = arith.constant 336 : i32
      %mul3A_55 = arith.muli %arg1, %mul3A_54 : i32
      %add3A_56 = arith.constant 144 : i32
      %add3A_57 = arith.addi %mul3A_55, %add3A_56 : i32
      "tpu.region"() ({
        %run_scoped3A_280 = tpu.sem_alloc : memref<!tpu.dma_semaphore, #tpu.memory_space<semaphore_mem>>
        %dma_start3A = arith.constant 0 : i32
        %dma_start3A_281 = tpu.memref_slice %arg7[%add3A_57, %dma_start3A] : memref<5376x128xf32, #tpu.memory_space<vmem_shared>> -> memref<16x128xf32, #tpu.memory_space<vmem_shared>>
        %dma_start3A_282 = arith.constant 0 : i32
        %dma_start3A_283 = tpu.memref_slice %arg7[%add3A_57, %dma_start3A_282] : memref<5376x128xf32, #tpu.memory_space<vmem_shared>> -> memref<16x128xf32, #tpu.memory_space<vmem_shared>>
        tpu.enqueue_dma source(%run_scoped3A_2 : memref<16x128xf32, #tpu.memory_space<vmem>>) target(%dma_start3A_283 : memref<16x128xf32, #tpu.memory_space<vmem_shared>>) target_semaphore(%run_scoped3A_280 : memref<!tpu.dma_semaphore, #tpu.memory_space<semaphore_mem>>)
        %dma_wait3A = arith.constant 0 : i32
        %dma_wait3A_284 = tpu.memref_slice %arg7[%add3A_57, %dma_wait3A] : memref<5376x128xf32, #tpu.memory_space<vmem_shared>> -> memref<16x128xf32, #tpu.memory_space<vmem_shared>>
        %dma_wait3A_285 = arith.constant 0 : i32
        %dma_wait3A_286 = tpu.memref_slice %arg7[%add3A_57, %dma_wait3A_285] : memref<5376x128xf32, #tpu.memory_space<vmem_shared>> -> memref<16x128xf32, #tpu.memory_space<vmem_shared>>
        tpu.wait_dma2 semaphore(%run_scoped3A_280 : memref<!tpu.dma_semaphore, #tpu.memory_space<semaphore_mem>>) src(%run_scoped3A_2 : memref<16x128xf32, #tpu.memory_space<vmem>>) dst(%dma_wait3A_286 : memref<16x128xf32, #tpu.memory_space<vmem_shared>>)
        tpu.yield
      }) : () -> ()
      %mul3A_58 = arith.constant 336 : i32
      %mul3A_59 = arith.muli %arg1, %mul3A_58 : i32
      %add3A_60 = arith.constant 160 : i32
      %add3A_61 = arith.addi %mul3A_59, %add3A_60 : i32
      "tpu.region"() ({
        %run_scoped3A_280 = tpu.sem_alloc : memref<!tpu.dma_semaphore, #tpu.memory_space<semaphore_mem>>
        %dma_start3A = arith.constant 0 : i32
        %dma_start3A_281 = tpu.memref_slice %arg7[%add3A_61, %dma_start3A] : memref<5376x128xf32, #tpu.memory_space<vmem_shared>> -> memref<16x128xf32, #tpu.memory_space<vmem_shared>>
        %dma_start3A_282 = arith.constant 0 : i32
        %dma_start3A_283 = tpu.memref_slice %arg7[%add3A_61, %dma_start3A_282] : memref<5376x128xf32, #tpu.memory_space<vmem_shared>> -> memref<16x128xf32, #tpu.memory_space<vmem_shared>>
        tpu.enqueue_dma source(%run_scoped3A_2 : memref<16x128xf32, #tpu.memory_space<vmem>>) target(%dma_start3A_283 : memref<16x128xf32, #tpu.memory_space<vmem_shared>>) target_semaphore(%run_scoped3A_280 : memref<!tpu.dma_semaphore, #tpu.memory_space<semaphore_mem>>)
        %dma_wait3A = arith.constant 0 : i32
        %dma_wait3A_284 = tpu.memref_slice %arg7[%add3A_61, %dma_wait3A] : memref<5376x128xf32, #tpu.memory_space<vmem_shared>> -> memref<16x128xf32, #tpu.memory_space<vmem_shared>>
        %dma_wait3A_285 = arith.constant 0 : i32
        %dma_wait3A_286 = tpu.memref_slice %arg7[%add3A_61, %dma_wait3A_285] : memref<5376x128xf32, #tpu.memory_space<vmem_shared>> -> memref<16x128xf32, #tpu.memory_space<vmem_shared>>
        tpu.wait_dma2 semaphore(%run_scoped3A_280 : memref<!tpu.dma_semaphore, #tpu.memory_space<semaphore_mem>>) src(%run_scoped3A_2 : memref<16x128xf32, #tpu.memory_space<vmem>>) dst(%dma_wait3A_286 : memref<16x128xf32, #tpu.memory_space<vmem_shared>>)
        tpu.yield
      }) : () -> ()
      %mul3A_62 = arith.constant 336 : i32
      %mul3A_63 = arith.muli %arg1, %mul3A_62 : i32
      %add3A_64 = arith.constant 176 : i32
      %add3A_65 = arith.addi %mul3A_63, %add3A_64 : i32
      "tpu.region"() ({
        %run_scoped3A_280 = tpu.sem_alloc : memref<!tpu.dma_semaphore, #tpu.memory_space<semaphore_mem>>
        %dma_start3A = arith.constant 0 : i32
        %dma_start3A_281 = tpu.memref_slice %arg7[%add3A_65, %dma_start3A] : memref<5376x128xf32, #tpu.memory_space<vmem_shared>> -> memref<16x128xf32, #tpu.memory_space<vmem_shared>>
        %dma_start3A_282 = arith.constant 0 : i32
        %dma_start3A_283 = tpu.memref_slice %arg7[%add3A_65, %dma_start3A_282] : memref<5376x128xf32, #tpu.memory_space<vmem_shared>> -> memref<16x128xf32, #tpu.memory_space<vmem_shared>>
        tpu.enqueue_dma source(%run_scoped3A_2 : memref<16x128xf32, #tpu.memory_space<vmem>>) target(%dma_start3A_283 : memref<16x128xf32, #tpu.memory_space<vmem_shared>>) target_semaphore(%run_scoped3A_280 : memref<!tpu.dma_semaphore, #tpu.memory_space<semaphore_mem>>)
        %dma_wait3A = arith.constant 0 : i32
        %dma_wait3A_284 = tpu.memref_slice %arg7[%add3A_65, %dma_wait3A] : memref<5376x128xf32, #tpu.memory_space<vmem_shared>> -> memref<16x128xf32, #tpu.memory_space<vmem_shared>>
        %dma_wait3A_285 = arith.constant 0 : i32
        %dma_wait3A_286 = tpu.memref_slice %arg7[%add3A_65, %dma_wait3A_285] : memref<5376x128xf32, #tpu.memory_space<vmem_shared>> -> memref<16x128xf32, #tpu.memory_space<vmem_shared>>
        tpu.wait_dma2 semaphore(%run_scoped3A_280 : memref<!tpu.dma_semaphore, #tpu.memory_space<semaphore_mem>>) src(%run_scoped3A_2 : memref<16x128xf32, #tpu.memory_space<vmem>>) dst(%dma_wait3A_286 : memref<16x128xf32, #tpu.memory_space<vmem_shared>>)
        tpu.yield
      }) : () -> ()
      %mul3A_66 = arith.constant 336 : i32
      %mul3A_67 = arith.muli %arg1, %mul3A_66 : i32
      %add3A_68 = arith.constant 192 : i32
      %add3A_69 = arith.addi %mul3A_67, %add3A_68 : i32
      "tpu.region"() ({
        %run_scoped3A_280 = tpu.sem_alloc : memref<!tpu.dma_semaphore, #tpu.memory_space<semaphore_mem>>
        %dma_start3A = arith.constant 0 : i32
        %dma_start3A_281 = tpu.memref_slice %arg7[%add3A_69, %dma_start3A] : memref<5376x128xf32, #tpu.memory_space<vmem_shared>> -> memref<16x128xf32, #tpu.memory_space<vmem_shared>>
        %dma_start3A_282 = arith.constant 0 : i32
        %dma_start3A_283 = tpu.memref_slice %arg7[%add3A_69, %dma_start3A_282] : memref<5376x128xf32, #tpu.memory_space<vmem_shared>> -> memref<16x128xf32, #tpu.memory_space<vmem_shared>>
        tpu.enqueue_dma source(%run_scoped3A_2 : memref<16x128xf32, #tpu.memory_space<vmem>>) target(%dma_start3A_283 : memref<16x128xf32, #tpu.memory_space<vmem_shared>>) target_semaphore(%run_scoped3A_280 : memref<!tpu.dma_semaphore, #tpu.memory_space<semaphore_mem>>)
        %dma_wait3A = arith.constant 0 : i32
        %dma_wait3A_284 = tpu.memref_slice %arg7[%add3A_69, %dma_wait3A] : memref<5376x128xf32, #tpu.memory_space<vmem_shared>> -> memref<16x128xf32, #tpu.memory_space<vmem_shared>>
        %dma_wait3A_285 = arith.constant 0 : i32
        %dma_wait3A_286 = tpu.memref_slice %arg7[%add3A_69, %dma_wait3A_285] : memref<5376x128xf32, #tpu.memory_space<vmem_shared>> -> memref<16x128xf32, #tpu.memory_space<vmem_shared>>
        tpu.wait_dma2 semaphore(%run_scoped3A_280 : memref<!tpu.dma_semaphore, #tpu.memory_space<semaphore_mem>>) src(%run_scoped3A_2 : memref<16x128xf32, #tpu.memory_space<vmem>>) dst(%dma_wait3A_286 : memref<16x128xf32, #tpu.memory_space<vmem_shared>>)
        tpu.yield
      }) : () -> ()
      %mul3A_70 = arith.constant 336 : i32
      %mul3A_71 = arith.muli %arg1, %mul3A_70 : i32
      %add3A_72 = arith.constant 208 : i32
      %add3A_73 = arith.addi %mul3A_71, %add3A_72 : i32
      "tpu.region"() ({
        %run_scoped3A_280 = tpu.sem_alloc : memref<!tpu.dma_semaphore, #tpu.memory_space<semaphore_mem>>
        %dma_start3A = arith.constant 0 : i32
        %dma_start3A_281 = tpu.memref_slice %arg7[%add3A_73, %dma_start3A] : memref<5376x128xf32, #tpu.memory_space<vmem_shared>> -> memref<16x128xf32, #tpu.memory_space<vmem_shared>>
        %dma_start3A_282 = arith.constant 0 : i32
        %dma_start3A_283 = tpu.memref_slice %arg7[%add3A_73, %dma_start3A_282] : memref<5376x128xf32, #tpu.memory_space<vmem_shared>> -> memref<16x128xf32, #tpu.memory_space<vmem_shared>>
        tpu.enqueue_dma source(%run_scoped3A_2 : memref<16x128xf32, #tpu.memory_space<vmem>>) target(%dma_start3A_283 : memref<16x128xf32, #tpu.memory_space<vmem_shared>>) target_semaphore(%run_scoped3A_280 : memref<!tpu.dma_semaphore, #tpu.memory_space<semaphore_mem>>)
        %dma_wait3A = arith.constant 0 : i32
        %dma_wait3A_284 = tpu.memref_slice %arg7[%add3A_73, %dma_wait3A] : memref<5376x128xf32, #tpu.memory_space<vmem_shared>> -> memref<16x128xf32, #tpu.memory_space<vmem_shared>>
        %dma_wait3A_285 = arith.constant 0 : i32
        %dma_wait3A_286 = tpu.memref_slice %arg7[%add3A_73, %dma_wait3A_285] : memref<5376x128xf32, #tpu.memory_space<vmem_shared>> -> memref<16x128xf32, #tpu.memory_space<vmem_shared>>
        tpu.wait_dma2 semaphore(%run_scoped3A_280 : memref<!tpu.dma_semaphore, #tpu.memory_space<semaphore_mem>>) src(%run_scoped3A_2 : memref<16x128xf32, #tpu.memory_space<vmem>>) dst(%dma_wait3A_286 : memref<16x128xf32, #tpu.memory_space<vmem_shared>>)
        tpu.yield
      }) : () -> ()
      %mul3A_74 = arith.constant 336 : i32
      %mul3A_75 = arith.muli %arg1, %mul3A_74 : i32
      %add3A_76 = arith.constant 224 : i32
      %add3A_77 = arith.addi %mul3A_75, %add3A_76 : i32
      "tpu.region"() ({
        %run_scoped3A_280 = tpu.sem_alloc : memref<!tpu.dma_semaphore, #tpu.memory_space<semaphore_mem>>
        %dma_start3A = arith.constant 0 : i32
        %dma_start3A_281 = tpu.memref_slice %arg7[%add3A_77, %dma_start3A] : memref<5376x128xf32, #tpu.memory_space<vmem_shared>> -> memref<16x128xf32, #tpu.memory_space<vmem_shared>>
        %dma_start3A_282 = arith.constant 0 : i32
        %dma_start3A_283 = tpu.memref_slice %arg7[%add3A_77, %dma_start3A_282] : memref<5376x128xf32, #tpu.memory_space<vmem_shared>> -> memref<16x128xf32, #tpu.memory_space<vmem_shared>>
        tpu.enqueue_dma source(%run_scoped3A_2 : memref<16x128xf32, #tpu.memory_space<vmem>>) target(%dma_start3A_283 : memref<16x128xf32, #tpu.memory_space<vmem_shared>>) target_semaphore(%run_scoped3A_280 : memref<!tpu.dma_semaphore, #tpu.memory_space<semaphore_mem>>)
        %dma_wait3A = arith.constant 0 : i32
        %dma_wait3A_284 = tpu.memref_slice %arg7[%add3A_77, %dma_wait3A] : memref<5376x128xf32, #tpu.memory_space<vmem_shared>> -> memref<16x128xf32, #tpu.memory_space<vmem_shared>>
        %dma_wait3A_285 = arith.constant 0 : i32
        %dma_wait3A_286 = tpu.memref_slice %arg7[%add3A_77, %dma_wait3A_285] : memref<5376x128xf32, #tpu.memory_space<vmem_shared>> -> memref<16x128xf32, #tpu.memory_space<vmem_shared>>
        tpu.wait_dma2 semaphore(%run_scoped3A_280 : memref<!tpu.dma_semaphore, #tpu.memory_space<semaphore_mem>>) src(%run_scoped3A_2 : memref<16x128xf32, #tpu.memory_space<vmem>>) dst(%dma_wait3A_286 : memref<16x128xf32, #tpu.memory_space<vmem_shared>>)
        tpu.yield
      }) : () -> ()
      %mul3A_78 = arith.constant 336 : i32
      %mul3A_79 = arith.muli %arg1, %mul3A_78 : i32
      %add3A_80 = arith.constant 240 : i32
      %add3A_81 = arith.addi %mul3A_79, %add3A_80 : i32
      "tpu.region"() ({
        %run_scoped3A_280 = tpu.sem_alloc : memref<!tpu.dma_semaphore, #tpu.memory_space<semaphore_mem>>
        %dma_start3A = arith.constant 0 : i32
        %dma_start3A_281 = tpu.memref_slice %arg7[%add3A_81, %dma_start3A] : memref<5376x128xf32, #tpu.memory_space<vmem_shared>> -> memref<16x128xf32, #tpu.memory_space<vmem_shared>>
        %dma_start3A_282 = arith.constant 0 : i32
        %dma_start3A_283 = tpu.memref_slice %arg7[%add3A_81, %dma_start3A_282] : memref<5376x128xf32, #tpu.memory_space<vmem_shared>> -> memref<16x128xf32, #tpu.memory_space<vmem_shared>>
        tpu.enqueue_dma source(%run_scoped3A_2 : memref<16x128xf32, #tpu.memory_space<vmem>>) target(%dma_start3A_283 : memref<16x128xf32, #tpu.memory_space<vmem_shared>>) target_semaphore(%run_scoped3A_280 : memref<!tpu.dma_semaphore, #tpu.memory_space<semaphore_mem>>)
        %dma_wait3A = arith.constant 0 : i32
        %dma_wait3A_284 = tpu.memref_slice %arg7[%add3A_81, %dma_wait3A] : memref<5376x128xf32, #tpu.memory_space<vmem_shared>> -> memref<16x128xf32, #tpu.memory_space<vmem_shared>>
        %dma_wait3A_285 = arith.constant 0 : i32
        %dma_wait3A_286 = tpu.memref_slice %arg7[%add3A_81, %dma_wait3A_285] : memref<5376x128xf32, #tpu.memory_space<vmem_shared>> -> memref<16x128xf32, #tpu.memory_space<vmem_shared>>
        tpu.wait_dma2 semaphore(%run_scoped3A_280 : memref<!tpu.dma_semaphore, #tpu.memory_space<semaphore_mem>>) src(%run_scoped3A_2 : memref<16x128xf32, #tpu.memory_space<vmem>>) dst(%dma_wait3A_286 : memref<16x128xf32, #tpu.memory_space<vmem_shared>>)
        tpu.yield
      }) : () -> ()
      %mul3A_82 = arith.constant 336 : i32
      %mul3A_83 = arith.muli %arg1, %mul3A_82 : i32
      %add3A_84 = arith.constant 256 : i32
      %add3A_85 = arith.addi %mul3A_83, %add3A_84 : i32
      "tpu.region"() ({
        %run_scoped3A_280 = tpu.sem_alloc : memref<!tpu.dma_semaphore, #tpu.memory_space<semaphore_mem>>
        %dma_start3A = arith.constant 0 : i32
        %dma_start3A_281 = tpu.memref_slice %arg7[%add3A_85, %dma_start3A] : memref<5376x128xf32, #tpu.memory_space<vmem_shared>> -> memref<16x128xf32, #tpu.memory_space<vmem_shared>>
        %dma_start3A_282 = arith.constant 0 : i32
        %dma_start3A_283 = tpu.memref_slice %arg7[%add3A_85, %dma_start3A_282] : memref<5376x128xf32, #tpu.memory_space<vmem_shared>> -> memref<16x128xf32, #tpu.memory_space<vmem_shared>>
        tpu.enqueue_dma source(%run_scoped3A_2 : memref<16x128xf32, #tpu.memory_space<vmem>>) target(%dma_start3A_283 : memref<16x128xf32, #tpu.memory_space<vmem_shared>>) target_semaphore(%run_scoped3A_280 : memref<!tpu.dma_semaphore, #tpu.memory_space<semaphore_mem>>)
        %dma_wait3A = arith.constant 0 : i32
        %dma_wait3A_284 = tpu.memref_slice %arg7[%add3A_85, %dma_wait3A] : memref<5376x128xf32, #tpu.memory_space<vmem_shared>> -> memref<16x128xf32, #tpu.memory_space<vmem_shared>>
        %dma_wait3A_285 = arith.constant 0 : i32
        %dma_wait3A_286 = tpu.memref_slice %arg7[%add3A_85, %dma_wait3A_285] : memref<5376x128xf32, #tpu.memory_space<vmem_shared>> -> memref<16x128xf32, #tpu.memory_space<vmem_shared>>
        tpu.wait_dma2 semaphore(%run_scoped3A_280 : memref<!tpu.dma_semaphore, #tpu.memory_space<semaphore_mem>>) src(%run_scoped3A_2 : memref<16x128xf32, #tpu.memory_space<vmem>>) dst(%dma_wait3A_286 : memref<16x128xf32, #tpu.memory_space<vmem_shared>>)
        tpu.yield
      }) : () -> ()
      %mul3A_86 = arith.constant 336 : i32
      %mul3A_87 = arith.muli %arg1, %mul3A_86 : i32
      %add3A_88 = arith.constant 272 : i32
      %add3A_89 = arith.addi %mul3A_87, %add3A_88 : i32
      "tpu.region"() ({
        %run_scoped3A_280 = tpu.sem_alloc : memref<!tpu.dma_semaphore, #tpu.memory_space<semaphore_mem>>
        %dma_start3A = arith.constant 0 : i32
        %dma_start3A_281 = tpu.memref_slice %arg7[%add3A_89, %dma_start3A] : memref<5376x128xf32, #tpu.memory_space<vmem_shared>> -> memref<16x128xf32, #tpu.memory_space<vmem_shared>>
        %dma_start3A_282 = arith.constant 0 : i32
        %dma_start3A_283 = tpu.memref_slice %arg7[%add3A_89, %dma_start3A_282] : memref<5376x128xf32, #tpu.memory_space<vmem_shared>> -> memref<16x128xf32, #tpu.memory_space<vmem_shared>>
        tpu.enqueue_dma source(%run_scoped3A_2 : memref<16x128xf32, #tpu.memory_space<vmem>>) target(%dma_start3A_283 : memref<16x128xf32, #tpu.memory_space<vmem_shared>>) target_semaphore(%run_scoped3A_280 : memref<!tpu.dma_semaphore, #tpu.memory_space<semaphore_mem>>)
        %dma_wait3A = arith.constant 0 : i32
        %dma_wait3A_284 = tpu.memref_slice %arg7[%add3A_89, %dma_wait3A] : memref<5376x128xf32, #tpu.memory_space<vmem_shared>> -> memref<16x128xf32, #tpu.memory_space<vmem_shared>>
        %dma_wait3A_285 = arith.constant 0 : i32
        %dma_wait3A_286 = tpu.memref_slice %arg7[%add3A_89, %dma_wait3A_285] : memref<5376x128xf32, #tpu.memory_space<vmem_shared>> -> memref<16x128xf32, #tpu.memory_space<vmem_shared>>
        tpu.wait_dma2 semaphore(%run_scoped3A_280 : memref<!tpu.dma_semaphore, #tpu.memory_space<semaphore_mem>>) src(%run_scoped3A_2 : memref<16x128xf32, #tpu.memory_space<vmem>>) dst(%dma_wait3A_286 : memref<16x128xf32, #tpu.memory_space<vmem_shared>>)
        tpu.yield
      }) : () -> ()
      %mul3A_90 = arith.constant 336 : i32
      %mul3A_91 = arith.muli %arg1, %mul3A_90 : i32
      %add3A_92 = arith.constant 288 : i32
      %add3A_93 = arith.addi %mul3A_91, %add3A_92 : i32
      "tpu.region"() ({
        %run_scoped3A_280 = tpu.sem_alloc : memref<!tpu.dma_semaphore, #tpu.memory_space<semaphore_mem>>
        %dma_start3A = arith.constant 0 : i32
        %dma_start3A_281 = tpu.memref_slice %arg7[%add3A_93, %dma_start3A] : memref<5376x128xf32, #tpu.memory_space<vmem_shared>> -> memref<16x128xf32, #tpu.memory_space<vmem_shared>>
        %dma_start3A_282 = arith.constant 0 : i32
        %dma_start3A_283 = tpu.memref_slice %arg7[%add3A_93, %dma_start3A_282] : memref<5376x128xf32, #tpu.memory_space<vmem_shared>> -> memref<16x128xf32, #tpu.memory_space<vmem_shared>>
        tpu.enqueue_dma source(%run_scoped3A_2 : memref<16x128xf32, #tpu.memory_space<vmem>>) target(%dma_start3A_283 : memref<16x128xf32, #tpu.memory_space<vmem_shared>>) target_semaphore(%run_scoped3A_280 : memref<!tpu.dma_semaphore, #tpu.memory_space<semaphore_mem>>)
        %dma_wait3A = arith.constant 0 : i32
        %dma_wait3A_284 = tpu.memref_slice %arg7[%add3A_93, %dma_wait3A] : memref<5376x128xf32, #tpu.memory_space<vmem_shared>> -> memref<16x128xf32, #tpu.memory_space<vmem_shared>>
        %dma_wait3A_285 = arith.constant 0 : i32
        %dma_wait3A_286 = tpu.memref_slice %arg7[%add3A_93, %dma_wait3A_285] : memref<5376x128xf32, #tpu.memory_space<vmem_shared>> -> memref<16x128xf32, #tpu.memory_space<vmem_shared>>
        tpu.wait_dma2 semaphore(%run_scoped3A_280 : memref<!tpu.dma_semaphore, #tpu.memory_space<semaphore_mem>>) src(%run_scoped3A_2 : memref<16x128xf32, #tpu.memory_space<vmem>>) dst(%dma_wait3A_286 : memref<16x128xf32, #tpu.memory_space<vmem_shared>>)
        tpu.yield
      }) : () -> ()
      %mul3A_94 = arith.constant 336 : i32
      %mul3A_95 = arith.muli %arg1, %mul3A_94 : i32
      %add3A_96 = arith.constant 304 : i32
      %add3A_97 = arith.addi %mul3A_95, %add3A_96 : i32
      "tpu.region"() ({
        %run_scoped3A_280 = tpu.sem_alloc : memref<!tpu.dma_semaphore, #tpu.memory_space<semaphore_mem>>
        %dma_start3A = arith.constant 0 : i32
        %dma_start3A_281 = tpu.memref_slice %arg7[%add3A_97, %dma_start3A] : memref<5376x128xf32, #tpu.memory_space<vmem_shared>> -> memref<16x128xf32, #tpu.memory_space<vmem_shared>>
        %dma_start3A_282 = arith.constant 0 : i32
        %dma_start3A_283 = tpu.memref_slice %arg7[%add3A_97, %dma_start3A_282] : memref<5376x128xf32, #tpu.memory_space<vmem_shared>> -> memref<16x128xf32, #tpu.memory_space<vmem_shared>>
        tpu.enqueue_dma source(%run_scoped3A_2 : memref<16x128xf32, #tpu.memory_space<vmem>>) target(%dma_start3A_283 : memref<16x128xf32, #tpu.memory_space<vmem_shared>>) target_semaphore(%run_scoped3A_280 : memref<!tpu.dma_semaphore, #tpu.memory_space<semaphore_mem>>)
        %dma_wait3A = arith.constant 0 : i32
        %dma_wait3A_284 = tpu.memref_slice %arg7[%add3A_97, %dma_wait3A] : memref<5376x128xf32, #tpu.memory_space<vmem_shared>> -> memref<16x128xf32, #tpu.memory_space<vmem_shared>>
        %dma_wait3A_285 = arith.constant 0 : i32
        %dma_wait3A_286 = tpu.memref_slice %arg7[%add3A_97, %dma_wait3A_285] : memref<5376x128xf32, #tpu.memory_space<vmem_shared>> -> memref<16x128xf32, #tpu.memory_space<vmem_shared>>
        tpu.wait_dma2 semaphore(%run_scoped3A_280 : memref<!tpu.dma_semaphore, #tpu.memory_space<semaphore_mem>>) src(%run_scoped3A_2 : memref<16x128xf32, #tpu.memory_space<vmem>>) dst(%dma_wait3A_286 : memref<16x128xf32, #tpu.memory_space<vmem_shared>>)
        tpu.yield
      }) : () -> ()
      %mul3A_98 = arith.constant 336 : i32
      %mul3A_99 = arith.muli %arg1, %mul3A_98 : i32
      %add3A_100 = arith.constant 320 : i32
      %add3A_101 = arith.addi %mul3A_99, %add3A_100 : i32
      "tpu.region"() ({
        %run_scoped3A_280 = tpu.sem_alloc : memref<!tpu.dma_semaphore, #tpu.memory_space<semaphore_mem>>
        %dma_start3A = arith.constant 0 : i32
        %dma_start3A_281 = tpu.memref_slice %arg7[%add3A_101, %dma_start3A] : memref<5376x128xf32, #tpu.memory_space<vmem_shared>> -> memref<16x128xf32, #tpu.memory_space<vmem_shared>>
        %dma_start3A_282 = arith.constant 0 : i32
        %dma_start3A_283 = tpu.memref_slice %arg7[%add3A_101, %dma_start3A_282] : memref<5376x128xf32, #tpu.memory_space<vmem_shared>> -> memref<16x128xf32, #tpu.memory_space<vmem_shared>>
        tpu.enqueue_dma source(%run_scoped3A_2 : memref<16x128xf32, #tpu.memory_space<vmem>>) target(%dma_start3A_283 : memref<16x128xf32, #tpu.memory_space<vmem_shared>>) target_semaphore(%run_scoped3A_280 : memref<!tpu.dma_semaphore, #tpu.memory_space<semaphore_mem>>)
        %dma_wait3A = arith.constant 0 : i32
        %dma_wait3A_284 = tpu.memref_slice %arg7[%add3A_101, %dma_wait3A] : memref<5376x128xf32, #tpu.memory_space<vmem_shared>> -> memref<16x128xf32, #tpu.memory_space<vmem_shared>>
        %dma_wait3A_285 = arith.constant 0 : i32
        %dma_wait3A_286 = tpu.memref_slice %arg7[%add3A_101, %dma_wait3A_285] : memref<5376x128xf32, #tpu.memory_space<vmem_shared>> -> memref<16x128xf32, #tpu.memory_space<vmem_shared>>
        tpu.wait_dma2 semaphore(%run_scoped3A_280 : memref<!tpu.dma_semaphore, #tpu.memory_space<semaphore_mem>>) src(%run_scoped3A_2 : memref<16x128xf32, #tpu.memory_space<vmem>>) dst(%dma_wait3A_286 : memref<16x128xf32, #tpu.memory_space<vmem_shared>>)
        tpu.yield
      }) : () -> ()
      %barrier3A = arith.constant 0 : index
      tpu.barrier barrier_id(%barrier3A)
      %jit3A_102 = arith.constant 2 : i32
      %div3A = arith.divsi %min3A_18, %jit3A_102 : i32
      %sign3A = arith.constant 0 : i32
      %sign3A_103 = arith.cmpi sgt, %min3A_18, %sign3A : i32
      %sign3A_104 = arith.extui %sign3A_103 : i1 to i32
      %sign3A_105 = arith.constant 0 : i32
      %sign3A_106 = arith.cmpi slt, %min3A_18, %sign3A_105 : i32
      %sign3A_107 = arith.extui %sign3A_106 : i1 to i32
      %sign3A_108 = arith.subi %sign3A_104, %sign3A_107 : i32
      %sign3A_109 = arith.constant 0 : i32
      %sign3A_110 = arith.cmpi sgt, %jit3A_102, %sign3A_109 : i32
      %sign3A_111 = arith.extui %sign3A_110 : i1 to i32
      %sign3A_112 = arith.constant 0 : i32
      %sign3A_113 = arith.cmpi slt, %jit3A_102, %sign3A_112 : i32
      %sign3A_114 = arith.extui %sign3A_113 : i1 to i32
      %sign3A_115 = arith.subi %sign3A_111, %sign3A_114 : i32
      %ne3A = arith.cmpi ne, %sign3A_108, %sign3A_115 : i32
      %rem3A = arith.remsi %min3A_18, %jit3A_102 : i32
      %ne3A_116 = arith.constant 0 : i32
      %ne3A_117 = arith.cmpi ne, %rem3A, %ne3A_116 : i32
      %and3A = arith.andi %ne3A, %ne3A_117 : i1
      %sub3A = arith.constant 1 : i32
      %sub3A_118 = arith.subi %div3A, %sub3A : i32
      %select_n3A_119 = arith.select %and3A, %sub3A_118, %div3A : i32
      %sub3A_120 = arith.constant 0 : i32
      %sub3A_121 = arith.subi %select_n3A_119, %sub3A_120 : i32
      %sub3A_122 = arith.constant 1 : i32
      %sub3A_123 = arith.constant 1 : i32
      %sub3A_124 = arith.subi %sub3A_122, %sub3A_123 : i32
      %add3A_125 = arith.addi %sub3A_121, %sub3A_124 : i32
      %div3A_126 = arith.constant 1 : i32
      %div3A_127 = arith.divsi %add3A_125, %div3A_126 : i32
      %while3A = arith.constant 1 : i32
      %while3A_128 = arith.constant 0 : i32
      %while3A_129 = arith.constant 0 : i32
      %while3A_130 = arith.constant 0 : i32
      %while3A_131 = arith.subi %div3A_127, %while3A_130 : i32
      %while3A_132 = arith.addi %while3A_130, %while3A_131 : i32
      %while3A_133 = arith.constant 1 : i32
      %while3A_134 = arith.divsi %while3A_131, %while3A_133 : i32
      %while3A_135 = arith.muli %while3A_134, %while3A_133 : i32
      %while3A_136 = arith.addi %while3A_130, %while3A_135 : i32
      %while3A_137 = arith.constant 1 : i32
      scf.for %while3A_280 = %while3A_130 to %while3A_136 step %while3A_137  : i32 {
        %mul3A_281 = arith.muli %while3A_280, %while3A : i32
        %add3A_282 = arith.addi %while3A_128, %mul3A_281 : i32
        %mul3A_283 = arith.constant 2 : i32
        %mul3A_284 = arith.muli %add3A_282, %mul3A_283 : i32
        %add3A_285 = arith.constant 0 : i32
        %add3A_286 = arith.addi %mul3A_284, %add3A_285 : i32
        %dma_start3A = arith.constant 0 : i32
        %dma_start3A_287 = arith.constant 0 : i32
        %dma_start3A_288 = arith.constant 0 : i32
        %dma_start3A_289 = arith.constant 0 : i32
        %dma_start3A_290 = tpu.memref_slice %run_scoped3A_1[%dma_start3A, %dma_start3A_288, %dma_start3A_289] : memref<2x128x128xf32, #tpu.memory_space<vmem>> -> memref<1x128x128xf32, #tpu.memory_space<vmem>>
        %dma_start3A_291 = tpu.memref_squeeze %dma_start3A_290 : memref<1x128x128xf32, #tpu.memory_space<vmem>> -> memref<128x128xf32, #tpu.memory_space<vmem>>
        %dma_start3A_292 = arith.constant 0 : i32
        %dma_start3A_293 = tpu.memref_slice %run_scoped3A[%add3A_286, %dma_start3A_292] : memref<164x128xi32, #tpu.memory_space<vmem>> -> memref<1x128xi32, #tpu.memory_space<vmem>>
        %dma_start3A_294 = tpu.memref_squeeze %dma_start3A_293 : memref<1x128xi32, #tpu.memory_space<vmem>> -> memref<128xi32, #tpu.memory_space<vmem>>
        %dma_start3A_295 = arith.constant 0 : i32
        %dma_start3A_296 = arith.constant 0 : i32
        %dma_start3A_297 = tpu.memref_slice %arg2[%while3A_129, %dma_start3A_295, %dma_start3A_296] : memref<2x10240x128xf32, #tpu.memory_space<hbm>> -> memref<1x10240x128xf32, #tpu.memory_space<hbm>>
        %dma_start3A_298 = tpu.memref_squeeze %dma_start3A_297 : memref<1x10240x128xf32, #tpu.memory_space<hbm>> -> memref<10240x128xf32, #tpu.memory_space<hbm>>
        %dma_start3A_299 = arith.constant 0 : i32
        %dma_start3A_300 = arith.constant 0 : i32
        %dma_start3A_301 = tpu.memref_slice %dma_start3A_298[%dma_start3A_299, %dma_start3A_300] : memref<10240x128xf32, #tpu.memory_space<hbm>> -> memref<10240x128xf32, #tpu.memory_space<hbm>>
        %dma_start3A_302 = tpu.memref_slice %arg8[%dma_start3A_287] : memref<2x!tpu.dma_semaphore, #tpu.memory_space<semaphore_mem>> -> memref<1x!tpu.dma_semaphore, #tpu.memory_space<semaphore_mem>>
        %dma_start3A_303 = tpu.memref_squeeze %dma_start3A_302 : memref<1x!tpu.dma_semaphore, #tpu.memory_space<semaphore_mem>> -> memref<!tpu.dma_semaphore, #tpu.memory_space<semaphore_mem>>
        tpu.enqueue_indirect_dma source(%dma_start3A_301 : memref<10240x128xf32, #tpu.memory_space<hbm>>) target(%dma_start3A_291 : memref<128x128xf32, #tpu.memory_space<vmem>>) offsets(%dma_start3A_294 : memref<128xi32, #tpu.memory_space<vmem>>) semaphore(%dma_start3A_303 : memref<!tpu.dma_semaphore, #tpu.memory_space<semaphore_mem>>)
        %mul3A_304 = arith.constant 2 : i32
        %mul3A_305 = arith.muli %add3A_282, %mul3A_304 : i32
        %add3A_306 = arith.constant 1 : i32
        %add3A_307 = arith.addi %mul3A_305, %add3A_306 : i32
        %dma_start3A_308 = arith.constant 1 : i32
        %dma_start3A_309 = arith.constant 1 : i32
        %dma_start3A_310 = arith.constant 0 : i32
        %dma_start3A_311 = arith.constant 0 : i32
        %dma_start3A_312 = tpu.memref_slice %run_scoped3A_1[%dma_start3A_308, %dma_start3A_310, %dma_start3A_311] : memref<2x128x128xf32, #tpu.memory_space<vmem>> -> memref<1x128x128xf32, #tpu.memory_space<vmem>>
        %dma_start3A_313 = tpu.memref_squeeze %dma_start3A_312 : memref<1x128x128xf32, #tpu.memory_space<vmem>> -> memref<128x128xf32, #tpu.memory_space<vmem>>
        %dma_start3A_314 = arith.constant 0 : i32
        %dma_start3A_315 = tpu.memref_slice %run_scoped3A[%add3A_307, %dma_start3A_314] : memref<164x128xi32, #tpu.memory_space<vmem>> -> memref<1x128xi32, #tpu.memory_space<vmem>>
        %dma_start3A_316 = tpu.memref_squeeze %dma_start3A_315 : memref<1x128xi32, #tpu.memory_space<vmem>> -> memref<128xi32, #tpu.memory_space<vmem>>
        %dma_start3A_317 = arith.constant 0 : i32
        %dma_start3A_318 = arith.constant 0 : i32
        %dma_start3A_319 = tpu.memref_slice %arg2[%while3A_129, %dma_start3A_317, %dma_start3A_318] : memref<2x10240x128xf32, #tpu.memory_space<hbm>> -> memref<1x10240x128xf32, #tpu.memory_space<hbm>>
        %dma_start3A_320 = tpu.memref_squeeze %dma_start3A_319 : memref<1x10240x128xf32, #tpu.memory_space<hbm>> -> memref<10240x128xf32, #tpu.memory_space<hbm>>
        %dma_start3A_321 = arith.constant 0 : i32
        %dma_start3A_322 = arith.constant 0 : i32
        %dma_start3A_323 = tpu.memref_slice %dma_start3A_320[%dma_start3A_321, %dma_start3A_322] : memref<10240x128xf32, #tpu.memory_space<hbm>> -> memref<10240x128xf32, #tpu.memory_space<hbm>>
        %dma_start3A_324 = tpu.memref_slice %arg8[%dma_start3A_309] : memref<2x!tpu.dma_semaphore, #tpu.memory_space<semaphore_mem>> -> memref<1x!tpu.dma_semaphore, #tpu.memory_space<semaphore_mem>>
        %dma_start3A_325 = tpu.memref_squeeze %dma_start3A_324 : memref<1x!tpu.dma_semaphore, #tpu.memory_space<semaphore_mem>> -> memref<!tpu.dma_semaphore, #tpu.memory_space<semaphore_mem>>
        tpu.enqueue_indirect_dma source(%dma_start3A_323 : memref<10240x128xf32, #tpu.memory_space<hbm>>) target(%dma_start3A_313 : memref<128x128xf32, #tpu.memory_space<vmem>>) offsets(%dma_start3A_316 : memref<128xi32, #tpu.memory_space<vmem>>) semaphore(%dma_start3A_325 : memref<!tpu.dma_semaphore, #tpu.memory_space<semaphore_mem>>)
        %dma_wait3A = arith.constant 0 : i32
        %dma_wait3A_326 = arith.constant 0 : i32
        %dma_wait3A_327 = arith.constant 0 : i32
        %dma_wait3A_328 = arith.constant 0 : i32
        %dma_wait3A_329 = tpu.memref_slice %run_scoped3A_1[%dma_wait3A, %dma_wait3A_327, %dma_wait3A_328] : memref<2x128x128xf32, #tpu.memory_space<vmem>> -> memref<1x128x128xf32, #tpu.memory_space<vmem>>
        %dma_wait3A_330 = tpu.memref_squeeze %dma_wait3A_329 : memref<1x128x128xf32, #tpu.memory_space<vmem>> -> memref<128x128xf32, #tpu.memory_space<vmem>>
        %dma_wait3A_331 = arith.constant 0 : i32
        %dma_wait3A_332 = tpu.memref_slice %run_scoped3A[%add3A_286, %dma_wait3A_331] : memref<164x128xi32, #tpu.memory_space<vmem>> -> memref<1x128xi32, #tpu.memory_space<vmem>>
        %dma_wait3A_333 = tpu.memref_squeeze %dma_wait3A_332 : memref<1x128xi32, #tpu.memory_space<vmem>> -> memref<128xi32, #tpu.memory_space<vmem>>
        %dma_wait3A_334 = arith.constant 0 : i32
        %dma_wait3A_335 = arith.constant 0 : i32
        %dma_wait3A_336 = tpu.memref_slice %arg2[%while3A_129, %dma_wait3A_334, %dma_wait3A_335] : memref<2x10240x128xf32, #tpu.memory_space<hbm>> -> memref<1x10240x128xf32, #tpu.memory_space<hbm>>
        %dma_wait3A_337 = tpu.memref_squeeze %dma_wait3A_336 : memref<1x10240x128xf32, #tpu.memory_space<hbm>> -> memref<10240x128xf32, #tpu.memory_space<hbm>>
        %dma_wait3A_338 = arith.constant 0 : i32
        %dma_wait3A_339 = arith.constant 0 : i32
        %dma_wait3A_340 = tpu.memref_slice %dma_wait3A_337[%dma_wait3A_338, %dma_wait3A_339] : memref<10240x128xf32, #tpu.memory_space<hbm>> -> memref<10240x128xf32, #tpu.memory_space<hbm>>
        %dma_wait3A_341 = tpu.memref_slice %arg8[%dma_wait3A_326] : memref<2x!tpu.dma_semaphore, #tpu.memory_space<semaphore_mem>> -> memref<1x!tpu.dma_semaphore, #tpu.memory_space<semaphore_mem>>
        %dma_wait3A_342 = tpu.memref_squeeze %dma_wait3A_341 : memref<1x!tpu.dma_semaphore, #tpu.memory_space<semaphore_mem>> -> memref<!tpu.dma_semaphore, #tpu.memory_space<semaphore_mem>>
        tpu.wait_indirect_dma semaphore(%dma_wait3A_342 : memref<!tpu.dma_semaphore, #tpu.memory_space<semaphore_mem>>) src(%dma_wait3A_340 : memref<10240x128xf32, #tpu.memory_space<hbm>>) dst(%dma_wait3A_330 : memref<128x128xf32, #tpu.memory_space<vmem>>)
        %mul3A_343 = arith.constant 2 : i32
        %mul3A_344 = arith.muli %add3A_282, %mul3A_343 : i32
        %add3A_345 = arith.constant 0 : i32
        %add3A_346 = arith.addi %mul3A_344, %add3A_345 : i32
        %run_scoped3A_347 = arith.constant 0 : i32
        "tpu.region"() ({
          %run_scoped3A_371 = tpu.sem_alloc : memref<!tpu.dma_semaphore, #tpu.memory_space<semaphore_mem>>
          %dma_start3A_372 = arith.constant 0 : i32
          %dma_start3A_373 = arith.constant 0 : i32
          %dma_start3A_374 = tpu.memref_slice %run_scoped3A_1[%run_scoped3A_347, %dma_start3A_372, %dma_start3A_373] : memref<2x128x128xf32, #tpu.memory_space<vmem>> -> memref<1x128x128xf32, #tpu.memory_space<vmem>>
          %dma_start3A_375 = tpu.memref_squeeze %dma_start3A_374 : memref<1x128x128xf32, #tpu.memory_space<vmem>> -> memref<128x128xf32, #tpu.memory_space<vmem>>
          %dma_start3A_376 = arith.constant 0 : i32
          %dma_start3A_377 = tpu.memref_slice %run_scoped3A_0[%add3A_346, %dma_start3A_376] : memref<164x128xi32, #tpu.memory_space<vmem>> -> memref<1x128xi32, #tpu.memory_space<vmem>>
          %dma_start3A_378 = tpu.memref_squeeze %dma_start3A_377 : memref<1x128xi32, #tpu.memory_space<vmem>> -> memref<128xi32, #tpu.memory_space<vmem>>
          %dma_start3A_379 = arith.constant 0 : i32
          %dma_start3A_380 = arith.constant 0 : i32
          %dma_start3A_381 = tpu.memref_slice %arg7[%dma_start3A_379, %dma_start3A_380] : memref<5376x128xf32, #tpu.memory_space<vmem_shared>> -> memref<5376x128xf32, #tpu.memory_space<vmem_shared>>
          tpu.enqueue_indirect_dma source(%dma_start3A_375 : memref<128x128xf32, #tpu.memory_space<vmem>>) target(%dma_start3A_381 : memref<5376x128xf32, #tpu.memory_space<vmem_shared>>) offsets(%dma_start3A_378 : memref<128xi32, #tpu.memory_space<vmem>>) semaphore(%run_scoped3A_371 : memref<!tpu.dma_semaphore, #tpu.memory_space<semaphore_mem>>) {add = true}
          %dma_wait3A_382 = arith.constant 0 : i32
          %dma_wait3A_383 = arith.constant 0 : i32
          %dma_wait3A_384 = tpu.memref_slice %run_scoped3A_1[%run_scoped3A_347, %dma_wait3A_382, %dma_wait3A_383] : memref<2x128x128xf32, #tpu.memory_space<vmem>> -> memref<1x128x128xf32, #tpu.memory_space<vmem>>
          %dma_wait3A_385 = tpu.memref_squeeze %dma_wait3A_384 : memref<1x128x128xf32, #tpu.memory_space<vmem>> -> memref<128x128xf32, #tpu.memory_space<vmem>>
          %dma_wait3A_386 = arith.constant 0 : i32
          %dma_wait3A_387 = tpu.memref_slice %run_scoped3A_0[%add3A_346, %dma_wait3A_386] : memref<164x128xi32, #tpu.memory_space<vmem>> -> memref<1x128xi32, #tpu.memory_space<vmem>>
          %dma_wait3A_388 = tpu.memref_squeeze %dma_wait3A_387 : memref<1x128xi32, #tpu.memory_space<vmem>> -> memref<128xi32, #tpu.memory_space<vmem>>
          %dma_wait3A_389 = arith.constant 0 : i32
          %dma_wait3A_390 = arith.constant 0 : i32
          %dma_wait3A_391 = tpu.memref_slice %arg7[%dma_wait3A_389, %dma_wait3A_390] : memref<5376x128xf32, #tpu.memory_space<vmem_shared>> -> memref<5376x128xf32, #tpu.memory_space<vmem_shared>>
          tpu.wait_indirect_dma semaphore(%run_scoped3A_371 : memref<!tpu.dma_semaphore, #tpu.memory_space<semaphore_mem>>) src(%dma_wait3A_385 : memref<128x128xf32, #tpu.memory_space<vmem>>) dst(%dma_wait3A_391 : memref<5376x128xf32, #tpu.memory_space<vmem_shared>>)
          tpu.yield
        }) : () -> ()
        %dma_wait3A_348 = arith.constant 1 : i32
        %dma_wait3A_349 = arith.constant 1 : i32
        %dma_wait3A_350 = arith.constant 0 : i32
        %dma_wait3A_351 = arith.constant 0 : i32
        %dma_wait3A_352 = tpu.memref_slice %run_scoped3A_1[%dma_wait3A_348, %dma_wait3A_350, %dma_wait3A_351] : memref<2x128x128xf32, #tpu.memory_space<vmem>> -> memref<1x128x128xf32, #tpu.memory_space<vmem>>
        %dma_wait3A_353 = tpu.memref_squeeze %dma_wait3A_352 : memref<1x128x128xf32, #tpu.memory_space<vmem>> -> memref<128x128xf32, #tpu.memory_space<vmem>>
        %dma_wait3A_354 = arith.constant 0 : i32
        %dma_wait3A_355 = tpu.memref_slice %run_scoped3A[%add3A_307, %dma_wait3A_354] : memref<164x128xi32, #tpu.memory_space<vmem>> -> memref<1x128xi32, #tpu.memory_space<vmem>>
        %dma_wait3A_356 = tpu.memref_squeeze %dma_wait3A_355 : memref<1x128xi32, #tpu.memory_space<vmem>> -> memref<128xi32, #tpu.memory_space<vmem>>
        %dma_wait3A_357 = arith.constant 0 : i32
        %dma_wait3A_358 = arith.constant 0 : i32
        %dma_wait3A_359 = tpu.memref_slice %arg2[%while3A_129, %dma_wait3A_357, %dma_wait3A_358] : memref<2x10240x128xf32, #tpu.memory_space<hbm>> -> memref<1x10240x128xf32, #tpu.memory_space<hbm>>
        %dma_wait3A_360 = tpu.memref_squeeze %dma_wait3A_359 : memref<1x10240x128xf32, #tpu.memory_space<hbm>> -> memref<10240x128xf32, #tpu.memory_space<hbm>>
        %dma_wait3A_361 = arith.constant 0 : i32
        %dma_wait3A_362 = arith.constant 0 : i32
        %dma_wait3A_363 = tpu.memref_slice %dma_wait3A_360[%dma_wait3A_361, %dma_wait3A_362] : memref<10240x128xf32, #tpu.memory_space<hbm>> -> memref<10240x128xf32, #tpu.memory_space<hbm>>
        %dma_wait3A_364 = tpu.memref_slice %arg8[%dma_wait3A_349] : memref<2x!tpu.dma_semaphore, #tpu.memory_space<semaphore_mem>> -> memref<1x!tpu.dma_semaphore, #tpu.memory_space<semaphore_mem>>
        %dma_wait3A_365 = tpu.memref_squeeze %dma_wait3A_364 : memref<1x!tpu.dma_semaphore, #tpu.memory_space<semaphore_mem>> -> memref<!tpu.dma_semaphore, #tpu.memory_space<semaphore_mem>>
        tpu.wait_indirect_dma semaphore(%dma_wait3A_365 : memref<!tpu.dma_semaphore, #tpu.memory_space<semaphore_mem>>) src(%dma_wait3A_363 : memref<10240x128xf32, #tpu.memory_space<hbm>>) dst(%dma_wait3A_353 : memref<128x128xf32, #tpu.memory_space<vmem>>)
        %mul3A_366 = arith.constant 2 : i32
        %mul3A_367 = arith.muli %add3A_282, %mul3A_366 : i32
        %add3A_368 = arith.constant 1 : i32
        %add3A_369 = arith.addi %mul3A_367, %add3A_368 : i32
        %run_scoped3A_370 = arith.constant 1 : i32
        "tpu.region"() ({
          %run_scoped3A_371 = tpu.sem_alloc : memref<!tpu.dma_semaphore, #tpu.memory_space<semaphore_mem>>
          %dma_start3A_372 = arith.constant 0 : i32
          %dma_start3A_373 = arith.constant 0 : i32
          %dma_start3A_374 = tpu.memref_slice %run_scoped3A_1[%run_scoped3A_370, %dma_start3A_372, %dma_start3A_373] : memref<2x128x128xf32, #tpu.memory_space<vmem>> -> memref<1x128x128xf32, #tpu.memory_space<vmem>>
          %dma_start3A_375 = tpu.memref_squeeze %dma_start3A_374 : memref<1x128x128xf32, #tpu.memory_space<vmem>> -> memref<128x128xf32, #tpu.memory_space<vmem>>
          %dma_start3A_376 = arith.constant 0 : i32
          %dma_start3A_377 = tpu.memref_slice %run_scoped3A_0[%add3A_369, %dma_start3A_376] : memref<164x128xi32, #tpu.memory_space<vmem>> -> memref<1x128xi32, #tpu.memory_space<vmem>>
          %dma_start3A_378 = tpu.memref_squeeze %dma_start3A_377 : memref<1x128xi32, #tpu.memory_space<vmem>> -> memref<128xi32, #tpu.memory_space<vmem>>
          %dma_start3A_379 = arith.constant 0 : i32
          %dma_start3A_380 = arith.constant 0 : i32
          %dma_start3A_381 = tpu.memref_slice %arg7[%dma_start3A_379, %dma_start3A_380] : memref<5376x128xf32, #tpu.memory_space<vmem_shared>> -> memref<5376x128xf32, #tpu.memory_space<vmem_shared>>
          tpu.enqueue_indirect_dma source(%dma_start3A_375 : memref<128x128xf32, #tpu.memory_space<vmem>>) target(%dma_start3A_381 : memref<5376x128xf32, #tpu.memory_space<vmem_shared>>) offsets(%dma_start3A_378 : memref<128xi32, #tpu.memory_space<vmem>>) semaphore(%run_scoped3A_371 : memref<!tpu.dma_semaphore, #tpu.memory_space<semaphore_mem>>) {add = true}
          %dma_wait3A_382 = arith.constant 0 : i32
          %dma_wait3A_383 = arith.constant 0 : i32
          %dma_wait3A_384 = tpu.memref_slice %run_scoped3A_1[%run_scoped3A_370, %dma_wait3A_382, %dma_wait3A_383] : memref<2x128x128xf32, #tpu.memory_space<vmem>> -> memref<1x128x128xf32, #tpu.memory_space<vmem>>
          %dma_wait3A_385 = tpu.memref_squeeze %dma_wait3A_384 : memref<1x128x128xf32, #tpu.memory_space<vmem>> -> memref<128x128xf32, #tpu.memory_space<vmem>>
          %dma_wait3A_386 = arith.constant 0 : i32
          %dma_wait3A_387 = tpu.memref_slice %run_scoped3A_0[%add3A_369, %dma_wait3A_386] : memref<164x128xi32, #tpu.memory_space<vmem>> -> memref<1x128xi32, #tpu.memory_space<vmem>>
          %dma_wait3A_388 = tpu.memref_squeeze %dma_wait3A_387 : memref<1x128xi32, #tpu.memory_space<vmem>> -> memref<128xi32, #tpu.memory_space<vmem>>
          %dma_wait3A_389 = arith.constant 0 : i32
          %dma_wait3A_390 = arith.constant 0 : i32
          %dma_wait3A_391 = tpu.memref_slice %arg7[%dma_wait3A_389, %dma_wait3A_390] : memref<5376x128xf32, #tpu.memory_space<vmem_shared>> -> memref<5376x128xf32, #tpu.memory_space<vmem_shared>>
          tpu.wait_indirect_dma semaphore(%run_scoped3A_371 : memref<!tpu.dma_semaphore, #tpu.memory_space<semaphore_mem>>) src(%dma_wait3A_385 : memref<128x128xf32, #tpu.memory_space<vmem>>) dst(%dma_wait3A_391 : memref<5376x128xf32, #tpu.memory_space<vmem_shared>>)
          tpu.yield
        }) : () -> ()
      }
      %while3A_138 = arith.constant 1 : i32
      scf.for %while3A_280 = %while3A_136 to %while3A_132 step %while3A_138  : i32 {
        %mul3A_281 = arith.muli %while3A_280, %while3A : i32
        %add3A_282 = arith.addi %while3A_128, %mul3A_281 : i32
        %mul3A_283 = arith.constant 2 : i32
        %mul3A_284 = arith.muli %add3A_282, %mul3A_283 : i32
        %add3A_285 = arith.constant 0 : i32
        %add3A_286 = arith.addi %mul3A_284, %add3A_285 : i32
        %dma_start3A = arith.constant 0 : i32
        %dma_start3A_287 = arith.constant 0 : i32
        %dma_start3A_288 = arith.constant 0 : i32
        %dma_start3A_289 = arith.constant 0 : i32
        %dma_start3A_290 = tpu.memref_slice %run_scoped3A_1[%dma_start3A, %dma_start3A_288, %dma_start3A_289] : memref<2x128x128xf32, #tpu.memory_space<vmem>> -> memref<1x128x128xf32, #tpu.memory_space<vmem>>
        %dma_start3A_291 = tpu.memref_squeeze %dma_start3A_290 : memref<1x128x128xf32, #tpu.memory_space<vmem>> -> memref<128x128xf32, #tpu.memory_space<vmem>>
        %dma_start3A_292 = arith.constant 0 : i32
        %dma_start3A_293 = tpu.memref_slice %run_scoped3A[%add3A_286, %dma_start3A_292] : memref<164x128xi32, #tpu.memory_space<vmem>> -> memref<1x128xi32, #tpu.memory_space<vmem>>
        %dma_start3A_294 = tpu.memref_squeeze %dma_start3A_293 : memref<1x128xi32, #tpu.memory_space<vmem>> -> memref<128xi32, #tpu.memory_space<vmem>>
        %dma_start3A_295 = arith.constant 0 : i32
        %dma_start3A_296 = arith.constant 0 : i32
        %dma_start3A_297 = tpu.memref_slice %arg2[%while3A_129, %dma_start3A_295, %dma_start3A_296] : memref<2x10240x128xf32, #tpu.memory_space<hbm>> -> memref<1x10240x128xf32, #tpu.memory_space<hbm>>
        %dma_start3A_298 = tpu.memref_squeeze %dma_start3A_297 : memref<1x10240x128xf32, #tpu.memory_space<hbm>> -> memref<10240x128xf32, #tpu.memory_space<hbm>>
        %dma_start3A_299 = arith.constant 0 : i32
        %dma_start3A_300 = arith.constant 0 : i32
        %dma_start3A_301 = tpu.memref_slice %dma_start3A_298[%dma_start3A_299, %dma_start3A_300] : memref<10240x128xf32, #tpu.memory_space<hbm>> -> memref<10240x128xf32, #tpu.memory_space<hbm>>
        %dma_start3A_302 = tpu.memref_slice %arg8[%dma_start3A_287] : memref<2x!tpu.dma_semaphore, #tpu.memory_space<semaphore_mem>> -> memref<1x!tpu.dma_semaphore, #tpu.memory_space<semaphore_mem>>
        %dma_start3A_303 = tpu.memref_squeeze %dma_start3A_302 : memref<1x!tpu.dma_semaphore, #tpu.memory_space<semaphore_mem>> -> memref<!tpu.dma_semaphore, #tpu.memory_space<semaphore_mem>>
        tpu.enqueue_indirect_dma source(%dma_start3A_301 : memref<10240x128xf32, #tpu.memory_space<hbm>>) target(%dma_start3A_291 : memref<128x128xf32, #tpu.memory_space<vmem>>) offsets(%dma_start3A_294 : memref<128xi32, #tpu.memory_space<vmem>>) semaphore(%dma_start3A_303 : memref<!tpu.dma_semaphore, #tpu.memory_space<semaphore_mem>>)
        %mul3A_304 = arith.constant 2 : i32
        %mul3A_305 = arith.muli %add3A_282, %mul3A_304 : i32
        %add3A_306 = arith.constant 1 : i32
        %add3A_307 = arith.addi %mul3A_305, %add3A_306 : i32
        %dma_start3A_308 = arith.constant 1 : i32
        %dma_start3A_309 = arith.constant 1 : i32
        %dma_start3A_310 = arith.constant 0 : i32
        %dma_start3A_311 = arith.constant 0 : i32
        %dma_start3A_312 = tpu.memref_slice %run_scoped3A_1[%dma_start3A_308, %dma_start3A_310, %dma_start3A_311] : memref<2x128x128xf32, #tpu.memory_space<vmem>> -> memref<1x128x128xf32, #tpu.memory_space<vmem>>
        %dma_start3A_313 = tpu.memref_squeeze %dma_start3A_312 : memref<1x128x128xf32, #tpu.memory_space<vmem>> -> memref<128x128xf32, #tpu.memory_space<vmem>>
        %dma_start3A_314 = arith.constant 0 : i32
        %dma_start3A_315 = tpu.memref_slice %run_scoped3A[%add3A_307, %dma_start3A_314] : memref<164x128xi32, #tpu.memory_space<vmem>> -> memref<1x128xi32, #tpu.memory_space<vmem>>
        %dma_start3A_316 = tpu.memref_squeeze %dma_start3A_315 : memref<1x128xi32, #tpu.memory_space<vmem>> -> memref<128xi32, #tpu.memory_space<vmem>>
        %dma_start3A_317 = arith.constant 0 : i32
        %dma_start3A_318 = arith.constant 0 : i32
        %dma_start3A_319 = tpu.memref_slice %arg2[%while3A_129, %dma_start3A_317, %dma_start3A_318] : memref<2x10240x128xf32, #tpu.memory_space<hbm>> -> memref<1x10240x128xf32, #tpu.memory_space<hbm>>
        %dma_start3A_320 = tpu.memref_squeeze %dma_start3A_319 : memref<1x10240x128xf32, #tpu.memory_space<hbm>> -> memref<10240x128xf32, #tpu.memory_space<hbm>>
        %dma_start3A_321 = arith.constant 0 : i32
        %dma_start3A_322 = arith.constant 0 : i32
        %dma_start3A_323 = tpu.memref_slice %dma_start3A_320[%dma_start3A_321, %dma_start3A_322] : memref<10240x128xf32, #tpu.memory_space<hbm>> -> memref<10240x128xf32, #tpu.memory_space<hbm>>
        %dma_start3A_324 = tpu.memref_slice %arg8[%dma_start3A_309] : memref<2x!tpu.dma_semaphore, #tpu.memory_space<semaphore_mem>> -> memref<1x!tpu.dma_semaphore, #tpu.memory_space<semaphore_mem>>
        %dma_start3A_325 = tpu.memref_squeeze %dma_start3A_324 : memref<1x!tpu.dma_semaphore, #tpu.memory_space<semaphore_mem>> -> memref<!tpu.dma_semaphore, #tpu.memory_space<semaphore_mem>>
        tpu.enqueue_indirect_dma source(%dma_start3A_323 : memref<10240x128xf32, #tpu.memory_space<hbm>>) target(%dma_start3A_313 : memref<128x128xf32, #tpu.memory_space<vmem>>) offsets(%dma_start3A_316 : memref<128xi32, #tpu.memory_space<vmem>>) semaphore(%dma_start3A_325 : memref<!tpu.dma_semaphore, #tpu.memory_space<semaphore_mem>>)
        %dma_wait3A = arith.constant 0 : i32
        %dma_wait3A_326 = arith.constant 0 : i32
        %dma_wait3A_327 = arith.constant 0 : i32
        %dma_wait3A_328 = arith.constant 0 : i32
        %dma_wait3A_329 = tpu.memref_slice %run_scoped3A_1[%dma_wait3A, %dma_wait3A_327, %dma_wait3A_328] : memref<2x128x128xf32, #tpu.memory_space<vmem>> -> memref<1x128x128xf32, #tpu.memory_space<vmem>>
        %dma_wait3A_330 = tpu.memref_squeeze %dma_wait3A_329 : memref<1x128x128xf32, #tpu.memory_space<vmem>> -> memref<128x128xf32, #tpu.memory_space<vmem>>
        %dma_wait3A_331 = arith.constant 0 : i32
        %dma_wait3A_332 = tpu.memref_slice %run_scoped3A[%add3A_286, %dma_wait3A_331] : memref<164x128xi32, #tpu.memory_space<vmem>> -> memref<1x128xi32, #tpu.memory_space<vmem>>
        %dma_wait3A_333 = tpu.memref_squeeze %dma_wait3A_332 : memref<1x128xi32, #tpu.memory_space<vmem>> -> memref<128xi32, #tpu.memory_space<vmem>>
        %dma_wait3A_334 = arith.constant 0 : i32
        %dma_wait3A_335 = arith.constant 0 : i32
        %dma_wait3A_336 = tpu.memref_slice %arg2[%while3A_129, %dma_wait3A_334, %dma_wait3A_335] : memref<2x10240x128xf32, #tpu.memory_space<hbm>> -> memref<1x10240x128xf32, #tpu.memory_space<hbm>>
        %dma_wait3A_337 = tpu.memref_squeeze %dma_wait3A_336 : memref<1x10240x128xf32, #tpu.memory_space<hbm>> -> memref<10240x128xf32, #tpu.memory_space<hbm>>
        %dma_wait3A_338 = arith.constant 0 : i32
        %dma_wait3A_339 = arith.constant 0 : i32
        %dma_wait3A_340 = tpu.memref_slice %dma_wait3A_337[%dma_wait3A_338, %dma_wait3A_339] : memref<10240x128xf32, #tpu.memory_space<hbm>> -> memref<10240x128xf32, #tpu.memory_space<hbm>>
        %dma_wait3A_341 = tpu.memref_slice %arg8[%dma_wait3A_326] : memref<2x!tpu.dma_semaphore, #tpu.memory_space<semaphore_mem>> -> memref<1x!tpu.dma_semaphore, #tpu.memory_space<semaphore_mem>>
        %dma_wait3A_342 = tpu.memref_squeeze %dma_wait3A_341 : memref<1x!tpu.dma_semaphore, #tpu.memory_space<semaphore_mem>> -> memref<!tpu.dma_semaphore, #tpu.memory_space<semaphore_mem>>
        tpu.wait_indirect_dma semaphore(%dma_wait3A_342 : memref<!tpu.dma_semaphore, #tpu.memory_space<semaphore_mem>>) src(%dma_wait3A_340 : memref<10240x128xf32, #tpu.memory_space<hbm>>) dst(%dma_wait3A_330 : memref<128x128xf32, #tpu.memory_space<vmem>>)
        %mul3A_343 = arith.constant 2 : i32
        %mul3A_344 = arith.muli %add3A_282, %mul3A_343 : i32
        %add3A_345 = arith.constant 0 : i32
        %add3A_346 = arith.addi %mul3A_344, %add3A_345 : i32
        %run_scoped3A_347 = arith.constant 0 : i32
        "tpu.region"() ({
          %run_scoped3A_371 = tpu.sem_alloc : memref<!tpu.dma_semaphore, #tpu.memory_space<semaphore_mem>>
          %dma_start3A_372 = arith.constant 0 : i32
          %dma_start3A_373 = arith.constant 0 : i32
          %dma_start3A_374 = tpu.memref_slice %run_scoped3A_1[%run_scoped3A_347, %dma_start3A_372, %dma_start3A_373] : memref<2x128x128xf32, #tpu.memory_space<vmem>> -> memref<1x128x128xf32, #tpu.memory_space<vmem>>
          %dma_start3A_375 = tpu.memref_squeeze %dma_start3A_374 : memref<1x128x128xf32, #tpu.memory_space<vmem>> -> memref<128x128xf32, #tpu.memory_space<vmem>>
          %dma_start3A_376 = arith.constant 0 : i32
          %dma_start3A_377 = tpu.memref_slice %run_scoped3A_0[%add3A_346, %dma_start3A_376] : memref<164x128xi32, #tpu.memory_space<vmem>> -> memref<1x128xi32, #tpu.memory_space<vmem>>
          %dma_start3A_378 = tpu.memref_squeeze %dma_start3A_377 : memref<1x128xi32, #tpu.memory_space<vmem>> -> memref<128xi32, #tpu.memory_space<vmem>>
          %dma_start3A_379 = arith.constant 0 : i32
          %dma_start3A_380 = arith.constant 0 : i32
          %dma_start3A_381 = tpu.memref_slice %arg7[%dma_start3A_379, %dma_start3A_380] : memref<5376x128xf32, #tpu.memory_space<vmem_shared>> -> memref<5376x128xf32, #tpu.memory_space<vmem_shared>>
          tpu.enqueue_indirect_dma source(%dma_start3A_375 : memref<128x128xf32, #tpu.memory_space<vmem>>) target(%dma_start3A_381 : memref<5376x128xf32, #tpu.memory_space<vmem_shared>>) offsets(%dma_start3A_378 : memref<128xi32, #tpu.memory_space<vmem>>) semaphore(%run_scoped3A_371 : memref<!tpu.dma_semaphore, #tpu.memory_space<semaphore_mem>>) {add = true}
          %dma_wait3A_382 = arith.constant 0 : i32
          %dma_wait3A_383 = arith.constant 0 : i32
          %dma_wait3A_384 = tpu.memref_slice %run_scoped3A_1[%run_scoped3A_347, %dma_wait3A_382, %dma_wait3A_383] : memref<2x128x128xf32, #tpu.memory_space<vmem>> -> memref<1x128x128xf32, #tpu.memory_space<vmem>>
          %dma_wait3A_385 = tpu.memref_squeeze %dma_wait3A_384 : memref<1x128x128xf32, #tpu.memory_space<vmem>> -> memref<128x128xf32, #tpu.memory_space<vmem>>
          %dma_wait3A_386 = arith.constant 0 : i32
          %dma_wait3A_387 = tpu.memref_slice %run_scoped3A_0[%add3A_346, %dma_wait3A_386] : memref<164x128xi32, #tpu.memory_space<vmem>> -> memref<1x128xi32, #tpu.memory_space<vmem>>
          %dma_wait3A_388 = tpu.memref_squeeze %dma_wait3A_387 : memref<1x128xi32, #tpu.memory_space<vmem>> -> memref<128xi32, #tpu.memory_space<vmem>>
          %dma_wait3A_389 = arith.constant 0 : i32
          %dma_wait3A_390 = arith.constant 0 : i32
          %dma_wait3A_391 = tpu.memref_slice %arg7[%dma_wait3A_389, %dma_wait3A_390] : memref<5376x128xf32, #tpu.memory_space<vmem_shared>> -> memref<5376x128xf32, #tpu.memory_space<vmem_shared>>
          tpu.wait_indirect_dma semaphore(%run_scoped3A_371 : memref<!tpu.dma_semaphore, #tpu.memory_space<semaphore_mem>>) src(%dma_wait3A_385 : memref<128x128xf32, #tpu.memory_space<vmem>>) dst(%dma_wait3A_391 : memref<5376x128xf32, #tpu.memory_space<vmem_shared>>)
          tpu.yield
        }) : () -> ()
        %dma_wait3A_348 = arith.constant 1 : i32
        %dma_wait3A_349 = arith.constant 1 : i32
        %dma_wait3A_350 = arith.constant 0 : i32
        %dma_wait3A_351 = arith.constant 0 : i32
        %dma_wait3A_352 = tpu.memref_slice %run_scoped3A_1[%dma_wait3A_348, %dma_wait3A_350, %dma_wait3A_351] : memref<2x128x128xf32, #tpu.memory_space<vmem>> -> memref<1x128x128xf32, #tpu.memory_space<vmem>>
        %dma_wait3A_353 = tpu.memref_squeeze %dma_wait3A_352 : memref<1x128x128xf32, #tpu.memory_space<vmem>> -> memref<128x128xf32, #tpu.memory_space<vmem>>
        %dma_wait3A_354 = arith.constant 0 : i32
        %dma_wait3A_355 = tpu.memref_slice %run_scoped3A[%add3A_307, %dma_wait3A_354] : memref<164x128xi32, #tpu.memory_space<vmem>> -> memref<1x128xi32, #tpu.memory_space<vmem>>
        %dma_wait3A_356 = tpu.memref_squeeze %dma_wait3A_355 : memref<1x128xi32, #tpu.memory_space<vmem>> -> memref<128xi32, #tpu.memory_space<vmem>>
        %dma_wait3A_357 = arith.constant 0 : i32
        %dma_wait3A_358 = arith.constant 0 : i32
        %dma_wait3A_359 = tpu.memref_slice %arg2[%while3A_129, %dma_wait3A_357, %dma_wait3A_358] : memref<2x10240x128xf32, #tpu.memory_space<hbm>> -> memref<1x10240x128xf32, #tpu.memory_space<hbm>>
        %dma_wait3A_360 = tpu.memref_squeeze %dma_wait3A_359 : memref<1x10240x128xf32, #tpu.memory_space<hbm>> -> memref<10240x128xf32, #tpu.memory_space<hbm>>
        %dma_wait3A_361 = arith.constant 0 : i32
        %dma_wait3A_362 = arith.constant 0 : i32
        %dma_wait3A_363 = tpu.memref_slice %dma_wait3A_360[%dma_wait3A_361, %dma_wait3A_362] : memref<10240x128xf32, #tpu.memory_space<hbm>> -> memref<10240x128xf32, #tpu.memory_space<hbm>>
        %dma_wait3A_364 = tpu.memref_slice %arg8[%dma_wait3A_349] : memref<2x!tpu.dma_semaphore, #tpu.memory_space<semaphore_mem>> -> memref<1x!tpu.dma_semaphore, #tpu.memory_space<semaphore_mem>>
        %dma_wait3A_365 = tpu.memref_squeeze %dma_wait3A_364 : memref<1x!tpu.dma_semaphore, #tpu.memory_space<semaphore_mem>> -> memref<!tpu.dma_semaphore, #tpu.memory_space<semaphore_mem>>
        tpu.wait_indirect_dma semaphore(%dma_wait3A_365 : memref<!tpu.dma_semaphore, #tpu.memory_space<semaphore_mem>>) src(%dma_wait3A_363 : memref<10240x128xf32, #tpu.memory_space<hbm>>) dst(%dma_wait3A_353 : memref<128x128xf32, #tpu.memory_space<vmem>>)
        %mul3A_366 = arith.constant 2 : i32
        %mul3A_367 = arith.muli %add3A_282, %mul3A_366 : i32
        %add3A_368 = arith.constant 1 : i32
        %add3A_369 = arith.addi %mul3A_367, %add3A_368 : i32
        %run_scoped3A_370 = arith.constant 1 : i32
        "tpu.region"() ({
          %run_scoped3A_371 = tpu.sem_alloc : memref<!tpu.dma_semaphore, #tpu.memory_space<semaphore_mem>>
          %dma_start3A_372 = arith.constant 0 : i32
          %dma_start3A_373 = arith.constant 0 : i32
          %dma_start3A_374 = tpu.memref_slice %run_scoped3A_1[%run_scoped3A_370, %dma_start3A_372, %dma_start3A_373] : memref<2x128x128xf32, #tpu.memory_space<vmem>> -> memref<1x128x128xf32, #tpu.memory_space<vmem>>
          %dma_start3A_375 = tpu.memref_squeeze %dma_start3A_374 : memref<1x128x128xf32, #tpu.memory_space<vmem>> -> memref<128x128xf32, #tpu.memory_space<vmem>>
          %dma_start3A_376 = arith.constant 0 : i32
          %dma_start3A_377 = tpu.memref_slice %run_scoped3A_0[%add3A_369, %dma_start3A_376] : memref<164x128xi32, #tpu.memory_space<vmem>> -> memref<1x128xi32, #tpu.memory_space<vmem>>
          %dma_start3A_378 = tpu.memref_squeeze %dma_start3A_377 : memref<1x128xi32, #tpu.memory_space<vmem>> -> memref<128xi32, #tpu.memory_space<vmem>>
          %dma_start3A_379 = arith.constant 0 : i32
          %dma_start3A_380 = arith.constant 0 : i32
          %dma_start3A_381 = tpu.memref_slice %arg7[%dma_start3A_379, %dma_start3A_380] : memref<5376x128xf32, #tpu.memory_space<vmem_shared>> -> memref<5376x128xf32, #tpu.memory_space<vmem_shared>>
          tpu.enqueue_indirect_dma source(%dma_start3A_375 : memref<128x128xf32, #tpu.memory_space<vmem>>) target(%dma_start3A_381 : memref<5376x128xf32, #tpu.memory_space<vmem_shared>>) offsets(%dma_start3A_378 : memref<128xi32, #tpu.memory_space<vmem>>) semaphore(%run_scoped3A_371 : memref<!tpu.dma_semaphore, #tpu.memory_space<semaphore_mem>>) {add = true}
          %dma_wait3A_382 = arith.constant 0 : i32
          %dma_wait3A_383 = arith.constant 0 : i32
          %dma_wait3A_384 = tpu.memref_slice %run_scoped3A_1[%run_scoped3A_370, %dma_wait3A_382, %dma_wait3A_383] : memref<2x128x128xf32, #tpu.memory_space<vmem>> -> memref<1x128x128xf32, #tpu.memory_space<vmem>>
          %dma_wait3A_385 = tpu.memref_squeeze %dma_wait3A_384 : memref<1x128x128xf32, #tpu.memory_space<vmem>> -> memref<128x128xf32, #tpu.memory_space<vmem>>
          %dma_wait3A_386 = arith.constant 0 : i32
          %dma_wait3A_387 = tpu.memref_slice %run_scoped3A_0[%add3A_369, %dma_wait3A_386] : memref<164x128xi32, #tpu.memory_space<vmem>> -> memref<1x128xi32, #tpu.memory_space<vmem>>
          %dma_wait3A_388 = tpu.memref_squeeze %dma_wait3A_387 : memref<1x128xi32, #tpu.memory_space<vmem>> -> memref<128xi32, #tpu.memory_space<vmem>>
          %dma_wait3A_389 = arith.constant 0 : i32
          %dma_wait3A_390 = arith.constant 0 : i32
          %dma_wait3A_391 = tpu.memref_slice %arg7[%dma_wait3A_389, %dma_wait3A_390] : memref<5376x128xf32, #tpu.memory_space<vmem_shared>> -> memref<5376x128xf32, #tpu.memory_space<vmem_shared>>
          tpu.wait_indirect_dma semaphore(%run_scoped3A_371 : memref<!tpu.dma_semaphore, #tpu.memory_space<semaphore_mem>>) src(%dma_wait3A_385 : memref<128x128xf32, #tpu.memory_space<vmem>>) dst(%dma_wait3A_391 : memref<5376x128xf32, #tpu.memory_space<vmem_shared>>)
          tpu.yield
        }) : () -> ()
      }
      %barrier3A_139 = arith.constant 0 : index
      tpu.barrier barrier_id(%barrier3A_139)
      %mul3A_140 = arith.constant 336 : i32
      %mul3A_141 = arith.muli %arg1, %mul3A_140 : i32
      %mul3A_142 = arith.constant 336 : i32
      %mul3A_143 = arith.muli %arg1, %mul3A_142 : i32
      %run_scoped3A_144 = arith.constant 0 : i32
      "tpu.region"() ({
        %run_scoped3A_280 = tpu.sem_alloc : memref<!tpu.dma_semaphore, #tpu.memory_space<semaphore_mem>>
        %dma_start3A = arith.constant 0 : i32
        %dma_start3A_281 = tpu.memref_slice %arg6[%arg0, %run_scoped3A_144, %mul3A_143, %dma_start3A] : memref<2x2x5376x128xf32, #tpu.memory_space<hbm>> -> memref<1x1x336x128xf32, #tpu.memory_space<hbm>>
        %dma_start3A_282 = tpu.memref_squeeze %dma_start3A_281 : memref<1x1x336x128xf32, #tpu.memory_space<hbm>> -> memref<336x128xf32, #tpu.memory_space<hbm>>
        %dma_start3A_283 = arith.constant 0 : i32
        %dma_start3A_284 = tpu.memref_slice %arg7[%mul3A_141, %dma_start3A_283] : memref<5376x128xf32, #tpu.memory_space<vmem_shared>> -> memref<336x128xf32, #tpu.memory_space<vmem_shared>>
        tpu.enqueue_dma source(%dma_start3A_284 : memref<336x128xf32, #tpu.memory_space<vmem_shared>>) target(%dma_start3A_282 : memref<336x128xf32, #tpu.memory_space<hbm>>) target_semaphore(%run_scoped3A_280 : memref<!tpu.dma_semaphore, #tpu.memory_space<semaphore_mem>>)
        %dma_wait3A = arith.constant 0 : i32
        %dma_wait3A_285 = tpu.memref_slice %arg6[%arg0, %run_scoped3A_144, %mul3A_143, %dma_wait3A] : memref<2x2x5376x128xf32, #tpu.memory_space<hbm>> -> memref<1x1x336x128xf32, #tpu.memory_space<hbm>>
        %dma_wait3A_286 = tpu.memref_squeeze %dma_wait3A_285 : memref<1x1x336x128xf32, #tpu.memory_space<hbm>> -> memref<336x128xf32, #tpu.memory_space<hbm>>
        %dma_wait3A_287 = arith.constant 0 : i32
        %dma_wait3A_288 = tpu.memref_slice %arg7[%mul3A_141, %dma_wait3A_287] : memref<5376x128xf32, #tpu.memory_space<vmem_shared>> -> memref<336x128xf32, #tpu.memory_space<vmem_shared>>
        tpu.wait_dma2 semaphore(%run_scoped3A_280 : memref<!tpu.dma_semaphore, #tpu.memory_space<semaphore_mem>>) src(%dma_wait3A_288 : memref<336x128xf32, #tpu.memory_space<vmem_shared>>) dst(%dma_wait3A_286 : memref<336x128xf32, #tpu.memory_space<hbm>>)
        tpu.yield
      }) : () -> ()
      %mul3A_145 = arith.constant 336 : i32
      %mul3A_146 = arith.muli %arg1, %mul3A_145 : i32
      %add3A_147 = arith.constant 0 : i32
      %add3A_148 = arith.addi %mul3A_146, %add3A_147 : i32
      "tpu.region"() ({
        %run_scoped3A_280 = tpu.sem_alloc : memref<!tpu.dma_semaphore, #tpu.memory_space<semaphore_mem>>
        %dma_start3A = arith.constant 0 : i32
        %dma_start3A_281 = tpu.memref_slice %arg7[%add3A_148, %dma_start3A] : memref<5376x128xf32, #tpu.memory_space<vmem_shared>> -> memref<16x128xf32, #tpu.memory_space<vmem_shared>>
        %dma_start3A_282 = arith.constant 0 : i32
        %dma_start3A_283 = tpu.memref_slice %arg7[%add3A_148, %dma_start3A_282] : memref<5376x128xf32, #tpu.memory_space<vmem_shared>> -> memref<16x128xf32, #tpu.memory_space<vmem_shared>>
        tpu.enqueue_dma source(%run_scoped3A_2 : memref<16x128xf32, #tpu.memory_space<vmem>>) target(%dma_start3A_283 : memref<16x128xf32, #tpu.memory_space<vmem_shared>>) target_semaphore(%run_scoped3A_280 : memref<!tpu.dma_semaphore, #tpu.memory_space<semaphore_mem>>)
        %dma_wait3A = arith.constant 0 : i32
        %dma_wait3A_284 = tpu.memref_slice %arg7[%add3A_148, %dma_wait3A] : memref<5376x128xf32, #tpu.memory_space<vmem_shared>> -> memref<16x128xf32, #tpu.memory_space<vmem_shared>>
        %dma_wait3A_285 = arith.constant 0 : i32
        %dma_wait3A_286 = tpu.memref_slice %arg7[%add3A_148, %dma_wait3A_285] : memref<5376x128xf32, #tpu.memory_space<vmem_shared>> -> memref<16x128xf32, #tpu.memory_space<vmem_shared>>
        tpu.wait_dma2 semaphore(%run_scoped3A_280 : memref<!tpu.dma_semaphore, #tpu.memory_space<semaphore_mem>>) src(%run_scoped3A_2 : memref<16x128xf32, #tpu.memory_space<vmem>>) dst(%dma_wait3A_286 : memref<16x128xf32, #tpu.memory_space<vmem_shared>>)
        tpu.yield
      }) : () -> ()
      %mul3A_149 = arith.constant 336 : i32
      %mul3A_150 = arith.muli %arg1, %mul3A_149 : i32
      %add3A_151 = arith.constant 16 : i32
      %add3A_152 = arith.addi %mul3A_150, %add3A_151 : i32
      "tpu.region"() ({
        %run_scoped3A_280 = tpu.sem_alloc : memref<!tpu.dma_semaphore, #tpu.memory_space<semaphore_mem>>
        %dma_start3A = arith.constant 0 : i32
        %dma_start3A_281 = tpu.memref_slice %arg7[%add3A_152, %dma_start3A] : memref<5376x128xf32, #tpu.memory_space<vmem_shared>> -> memref<16x128xf32, #tpu.memory_space<vmem_shared>>
        %dma_start3A_282 = arith.constant 0 : i32
        %dma_start3A_283 = tpu.memref_slice %arg7[%add3A_152, %dma_start3A_282] : memref<5376x128xf32, #tpu.memory_space<vmem_shared>> -> memref<16x128xf32, #tpu.memory_space<vmem_shared>>
        tpu.enqueue_dma source(%run_scoped3A_2 : memref<16x128xf32, #tpu.memory_space<vmem>>) target(%dma_start3A_283 : memref<16x128xf32, #tpu.memory_space<vmem_shared>>) target_semaphore(%run_scoped3A_280 : memref<!tpu.dma_semaphore, #tpu.memory_space<semaphore_mem>>)
        %dma_wait3A = arith.constant 0 : i32
        %dma_wait3A_284 = tpu.memref_slice %arg7[%add3A_152, %dma_wait3A] : memref<5376x128xf32, #tpu.memory_space<vmem_shared>> -> memref<16x128xf32, #tpu.memory_space<vmem_shared>>
        %dma_wait3A_285 = arith.constant 0 : i32
        %dma_wait3A_286 = tpu.memref_slice %arg7[%add3A_152, %dma_wait3A_285] : memref<5376x128xf32, #tpu.memory_space<vmem_shared>> -> memref<16x128xf32, #tpu.memory_space<vmem_shared>>
        tpu.wait_dma2 semaphore(%run_scoped3A_280 : memref<!tpu.dma_semaphore, #tpu.memory_space<semaphore_mem>>) src(%run_scoped3A_2 : memref<16x128xf32, #tpu.memory_space<vmem>>) dst(%dma_wait3A_286 : memref<16x128xf32, #tpu.memory_space<vmem_shared>>)
        tpu.yield
      }) : () -> ()
      %mul3A_153 = arith.constant 336 : i32
      %mul3A_154 = arith.muli %arg1, %mul3A_153 : i32
      %add3A_155 = arith.constant 32 : i32
      %add3A_156 = arith.addi %mul3A_154, %add3A_155 : i32
      "tpu.region"() ({
        %run_scoped3A_280 = tpu.sem_alloc : memref<!tpu.dma_semaphore, #tpu.memory_space<semaphore_mem>>
        %dma_start3A = arith.constant 0 : i32
        %dma_start3A_281 = tpu.memref_slice %arg7[%add3A_156, %dma_start3A] : memref<5376x128xf32, #tpu.memory_space<vmem_shared>> -> memref<16x128xf32, #tpu.memory_space<vmem_shared>>
        %dma_start3A_282 = arith.constant 0 : i32
        %dma_start3A_283 = tpu.memref_slice %arg7[%add3A_156, %dma_start3A_282] : memref<5376x128xf32, #tpu.memory_space<vmem_shared>> -> memref<16x128xf32, #tpu.memory_space<vmem_shared>>
        tpu.enqueue_dma source(%run_scoped3A_2 : memref<16x128xf32, #tpu.memory_space<vmem>>) target(%dma_start3A_283 : memref<16x128xf32, #tpu.memory_space<vmem_shared>>) target_semaphore(%run_scoped3A_280 : memref<!tpu.dma_semaphore, #tpu.memory_space<semaphore_mem>>)
        %dma_wait3A = arith.constant 0 : i32
        %dma_wait3A_284 = tpu.memref_slice %arg7[%add3A_156, %dma_wait3A] : memref<5376x128xf32, #tpu.memory_space<vmem_shared>> -> memref<16x128xf32, #tpu.memory_space<vmem_shared>>
        %dma_wait3A_285 = arith.constant 0 : i32
        %dma_wait3A_286 = tpu.memref_slice %arg7[%add3A_156, %dma_wait3A_285] : memref<5376x128xf32, #tpu.memory_space<vmem_shared>> -> memref<16x128xf32, #tpu.memory_space<vmem_shared>>
        tpu.wait_dma2 semaphore(%run_scoped3A_280 : memref<!tpu.dma_semaphore, #tpu.memory_space<semaphore_mem>>) src(%run_scoped3A_2 : memref<16x128xf32, #tpu.memory_space<vmem>>) dst(%dma_wait3A_286 : memref<16x128xf32, #tpu.memory_space<vmem_shared>>)
        tpu.yield
      }) : () -> ()
      %mul3A_157 = arith.constant 336 : i32
      %mul3A_158 = arith.muli %arg1, %mul3A_157 : i32
      %add3A_159 = arith.constant 48 : i32
      %add3A_160 = arith.addi %mul3A_158, %add3A_159 : i32
      "tpu.region"() ({
        %run_scoped3A_280 = tpu.sem_alloc : memref<!tpu.dma_semaphore, #tpu.memory_space<semaphore_mem>>
        %dma_start3A = arith.constant 0 : i32
        %dma_start3A_281 = tpu.memref_slice %arg7[%add3A_160, %dma_start3A] : memref<5376x128xf32, #tpu.memory_space<vmem_shared>> -> memref<16x128xf32, #tpu.memory_space<vmem_shared>>
        %dma_start3A_282 = arith.constant 0 : i32
        %dma_start3A_283 = tpu.memref_slice %arg7[%add3A_160, %dma_start3A_282] : memref<5376x128xf32, #tpu.memory_space<vmem_shared>> -> memref<16x128xf32, #tpu.memory_space<vmem_shared>>
        tpu.enqueue_dma source(%run_scoped3A_2 : memref<16x128xf32, #tpu.memory_space<vmem>>) target(%dma_start3A_283 : memref<16x128xf32, #tpu.memory_space<vmem_shared>>) target_semaphore(%run_scoped3A_280 : memref<!tpu.dma_semaphore, #tpu.memory_space<semaphore_mem>>)
        %dma_wait3A = arith.constant 0 : i32
        %dma_wait3A_284 = tpu.memref_slice %arg7[%add3A_160, %dma_wait3A] : memref<5376x128xf32, #tpu.memory_space<vmem_shared>> -> memref<16x128xf32, #tpu.memory_space<vmem_shared>>
        %dma_wait3A_285 = arith.constant 0 : i32
        %dma_wait3A_286 = tpu.memref_slice %arg7[%add3A_160, %dma_wait3A_285] : memref<5376x128xf32, #tpu.memory_space<vmem_shared>> -> memref<16x128xf32, #tpu.memory_space<vmem_shared>>
        tpu.wait_dma2 semaphore(%run_scoped3A_280 : memref<!tpu.dma_semaphore, #tpu.memory_space<semaphore_mem>>) src(%run_scoped3A_2 : memref<16x128xf32, #tpu.memory_space<vmem>>) dst(%dma_wait3A_286 : memref<16x128xf32, #tpu.memory_space<vmem_shared>>)
        tpu.yield
      }) : () -> ()
      %mul3A_161 = arith.constant 336 : i32
      %mul3A_162 = arith.muli %arg1, %mul3A_161 : i32
      %add3A_163 = arith.constant 64 : i32
      %add3A_164 = arith.addi %mul3A_162, %add3A_163 : i32
      "tpu.region"() ({
        %run_scoped3A_280 = tpu.sem_alloc : memref<!tpu.dma_semaphore, #tpu.memory_space<semaphore_mem>>
        %dma_start3A = arith.constant 0 : i32
        %dma_start3A_281 = tpu.memref_slice %arg7[%add3A_164, %dma_start3A] : memref<5376x128xf32, #tpu.memory_space<vmem_shared>> -> memref<16x128xf32, #tpu.memory_space<vmem_shared>>
        %dma_start3A_282 = arith.constant 0 : i32
        %dma_start3A_283 = tpu.memref_slice %arg7[%add3A_164, %dma_start3A_282] : memref<5376x128xf32, #tpu.memory_space<vmem_shared>> -> memref<16x128xf32, #tpu.memory_space<vmem_shared>>
        tpu.enqueue_dma source(%run_scoped3A_2 : memref<16x128xf32, #tpu.memory_space<vmem>>) target(%dma_start3A_283 : memref<16x128xf32, #tpu.memory_space<vmem_shared>>) target_semaphore(%run_scoped3A_280 : memref<!tpu.dma_semaphore, #tpu.memory_space<semaphore_mem>>)
        %dma_wait3A = arith.constant 0 : i32
        %dma_wait3A_284 = tpu.memref_slice %arg7[%add3A_164, %dma_wait3A] : memref<5376x128xf32, #tpu.memory_space<vmem_shared>> -> memref<16x128xf32, #tpu.memory_space<vmem_shared>>
        %dma_wait3A_285 = arith.constant 0 : i32
        %dma_wait3A_286 = tpu.memref_slice %arg7[%add3A_164, %dma_wait3A_285] : memref<5376x128xf32, #tpu.memory_space<vmem_shared>> -> memref<16x128xf32, #tpu.memory_space<vmem_shared>>
        tpu.wait_dma2 semaphore(%run_scoped3A_280 : memref<!tpu.dma_semaphore, #tpu.memory_space<semaphore_mem>>) src(%run_scoped3A_2 : memref<16x128xf32, #tpu.memory_space<vmem>>) dst(%dma_wait3A_286 : memref<16x128xf32, #tpu.memory_space<vmem_shared>>)
        tpu.yield
      }) : () -> ()
      %mul3A_165 = arith.constant 336 : i32
      %mul3A_166 = arith.muli %arg1, %mul3A_165 : i32
      %add3A_167 = arith.constant 80 : i32
      %add3A_168 = arith.addi %mul3A_166, %add3A_167 : i32
      "tpu.region"() ({
        %run_scoped3A_280 = tpu.sem_alloc : memref<!tpu.dma_semaphore, #tpu.memory_space<semaphore_mem>>
        %dma_start3A = arith.constant 0 : i32
        %dma_start3A_281 = tpu.memref_slice %arg7[%add3A_168, %dma_start3A] : memref<5376x128xf32, #tpu.memory_space<vmem_shared>> -> memref<16x128xf32, #tpu.memory_space<vmem_shared>>
        %dma_start3A_282 = arith.constant 0 : i32
        %dma_start3A_283 = tpu.memref_slice %arg7[%add3A_168, %dma_start3A_282] : memref<5376x128xf32, #tpu.memory_space<vmem_shared>> -> memref<16x128xf32, #tpu.memory_space<vmem_shared>>
        tpu.enqueue_dma source(%run_scoped3A_2 : memref<16x128xf32, #tpu.memory_space<vmem>>) target(%dma_start3A_283 : memref<16x128xf32, #tpu.memory_space<vmem_shared>>) target_semaphore(%run_scoped3A_280 : memref<!tpu.dma_semaphore, #tpu.memory_space<semaphore_mem>>)
        %dma_wait3A = arith.constant 0 : i32
        %dma_wait3A_284 = tpu.memref_slice %arg7[%add3A_168, %dma_wait3A] : memref<5376x128xf32, #tpu.memory_space<vmem_shared>> -> memref<16x128xf32, #tpu.memory_space<vmem_shared>>
        %dma_wait3A_285 = arith.constant 0 : i32
        %dma_wait3A_286 = tpu.memref_slice %arg7[%add3A_168, %dma_wait3A_285] : memref<5376x128xf32, #tpu.memory_space<vmem_shared>> -> memref<16x128xf32, #tpu.memory_space<vmem_shared>>
        tpu.wait_dma2 semaphore(%run_scoped3A_280 : memref<!tpu.dma_semaphore, #tpu.memory_space<semaphore_mem>>) src(%run_scoped3A_2 : memref<16x128xf32, #tpu.memory_space<vmem>>) dst(%dma_wait3A_286 : memref<16x128xf32, #tpu.memory_space<vmem_shared>>)
        tpu.yield
      }) : () -> ()
      %mul3A_169 = arith.constant 336 : i32
      %mul3A_170 = arith.muli %arg1, %mul3A_169 : i32
      %add3A_171 = arith.constant 96 : i32
      %add3A_172 = arith.addi %mul3A_170, %add3A_171 : i32
      "tpu.region"() ({
        %run_scoped3A_280 = tpu.sem_alloc : memref<!tpu.dma_semaphore, #tpu.memory_space<semaphore_mem>>
        %dma_start3A = arith.constant 0 : i32
        %dma_start3A_281 = tpu.memref_slice %arg7[%add3A_172, %dma_start3A] : memref<5376x128xf32, #tpu.memory_space<vmem_shared>> -> memref<16x128xf32, #tpu.memory_space<vmem_shared>>
        %dma_start3A_282 = arith.constant 0 : i32
        %dma_start3A_283 = tpu.memref_slice %arg7[%add3A_172, %dma_start3A_282] : memref<5376x128xf32, #tpu.memory_space<vmem_shared>> -> memref<16x128xf32, #tpu.memory_space<vmem_shared>>
        tpu.enqueue_dma source(%run_scoped3A_2 : memref<16x128xf32, #tpu.memory_space<vmem>>) target(%dma_start3A_283 : memref<16x128xf32, #tpu.memory_space<vmem_shared>>) target_semaphore(%run_scoped3A_280 : memref<!tpu.dma_semaphore, #tpu.memory_space<semaphore_mem>>)
        %dma_wait3A = arith.constant 0 : i32
        %dma_wait3A_284 = tpu.memref_slice %arg7[%add3A_172, %dma_wait3A] : memref<5376x128xf32, #tpu.memory_space<vmem_shared>> -> memref<16x128xf32, #tpu.memory_space<vmem_shared>>
        %dma_wait3A_285 = arith.constant 0 : i32
        %dma_wait3A_286 = tpu.memref_slice %arg7[%add3A_172, %dma_wait3A_285] : memref<5376x128xf32, #tpu.memory_space<vmem_shared>> -> memref<16x128xf32, #tpu.memory_space<vmem_shared>>
        tpu.wait_dma2 semaphore(%run_scoped3A_280 : memref<!tpu.dma_semaphore, #tpu.memory_space<semaphore_mem>>) src(%run_scoped3A_2 : memref<16x128xf32, #tpu.memory_space<vmem>>) dst(%dma_wait3A_286 : memref<16x128xf32, #tpu.memory_space<vmem_shared>>)
        tpu.yield
      }) : () -> ()
      %mul3A_173 = arith.constant 336 : i32
      %mul3A_174 = arith.muli %arg1, %mul3A_173 : i32
      %add3A_175 = arith.constant 112 : i32
      %add3A_176 = arith.addi %mul3A_174, %add3A_175 : i32
      "tpu.region"() ({
        %run_scoped3A_280 = tpu.sem_alloc : memref<!tpu.dma_semaphore, #tpu.memory_space<semaphore_mem>>
        %dma_start3A = arith.constant 0 : i32
        %dma_start3A_281 = tpu.memref_slice %arg7[%add3A_176, %dma_start3A] : memref<5376x128xf32, #tpu.memory_space<vmem_shared>> -> memref<16x128xf32, #tpu.memory_space<vmem_shared>>
        %dma_start3A_282 = arith.constant 0 : i32
        %dma_start3A_283 = tpu.memref_slice %arg7[%add3A_176, %dma_start3A_282] : memref<5376x128xf32, #tpu.memory_space<vmem_shared>> -> memref<16x128xf32, #tpu.memory_space<vmem_shared>>
        tpu.enqueue_dma source(%run_scoped3A_2 : memref<16x128xf32, #tpu.memory_space<vmem>>) target(%dma_start3A_283 : memref<16x128xf32, #tpu.memory_space<vmem_shared>>) target_semaphore(%run_scoped3A_280 : memref<!tpu.dma_semaphore, #tpu.memory_space<semaphore_mem>>)
        %dma_wait3A = arith.constant 0 : i32
        %dma_wait3A_284 = tpu.memref_slice %arg7[%add3A_176, %dma_wait3A] : memref<5376x128xf32, #tpu.memory_space<vmem_shared>> -> memref<16x128xf32, #tpu.memory_space<vmem_shared>>
        %dma_wait3A_285 = arith.constant 0 : i32
        %dma_wait3A_286 = tpu.memref_slice %arg7[%add3A_176, %dma_wait3A_285] : memref<5376x128xf32, #tpu.memory_space<vmem_shared>> -> memref<16x128xf32, #tpu.memory_space<vmem_shared>>
        tpu.wait_dma2 semaphore(%run_scoped3A_280 : memref<!tpu.dma_semaphore, #tpu.memory_space<semaphore_mem>>) src(%run_scoped3A_2 : memref<16x128xf32, #tpu.memory_space<vmem>>) dst(%dma_wait3A_286 : memref<16x128xf32, #tpu.memory_space<vmem_shared>>)
        tpu.yield
      }) : () -> ()
      %mul3A_177 = arith.constant 336 : i32
      %mul3A_178 = arith.muli %arg1, %mul3A_177 : i32
      %add3A_179 = arith.constant 128 : i32
      %add3A_180 = arith.addi %mul3A_178, %add3A_179 : i32
      "tpu.region"() ({
        %run_scoped3A_280 = tpu.sem_alloc : memref<!tpu.dma_semaphore, #tpu.memory_space<semaphore_mem>>
        %dma_start3A = arith.constant 0 : i32
        %dma_start3A_281 = tpu.memref_slice %arg7[%add3A_180, %dma_start3A] : memref<5376x128xf32, #tpu.memory_space<vmem_shared>> -> memref<16x128xf32, #tpu.memory_space<vmem_shared>>
        %dma_start3A_282 = arith.constant 0 : i32
        %dma_start3A_283 = tpu.memref_slice %arg7[%add3A_180, %dma_start3A_282] : memref<5376x128xf32, #tpu.memory_space<vmem_shared>> -> memref<16x128xf32, #tpu.memory_space<vmem_shared>>
        tpu.enqueue_dma source(%run_scoped3A_2 : memref<16x128xf32, #tpu.memory_space<vmem>>) target(%dma_start3A_283 : memref<16x128xf32, #tpu.memory_space<vmem_shared>>) target_semaphore(%run_scoped3A_280 : memref<!tpu.dma_semaphore, #tpu.memory_space<semaphore_mem>>)
        %dma_wait3A = arith.constant 0 : i32
        %dma_wait3A_284 = tpu.memref_slice %arg7[%add3A_180, %dma_wait3A] : memref<5376x128xf32, #tpu.memory_space<vmem_shared>> -> memref<16x128xf32, #tpu.memory_space<vmem_shared>>
        %dma_wait3A_285 = arith.constant 0 : i32
        %dma_wait3A_286 = tpu.memref_slice %arg7[%add3A_180, %dma_wait3A_285] : memref<5376x128xf32, #tpu.memory_space<vmem_shared>> -> memref<16x128xf32, #tpu.memory_space<vmem_shared>>
        tpu.wait_dma2 semaphore(%run_scoped3A_280 : memref<!tpu.dma_semaphore, #tpu.memory_space<semaphore_mem>>) src(%run_scoped3A_2 : memref<16x128xf32, #tpu.memory_space<vmem>>) dst(%dma_wait3A_286 : memref<16x128xf32, #tpu.memory_space<vmem_shared>>)
        tpu.yield
      }) : () -> ()
      %mul3A_181 = arith.constant 336 : i32
      %mul3A_182 = arith.muli %arg1, %mul3A_181 : i32
      %add3A_183 = arith.constant 144 : i32
      %add3A_184 = arith.addi %mul3A_182, %add3A_183 : i32
      "tpu.region"() ({
        %run_scoped3A_280 = tpu.sem_alloc : memref<!tpu.dma_semaphore, #tpu.memory_space<semaphore_mem>>
        %dma_start3A = arith.constant 0 : i32
        %dma_start3A_281 = tpu.memref_slice %arg7[%add3A_184, %dma_start3A] : memref<5376x128xf32, #tpu.memory_space<vmem_shared>> -> memref<16x128xf32, #tpu.memory_space<vmem_shared>>
        %dma_start3A_282 = arith.constant 0 : i32
        %dma_start3A_283 = tpu.memref_slice %arg7[%add3A_184, %dma_start3A_282] : memref<5376x128xf32, #tpu.memory_space<vmem_shared>> -> memref<16x128xf32, #tpu.memory_space<vmem_shared>>
        tpu.enqueue_dma source(%run_scoped3A_2 : memref<16x128xf32, #tpu.memory_space<vmem>>) target(%dma_start3A_283 : memref<16x128xf32, #tpu.memory_space<vmem_shared>>) target_semaphore(%run_scoped3A_280 : memref<!tpu.dma_semaphore, #tpu.memory_space<semaphore_mem>>)
        %dma_wait3A = arith.constant 0 : i32
        %dma_wait3A_284 = tpu.memref_slice %arg7[%add3A_184, %dma_wait3A] : memref<5376x128xf32, #tpu.memory_space<vmem_shared>> -> memref<16x128xf32, #tpu.memory_space<vmem_shared>>
        %dma_wait3A_285 = arith.constant 0 : i32
        %dma_wait3A_286 = tpu.memref_slice %arg7[%add3A_184, %dma_wait3A_285] : memref<5376x128xf32, #tpu.memory_space<vmem_shared>> -> memref<16x128xf32, #tpu.memory_space<vmem_shared>>
        tpu.wait_dma2 semaphore(%run_scoped3A_280 : memref<!tpu.dma_semaphore, #tpu.memory_space<semaphore_mem>>) src(%run_scoped3A_2 : memref<16x128xf32, #tpu.memory_space<vmem>>) dst(%dma_wait3A_286 : memref<16x128xf32, #tpu.memory_space<vmem_shared>>)
        tpu.yield
      }) : () -> ()
      %mul3A_185 = arith.constant 336 : i32
      %mul3A_186 = arith.muli %arg1, %mul3A_185 : i32
      %add3A_187 = arith.constant 160 : i32
      %add3A_188 = arith.addi %mul3A_186, %add3A_187 : i32
      "tpu.region"() ({
        %run_scoped3A_280 = tpu.sem_alloc : memref<!tpu.dma_semaphore, #tpu.memory_space<semaphore_mem>>
        %dma_start3A = arith.constant 0 : i32
        %dma_start3A_281 = tpu.memref_slice %arg7[%add3A_188, %dma_start3A] : memref<5376x128xf32, #tpu.memory_space<vmem_shared>> -> memref<16x128xf32, #tpu.memory_space<vmem_shared>>
        %dma_start3A_282 = arith.constant 0 : i32
        %dma_start3A_283 = tpu.memref_slice %arg7[%add3A_188, %dma_start3A_282] : memref<5376x128xf32, #tpu.memory_space<vmem_shared>> -> memref<16x128xf32, #tpu.memory_space<vmem_shared>>
        tpu.enqueue_dma source(%run_scoped3A_2 : memref<16x128xf32, #tpu.memory_space<vmem>>) target(%dma_start3A_283 : memref<16x128xf32, #tpu.memory_space<vmem_shared>>) target_semaphore(%run_scoped3A_280 : memref<!tpu.dma_semaphore, #tpu.memory_space<semaphore_mem>>)
        %dma_wait3A = arith.constant 0 : i32
        %dma_wait3A_284 = tpu.memref_slice %arg7[%add3A_188, %dma_wait3A] : memref<5376x128xf32, #tpu.memory_space<vmem_shared>> -> memref<16x128xf32, #tpu.memory_space<vmem_shared>>
        %dma_wait3A_285 = arith.constant 0 : i32
        %dma_wait3A_286 = tpu.memref_slice %arg7[%add3A_188, %dma_wait3A_285] : memref<5376x128xf32, #tpu.memory_space<vmem_shared>> -> memref<16x128xf32, #tpu.memory_space<vmem_shared>>
        tpu.wait_dma2 semaphore(%run_scoped3A_280 : memref<!tpu.dma_semaphore, #tpu.memory_space<semaphore_mem>>) src(%run_scoped3A_2 : memref<16x128xf32, #tpu.memory_space<vmem>>) dst(%dma_wait3A_286 : memref<16x128xf32, #tpu.memory_space<vmem_shared>>)
        tpu.yield
      }) : () -> ()
      %mul3A_189 = arith.constant 336 : i32
      %mul3A_190 = arith.muli %arg1, %mul3A_189 : i32
      %add3A_191 = arith.constant 176 : i32
      %add3A_192 = arith.addi %mul3A_190, %add3A_191 : i32
      "tpu.region"() ({
        %run_scoped3A_280 = tpu.sem_alloc : memref<!tpu.dma_semaphore, #tpu.memory_space<semaphore_mem>>
        %dma_start3A = arith.constant 0 : i32
        %dma_start3A_281 = tpu.memref_slice %arg7[%add3A_192, %dma_start3A] : memref<5376x128xf32, #tpu.memory_space<vmem_shared>> -> memref<16x128xf32, #tpu.memory_space<vmem_shared>>
        %dma_start3A_282 = arith.constant 0 : i32
        %dma_start3A_283 = tpu.memref_slice %arg7[%add3A_192, %dma_start3A_282] : memref<5376x128xf32, #tpu.memory_space<vmem_shared>> -> memref<16x128xf32, #tpu.memory_space<vmem_shared>>
        tpu.enqueue_dma source(%run_scoped3A_2 : memref<16x128xf32, #tpu.memory_space<vmem>>) target(%dma_start3A_283 : memref<16x128xf32, #tpu.memory_space<vmem_shared>>) target_semaphore(%run_scoped3A_280 : memref<!tpu.dma_semaphore, #tpu.memory_space<semaphore_mem>>)
        %dma_wait3A = arith.constant 0 : i32
        %dma_wait3A_284 = tpu.memref_slice %arg7[%add3A_192, %dma_wait3A] : memref<5376x128xf32, #tpu.memory_space<vmem_shared>> -> memref<16x128xf32, #tpu.memory_space<vmem_shared>>
        %dma_wait3A_285 = arith.constant 0 : i32
        %dma_wait3A_286 = tpu.memref_slice %arg7[%add3A_192, %dma_wait3A_285] : memref<5376x128xf32, #tpu.memory_space<vmem_shared>> -> memref<16x128xf32, #tpu.memory_space<vmem_shared>>
        tpu.wait_dma2 semaphore(%run_scoped3A_280 : memref<!tpu.dma_semaphore, #tpu.memory_space<semaphore_mem>>) src(%run_scoped3A_2 : memref<16x128xf32, #tpu.memory_space<vmem>>) dst(%dma_wait3A_286 : memref<16x128xf32, #tpu.memory_space<vmem_shared>>)
        tpu.yield
      }) : () -> ()
      %mul3A_193 = arith.constant 336 : i32
      %mul3A_194 = arith.muli %arg1, %mul3A_193 : i32
      %add3A_195 = arith.constant 192 : i32
      %add3A_196 = arith.addi %mul3A_194, %add3A_195 : i32
      "tpu.region"() ({
        %run_scoped3A_280 = tpu.sem_alloc : memref<!tpu.dma_semaphore, #tpu.memory_space<semaphore_mem>>
        %dma_start3A = arith.constant 0 : i32
        %dma_start3A_281 = tpu.memref_slice %arg7[%add3A_196, %dma_start3A] : memref<5376x128xf32, #tpu.memory_space<vmem_shared>> -> memref<16x128xf32, #tpu.memory_space<vmem_shared>>
        %dma_start3A_282 = arith.constant 0 : i32
        %dma_start3A_283 = tpu.memref_slice %arg7[%add3A_196, %dma_start3A_282] : memref<5376x128xf32, #tpu.memory_space<vmem_shared>> -> memref<16x128xf32, #tpu.memory_space<vmem_shared>>
        tpu.enqueue_dma source(%run_scoped3A_2 : memref<16x128xf32, #tpu.memory_space<vmem>>) target(%dma_start3A_283 : memref<16x128xf32, #tpu.memory_space<vmem_shared>>) target_semaphore(%run_scoped3A_280 : memref<!tpu.dma_semaphore, #tpu.memory_space<semaphore_mem>>)
        %dma_wait3A = arith.constant 0 : i32
        %dma_wait3A_284 = tpu.memref_slice %arg7[%add3A_196, %dma_wait3A] : memref<5376x128xf32, #tpu.memory_space<vmem_shared>> -> memref<16x128xf32, #tpu.memory_space<vmem_shared>>
        %dma_wait3A_285 = arith.constant 0 : i32
        %dma_wait3A_286 = tpu.memref_slice %arg7[%add3A_196, %dma_wait3A_285] : memref<5376x128xf32, #tpu.memory_space<vmem_shared>> -> memref<16x128xf32, #tpu.memory_space<vmem_shared>>
        tpu.wait_dma2 semaphore(%run_scoped3A_280 : memref<!tpu.dma_semaphore, #tpu.memory_space<semaphore_mem>>) src(%run_scoped3A_2 : memref<16x128xf32, #tpu.memory_space<vmem>>) dst(%dma_wait3A_286 : memref<16x128xf32, #tpu.memory_space<vmem_shared>>)
        tpu.yield
      }) : () -> ()
      %mul3A_197 = arith.constant 336 : i32
      %mul3A_198 = arith.muli %arg1, %mul3A_197 : i32
      %add3A_199 = arith.constant 208 : i32
      %add3A_200 = arith.addi %mul3A_198, %add3A_199 : i32
      "tpu.region"() ({
        %run_scoped3A_280 = tpu.sem_alloc : memref<!tpu.dma_semaphore, #tpu.memory_space<semaphore_mem>>
        %dma_start3A = arith.constant 0 : i32
        %dma_start3A_281 = tpu.memref_slice %arg7[%add3A_200, %dma_start3A] : memref<5376x128xf32, #tpu.memory_space<vmem_shared>> -> memref<16x128xf32, #tpu.memory_space<vmem_shared>>
        %dma_start3A_282 = arith.constant 0 : i32
        %dma_start3A_283 = tpu.memref_slice %arg7[%add3A_200, %dma_start3A_282] : memref<5376x128xf32, #tpu.memory_space<vmem_shared>> -> memref<16x128xf32, #tpu.memory_space<vmem_shared>>
        tpu.enqueue_dma source(%run_scoped3A_2 : memref<16x128xf32, #tpu.memory_space<vmem>>) target(%dma_start3A_283 : memref<16x128xf32, #tpu.memory_space<vmem_shared>>) target_semaphore(%run_scoped3A_280 : memref<!tpu.dma_semaphore, #tpu.memory_space<semaphore_mem>>)
        %dma_wait3A = arith.constant 0 : i32
        %dma_wait3A_284 = tpu.memref_slice %arg7[%add3A_200, %dma_wait3A] : memref<5376x128xf32, #tpu.memory_space<vmem_shared>> -> memref<16x128xf32, #tpu.memory_space<vmem_shared>>
        %dma_wait3A_285 = arith.constant 0 : i32
        %dma_wait3A_286 = tpu.memref_slice %arg7[%add3A_200, %dma_wait3A_285] : memref<5376x128xf32, #tpu.memory_space<vmem_shared>> -> memref<16x128xf32, #tpu.memory_space<vmem_shared>>
        tpu.wait_dma2 semaphore(%run_scoped3A_280 : memref<!tpu.dma_semaphore, #tpu.memory_space<semaphore_mem>>) src(%run_scoped3A_2 : memref<16x128xf32, #tpu.memory_space<vmem>>) dst(%dma_wait3A_286 : memref<16x128xf32, #tpu.memory_space<vmem_shared>>)
        tpu.yield
      }) : () -> ()
      %mul3A_201 = arith.constant 336 : i32
      %mul3A_202 = arith.muli %arg1, %mul3A_201 : i32
      %add3A_203 = arith.constant 224 : i32
      %add3A_204 = arith.addi %mul3A_202, %add3A_203 : i32
      "tpu.region"() ({
        %run_scoped3A_280 = tpu.sem_alloc : memref<!tpu.dma_semaphore, #tpu.memory_space<semaphore_mem>>
        %dma_start3A = arith.constant 0 : i32
        %dma_start3A_281 = tpu.memref_slice %arg7[%add3A_204, %dma_start3A] : memref<5376x128xf32, #tpu.memory_space<vmem_shared>> -> memref<16x128xf32, #tpu.memory_space<vmem_shared>>
        %dma_start3A_282 = arith.constant 0 : i32
        %dma_start3A_283 = tpu.memref_slice %arg7[%add3A_204, %dma_start3A_282] : memref<5376x128xf32, #tpu.memory_space<vmem_shared>> -> memref<16x128xf32, #tpu.memory_space<vmem_shared>>
        tpu.enqueue_dma source(%run_scoped3A_2 : memref<16x128xf32, #tpu.memory_space<vmem>>) target(%dma_start3A_283 : memref<16x128xf32, #tpu.memory_space<vmem_shared>>) target_semaphore(%run_scoped3A_280 : memref<!tpu.dma_semaphore, #tpu.memory_space<semaphore_mem>>)
        %dma_wait3A = arith.constant 0 : i32
        %dma_wait3A_284 = tpu.memref_slice %arg7[%add3A_204, %dma_wait3A] : memref<5376x128xf32, #tpu.memory_space<vmem_shared>> -> memref<16x128xf32, #tpu.memory_space<vmem_shared>>
        %dma_wait3A_285 = arith.constant 0 : i32
        %dma_wait3A_286 = tpu.memref_slice %arg7[%add3A_204, %dma_wait3A_285] : memref<5376x128xf32, #tpu.memory_space<vmem_shared>> -> memref<16x128xf32, #tpu.memory_space<vmem_shared>>
        tpu.wait_dma2 semaphore(%run_scoped3A_280 : memref<!tpu.dma_semaphore, #tpu.memory_space<semaphore_mem>>) src(%run_scoped3A_2 : memref<16x128xf32, #tpu.memory_space<vmem>>) dst(%dma_wait3A_286 : memref<16x128xf32, #tpu.memory_space<vmem_shared>>)
        tpu.yield
      }) : () -> ()
      %mul3A_205 = arith.constant 336 : i32
      %mul3A_206 = arith.muli %arg1, %mul3A_205 : i32
      %add3A_207 = arith.constant 240 : i32
      %add3A_208 = arith.addi %mul3A_206, %add3A_207 : i32
      "tpu.region"() ({
        %run_scoped3A_280 = tpu.sem_alloc : memref<!tpu.dma_semaphore, #tpu.memory_space<semaphore_mem>>
        %dma_start3A = arith.constant 0 : i32
        %dma_start3A_281 = tpu.memref_slice %arg7[%add3A_208, %dma_start3A] : memref<5376x128xf32, #tpu.memory_space<vmem_shared>> -> memref<16x128xf32, #tpu.memory_space<vmem_shared>>
        %dma_start3A_282 = arith.constant 0 : i32
        %dma_start3A_283 = tpu.memref_slice %arg7[%add3A_208, %dma_start3A_282] : memref<5376x128xf32, #tpu.memory_space<vmem_shared>> -> memref<16x128xf32, #tpu.memory_space<vmem_shared>>
        tpu.enqueue_dma source(%run_scoped3A_2 : memref<16x128xf32, #tpu.memory_space<vmem>>) target(%dma_start3A_283 : memref<16x128xf32, #tpu.memory_space<vmem_shared>>) target_semaphore(%run_scoped3A_280 : memref<!tpu.dma_semaphore, #tpu.memory_space<semaphore_mem>>)
        %dma_wait3A = arith.constant 0 : i32
        %dma_wait3A_284 = tpu.memref_slice %arg7[%add3A_208, %dma_wait3A] : memref<5376x128xf32, #tpu.memory_space<vmem_shared>> -> memref<16x128xf32, #tpu.memory_space<vmem_shared>>
        %dma_wait3A_285 = arith.constant 0 : i32
        %dma_wait3A_286 = tpu.memref_slice %arg7[%add3A_208, %dma_wait3A_285] : memref<5376x128xf32, #tpu.memory_space<vmem_shared>> -> memref<16x128xf32, #tpu.memory_space<vmem_shared>>
        tpu.wait_dma2 semaphore(%run_scoped3A_280 : memref<!tpu.dma_semaphore, #tpu.memory_space<semaphore_mem>>) src(%run_scoped3A_2 : memref<16x128xf32, #tpu.memory_space<vmem>>) dst(%dma_wait3A_286 : memref<16x128xf32, #tpu.memory_space<vmem_shared>>)
        tpu.yield
      }) : () -> ()
      %mul3A_209 = arith.constant 336 : i32
      %mul3A_210 = arith.muli %arg1, %mul3A_209 : i32
      %add3A_211 = arith.constant 256 : i32
      %add3A_212 = arith.addi %mul3A_210, %add3A_211 : i32
      "tpu.region"() ({
        %run_scoped3A_280 = tpu.sem_alloc : memref<!tpu.dma_semaphore, #tpu.memory_space<semaphore_mem>>
        %dma_start3A = arith.constant 0 : i32
        %dma_start3A_281 = tpu.memref_slice %arg7[%add3A_212, %dma_start3A] : memref<5376x128xf32, #tpu.memory_space<vmem_shared>> -> memref<16x128xf32, #tpu.memory_space<vmem_shared>>
        %dma_start3A_282 = arith.constant 0 : i32
        %dma_start3A_283 = tpu.memref_slice %arg7[%add3A_212, %dma_start3A_282] : memref<5376x128xf32, #tpu.memory_space<vmem_shared>> -> memref<16x128xf32, #tpu.memory_space<vmem_shared>>
        tpu.enqueue_dma source(%run_scoped3A_2 : memref<16x128xf32, #tpu.memory_space<vmem>>) target(%dma_start3A_283 : memref<16x128xf32, #tpu.memory_space<vmem_shared>>) target_semaphore(%run_scoped3A_280 : memref<!tpu.dma_semaphore, #tpu.memory_space<semaphore_mem>>)
        %dma_wait3A = arith.constant 0 : i32
        %dma_wait3A_284 = tpu.memref_slice %arg7[%add3A_212, %dma_wait3A] : memref<5376x128xf32, #tpu.memory_space<vmem_shared>> -> memref<16x128xf32, #tpu.memory_space<vmem_shared>>
        %dma_wait3A_285 = arith.constant 0 : i32
        %dma_wait3A_286 = tpu.memref_slice %arg7[%add3A_212, %dma_wait3A_285] : memref<5376x128xf32, #tpu.memory_space<vmem_shared>> -> memref<16x128xf32, #tpu.memory_space<vmem_shared>>
        tpu.wait_dma2 semaphore(%run_scoped3A_280 : memref<!tpu.dma_semaphore, #tpu.memory_space<semaphore_mem>>) src(%run_scoped3A_2 : memref<16x128xf32, #tpu.memory_space<vmem>>) dst(%dma_wait3A_286 : memref<16x128xf32, #tpu.memory_space<vmem_shared>>)
        tpu.yield
      }) : () -> ()
      %mul3A_213 = arith.constant 336 : i32
      %mul3A_214 = arith.muli %arg1, %mul3A_213 : i32
      %add3A_215 = arith.constant 272 : i32
      %add3A_216 = arith.addi %mul3A_214, %add3A_215 : i32
      "tpu.region"() ({
        %run_scoped3A_280 = tpu.sem_alloc : memref<!tpu.dma_semaphore, #tpu.memory_space<semaphore_mem>>
        %dma_start3A = arith.constant 0 : i32
        %dma_start3A_281 = tpu.memref_slice %arg7[%add3A_216, %dma_start3A] : memref<5376x128xf32, #tpu.memory_space<vmem_shared>> -> memref<16x128xf32, #tpu.memory_space<vmem_shared>>
        %dma_start3A_282 = arith.constant 0 : i32
        %dma_start3A_283 = tpu.memref_slice %arg7[%add3A_216, %dma_start3A_282] : memref<5376x128xf32, #tpu.memory_space<vmem_shared>> -> memref<16x128xf32, #tpu.memory_space<vmem_shared>>
        tpu.enqueue_dma source(%run_scoped3A_2 : memref<16x128xf32, #tpu.memory_space<vmem>>) target(%dma_start3A_283 : memref<16x128xf32, #tpu.memory_space<vmem_shared>>) target_semaphore(%run_scoped3A_280 : memref<!tpu.dma_semaphore, #tpu.memory_space<semaphore_mem>>)
        %dma_wait3A = arith.constant 0 : i32
        %dma_wait3A_284 = tpu.memref_slice %arg7[%add3A_216, %dma_wait3A] : memref<5376x128xf32, #tpu.memory_space<vmem_shared>> -> memref<16x128xf32, #tpu.memory_space<vmem_shared>>
        %dma_wait3A_285 = arith.constant 0 : i32
        %dma_wait3A_286 = tpu.memref_slice %arg7[%add3A_216, %dma_wait3A_285] : memref<5376x128xf32, #tpu.memory_space<vmem_shared>> -> memref<16x128xf32, #tpu.memory_space<vmem_shared>>
        tpu.wait_dma2 semaphore(%run_scoped3A_280 : memref<!tpu.dma_semaphore, #tpu.memory_space<semaphore_mem>>) src(%run_scoped3A_2 : memref<16x128xf32, #tpu.memory_space<vmem>>) dst(%dma_wait3A_286 : memref<16x128xf32, #tpu.memory_space<vmem_shared>>)
        tpu.yield
      }) : () -> ()
      %mul3A_217 = arith.constant 336 : i32
      %mul3A_218 = arith.muli %arg1, %mul3A_217 : i32
      %add3A_219 = arith.constant 288 : i32
      %add3A_220 = arith.addi %mul3A_218, %add3A_219 : i32
      "tpu.region"() ({
        %run_scoped3A_280 = tpu.sem_alloc : memref<!tpu.dma_semaphore, #tpu.memory_space<semaphore_mem>>
        %dma_start3A = arith.constant 0 : i32
        %dma_start3A_281 = tpu.memref_slice %arg7[%add3A_220, %dma_start3A] : memref<5376x128xf32, #tpu.memory_space<vmem_shared>> -> memref<16x128xf32, #tpu.memory_space<vmem_shared>>
        %dma_start3A_282 = arith.constant 0 : i32
        %dma_start3A_283 = tpu.memref_slice %arg7[%add3A_220, %dma_start3A_282] : memref<5376x128xf32, #tpu.memory_space<vmem_shared>> -> memref<16x128xf32, #tpu.memory_space<vmem_shared>>
        tpu.enqueue_dma source(%run_scoped3A_2 : memref<16x128xf32, #tpu.memory_space<vmem>>) target(%dma_start3A_283 : memref<16x128xf32, #tpu.memory_space<vmem_shared>>) target_semaphore(%run_scoped3A_280 : memref<!tpu.dma_semaphore, #tpu.memory_space<semaphore_mem>>)
        %dma_wait3A = arith.constant 0 : i32
        %dma_wait3A_284 = tpu.memref_slice %arg7[%add3A_220, %dma_wait3A] : memref<5376x128xf32, #tpu.memory_space<vmem_shared>> -> memref<16x128xf32, #tpu.memory_space<vmem_shared>>
        %dma_wait3A_285 = arith.constant 0 : i32
        %dma_wait3A_286 = tpu.memref_slice %arg7[%add3A_220, %dma_wait3A_285] : memref<5376x128xf32, #tpu.memory_space<vmem_shared>> -> memref<16x128xf32, #tpu.memory_space<vmem_shared>>
        tpu.wait_dma2 semaphore(%run_scoped3A_280 : memref<!tpu.dma_semaphore, #tpu.memory_space<semaphore_mem>>) src(%run_scoped3A_2 : memref<16x128xf32, #tpu.memory_space<vmem>>) dst(%dma_wait3A_286 : memref<16x128xf32, #tpu.memory_space<vmem_shared>>)
        tpu.yield
      }) : () -> ()
      %mul3A_221 = arith.constant 336 : i32
      %mul3A_222 = arith.muli %arg1, %mul3A_221 : i32
      %add3A_223 = arith.constant 304 : i32
      %add3A_224 = arith.addi %mul3A_222, %add3A_223 : i32
      "tpu.region"() ({
        %run_scoped3A_280 = tpu.sem_alloc : memref<!tpu.dma_semaphore, #tpu.memory_space<semaphore_mem>>
        %dma_start3A = arith.constant 0 : i32
        %dma_start3A_281 = tpu.memref_slice %arg7[%add3A_224, %dma_start3A] : memref<5376x128xf32, #tpu.memory_space<vmem_shared>> -> memref<16x128xf32, #tpu.memory_space<vmem_shared>>
        %dma_start3A_282 = arith.constant 0 : i32
        %dma_start3A_283 = tpu.memref_slice %arg7[%add3A_224, %dma_start3A_282] : memref<5376x128xf32, #tpu.memory_space<vmem_shared>> -> memref<16x128xf32, #tpu.memory_space<vmem_shared>>
        tpu.enqueue_dma source(%run_scoped3A_2 : memref<16x128xf32, #tpu.memory_space<vmem>>) target(%dma_start3A_283 : memref<16x128xf32, #tpu.memory_space<vmem_shared>>) target_semaphore(%run_scoped3A_280 : memref<!tpu.dma_semaphore, #tpu.memory_space<semaphore_mem>>)
        %dma_wait3A = arith.constant 0 : i32
        %dma_wait3A_284 = tpu.memref_slice %arg7[%add3A_224, %dma_wait3A] : memref<5376x128xf32, #tpu.memory_space<vmem_shared>> -> memref<16x128xf32, #tpu.memory_space<vmem_shared>>
        %dma_wait3A_285 = arith.constant 0 : i32
        %dma_wait3A_286 = tpu.memref_slice %arg7[%add3A_224, %dma_wait3A_285] : memref<5376x128xf32, #tpu.memory_space<vmem_shared>> -> memref<16x128xf32, #tpu.memory_space<vmem_shared>>
        tpu.wait_dma2 semaphore(%run_scoped3A_280 : memref<!tpu.dma_semaphore, #tpu.memory_space<semaphore_mem>>) src(%run_scoped3A_2 : memref<16x128xf32, #tpu.memory_space<vmem>>) dst(%dma_wait3A_286 : memref<16x128xf32, #tpu.memory_space<vmem_shared>>)
        tpu.yield
      }) : () -> ()
      %mul3A_225 = arith.constant 336 : i32
      %mul3A_226 = arith.muli %arg1, %mul3A_225 : i32
      %add3A_227 = arith.constant 320 : i32
      %add3A_228 = arith.addi %mul3A_226, %add3A_227 : i32
      "tpu.region"() ({
        %run_scoped3A_280 = tpu.sem_alloc : memref<!tpu.dma_semaphore, #tpu.memory_space<semaphore_mem>>
        %dma_start3A = arith.constant 0 : i32
        %dma_start3A_281 = tpu.memref_slice %arg7[%add3A_228, %dma_start3A] : memref<5376x128xf32, #tpu.memory_space<vmem_shared>> -> memref<16x128xf32, #tpu.memory_space<vmem_shared>>
        %dma_start3A_282 = arith.constant 0 : i32
        %dma_start3A_283 = tpu.memref_slice %arg7[%add3A_228, %dma_start3A_282] : memref<5376x128xf32, #tpu.memory_space<vmem_shared>> -> memref<16x128xf32, #tpu.memory_space<vmem_shared>>
        tpu.enqueue_dma source(%run_scoped3A_2 : memref<16x128xf32, #tpu.memory_space<vmem>>) target(%dma_start3A_283 : memref<16x128xf32, #tpu.memory_space<vmem_shared>>) target_semaphore(%run_scoped3A_280 : memref<!tpu.dma_semaphore, #tpu.memory_space<semaphore_mem>>)
        %dma_wait3A = arith.constant 0 : i32
        %dma_wait3A_284 = tpu.memref_slice %arg7[%add3A_228, %dma_wait3A] : memref<5376x128xf32, #tpu.memory_space<vmem_shared>> -> memref<16x128xf32, #tpu.memory_space<vmem_shared>>
        %dma_wait3A_285 = arith.constant 0 : i32
        %dma_wait3A_286 = tpu.memref_slice %arg7[%add3A_228, %dma_wait3A_285] : memref<5376x128xf32, #tpu.memory_space<vmem_shared>> -> memref<16x128xf32, #tpu.memory_space<vmem_shared>>
        tpu.wait_dma2 semaphore(%run_scoped3A_280 : memref<!tpu.dma_semaphore, #tpu.memory_space<semaphore_mem>>) src(%run_scoped3A_2 : memref<16x128xf32, #tpu.memory_space<vmem>>) dst(%dma_wait3A_286 : memref<16x128xf32, #tpu.memory_space<vmem_shared>>)
        tpu.yield
      }) : () -> ()
      %barrier3A_229 = arith.constant 0 : index
      tpu.barrier barrier_id(%barrier3A_229)
      %jit3A_230 = arith.constant 2 : i32
      %div3A_231 = arith.divsi %min3A_18, %jit3A_230 : i32
      %sign3A_232 = arith.constant 0 : i32
      %sign3A_233 = arith.cmpi sgt, %min3A_18, %sign3A_232 : i32
      %sign3A_234 = arith.extui %sign3A_233 : i1 to i32
      %sign3A_235 = arith.constant 0 : i32
      %sign3A_236 = arith.cmpi slt, %min3A_18, %sign3A_235 : i32
      %sign3A_237 = arith.extui %sign3A_236 : i1 to i32
      %sign3A_238 = arith.subi %sign3A_234, %sign3A_237 : i32
      %sign3A_239 = arith.constant 0 : i32
      %sign3A_240 = arith.cmpi sgt, %jit3A_230, %sign3A_239 : i32
      %sign3A_241 = arith.extui %sign3A_240 : i1 to i32
      %sign3A_242 = arith.constant 0 : i32
      %sign3A_243 = arith.cmpi slt, %jit3A_230, %sign3A_242 : i32
      %sign3A_244 = arith.extui %sign3A_243 : i1 to i32
      %sign3A_245 = arith.subi %sign3A_241, %sign3A_244 : i32
      %ne3A_246 = arith.cmpi ne, %sign3A_238, %sign3A_245 : i32
      %rem3A_247 = arith.remsi %min3A_18, %jit3A_230 : i32
      %ne3A_248 = arith.constant 0 : i32
      %ne3A_249 = arith.cmpi ne, %rem3A_247, %ne3A_248 : i32
      %and3A_250 = arith.andi %ne3A_246, %ne3A_249 : i1
      %sub3A_251 = arith.constant 1 : i32
      %sub3A_252 = arith.subi %div3A_231, %sub3A_251 : i32
      %select_n3A_253 = arith.select %and3A_250, %sub3A_252, %div3A_231 : i32
      %sub3A_254 = arith.constant 0 : i32
      %sub3A_255 = arith.subi %select_n3A_253, %sub3A_254 : i32
      %sub3A_256 = arith.constant 1 : i32
      %sub3A_257 = arith.constant 1 : i32
      %sub3A_258 = arith.subi %sub3A_256, %sub3A_257 : i32
      %add3A_259 = arith.addi %sub3A_255, %sub3A_258 : i32
      %div3A_260 = arith.constant 1 : i32
      %div3A_261 = arith.divsi %add3A_259, %div3A_260 : i32
      %while3A_262 = arith.constant 1 : i32
      %while3A_263 = arith.constant 0 : i32
      %while3A_264 = arith.constant 1 : i32
      %while3A_265 = arith.constant 0 : i32
      %while3A_266 = arith.subi %div3A_261, %while3A_265 : i32
      %while3A_267 = arith.addi %while3A_265, %while3A_266 : i32
      %while3A_268 = arith.constant 1 : i32
      %while3A_269 = arith.divsi %while3A_266, %while3A_268 : i32
      %while3A_270 = arith.muli %while3A_269, %while3A_268 : i32
      %while3A_271 = arith.addi %while3A_265, %while3A_270 : i32
      %while3A_272 = arith.constant 1 : i32
      scf.for %while3A_280 = %while3A_265 to %while3A_271 step %while3A_272  : i32 {
        %mul3A_281 = arith.muli %while3A_280, %while3A_262 : i32
        %add3A_282 = arith.addi %while3A_263, %mul3A_281 : i32
        %mul3A_283 = arith.constant 2 : i32
        %mul3A_284 = arith.muli %add3A_282, %mul3A_283 : i32
        %add3A_285 = arith.constant 0 : i32
        %add3A_286 = arith.addi %mul3A_284, %add3A_285 : i32
        %dma_start3A = arith.constant 0 : i32
        %dma_start3A_287 = arith.constant 0 : i32
        %dma_start3A_288 = arith.constant 0 : i32
        %dma_start3A_289 = arith.constant 0 : i32
        %dma_start3A_290 = tpu.memref_slice %run_scoped3A_1[%dma_start3A, %dma_start3A_288, %dma_start3A_289] : memref<2x128x128xf32, #tpu.memory_space<vmem>> -> memref<1x128x128xf32, #tpu.memory_space<vmem>>
        %dma_start3A_291 = tpu.memref_squeeze %dma_start3A_290 : memref<1x128x128xf32, #tpu.memory_space<vmem>> -> memref<128x128xf32, #tpu.memory_space<vmem>>
        %dma_start3A_292 = arith.constant 0 : i32
        %dma_start3A_293 = tpu.memref_slice %run_scoped3A[%add3A_286, %dma_start3A_292] : memref<164x128xi32, #tpu.memory_space<vmem>> -> memref<1x128xi32, #tpu.memory_space<vmem>>
        %dma_start3A_294 = tpu.memref_squeeze %dma_start3A_293 : memref<1x128xi32, #tpu.memory_space<vmem>> -> memref<128xi32, #tpu.memory_space<vmem>>
        %dma_start3A_295 = arith.constant 0 : i32
        %dma_start3A_296 = arith.constant 0 : i32
        %dma_start3A_297 = tpu.memref_slice %arg2[%while3A_264, %dma_start3A_295, %dma_start3A_296] : memref<2x10240x128xf32, #tpu.memory_space<hbm>> -> memref<1x10240x128xf32, #tpu.memory_space<hbm>>
        %dma_start3A_298 = tpu.memref_squeeze %dma_start3A_297 : memref<1x10240x128xf32, #tpu.memory_space<hbm>> -> memref<10240x128xf32, #tpu.memory_space<hbm>>
        %dma_start3A_299 = arith.constant 0 : i32
        %dma_start3A_300 = arith.constant 0 : i32
        %dma_start3A_301 = tpu.memref_slice %dma_start3A_298[%dma_start3A_299, %dma_start3A_300] : memref<10240x128xf32, #tpu.memory_space<hbm>> -> memref<10240x128xf32, #tpu.memory_space<hbm>>
        %dma_start3A_302 = tpu.memref_slice %arg8[%dma_start3A_287] : memref<2x!tpu.dma_semaphore, #tpu.memory_space<semaphore_mem>> -> memref<1x!tpu.dma_semaphore, #tpu.memory_space<semaphore_mem>>
        %dma_start3A_303 = tpu.memref_squeeze %dma_start3A_302 : memref<1x!tpu.dma_semaphore, #tpu.memory_space<semaphore_mem>> -> memref<!tpu.dma_semaphore, #tpu.memory_space<semaphore_mem>>
        tpu.enqueue_indirect_dma source(%dma_start3A_301 : memref<10240x128xf32, #tpu.memory_space<hbm>>) target(%dma_start3A_291 : memref<128x128xf32, #tpu.memory_space<vmem>>) offsets(%dma_start3A_294 : memref<128xi32, #tpu.memory_space<vmem>>) semaphore(%dma_start3A_303 : memref<!tpu.dma_semaphore, #tpu.memory_space<semaphore_mem>>)
        %mul3A_304 = arith.constant 2 : i32
        %mul3A_305 = arith.muli %add3A_282, %mul3A_304 : i32
        %add3A_306 = arith.constant 1 : i32
        %add3A_307 = arith.addi %mul3A_305, %add3A_306 : i32
        %dma_start3A_308 = arith.constant 1 : i32
        %dma_start3A_309 = arith.constant 1 : i32
        %dma_start3A_310 = arith.constant 0 : i32
        %dma_start3A_311 = arith.constant 0 : i32
        %dma_start3A_312 = tpu.memref_slice %run_scoped3A_1[%dma_start3A_308, %dma_start3A_310, %dma_start3A_311] : memref<2x128x128xf32, #tpu.memory_space<vmem>> -> memref<1x128x128xf32, #tpu.memory_space<vmem>>
        %dma_start3A_313 = tpu.memref_squeeze %dma_start3A_312 : memref<1x128x128xf32, #tpu.memory_space<vmem>> -> memref<128x128xf32, #tpu.memory_space<vmem>>
        %dma_start3A_314 = arith.constant 0 : i32
        %dma_start3A_315 = tpu.memref_slice %run_scoped3A[%add3A_307, %dma_start3A_314] : memref<164x128xi32, #tpu.memory_space<vmem>> -> memref<1x128xi32, #tpu.memory_space<vmem>>
        %dma_start3A_316 = tpu.memref_squeeze %dma_start3A_315 : memref<1x128xi32, #tpu.memory_space<vmem>> -> memref<128xi32, #tpu.memory_space<vmem>>
        %dma_start3A_317 = arith.constant 0 : i32
        %dma_start3A_318 = arith.constant 0 : i32
        %dma_start3A_319 = tpu.memref_slice %arg2[%while3A_264, %dma_start3A_317, %dma_start3A_318] : memref<2x10240x128xf32, #tpu.memory_space<hbm>> -> memref<1x10240x128xf32, #tpu.memory_space<hbm>>
        %dma_start3A_320 = tpu.memref_squeeze %dma_start3A_319 : memref<1x10240x128xf32, #tpu.memory_space<hbm>> -> memref<10240x128xf32, #tpu.memory_space<hbm>>
        %dma_start3A_321 = arith.constant 0 : i32
        %dma_start3A_322 = arith.constant 0 : i32
        %dma_start3A_323 = tpu.memref_slice %dma_start3A_320[%dma_start3A_321, %dma_start3A_322] : memref<10240x128xf32, #tpu.memory_space<hbm>> -> memref<10240x128xf32, #tpu.memory_space<hbm>>
        %dma_start3A_324 = tpu.memref_slice %arg8[%dma_start3A_309] : memref<2x!tpu.dma_semaphore, #tpu.memory_space<semaphore_mem>> -> memref<1x!tpu.dma_semaphore, #tpu.memory_space<semaphore_mem>>
        %dma_start3A_325 = tpu.memref_squeeze %dma_start3A_324 : memref<1x!tpu.dma_semaphore, #tpu.memory_space<semaphore_mem>> -> memref<!tpu.dma_semaphore, #tpu.memory_space<semaphore_mem>>
        tpu.enqueue_indirect_dma source(%dma_start3A_323 : memref<10240x128xf32, #tpu.memory_space<hbm>>) target(%dma_start3A_313 : memref<128x128xf32, #tpu.memory_space<vmem>>) offsets(%dma_start3A_316 : memref<128xi32, #tpu.memory_space<vmem>>) semaphore(%dma_start3A_325 : memref<!tpu.dma_semaphore, #tpu.memory_space<semaphore_mem>>)
        %dma_wait3A = arith.constant 0 : i32
        %dma_wait3A_326 = arith.constant 0 : i32
        %dma_wait3A_327 = arith.constant 0 : i32
        %dma_wait3A_328 = arith.constant 0 : i32
        %dma_wait3A_329 = tpu.memref_slice %run_scoped3A_1[%dma_wait3A, %dma_wait3A_327, %dma_wait3A_328] : memref<2x128x128xf32, #tpu.memory_space<vmem>> -> memref<1x128x128xf32, #tpu.memory_space<vmem>>
        %dma_wait3A_330 = tpu.memref_squeeze %dma_wait3A_329 : memref<1x128x128xf32, #tpu.memory_space<vmem>> -> memref<128x128xf32, #tpu.memory_space<vmem>>
        %dma_wait3A_331 = arith.constant 0 : i32
        %dma_wait3A_332 = tpu.memref_slice %run_scoped3A[%add3A_286, %dma_wait3A_331] : memref<164x128xi32, #tpu.memory_space<vmem>> -> memref<1x128xi32, #tpu.memory_space<vmem>>
        %dma_wait3A_333 = tpu.memref_squeeze %dma_wait3A_332 : memref<1x128xi32, #tpu.memory_space<vmem>> -> memref<128xi32, #tpu.memory_space<vmem>>
        %dma_wait3A_334 = arith.constant 0 : i32
        %dma_wait3A_335 = arith.constant 0 : i32
        %dma_wait3A_336 = tpu.memref_slice %arg2[%while3A_264, %dma_wait3A_334, %dma_wait3A_335] : memref<2x10240x128xf32, #tpu.memory_space<hbm>> -> memref<1x10240x128xf32, #tpu.memory_space<hbm>>
        %dma_wait3A_337 = tpu.memref_squeeze %dma_wait3A_336 : memref<1x10240x128xf32, #tpu.memory_space<hbm>> -> memref<10240x128xf32, #tpu.memory_space<hbm>>
        %dma_wait3A_338 = arith.constant 0 : i32
        %dma_wait3A_339 = arith.constant 0 : i32
        %dma_wait3A_340 = tpu.memref_slice %dma_wait3A_337[%dma_wait3A_338, %dma_wait3A_339] : memref<10240x128xf32, #tpu.memory_space<hbm>> -> memref<10240x128xf32, #tpu.memory_space<hbm>>
        %dma_wait3A_341 = tpu.memref_slice %arg8[%dma_wait3A_326] : memref<2x!tpu.dma_semaphore, #tpu.memory_space<semaphore_mem>> -> memref<1x!tpu.dma_semaphore, #tpu.memory_space<semaphore_mem>>
        %dma_wait3A_342 = tpu.memref_squeeze %dma_wait3A_341 : memref<1x!tpu.dma_semaphore, #tpu.memory_space<semaphore_mem>> -> memref<!tpu.dma_semaphore, #tpu.memory_space<semaphore_mem>>
        tpu.wait_indirect_dma semaphore(%dma_wait3A_342 : memref<!tpu.dma_semaphore, #tpu.memory_space<semaphore_mem>>) src(%dma_wait3A_340 : memref<10240x128xf32, #tpu.memory_space<hbm>>) dst(%dma_wait3A_330 : memref<128x128xf32, #tpu.memory_space<vmem>>)
        %mul3A_343 = arith.constant 2 : i32
        %mul3A_344 = arith.muli %add3A_282, %mul3A_343 : i32
        %add3A_345 = arith.constant 0 : i32
        %add3A_346 = arith.addi %mul3A_344, %add3A_345 : i32
        %run_scoped3A_347 = arith.constant 0 : i32
        "tpu.region"() ({
          %run_scoped3A_371 = tpu.sem_alloc : memref<!tpu.dma_semaphore, #tpu.memory_space<semaphore_mem>>
          %dma_start3A_372 = arith.constant 0 : i32
          %dma_start3A_373 = arith.constant 0 : i32
          %dma_start3A_374 = tpu.memref_slice %run_scoped3A_1[%run_scoped3A_347, %dma_start3A_372, %dma_start3A_373] : memref<2x128x128xf32, #tpu.memory_space<vmem>> -> memref<1x128x128xf32, #tpu.memory_space<vmem>>
          %dma_start3A_375 = tpu.memref_squeeze %dma_start3A_374 : memref<1x128x128xf32, #tpu.memory_space<vmem>> -> memref<128x128xf32, #tpu.memory_space<vmem>>
          %dma_start3A_376 = arith.constant 0 : i32
          %dma_start3A_377 = tpu.memref_slice %run_scoped3A_0[%add3A_346, %dma_start3A_376] : memref<164x128xi32, #tpu.memory_space<vmem>> -> memref<1x128xi32, #tpu.memory_space<vmem>>
          %dma_start3A_378 = tpu.memref_squeeze %dma_start3A_377 : memref<1x128xi32, #tpu.memory_space<vmem>> -> memref<128xi32, #tpu.memory_space<vmem>>
          %dma_start3A_379 = arith.constant 0 : i32
          %dma_start3A_380 = arith.constant 0 : i32
          %dma_start3A_381 = tpu.memref_slice %arg7[%dma_start3A_379, %dma_start3A_380] : memref<5376x128xf32, #tpu.memory_space<vmem_shared>> -> memref<5376x128xf32, #tpu.memory_space<vmem_shared>>
          tpu.enqueue_indirect_dma source(%dma_start3A_375 : memref<128x128xf32, #tpu.memory_space<vmem>>) target(%dma_start3A_381 : memref<5376x128xf32, #tpu.memory_space<vmem_shared>>) offsets(%dma_start3A_378 : memref<128xi32, #tpu.memory_space<vmem>>) semaphore(%run_scoped3A_371 : memref<!tpu.dma_semaphore, #tpu.memory_space<semaphore_mem>>) {add = true}
          %dma_wait3A_382 = arith.constant 0 : i32
          %dma_wait3A_383 = arith.constant 0 : i32
          %dma_wait3A_384 = tpu.memref_slice %run_scoped3A_1[%run_scoped3A_347, %dma_wait3A_382, %dma_wait3A_383] : memref<2x128x128xf32, #tpu.memory_space<vmem>> -> memref<1x128x128xf32, #tpu.memory_space<vmem>>
          %dma_wait3A_385 = tpu.memref_squeeze %dma_wait3A_384 : memref<1x128x128xf32, #tpu.memory_space<vmem>> -> memref<128x128xf32, #tpu.memory_space<vmem>>
          %dma_wait3A_386 = arith.constant 0 : i32
          %dma_wait3A_387 = tpu.memref_slice %run_scoped3A_0[%add3A_346, %dma_wait3A_386] : memref<164x128xi32, #tpu.memory_space<vmem>> -> memref<1x128xi32, #tpu.memory_space<vmem>>
          %dma_wait3A_388 = tpu.memref_squeeze %dma_wait3A_387 : memref<1x128xi32, #tpu.memory_space<vmem>> -> memref<128xi32, #tpu.memory_space<vmem>>
          %dma_wait3A_389 = arith.constant 0 : i32
          %dma_wait3A_390 = arith.constant 0 : i32
          %dma_wait3A_391 = tpu.memref_slice %arg7[%dma_wait3A_389, %dma_wait3A_390] : memref<5376x128xf32, #tpu.memory_space<vmem_shared>> -> memref<5376x128xf32, #tpu.memory_space<vmem_shared>>
          tpu.wait_indirect_dma semaphore(%run_scoped3A_371 : memref<!tpu.dma_semaphore, #tpu.memory_space<semaphore_mem>>) src(%dma_wait3A_385 : memref<128x128xf32, #tpu.memory_space<vmem>>) dst(%dma_wait3A_391 : memref<5376x128xf32, #tpu.memory_space<vmem_shared>>)
          tpu.yield
        }) : () -> ()
        %dma_wait3A_348 = arith.constant 1 : i32
        %dma_wait3A_349 = arith.constant 1 : i32
        %dma_wait3A_350 = arith.constant 0 : i32
        %dma_wait3A_351 = arith.constant 0 : i32
        %dma_wait3A_352 = tpu.memref_slice %run_scoped3A_1[%dma_wait3A_348, %dma_wait3A_350, %dma_wait3A_351] : memref<2x128x128xf32, #tpu.memory_space<vmem>> -> memref<1x128x128xf32, #tpu.memory_space<vmem>>
        %dma_wait3A_353 = tpu.memref_squeeze %dma_wait3A_352 : memref<1x128x128xf32, #tpu.memory_space<vmem>> -> memref<128x128xf32, #tpu.memory_space<vmem>>
        %dma_wait3A_354 = arith.constant 0 : i32
        %dma_wait3A_355 = tpu.memref_slice %run_scoped3A[%add3A_307, %dma_wait3A_354] : memref<164x128xi32, #tpu.memory_space<vmem>> -> memref<1x128xi32, #tpu.memory_space<vmem>>
        %dma_wait3A_356 = tpu.memref_squeeze %dma_wait3A_355 : memref<1x128xi32, #tpu.memory_space<vmem>> -> memref<128xi32, #tpu.memory_space<vmem>>
        %dma_wait3A_357 = arith.constant 0 : i32
        %dma_wait3A_358 = arith.constant 0 : i32
        %dma_wait3A_359 = tpu.memref_slice %arg2[%while3A_264, %dma_wait3A_357, %dma_wait3A_358] : memref<2x10240x128xf32, #tpu.memory_space<hbm>> -> memref<1x10240x128xf32, #tpu.memory_space<hbm>>
        %dma_wait3A_360 = tpu.memref_squeeze %dma_wait3A_359 : memref<1x10240x128xf32, #tpu.memory_space<hbm>> -> memref<10240x128xf32, #tpu.memory_space<hbm>>
        %dma_wait3A_361 = arith.constant 0 : i32
        %dma_wait3A_362 = arith.constant 0 : i32
        %dma_wait3A_363 = tpu.memref_slice %dma_wait3A_360[%dma_wait3A_361, %dma_wait3A_362] : memref<10240x128xf32, #tpu.memory_space<hbm>> -> memref<10240x128xf32, #tpu.memory_space<hbm>>
        %dma_wait3A_364 = tpu.memref_slice %arg8[%dma_wait3A_349] : memref<2x!tpu.dma_semaphore, #tpu.memory_space<semaphore_mem>> -> memref<1x!tpu.dma_semaphore, #tpu.memory_space<semaphore_mem>>
        %dma_wait3A_365 = tpu.memref_squeeze %dma_wait3A_364 : memref<1x!tpu.dma_semaphore, #tpu.memory_space<semaphore_mem>> -> memref<!tpu.dma_semaphore, #tpu.memory_space<semaphore_mem>>
        tpu.wait_indirect_dma semaphore(%dma_wait3A_365 : memref<!tpu.dma_semaphore, #tpu.memory_space<semaphore_mem>>) src(%dma_wait3A_363 : memref<10240x128xf32, #tpu.memory_space<hbm>>) dst(%dma_wait3A_353 : memref<128x128xf32, #tpu.memory_space<vmem>>)
        %mul3A_366 = arith.constant 2 : i32
        %mul3A_367 = arith.muli %add3A_282, %mul3A_366 : i32
        %add3A_368 = arith.constant 1 : i32
        %add3A_369 = arith.addi %mul3A_367, %add3A_368 : i32
        %run_scoped3A_370 = arith.constant 1 : i32
        "tpu.region"() ({
          %run_scoped3A_371 = tpu.sem_alloc : memref<!tpu.dma_semaphore, #tpu.memory_space<semaphore_mem>>
          %dma_start3A_372 = arith.constant 0 : i32
          %dma_start3A_373 = arith.constant 0 : i32
          %dma_start3A_374 = tpu.memref_slice %run_scoped3A_1[%run_scoped3A_370, %dma_start3A_372, %dma_start3A_373] : memref<2x128x128xf32, #tpu.memory_space<vmem>> -> memref<1x128x128xf32, #tpu.memory_space<vmem>>
          %dma_start3A_375 = tpu.memref_squeeze %dma_start3A_374 : memref<1x128x128xf32, #tpu.memory_space<vmem>> -> memref<128x128xf32, #tpu.memory_space<vmem>>
          %dma_start3A_376 = arith.constant 0 : i32
          %dma_start3A_377 = tpu.memref_slice %run_scoped3A_0[%add3A_369, %dma_start3A_376] : memref<164x128xi32, #tpu.memory_space<vmem>> -> memref<1x128xi32, #tpu.memory_space<vmem>>
          %dma_start3A_378 = tpu.memref_squeeze %dma_start3A_377 : memref<1x128xi32, #tpu.memory_space<vmem>> -> memref<128xi32, #tpu.memory_space<vmem>>
          %dma_start3A_379 = arith.constant 0 : i32
          %dma_start3A_380 = arith.constant 0 : i32
          %dma_start3A_381 = tpu.memref_slice %arg7[%dma_start3A_379, %dma_start3A_380] : memref<5376x128xf32, #tpu.memory_space<vmem_shared>> -> memref<5376x128xf32, #tpu.memory_space<vmem_shared>>
          tpu.enqueue_indirect_dma source(%dma_start3A_375 : memref<128x128xf32, #tpu.memory_space<vmem>>) target(%dma_start3A_381 : memref<5376x128xf32, #tpu.memory_space<vmem_shared>>) offsets(%dma_start3A_378 : memref<128xi32, #tpu.memory_space<vmem>>) semaphore(%run_scoped3A_371 : memref<!tpu.dma_semaphore, #tpu.memory_space<semaphore_mem>>) {add = true}
          %dma_wait3A_382 = arith.constant 0 : i32
          %dma_wait3A_383 = arith.constant 0 : i32
          %dma_wait3A_384 = tpu.memref_slice %run_scoped3A_1[%run_scoped3A_370, %dma_wait3A_382, %dma_wait3A_383] : memref<2x128x128xf32, #tpu.memory_space<vmem>> -> memref<1x128x128xf32, #tpu.memory_space<vmem>>
          %dma_wait3A_385 = tpu.memref_squeeze %dma_wait3A_384 : memref<1x128x128xf32, #tpu.memory_space<vmem>> -> memref<128x128xf32, #tpu.memory_space<vmem>>
          %dma_wait3A_386 = arith.constant 0 : i32
          %dma_wait3A_387 = tpu.memref_slice %run_scoped3A_0[%add3A_369, %dma_wait3A_386] : memref<164x128xi32, #tpu.memory_space<vmem>> -> memref<1x128xi32, #tpu.memory_space<vmem>>
          %dma_wait3A_388 = tpu.memref_squeeze %dma_wait3A_387 : memref<1x128xi32, #tpu.memory_space<vmem>> -> memref<128xi32, #tpu.memory_space<vmem>>
          %dma_wait3A_389 = arith.constant 0 : i32
          %dma_wait3A_390 = arith.constant 0 : i32
          %dma_wait3A_391 = tpu.memref_slice %arg7[%dma_wait3A_389, %dma_wait3A_390] : memref<5376x128xf32, #tpu.memory_space<vmem_shared>> -> memref<5376x128xf32, #tpu.memory_space<vmem_shared>>
          tpu.wait_indirect_dma semaphore(%run_scoped3A_371 : memref<!tpu.dma_semaphore, #tpu.memory_space<semaphore_mem>>) src(%dma_wait3A_385 : memref<128x128xf32, #tpu.memory_space<vmem>>) dst(%dma_wait3A_391 : memref<5376x128xf32, #tpu.memory_space<vmem_shared>>)
          tpu.yield
        }) : () -> ()
      }
      %while3A_273 = arith.constant 1 : i32
      scf.for %while3A_280 = %while3A_271 to %while3A_267 step %while3A_273  : i32 {
        %mul3A_281 = arith.muli %while3A_280, %while3A_262 : i32
        %add3A_282 = arith.addi %while3A_263, %mul3A_281 : i32
        %mul3A_283 = arith.constant 2 : i32
        %mul3A_284 = arith.muli %add3A_282, %mul3A_283 : i32
        %add3A_285 = arith.constant 0 : i32
        %add3A_286 = arith.addi %mul3A_284, %add3A_285 : i32
        %dma_start3A = arith.constant 0 : i32
        %dma_start3A_287 = arith.constant 0 : i32
        %dma_start3A_288 = arith.constant 0 : i32
        %dma_start3A_289 = arith.constant 0 : i32
        %dma_start3A_290 = tpu.memref_slice %run_scoped3A_1[%dma_start3A, %dma_start3A_288, %dma_start3A_289] : memref<2x128x128xf32, #tpu.memory_space<vmem>> -> memref<1x128x128xf32, #tpu.memory_space<vmem>>
        %dma_start3A_291 = tpu.memref_squeeze %dma_start3A_290 : memref<1x128x128xf32, #tpu.memory_space<vmem>> -> memref<128x128xf32, #tpu.memory_space<vmem>>
        %dma_start3A_292 = arith.constant 0 : i32
        %dma_start3A_293 = tpu.memref_slice %run_scoped3A[%add3A_286, %dma_start3A_292] : memref<164x128xi32, #tpu.memory_space<vmem>> -> memref<1x128xi32, #tpu.memory_space<vmem>>
        %dma_start3A_294 = tpu.memref_squeeze %dma_start3A_293 : memref<1x128xi32, #tpu.memory_space<vmem>> -> memref<128xi32, #tpu.memory_space<vmem>>
        %dma_start3A_295 = arith.constant 0 : i32
        %dma_start3A_296 = arith.constant 0 : i32
        %dma_start3A_297 = tpu.memref_slice %arg2[%while3A_264, %dma_start3A_295, %dma_start3A_296] : memref<2x10240x128xf32, #tpu.memory_space<hbm>> -> memref<1x10240x128xf32, #tpu.memory_space<hbm>>
        %dma_start3A_298 = tpu.memref_squeeze %dma_start3A_297 : memref<1x10240x128xf32, #tpu.memory_space<hbm>> -> memref<10240x128xf32, #tpu.memory_space<hbm>>
        %dma_start3A_299 = arith.constant 0 : i32
        %dma_start3A_300 = arith.constant 0 : i32
        %dma_start3A_301 = tpu.memref_slice %dma_start3A_298[%dma_start3A_299, %dma_start3A_300] : memref<10240x128xf32, #tpu.memory_space<hbm>> -> memref<10240x128xf32, #tpu.memory_space<hbm>>
        %dma_start3A_302 = tpu.memref_slice %arg8[%dma_start3A_287] : memref<2x!tpu.dma_semaphore, #tpu.memory_space<semaphore_mem>> -> memref<1x!tpu.dma_semaphore, #tpu.memory_space<semaphore_mem>>
        %dma_start3A_303 = tpu.memref_squeeze %dma_start3A_302 : memref<1x!tpu.dma_semaphore, #tpu.memory_space<semaphore_mem>> -> memref<!tpu.dma_semaphore, #tpu.memory_space<semaphore_mem>>
        tpu.enqueue_indirect_dma source(%dma_start3A_301 : memref<10240x128xf32, #tpu.memory_space<hbm>>) target(%dma_start3A_291 : memref<128x128xf32, #tpu.memory_space<vmem>>) offsets(%dma_start3A_294 : memref<128xi32, #tpu.memory_space<vmem>>) semaphore(%dma_start3A_303 : memref<!tpu.dma_semaphore, #tpu.memory_space<semaphore_mem>>)
        %mul3A_304 = arith.constant 2 : i32
        %mul3A_305 = arith.muli %add3A_282, %mul3A_304 : i32
        %add3A_306 = arith.constant 1 : i32
        %add3A_307 = arith.addi %mul3A_305, %add3A_306 : i32
        %dma_start3A_308 = arith.constant 1 : i32
        %dma_start3A_309 = arith.constant 1 : i32
        %dma_start3A_310 = arith.constant 0 : i32
        %dma_start3A_311 = arith.constant 0 : i32
        %dma_start3A_312 = tpu.memref_slice %run_scoped3A_1[%dma_start3A_308, %dma_start3A_310, %dma_start3A_311] : memref<2x128x128xf32, #tpu.memory_space<vmem>> -> memref<1x128x128xf32, #tpu.memory_space<vmem>>
        %dma_start3A_313 = tpu.memref_squeeze %dma_start3A_312 : memref<1x128x128xf32, #tpu.memory_space<vmem>> -> memref<128x128xf32, #tpu.memory_space<vmem>>
        %dma_start3A_314 = arith.constant 0 : i32
        %dma_start3A_315 = tpu.memref_slice %run_scoped3A[%add3A_307, %dma_start3A_314] : memref<164x128xi32, #tpu.memory_space<vmem>> -> memref<1x128xi32, #tpu.memory_space<vmem>>
        %dma_start3A_316 = tpu.memref_squeeze %dma_start3A_315 : memref<1x128xi32, #tpu.memory_space<vmem>> -> memref<128xi32, #tpu.memory_space<vmem>>
        %dma_start3A_317 = arith.constant 0 : i32
        %dma_start3A_318 = arith.constant 0 : i32
        %dma_start3A_319 = tpu.memref_slice %arg2[%while3A_264, %dma_start3A_317, %dma_start3A_318] : memref<2x10240x128xf32, #tpu.memory_space<hbm>> -> memref<1x10240x128xf32, #tpu.memory_space<hbm>>
        %dma_start3A_320 = tpu.memref_squeeze %dma_start3A_319 : memref<1x10240x128xf32, #tpu.memory_space<hbm>> -> memref<10240x128xf32, #tpu.memory_space<hbm>>
        %dma_start3A_321 = arith.constant 0 : i32
        %dma_start3A_322 = arith.constant 0 : i32
        %dma_start3A_323 = tpu.memref_slice %dma_start3A_320[%dma_start3A_321, %dma_start3A_322] : memref<10240x128xf32, #tpu.memory_space<hbm>> -> memref<10240x128xf32, #tpu.memory_space<hbm>>
        %dma_start3A_324 = tpu.memref_slice %arg8[%dma_start3A_309] : memref<2x!tpu.dma_semaphore, #tpu.memory_space<semaphore_mem>> -> memref<1x!tpu.dma_semaphore, #tpu.memory_space<semaphore_mem>>
        %dma_start3A_325 = tpu.memref_squeeze %dma_start3A_324 : memref<1x!tpu.dma_semaphore, #tpu.memory_space<semaphore_mem>> -> memref<!tpu.dma_semaphore, #tpu.memory_space<semaphore_mem>>
        tpu.enqueue_indirect_dma source(%dma_start3A_323 : memref<10240x128xf32, #tpu.memory_space<hbm>>) target(%dma_start3A_313 : memref<128x128xf32, #tpu.memory_space<vmem>>) offsets(%dma_start3A_316 : memref<128xi32, #tpu.memory_space<vmem>>) semaphore(%dma_start3A_325 : memref<!tpu.dma_semaphore, #tpu.memory_space<semaphore_mem>>)
        %dma_wait3A = arith.constant 0 : i32
        %dma_wait3A_326 = arith.constant 0 : i32
        %dma_wait3A_327 = arith.constant 0 : i32
        %dma_wait3A_328 = arith.constant 0 : i32
        %dma_wait3A_329 = tpu.memref_slice %run_scoped3A_1[%dma_wait3A, %dma_wait3A_327, %dma_wait3A_328] : memref<2x128x128xf32, #tpu.memory_space<vmem>> -> memref<1x128x128xf32, #tpu.memory_space<vmem>>
        %dma_wait3A_330 = tpu.memref_squeeze %dma_wait3A_329 : memref<1x128x128xf32, #tpu.memory_space<vmem>> -> memref<128x128xf32, #tpu.memory_space<vmem>>
        %dma_wait3A_331 = arith.constant 0 : i32
        %dma_wait3A_332 = tpu.memref_slice %run_scoped3A[%add3A_286, %dma_wait3A_331] : memref<164x128xi32, #tpu.memory_space<vmem>> -> memref<1x128xi32, #tpu.memory_space<vmem>>
        %dma_wait3A_333 = tpu.memref_squeeze %dma_wait3A_332 : memref<1x128xi32, #tpu.memory_space<vmem>> -> memref<128xi32, #tpu.memory_space<vmem>>
        %dma_wait3A_334 = arith.constant 0 : i32
        %dma_wait3A_335 = arith.constant 0 : i32
        %dma_wait3A_336 = tpu.memref_slice %arg2[%while3A_264, %dma_wait3A_334, %dma_wait3A_335] : memref<2x10240x128xf32, #tpu.memory_space<hbm>> -> memref<1x10240x128xf32, #tpu.memory_space<hbm>>
        %dma_wait3A_337 = tpu.memref_squeeze %dma_wait3A_336 : memref<1x10240x128xf32, #tpu.memory_space<hbm>> -> memref<10240x128xf32, #tpu.memory_space<hbm>>
        %dma_wait3A_338 = arith.constant 0 : i32
        %dma_wait3A_339 = arith.constant 0 : i32
        %dma_wait3A_340 = tpu.memref_slice %dma_wait3A_337[%dma_wait3A_338, %dma_wait3A_339] : memref<10240x128xf32, #tpu.memory_space<hbm>> -> memref<10240x128xf32, #tpu.memory_space<hbm>>
        %dma_wait3A_341 = tpu.memref_slice %arg8[%dma_wait3A_326] : memref<2x!tpu.dma_semaphore, #tpu.memory_space<semaphore_mem>> -> memref<1x!tpu.dma_semaphore, #tpu.memory_space<semaphore_mem>>
        %dma_wait3A_342 = tpu.memref_squeeze %dma_wait3A_341 : memref<1x!tpu.dma_semaphore, #tpu.memory_space<semaphore_mem>> -> memref<!tpu.dma_semaphore, #tpu.memory_space<semaphore_mem>>
        tpu.wait_indirect_dma semaphore(%dma_wait3A_342 : memref<!tpu.dma_semaphore, #tpu.memory_space<semaphore_mem>>) src(%dma_wait3A_340 : memref<10240x128xf32, #tpu.memory_space<hbm>>) dst(%dma_wait3A_330 : memref<128x128xf32, #tpu.memory_space<vmem>>)
        %mul3A_343 = arith.constant 2 : i32
        %mul3A_344 = arith.muli %add3A_282, %mul3A_343 : i32
        %add3A_345 = arith.constant 0 : i32
        %add3A_346 = arith.addi %mul3A_344, %add3A_345 : i32
        %run_scoped3A_347 = arith.constant 0 : i32
        "tpu.region"() ({
          %run_scoped3A_371 = tpu.sem_alloc : memref<!tpu.dma_semaphore, #tpu.memory_space<semaphore_mem>>
          %dma_start3A_372 = arith.constant 0 : i32
          %dma_start3A_373 = arith.constant 0 : i32
          %dma_start3A_374 = tpu.memref_slice %run_scoped3A_1[%run_scoped3A_347, %dma_start3A_372, %dma_start3A_373] : memref<2x128x128xf32, #tpu.memory_space<vmem>> -> memref<1x128x128xf32, #tpu.memory_space<vmem>>
          %dma_start3A_375 = tpu.memref_squeeze %dma_start3A_374 : memref<1x128x128xf32, #tpu.memory_space<vmem>> -> memref<128x128xf32, #tpu.memory_space<vmem>>
          %dma_start3A_376 = arith.constant 0 : i32
          %dma_start3A_377 = tpu.memref_slice %run_scoped3A_0[%add3A_346, %dma_start3A_376] : memref<164x128xi32, #tpu.memory_space<vmem>> -> memref<1x128xi32, #tpu.memory_space<vmem>>
          %dma_start3A_378 = tpu.memref_squeeze %dma_start3A_377 : memref<1x128xi32, #tpu.memory_space<vmem>> -> memref<128xi32, #tpu.memory_space<vmem>>
          %dma_start3A_379 = arith.constant 0 : i32
          %dma_start3A_380 = arith.constant 0 : i32
          %dma_start3A_381 = tpu.memref_slice %arg7[%dma_start3A_379, %dma_start3A_380] : memref<5376x128xf32, #tpu.memory_space<vmem_shared>> -> memref<5376x128xf32, #tpu.memory_space<vmem_shared>>
          tpu.enqueue_indirect_dma source(%dma_start3A_375 : memref<128x128xf32, #tpu.memory_space<vmem>>) target(%dma_start3A_381 : memref<5376x128xf32, #tpu.memory_space<vmem_shared>>) offsets(%dma_start3A_378 : memref<128xi32, #tpu.memory_space<vmem>>) semaphore(%run_scoped3A_371 : memref<!tpu.dma_semaphore, #tpu.memory_space<semaphore_mem>>) {add = true}
          %dma_wait3A_382 = arith.constant 0 : i32
          %dma_wait3A_383 = arith.constant 0 : i32
          %dma_wait3A_384 = tpu.memref_slice %run_scoped3A_1[%run_scoped3A_347, %dma_wait3A_382, %dma_wait3A_383] : memref<2x128x128xf32, #tpu.memory_space<vmem>> -> memref<1x128x128xf32, #tpu.memory_space<vmem>>
          %dma_wait3A_385 = tpu.memref_squeeze %dma_wait3A_384 : memref<1x128x128xf32, #tpu.memory_space<vmem>> -> memref<128x128xf32, #tpu.memory_space<vmem>>
          %dma_wait3A_386 = arith.constant 0 : i32
          %dma_wait3A_387 = tpu.memref_slice %run_scoped3A_0[%add3A_346, %dma_wait3A_386] : memref<164x128xi32, #tpu.memory_space<vmem>> -> memref<1x128xi32, #tpu.memory_space<vmem>>
          %dma_wait3A_388 = tpu.memref_squeeze %dma_wait3A_387 : memref<1x128xi32, #tpu.memory_space<vmem>> -> memref<128xi32, #tpu.memory_space<vmem>>
          %dma_wait3A_389 = arith.constant 0 : i32
          %dma_wait3A_390 = arith.constant 0 : i32
          %dma_wait3A_391 = tpu.memref_slice %arg7[%dma_wait3A_389, %dma_wait3A_390] : memref<5376x128xf32, #tpu.memory_space<vmem_shared>> -> memref<5376x128xf32, #tpu.memory_space<vmem_shared>>
          tpu.wait_indirect_dma semaphore(%run_scoped3A_371 : memref<!tpu.dma_semaphore, #tpu.memory_space<semaphore_mem>>) src(%dma_wait3A_385 : memref<128x128xf32, #tpu.memory_space<vmem>>) dst(%dma_wait3A_391 : memref<5376x128xf32, #tpu.memory_space<vmem_shared>>)
          tpu.yield
        }) : () -> ()
        %dma_wait3A_348 = arith.constant 1 : i32
        %dma_wait3A_349 = arith.constant 1 : i32
        %dma_wait3A_350 = arith.constant 0 : i32
        %dma_wait3A_351 = arith.constant 0 : i32
        %dma_wait3A_352 = tpu.memref_slice %run_scoped3A_1[%dma_wait3A_348, %dma_wait3A_350, %dma_wait3A_351] : memref<2x128x128xf32, #tpu.memory_space<vmem>> -> memref<1x128x128xf32, #tpu.memory_space<vmem>>
        %dma_wait3A_353 = tpu.memref_squeeze %dma_wait3A_352 : memref<1x128x128xf32, #tpu.memory_space<vmem>> -> memref<128x128xf32, #tpu.memory_space<vmem>>
        %dma_wait3A_354 = arith.constant 0 : i32
        %dma_wait3A_355 = tpu.memref_slice %run_scoped3A[%add3A_307, %dma_wait3A_354] : memref<164x128xi32, #tpu.memory_space<vmem>> -> memref<1x128xi32, #tpu.memory_space<vmem>>
        %dma_wait3A_356 = tpu.memref_squeeze %dma_wait3A_355 : memref<1x128xi32, #tpu.memory_space<vmem>> -> memref<128xi32, #tpu.memory_space<vmem>>
        %dma_wait3A_357 = arith.constant 0 : i32
        %dma_wait3A_358 = arith.constant 0 : i32
        %dma_wait3A_359 = tpu.memref_slice %arg2[%while3A_264, %dma_wait3A_357, %dma_wait3A_358] : memref<2x10240x128xf32, #tpu.memory_space<hbm>> -> memref<1x10240x128xf32, #tpu.memory_space<hbm>>
        %dma_wait3A_360 = tpu.memref_squeeze %dma_wait3A_359 : memref<1x10240x128xf32, #tpu.memory_space<hbm>> -> memref<10240x128xf32, #tpu.memory_space<hbm>>
        %dma_wait3A_361 = arith.constant 0 : i32
        %dma_wait3A_362 = arith.constant 0 : i32
        %dma_wait3A_363 = tpu.memref_slice %dma_wait3A_360[%dma_wait3A_361, %dma_wait3A_362] : memref<10240x128xf32, #tpu.memory_space<hbm>> -> memref<10240x128xf32, #tpu.memory_space<hbm>>
        %dma_wait3A_364 = tpu.memref_slice %arg8[%dma_wait3A_349] : memref<2x!tpu.dma_semaphore, #tpu.memory_space<semaphore_mem>> -> memref<1x!tpu.dma_semaphore, #tpu.memory_space<semaphore_mem>>
        %dma_wait3A_365 = tpu.memref_squeeze %dma_wait3A_364 : memref<1x!tpu.dma_semaphore, #tpu.memory_space<semaphore_mem>> -> memref<!tpu.dma_semaphore, #tpu.memory_space<semaphore_mem>>
        tpu.wait_indirect_dma semaphore(%dma_wait3A_365 : memref<!tpu.dma_semaphore, #tpu.memory_space<semaphore_mem>>) src(%dma_wait3A_363 : memref<10240x128xf32, #tpu.memory_space<hbm>>) dst(%dma_wait3A_353 : memref<128x128xf32, #tpu.memory_space<vmem>>)
        %mul3A_366 = arith.constant 2 : i32
        %mul3A_367 = arith.muli %add3A_282, %mul3A_366 : i32
        %add3A_368 = arith.constant 1 : i32
        %add3A_369 = arith.addi %mul3A_367, %add3A_368 : i32
        %run_scoped3A_370 = arith.constant 1 : i32
        "tpu.region"() ({
          %run_scoped3A_371 = tpu.sem_alloc : memref<!tpu.dma_semaphore, #tpu.memory_space<semaphore_mem>>
          %dma_start3A_372 = arith.constant 0 : i32
          %dma_start3A_373 = arith.constant 0 : i32
          %dma_start3A_374 = tpu.memref_slice %run_scoped3A_1[%run_scoped3A_370, %dma_start3A_372, %dma_start3A_373] : memref<2x128x128xf32, #tpu.memory_space<vmem>> -> memref<1x128x128xf32, #tpu.memory_space<vmem>>
          %dma_start3A_375 = tpu.memref_squeeze %dma_start3A_374 : memref<1x128x128xf32, #tpu.memory_space<vmem>> -> memref<128x128xf32, #tpu.memory_space<vmem>>
          %dma_start3A_376 = arith.constant 0 : i32
          %dma_start3A_377 = tpu.memref_slice %run_scoped3A_0[%add3A_369, %dma_start3A_376] : memref<164x128xi32, #tpu.memory_space<vmem>> -> memref<1x128xi32, #tpu.memory_space<vmem>>
          %dma_start3A_378 = tpu.memref_squeeze %dma_start3A_377 : memref<1x128xi32, #tpu.memory_space<vmem>> -> memref<128xi32, #tpu.memory_space<vmem>>
          %dma_start3A_379 = arith.constant 0 : i32
          %dma_start3A_380 = arith.constant 0 : i32
          %dma_start3A_381 = tpu.memref_slice %arg7[%dma_start3A_379, %dma_start3A_380] : memref<5376x128xf32, #tpu.memory_space<vmem_shared>> -> memref<5376x128xf32, #tpu.memory_space<vmem_shared>>
          tpu.enqueue_indirect_dma source(%dma_start3A_375 : memref<128x128xf32, #tpu.memory_space<vmem>>) target(%dma_start3A_381 : memref<5376x128xf32, #tpu.memory_space<vmem_shared>>) offsets(%dma_start3A_378 : memref<128xi32, #tpu.memory_space<vmem>>) semaphore(%run_scoped3A_371 : memref<!tpu.dma_semaphore, #tpu.memory_space<semaphore_mem>>) {add = true}
          %dma_wait3A_382 = arith.constant 0 : i32
          %dma_wait3A_383 = arith.constant 0 : i32
          %dma_wait3A_384 = tpu.memref_slice %run_scoped3A_1[%run_scoped3A_370, %dma_wait3A_382, %dma_wait3A_383] : memref<2x128x128xf32, #tpu.memory_space<vmem>> -> memref<1x128x128xf32, #tpu.memory_space<vmem>>
          %dma_wait3A_385 = tpu.memref_squeeze %dma_wait3A_384 : memref<1x128x128xf32, #tpu.memory_space<vmem>> -> memref<128x128xf32, #tpu.memory_space<vmem>>
          %dma_wait3A_386 = arith.constant 0 : i32
          %dma_wait3A_387 = tpu.memref_slice %run_scoped3A_0[%add3A_369, %dma_wait3A_386] : memref<164x128xi32, #tpu.memory_space<vmem>> -> memref<1x128xi32, #tpu.memory_space<vmem>>
          %dma_wait3A_388 = tpu.memref_squeeze %dma_wait3A_387 : memref<1x128xi32, #tpu.memory_space<vmem>> -> memref<128xi32, #tpu.memory_space<vmem>>
          %dma_wait3A_389 = arith.constant 0 : i32
          %dma_wait3A_390 = arith.constant 0 : i32
          %dma_wait3A_391 = tpu.memref_slice %arg7[%dma_wait3A_389, %dma_wait3A_390] : memref<5376x128xf32, #tpu.memory_space<vmem_shared>> -> memref<5376x128xf32, #tpu.memory_space<vmem_shared>>
          tpu.wait_indirect_dma semaphore(%run_scoped3A_371 : memref<!tpu.dma_semaphore, #tpu.memory_space<semaphore_mem>>) src(%dma_wait3A_385 : memref<128x128xf32, #tpu.memory_space<vmem>>) dst(%dma_wait3A_391 : memref<5376x128xf32, #tpu.memory_space<vmem_shared>>)
          tpu.yield
        }) : () -> ()
      }
      %barrier3A_274 = arith.constant 0 : index
      tpu.barrier barrier_id(%barrier3A_274)
      %mul3A_275 = arith.constant 336 : i32
      %mul3A_276 = arith.muli %arg1, %mul3A_275 : i32
      %mul3A_277 = arith.constant 336 : i32
      %mul3A_278 = arith.muli %arg1, %mul3A_277 : i32
      %run_scoped3A_279 = arith.constant 1 : i32
      "tpu.region"() ({
        %run_scoped3A_280 = tpu.sem_alloc : memref<!tpu.dma_semaphore, #tpu.memory_space<semaphore_mem>>
        %dma_start3A = arith.constant 0 : i32
        %dma_start3A_281 = tpu.memref_slice %arg6[%arg0, %run_scoped3A_279, %mul3A_278, %dma_start3A] : memref<2x2x5376x128xf32, #tpu.memory_space<hbm>> -> memref<1x1x336x128xf32, #tpu.memory_space<hbm>>
        %dma_start3A_282 = tpu.memref_squeeze %dma_start3A_281 : memref<1x1x336x128xf32, #tpu.memory_space<hbm>> -> memref<336x128xf32, #tpu.memory_space<hbm>>
        %dma_start3A_283 = arith.constant 0 : i32
        %dma_start3A_284 = tpu.memref_slice %arg7[%mul3A_276, %dma_start3A_283] : memref<5376x128xf32, #tpu.memory_space<vmem_shared>> -> memref<336x128xf32, #tpu.memory_space<vmem_shared>>
        tpu.enqueue_dma source(%dma_start3A_284 : memref<336x128xf32, #tpu.memory_space<vmem_shared>>) target(%dma_start3A_282 : memref<336x128xf32, #tpu.memory_space<hbm>>) target_semaphore(%run_scoped3A_280 : memref<!tpu.dma_semaphore, #tpu.memory_space<semaphore_mem>>)
        %dma_wait3A = arith.constant 0 : i32
        %dma_wait3A_285 = tpu.memref_slice %arg6[%arg0, %run_scoped3A_279, %mul3A_278, %dma_wait3A] : memref<2x2x5376x128xf32, #tpu.memory_space<hbm>> -> memref<1x1x336x128xf32, #tpu.memory_space<hbm>>
        %dma_wait3A_286 = tpu.memref_squeeze %dma_wait3A_285 : memref<1x1x336x128xf32, #tpu.memory_space<hbm>> -> memref<336x128xf32, #tpu.memory_space<hbm>>
        %dma_wait3A_287 = arith.constant 0 : i32
        %dma_wait3A_288 = tpu.memref_slice %arg7[%mul3A_276, %dma_wait3A_287] : memref<5376x128xf32, #tpu.memory_space<vmem_shared>> -> memref<336x128xf32, #tpu.memory_space<vmem_shared>>
        tpu.wait_dma2 semaphore(%run_scoped3A_280 : memref<!tpu.dma_semaphore, #tpu.memory_space<semaphore_mem>>) src(%dma_wait3A_288 : memref<336x128xf32, #tpu.memory_space<vmem_shared>>) dst(%dma_wait3A_286 : memref<336x128xf32, #tpu.memory_space<hbm>>)
        tpu.yield
      }) : () -> ()
      tpu.yield
    }) : () -> ()
    return
  }
}

#map = affine_map<(d0, d1) -> (0, 0)>
#map1 = affine_map<(d0, d1) -> (0, 0, 0, 0)>
#map2 = affine_map<(d0, d1) -> (0)>
#map3 = affine_map<(d0, d1) -> (0, 0, 0)>
module attributes {stable_mosaic.version = 14 : i64} {
  func.func @body(%arg0: i32, %arg1: i32, %arg2: memref<10240x128xf32, #tpu.memory_space<hbm>>, %arg3: memref<2x16x164x128xi32, #tpu.memory_space<hbm>>, %arg4: memref<2x16x164x128xi32, #tpu.memory_space<hbm>>, %arg5: memref<2048xi32, #tpu.memory_space<hbm>>, %arg6: memref<2x5376x128xf32, #tpu.memory_space<hbm>>, %arg7: memref<5376x128xf32, #tpu.memory_space<vmem_shared>>, %arg8: memref<2x!tpu.dma_semaphore, #tpu.memory_space<semaphore_mem>>) attributes {dimension_semantics = [#tpu.dimension_semantics<core_parallel>, #tpu.dimension_semantics<subcore_parallel>], iteration_bounds = array<i64: 2, 16>, scalar_prefetch = 0 : i64, scratch_operands = 2 : i64, tpu.core_type = #tpu.core_type<sc_vector_subcore>, window_params = [{transform_indices = #map}, {transform_indices = #map1}, {transform_indices = #map1}, {transform_indices = #map2}, {transform_indices = #map3}]} {
    "tpu.region"() ({
      %run_scoped3A = memref.alloca() : memref<164x128xi32, #tpu.memory_space<vmem>>
      %run_scoped3A_0 = memref.alloca() : memref<164x128xi32, #tpu.memory_space<vmem>>
      %run_scoped3A_1 = memref.alloca() : memref<2x128x128xf32, #tpu.memory_space<vmem>>
      %run_scoped3A_2 = memref.alloca() : memref<16x128xf32, #tpu.memory_space<vmem>>
      %run_scoped3A_3 = memref.alloca() : memref<128xi32, #tpu.memory_space<vmem>>
      %scan3A = arith.constant 0 : i32
      %scan3A_4 = arith.constant 128 : i32
      %scan3A_5 = arith.addi %scan3A, %scan3A_4 : i32
      %scan3A_6 = arith.constant 1 : i32
      scf.for %scan3A_143 = %scan3A to %scan3A_5 step %scan3A_6  : i32 {
        %mul3A_144 = arith.constant 1 : i32
        %mul3A_145 = arith.muli %scan3A_143, %mul3A_144 : i32
        %add3A_146 = arith.constant 0 : i32
        %add3A_147 = arith.addi %add3A_146, %mul3A_145 : i32
        %broadcast_in_dim3A_148 = arith.constant 0.000000e+00 : f32
        %broadcast_in_dim3A_149 = vector.broadcast %broadcast_in_dim3A_148 : f32 to vector<16xf32>
        %jit3A_150 = arith.constant 8 : i32
        %div3A_151 = arith.divsi %add3A_147, %jit3A_150 : i32
        %sign3A_152 = arith.constant 0 : i32
        %sign3A_153 = arith.cmpi sgt, %add3A_147, %sign3A_152 : i32
        %sign3A_154 = arith.extui %sign3A_153 : i1 to i32
        %sign3A_155 = arith.constant 0 : i32
        %sign3A_156 = arith.cmpi slt, %add3A_147, %sign3A_155 : i32
        %sign3A_157 = arith.extui %sign3A_156 : i1 to i32
        %sign3A_158 = arith.subi %sign3A_154, %sign3A_157 : i32
        %sign3A_159 = arith.constant 0 : i32
        %sign3A_160 = arith.cmpi sgt, %jit3A_150, %sign3A_159 : i32
        %sign3A_161 = arith.extui %sign3A_160 : i1 to i32
        %sign3A_162 = arith.constant 0 : i32
        %sign3A_163 = arith.cmpi slt, %jit3A_150, %sign3A_162 : i32
        %sign3A_164 = arith.extui %sign3A_163 : i1 to i32
        %sign3A_165 = arith.subi %sign3A_161, %sign3A_164 : i32
        %ne3A_166 = arith.cmpi ne, %sign3A_158, %sign3A_165 : i32
        %rem3A_167 = arith.remsi %add3A_147, %jit3A_150 : i32
        %ne3A_168 = arith.constant 0 : i32
        %ne3A_169 = arith.cmpi ne, %rem3A_167, %ne3A_168 : i32
        %and3A_170 = arith.andi %ne3A_166, %ne3A_169 : i1
        %sub3A_171 = arith.constant 1 : i32
        %sub3A_172 = arith.subi %div3A_151, %sub3A_171 : i32
        %select_n3A_173 = arith.select %and3A_170, %sub3A_172, %div3A_151 : i32
        %jit3A_174 = arith.constant 8 : i32
        %eq3A_175 = arith.constant 0 : i32
        %eq3A_176 = arith.cmpi eq, %jit3A_174, %eq3A_175 : i32
        %jit3A_177 = arith.constant 1 : i32
        %select_n3A_178 = arith.select %eq3A_176, %jit3A_177, %jit3A_174 : i32
        %rem3A_179 = arith.remsi %add3A_147, %select_n3A_178 : i32
        %ne3A_180 = arith.constant 0 : i32
        %ne3A_181 = arith.cmpi ne, %rem3A_179, %ne3A_180 : i32
        %lt3A = arith.constant 0 : i32
        %lt3A_182 = arith.cmpi slt, %rem3A_179, %lt3A : i32
        %lt3A_183 = arith.constant 0 : i32
        %lt3A_184 = arith.cmpi slt, %select_n3A_178, %lt3A_183 : i32
        %ne3A_185 = arith.xori %lt3A_182, %lt3A_184 : i1
        %and3A_186 = arith.andi %ne3A_185, %ne3A_181 : i1
        %add3A_187 = arith.addi %rem3A_179, %select_n3A_178 : i32
        %select_n3A_188 = arith.select %and3A_186, %add3A_187, %rem3A_179 : i32
        %mul3A_189 = arith.constant 16 : i32
        %mul3A_190 = arith.muli %select_n3A_188, %mul3A_189 : i32
        %swap3A = arith.index_cast %select_n3A_173 : i32 to index
        %swap3A_191 = arith.index_cast %mul3A_190 : i32 to index
        %swap3A_192 = tpu.vector_load %run_scoped3A_2[%swap3A, %swap3A_191] {strides = array<i32>} : memref<16x128xf32, #tpu.memory_space<vmem>>, vector<16xf32>,
        tpu.vector_store %run_scoped3A_2[%swap3A, %swap3A_191], %broadcast_in_dim3A_149 {strides = array<i32>} : memref<16x128xf32, #tpu.memory_space<vmem>>, vector<16xf32>,
      }
      %scan3A_7 = arith.constant 128 : i32
      "tpu.region"() ({
        %run_scoped3A_143 = tpu.sem_alloc : memref<!tpu.dma_semaphore, #tpu.memory_space<semaphore_mem>>
        %dma_start3A = arith.constant 0 : i32
        %dma_start3A_144 = arith.constant 0 : i32
        %dma_start3A_145 = tpu.memref_slice %arg3[%arg0, %arg1, %dma_start3A, %dma_start3A_144] : memref<2x16x164x128xi32, #tpu.memory_space<hbm>> -> memref<1x1x164x128xi32, #tpu.memory_space<hbm>>
        %dma_start3A_146 = tpu.memref_squeeze %dma_start3A_145 : memref<1x1x164x128xi32, #tpu.memory_space<hbm>> -> memref<164x128xi32, #tpu.memory_space<hbm>>
        %dma_start3A_147 = arith.constant 0 : i32
        %dma_start3A_148 = arith.constant 0 : i32
        %dma_start3A_149 = tpu.memref_slice %arg3[%arg0, %arg1, %dma_start3A_147, %dma_start3A_148] : memref<2x16x164x128xi32, #tpu.memory_space<hbm>> -> memref<1x1x164x128xi32, #tpu.memory_space<hbm>>
        %dma_start3A_150 = tpu.memref_squeeze %dma_start3A_149 : memref<1x1x164x128xi32, #tpu.memory_space<hbm>> -> memref<164x128xi32, #tpu.memory_space<hbm>>
        tpu.enqueue_dma source(%dma_start3A_150 : memref<164x128xi32, #tpu.memory_space<hbm>>) target(%run_scoped3A : memref<164x128xi32, #tpu.memory_space<vmem>>) target_semaphore(%run_scoped3A_143 : memref<!tpu.dma_semaphore, #tpu.memory_space<semaphore_mem>>)
        %dma_wait3A = arith.constant 0 : i32
        %dma_wait3A_151 = arith.constant 0 : i32
        %dma_wait3A_152 = tpu.memref_slice %arg3[%arg0, %arg1, %dma_wait3A, %dma_wait3A_151] : memref<2x16x164x128xi32, #tpu.memory_space<hbm>> -> memref<1x1x164x128xi32, #tpu.memory_space<hbm>>
        %dma_wait3A_153 = tpu.memref_squeeze %dma_wait3A_152 : memref<1x1x164x128xi32, #tpu.memory_space<hbm>> -> memref<164x128xi32, #tpu.memory_space<hbm>>
        %dma_wait3A_154 = arith.constant 0 : i32
        %dma_wait3A_155 = arith.constant 0 : i32
        %dma_wait3A_156 = tpu.memref_slice %arg3[%arg0, %arg1, %dma_wait3A_154, %dma_wait3A_155] : memref<2x16x164x128xi32, #tpu.memory_space<hbm>> -> memref<1x1x164x128xi32, #tpu.memory_space<hbm>>
        %dma_wait3A_157 = tpu.memref_squeeze %dma_wait3A_156 : memref<1x1x164x128xi32, #tpu.memory_space<hbm>> -> memref<164x128xi32, #tpu.memory_space<hbm>>
        tpu.wait_dma2 semaphore(%run_scoped3A_143 : memref<!tpu.dma_semaphore, #tpu.memory_space<semaphore_mem>>) src(%dma_wait3A_157 : memref<164x128xi32, #tpu.memory_space<hbm>>) dst(%run_scoped3A : memref<164x128xi32, #tpu.memory_space<vmem>>)
        tpu.yield
      }) : () -> ()
      "tpu.region"() ({
        %run_scoped3A_143 = tpu.sem_alloc : memref<!tpu.dma_semaphore, #tpu.memory_space<semaphore_mem>>
        %dma_start3A = arith.constant 0 : i32
        %dma_start3A_144 = arith.constant 0 : i32
        %dma_start3A_145 = tpu.memref_slice %arg4[%arg0, %arg1, %dma_start3A, %dma_start3A_144] : memref<2x16x164x128xi32, #tpu.memory_space<hbm>> -> memref<1x1x164x128xi32, #tpu.memory_space<hbm>>
        %dma_start3A_146 = tpu.memref_squeeze %dma_start3A_145 : memref<1x1x164x128xi32, #tpu.memory_space<hbm>> -> memref<164x128xi32, #tpu.memory_space<hbm>>
        %dma_start3A_147 = arith.constant 0 : i32
        %dma_start3A_148 = arith.constant 0 : i32
        %dma_start3A_149 = tpu.memref_slice %arg4[%arg0, %arg1, %dma_start3A_147, %dma_start3A_148] : memref<2x16x164x128xi32, #tpu.memory_space<hbm>> -> memref<1x1x164x128xi32, #tpu.memory_space<hbm>>
        %dma_start3A_150 = tpu.memref_squeeze %dma_start3A_149 : memref<1x1x164x128xi32, #tpu.memory_space<hbm>> -> memref<164x128xi32, #tpu.memory_space<hbm>>
        tpu.enqueue_dma source(%dma_start3A_150 : memref<164x128xi32, #tpu.memory_space<hbm>>) target(%run_scoped3A_0 : memref<164x128xi32, #tpu.memory_space<vmem>>) target_semaphore(%run_scoped3A_143 : memref<!tpu.dma_semaphore, #tpu.memory_space<semaphore_mem>>)
        %dma_wait3A = arith.constant 0 : i32
        %dma_wait3A_151 = arith.constant 0 : i32
        %dma_wait3A_152 = tpu.memref_slice %arg4[%arg0, %arg1, %dma_wait3A, %dma_wait3A_151] : memref<2x16x164x128xi32, #tpu.memory_space<hbm>> -> memref<1x1x164x128xi32, #tpu.memory_space<hbm>>
        %dma_wait3A_153 = tpu.memref_squeeze %dma_wait3A_152 : memref<1x1x164x128xi32, #tpu.memory_space<hbm>> -> memref<164x128xi32, #tpu.memory_space<hbm>>
        %dma_wait3A_154 = arith.constant 0 : i32
        %dma_wait3A_155 = arith.constant 0 : i32
        %dma_wait3A_156 = tpu.memref_slice %arg4[%arg0, %arg1, %dma_wait3A_154, %dma_wait3A_155] : memref<2x16x164x128xi32, #tpu.memory_space<hbm>> -> memref<1x1x164x128xi32, #tpu.memory_space<hbm>>
        %dma_wait3A_157 = tpu.memref_squeeze %dma_wait3A_156 : memref<1x1x164x128xi32, #tpu.memory_space<hbm>> -> memref<164x128xi32, #tpu.memory_space<hbm>>
        tpu.wait_dma2 semaphore(%run_scoped3A_143 : memref<!tpu.dma_semaphore, #tpu.memory_space<semaphore_mem>>) src(%dma_wait3A_157 : memref<164x128xi32, #tpu.memory_space<hbm>>) dst(%run_scoped3A_0 : memref<164x128xi32, #tpu.memory_space<vmem>>)
        tpu.yield
      }) : () -> ()
      %mul3A = arith.constant 128 : i32
      %mul3A_8 = arith.muli %arg1, %mul3A : i32
      "tpu.region"() ({
        %run_scoped3A_143 = tpu.sem_alloc : memref<!tpu.dma_semaphore, #tpu.memory_space<semaphore_mem>>
        %dma_start3A = tpu.memref_slice %arg5[%mul3A_8] : memref<2048xi32, #tpu.memory_space<hbm>> -> memref<128xi32, #tpu.memory_space<hbm>>
        %dma_start3A_144 = tpu.memref_slice %arg5[%mul3A_8] : memref<2048xi32, #tpu.memory_space<hbm>> -> memref<128xi32, #tpu.memory_space<hbm>>
        tpu.enqueue_dma source(%dma_start3A_144 : memref<128xi32, #tpu.memory_space<hbm>>) target(%run_scoped3A_3 : memref<128xi32, #tpu.memory_space<vmem>>) target_semaphore(%run_scoped3A_143 : memref<!tpu.dma_semaphore, #tpu.memory_space<semaphore_mem>>)
        %dma_wait3A = tpu.memref_slice %arg5[%mul3A_8] : memref<2048xi32, #tpu.memory_space<hbm>> -> memref<128xi32, #tpu.memory_space<hbm>>
        %dma_wait3A_145 = tpu.memref_slice %arg5[%mul3A_8] : memref<2048xi32, #tpu.memory_space<hbm>> -> memref<128xi32, #tpu.memory_space<hbm>>
        tpu.wait_dma2 semaphore(%run_scoped3A_143 : memref<!tpu.dma_semaphore, #tpu.memory_space<semaphore_mem>>) src(%dma_wait3A_145 : memref<128xi32, #tpu.memory_space<hbm>>) dst(%run_scoped3A_3 : memref<128xi32, #tpu.memory_space<vmem>>)
        tpu.yield
      }) : () -> ()
      %iota3A = tpu.iota {dimensions = array<i32: 0>} : vector<16xi32>
      %get3A = arith.constant 0 : index
      %get3A_9 = tpu.vector_load %run_scoped3A_3[%get3A] {strides = array<i32>} : memref<128xi32, #tpu.memory_space<vmem>>, vector<16xi32>,
      %eq3A = vector.broadcast %arg0 : i32 to vector<16xi32>
      %eq3A_10 = arith.cmpi eq, %iota3A, %eq3A : vector<16xi32>
      %jit3A = arith.constant 0 : i32
      %broadcast_in_dim3A = vector.broadcast %jit3A : i32 to vector<16xi32>
      %select_n3A = arith.select %eq3A_10, %get3A_9, %broadcast_in_dim3A : vector<16xi1>, vector<16xi32>
      %reduce_max3A = arith.constant true
      %reduce_max3A_11 = vector.broadcast %reduce_max3A : i1 to vector<16xi1>
      %reduce_max3A_12 = arith.constant -2147483648 : i32
      %reduce_max3A_13 = vector.broadcast %reduce_max3A_12 : i32 to vector<16xi32>
      %reduce_max3A_14 = arith.xori %select_n3A, %reduce_max3A_13 : vector<16xi32>
      %reduce_max3A_15 = tpu.scan <max>, %reduce_max3A_14 masked %reduce_max3A_11 : vector<16xi32>, vector<16xi1> -> vector<16xi32>
      %reduce_max3A_16 = arith.xori %reduce_max3A_15, %reduce_max3A_13 : vector<16xi32>
      %reduce_max3A_17 = vector.extract %reduce_max3A_16[15] : i32 from vector<16xi32>
      %min3A = arith.constant 164 : i32
      %min3A_18 = arith.minsi %reduce_max3A_17, %min3A : i32
      %mul3A_19 = arith.constant 336 : i32
      %mul3A_20 = arith.muli %arg1, %mul3A_19 : i32
      %add3A = arith.constant 0 : i32
      %add3A_21 = arith.addi %mul3A_20, %add3A : i32
      "tpu.region"() ({
        %run_scoped3A_143 = tpu.sem_alloc : memref<!tpu.dma_semaphore, #tpu.memory_space<semaphore_mem>>
        %dma_start3A = arith.constant 0 : i32
        %dma_start3A_144 = tpu.memref_slice %arg7[%add3A_21, %dma_start3A] : memref<5376x128xf32, #tpu.memory_space<vmem_shared>> -> memref<16x128xf32, #tpu.memory_space<vmem_shared>>
        %dma_start3A_145 = arith.constant 0 : i32
        %dma_start3A_146 = tpu.memref_slice %arg7[%add3A_21, %dma_start3A_145] : memref<5376x128xf32, #tpu.memory_space<vmem_shared>> -> memref<16x128xf32, #tpu.memory_space<vmem_shared>>
        tpu.enqueue_dma source(%run_scoped3A_2 : memref<16x128xf32, #tpu.memory_space<vmem>>) target(%dma_start3A_146 : memref<16x128xf32, #tpu.memory_space<vmem_shared>>) target_semaphore(%run_scoped3A_143 : memref<!tpu.dma_semaphore, #tpu.memory_space<semaphore_mem>>)
        %dma_wait3A = arith.constant 0 : i32
        %dma_wait3A_147 = tpu.memref_slice %arg7[%add3A_21, %dma_wait3A] : memref<5376x128xf32, #tpu.memory_space<vmem_shared>> -> memref<16x128xf32, #tpu.memory_space<vmem_shared>>
        %dma_wait3A_148 = arith.constant 0 : i32
        %dma_wait3A_149 = tpu.memref_slice %arg7[%add3A_21, %dma_wait3A_148] : memref<5376x128xf32, #tpu.memory_space<vmem_shared>> -> memref<16x128xf32, #tpu.memory_space<vmem_shared>>
        tpu.wait_dma2 semaphore(%run_scoped3A_143 : memref<!tpu.dma_semaphore, #tpu.memory_space<semaphore_mem>>) src(%run_scoped3A_2 : memref<16x128xf32, #tpu.memory_space<vmem>>) dst(%dma_wait3A_149 : memref<16x128xf32, #tpu.memory_space<vmem_shared>>)
        tpu.yield
      }) : () -> ()
      %mul3A_22 = arith.constant 336 : i32
      %mul3A_23 = arith.muli %arg1, %mul3A_22 : i32
      %add3A_24 = arith.constant 16 : i32
      %add3A_25 = arith.addi %mul3A_23, %add3A_24 : i32
      "tpu.region"() ({
        %run_scoped3A_143 = tpu.sem_alloc : memref<!tpu.dma_semaphore, #tpu.memory_space<semaphore_mem>>
        %dma_start3A = arith.constant 0 : i32
        %dma_start3A_144 = tpu.memref_slice %arg7[%add3A_25, %dma_start3A] : memref<5376x128xf32, #tpu.memory_space<vmem_shared>> -> memref<16x128xf32, #tpu.memory_space<vmem_shared>>
        %dma_start3A_145 = arith.constant 0 : i32
        %dma_start3A_146 = tpu.memref_slice %arg7[%add3A_25, %dma_start3A_145] : memref<5376x128xf32, #tpu.memory_space<vmem_shared>> -> memref<16x128xf32, #tpu.memory_space<vmem_shared>>
        tpu.enqueue_dma source(%run_scoped3A_2 : memref<16x128xf32, #tpu.memory_space<vmem>>) target(%dma_start3A_146 : memref<16x128xf32, #tpu.memory_space<vmem_shared>>) target_semaphore(%run_scoped3A_143 : memref<!tpu.dma_semaphore, #tpu.memory_space<semaphore_mem>>)
        %dma_wait3A = arith.constant 0 : i32
        %dma_wait3A_147 = tpu.memref_slice %arg7[%add3A_25, %dma_wait3A] : memref<5376x128xf32, #tpu.memory_space<vmem_shared>> -> memref<16x128xf32, #tpu.memory_space<vmem_shared>>
        %dma_wait3A_148 = arith.constant 0 : i32
        %dma_wait3A_149 = tpu.memref_slice %arg7[%add3A_25, %dma_wait3A_148] : memref<5376x128xf32, #tpu.memory_space<vmem_shared>> -> memref<16x128xf32, #tpu.memory_space<vmem_shared>>
        tpu.wait_dma2 semaphore(%run_scoped3A_143 : memref<!tpu.dma_semaphore, #tpu.memory_space<semaphore_mem>>) src(%run_scoped3A_2 : memref<16x128xf32, #tpu.memory_space<vmem>>) dst(%dma_wait3A_149 : memref<16x128xf32, #tpu.memory_space<vmem_shared>>)
        tpu.yield
      }) : () -> ()
      %mul3A_26 = arith.constant 336 : i32
      %mul3A_27 = arith.muli %arg1, %mul3A_26 : i32
      %add3A_28 = arith.constant 32 : i32
      %add3A_29 = arith.addi %mul3A_27, %add3A_28 : i32
      "tpu.region"() ({
        %run_scoped3A_143 = tpu.sem_alloc : memref<!tpu.dma_semaphore, #tpu.memory_space<semaphore_mem>>
        %dma_start3A = arith.constant 0 : i32
        %dma_start3A_144 = tpu.memref_slice %arg7[%add3A_29, %dma_start3A] : memref<5376x128xf32, #tpu.memory_space<vmem_shared>> -> memref<16x128xf32, #tpu.memory_space<vmem_shared>>
        %dma_start3A_145 = arith.constant 0 : i32
        %dma_start3A_146 = tpu.memref_slice %arg7[%add3A_29, %dma_start3A_145] : memref<5376x128xf32, #tpu.memory_space<vmem_shared>> -> memref<16x128xf32, #tpu.memory_space<vmem_shared>>
        tpu.enqueue_dma source(%run_scoped3A_2 : memref<16x128xf32, #tpu.memory_space<vmem>>) target(%dma_start3A_146 : memref<16x128xf32, #tpu.memory_space<vmem_shared>>) target_semaphore(%run_scoped3A_143 : memref<!tpu.dma_semaphore, #tpu.memory_space<semaphore_mem>>)
        %dma_wait3A = arith.constant 0 : i32
        %dma_wait3A_147 = tpu.memref_slice %arg7[%add3A_29, %dma_wait3A] : memref<5376x128xf32, #tpu.memory_space<vmem_shared>> -> memref<16x128xf32, #tpu.memory_space<vmem_shared>>
        %dma_wait3A_148 = arith.constant 0 : i32
        %dma_wait3A_149 = tpu.memref_slice %arg7[%add3A_29, %dma_wait3A_148] : memref<5376x128xf32, #tpu.memory_space<vmem_shared>> -> memref<16x128xf32, #tpu.memory_space<vmem_shared>>
        tpu.wait_dma2 semaphore(%run_scoped3A_143 : memref<!tpu.dma_semaphore, #tpu.memory_space<semaphore_mem>>) src(%run_scoped3A_2 : memref<16x128xf32, #tpu.memory_space<vmem>>) dst(%dma_wait3A_149 : memref<16x128xf32, #tpu.memory_space<vmem_shared>>)
        tpu.yield
      }) : () -> ()
      %mul3A_30 = arith.constant 336 : i32
      %mul3A_31 = arith.muli %arg1, %mul3A_30 : i32
      %add3A_32 = arith.constant 48 : i32
      %add3A_33 = arith.addi %mul3A_31, %add3A_32 : i32
      "tpu.region"() ({
        %run_scoped3A_143 = tpu.sem_alloc : memref<!tpu.dma_semaphore, #tpu.memory_space<semaphore_mem>>
        %dma_start3A = arith.constant 0 : i32
        %dma_start3A_144 = tpu.memref_slice %arg7[%add3A_33, %dma_start3A] : memref<5376x128xf32, #tpu.memory_space<vmem_shared>> -> memref<16x128xf32, #tpu.memory_space<vmem_shared>>
        %dma_start3A_145 = arith.constant 0 : i32
        %dma_start3A_146 = tpu.memref_slice %arg7[%add3A_33, %dma_start3A_145] : memref<5376x128xf32, #tpu.memory_space<vmem_shared>> -> memref<16x128xf32, #tpu.memory_space<vmem_shared>>
        tpu.enqueue_dma source(%run_scoped3A_2 : memref<16x128xf32, #tpu.memory_space<vmem>>) target(%dma_start3A_146 : memref<16x128xf32, #tpu.memory_space<vmem_shared>>) target_semaphore(%run_scoped3A_143 : memref<!tpu.dma_semaphore, #tpu.memory_space<semaphore_mem>>)
        %dma_wait3A = arith.constant 0 : i32
        %dma_wait3A_147 = tpu.memref_slice %arg7[%add3A_33, %dma_wait3A] : memref<5376x128xf32, #tpu.memory_space<vmem_shared>> -> memref<16x128xf32, #tpu.memory_space<vmem_shared>>
        %dma_wait3A_148 = arith.constant 0 : i32
        %dma_wait3A_149 = tpu.memref_slice %arg7[%add3A_33, %dma_wait3A_148] : memref<5376x128xf32, #tpu.memory_space<vmem_shared>> -> memref<16x128xf32, #tpu.memory_space<vmem_shared>>
        tpu.wait_dma2 semaphore(%run_scoped3A_143 : memref<!tpu.dma_semaphore, #tpu.memory_space<semaphore_mem>>) src(%run_scoped3A_2 : memref<16x128xf32, #tpu.memory_space<vmem>>) dst(%dma_wait3A_149 : memref<16x128xf32, #tpu.memory_space<vmem_shared>>)
        tpu.yield
      }) : () -> ()
      %mul3A_34 = arith.constant 336 : i32
      %mul3A_35 = arith.muli %arg1, %mul3A_34 : i32
      %add3A_36 = arith.constant 64 : i32
      %add3A_37 = arith.addi %mul3A_35, %add3A_36 : i32
      "tpu.region"() ({
        %run_scoped3A_143 = tpu.sem_alloc : memref<!tpu.dma_semaphore, #tpu.memory_space<semaphore_mem>>
        %dma_start3A = arith.constant 0 : i32
        %dma_start3A_144 = tpu.memref_slice %arg7[%add3A_37, %dma_start3A] : memref<5376x128xf32, #tpu.memory_space<vmem_shared>> -> memref<16x128xf32, #tpu.memory_space<vmem_shared>>
        %dma_start3A_145 = arith.constant 0 : i32
        %dma_start3A_146 = tpu.memref_slice %arg7[%add3A_37, %dma_start3A_145] : memref<5376x128xf32, #tpu.memory_space<vmem_shared>> -> memref<16x128xf32, #tpu.memory_space<vmem_shared>>
        tpu.enqueue_dma source(%run_scoped3A_2 : memref<16x128xf32, #tpu.memory_space<vmem>>) target(%dma_start3A_146 : memref<16x128xf32, #tpu.memory_space<vmem_shared>>) target_semaphore(%run_scoped3A_143 : memref<!tpu.dma_semaphore, #tpu.memory_space<semaphore_mem>>)
        %dma_wait3A = arith.constant 0 : i32
        %dma_wait3A_147 = tpu.memref_slice %arg7[%add3A_37, %dma_wait3A] : memref<5376x128xf32, #tpu.memory_space<vmem_shared>> -> memref<16x128xf32, #tpu.memory_space<vmem_shared>>
        %dma_wait3A_148 = arith.constant 0 : i32
        %dma_wait3A_149 = tpu.memref_slice %arg7[%add3A_37, %dma_wait3A_148] : memref<5376x128xf32, #tpu.memory_space<vmem_shared>> -> memref<16x128xf32, #tpu.memory_space<vmem_shared>>
        tpu.wait_dma2 semaphore(%run_scoped3A_143 : memref<!tpu.dma_semaphore, #tpu.memory_space<semaphore_mem>>) src(%run_scoped3A_2 : memref<16x128xf32, #tpu.memory_space<vmem>>) dst(%dma_wait3A_149 : memref<16x128xf32, #tpu.memory_space<vmem_shared>>)
        tpu.yield
      }) : () -> ()
      %mul3A_38 = arith.constant 336 : i32
      %mul3A_39 = arith.muli %arg1, %mul3A_38 : i32
      %add3A_40 = arith.constant 80 : i32
      %add3A_41 = arith.addi %mul3A_39, %add3A_40 : i32
      "tpu.region"() ({
        %run_scoped3A_143 = tpu.sem_alloc : memref<!tpu.dma_semaphore, #tpu.memory_space<semaphore_mem>>
        %dma_start3A = arith.constant 0 : i32
        %dma_start3A_144 = tpu.memref_slice %arg7[%add3A_41, %dma_start3A] : memref<5376x128xf32, #tpu.memory_space<vmem_shared>> -> memref<16x128xf32, #tpu.memory_space<vmem_shared>>
        %dma_start3A_145 = arith.constant 0 : i32
        %dma_start3A_146 = tpu.memref_slice %arg7[%add3A_41, %dma_start3A_145] : memref<5376x128xf32, #tpu.memory_space<vmem_shared>> -> memref<16x128xf32, #tpu.memory_space<vmem_shared>>
        tpu.enqueue_dma source(%run_scoped3A_2 : memref<16x128xf32, #tpu.memory_space<vmem>>) target(%dma_start3A_146 : memref<16x128xf32, #tpu.memory_space<vmem_shared>>) target_semaphore(%run_scoped3A_143 : memref<!tpu.dma_semaphore, #tpu.memory_space<semaphore_mem>>)
        %dma_wait3A = arith.constant 0 : i32
        %dma_wait3A_147 = tpu.memref_slice %arg7[%add3A_41, %dma_wait3A] : memref<5376x128xf32, #tpu.memory_space<vmem_shared>> -> memref<16x128xf32, #tpu.memory_space<vmem_shared>>
        %dma_wait3A_148 = arith.constant 0 : i32
        %dma_wait3A_149 = tpu.memref_slice %arg7[%add3A_41, %dma_wait3A_148] : memref<5376x128xf32, #tpu.memory_space<vmem_shared>> -> memref<16x128xf32, #tpu.memory_space<vmem_shared>>
        tpu.wait_dma2 semaphore(%run_scoped3A_143 : memref<!tpu.dma_semaphore, #tpu.memory_space<semaphore_mem>>) src(%run_scoped3A_2 : memref<16x128xf32, #tpu.memory_space<vmem>>) dst(%dma_wait3A_149 : memref<16x128xf32, #tpu.memory_space<vmem_shared>>)
        tpu.yield
      }) : () -> ()
      %mul3A_42 = arith.constant 336 : i32
      %mul3A_43 = arith.muli %arg1, %mul3A_42 : i32
      %add3A_44 = arith.constant 96 : i32
      %add3A_45 = arith.addi %mul3A_43, %add3A_44 : i32
      "tpu.region"() ({
        %run_scoped3A_143 = tpu.sem_alloc : memref<!tpu.dma_semaphore, #tpu.memory_space<semaphore_mem>>
        %dma_start3A = arith.constant 0 : i32
        %dma_start3A_144 = tpu.memref_slice %arg7[%add3A_45, %dma_start3A] : memref<5376x128xf32, #tpu.memory_space<vmem_shared>> -> memref<16x128xf32, #tpu.memory_space<vmem_shared>>
        %dma_start3A_145 = arith.constant 0 : i32
        %dma_start3A_146 = tpu.memref_slice %arg7[%add3A_45, %dma_start3A_145] : memref<5376x128xf32, #tpu.memory_space<vmem_shared>> -> memref<16x128xf32, #tpu.memory_space<vmem_shared>>
        tpu.enqueue_dma source(%run_scoped3A_2 : memref<16x128xf32, #tpu.memory_space<vmem>>) target(%dma_start3A_146 : memref<16x128xf32, #tpu.memory_space<vmem_shared>>) target_semaphore(%run_scoped3A_143 : memref<!tpu.dma_semaphore, #tpu.memory_space<semaphore_mem>>)
        %dma_wait3A = arith.constant 0 : i32
        %dma_wait3A_147 = tpu.memref_slice %arg7[%add3A_45, %dma_wait3A] : memref<5376x128xf32, #tpu.memory_space<vmem_shared>> -> memref<16x128xf32, #tpu.memory_space<vmem_shared>>
        %dma_wait3A_148 = arith.constant 0 : i32
        %dma_wait3A_149 = tpu.memref_slice %arg7[%add3A_45, %dma_wait3A_148] : memref<5376x128xf32, #tpu.memory_space<vmem_shared>> -> memref<16x128xf32, #tpu.memory_space<vmem_shared>>
        tpu.wait_dma2 semaphore(%run_scoped3A_143 : memref<!tpu.dma_semaphore, #tpu.memory_space<semaphore_mem>>) src(%run_scoped3A_2 : memref<16x128xf32, #tpu.memory_space<vmem>>) dst(%dma_wait3A_149 : memref<16x128xf32, #tpu.memory_space<vmem_shared>>)
        tpu.yield
      }) : () -> ()
      %mul3A_46 = arith.constant 336 : i32
      %mul3A_47 = arith.muli %arg1, %mul3A_46 : i32
      %add3A_48 = arith.constant 112 : i32
      %add3A_49 = arith.addi %mul3A_47, %add3A_48 : i32
      "tpu.region"() ({
        %run_scoped3A_143 = tpu.sem_alloc : memref<!tpu.dma_semaphore, #tpu.memory_space<semaphore_mem>>
        %dma_start3A = arith.constant 0 : i32
        %dma_start3A_144 = tpu.memref_slice %arg7[%add3A_49, %dma_start3A] : memref<5376x128xf32, #tpu.memory_space<vmem_shared>> -> memref<16x128xf32, #tpu.memory_space<vmem_shared>>
        %dma_start3A_145 = arith.constant 0 : i32
        %dma_start3A_146 = tpu.memref_slice %arg7[%add3A_49, %dma_start3A_145] : memref<5376x128xf32, #tpu.memory_space<vmem_shared>> -> memref<16x128xf32, #tpu.memory_space<vmem_shared>>
        tpu.enqueue_dma source(%run_scoped3A_2 : memref<16x128xf32, #tpu.memory_space<vmem>>) target(%dma_start3A_146 : memref<16x128xf32, #tpu.memory_space<vmem_shared>>) target_semaphore(%run_scoped3A_143 : memref<!tpu.dma_semaphore, #tpu.memory_space<semaphore_mem>>)
        %dma_wait3A = arith.constant 0 : i32
        %dma_wait3A_147 = tpu.memref_slice %arg7[%add3A_49, %dma_wait3A] : memref<5376x128xf32, #tpu.memory_space<vmem_shared>> -> memref<16x128xf32, #tpu.memory_space<vmem_shared>>
        %dma_wait3A_148 = arith.constant 0 : i32
        %dma_wait3A_149 = tpu.memref_slice %arg7[%add3A_49, %dma_wait3A_148] : memref<5376x128xf32, #tpu.memory_space<vmem_shared>> -> memref<16x128xf32, #tpu.memory_space<vmem_shared>>
        tpu.wait_dma2 semaphore(%run_scoped3A_143 : memref<!tpu.dma_semaphore, #tpu.memory_space<semaphore_mem>>) src(%run_scoped3A_2 : memref<16x128xf32, #tpu.memory_space<vmem>>) dst(%dma_wait3A_149 : memref<16x128xf32, #tpu.memory_space<vmem_shared>>)
        tpu.yield
      }) : () -> ()
      %mul3A_50 = arith.constant 336 : i32
      %mul3A_51 = arith.muli %arg1, %mul3A_50 : i32
      %add3A_52 = arith.constant 128 : i32
      %add3A_53 = arith.addi %mul3A_51, %add3A_52 : i32
      "tpu.region"() ({
        %run_scoped3A_143 = tpu.sem_alloc : memref<!tpu.dma_semaphore, #tpu.memory_space<semaphore_mem>>
        %dma_start3A = arith.constant 0 : i32
        %dma_start3A_144 = tpu.memref_slice %arg7[%add3A_53, %dma_start3A] : memref<5376x128xf32, #tpu.memory_space<vmem_shared>> -> memref<16x128xf32, #tpu.memory_space<vmem_shared>>
        %dma_start3A_145 = arith.constant 0 : i32
        %dma_start3A_146 = tpu.memref_slice %arg7[%add3A_53, %dma_start3A_145] : memref<5376x128xf32, #tpu.memory_space<vmem_shared>> -> memref<16x128xf32, #tpu.memory_space<vmem_shared>>
        tpu.enqueue_dma source(%run_scoped3A_2 : memref<16x128xf32, #tpu.memory_space<vmem>>) target(%dma_start3A_146 : memref<16x128xf32, #tpu.memory_space<vmem_shared>>) target_semaphore(%run_scoped3A_143 : memref<!tpu.dma_semaphore, #tpu.memory_space<semaphore_mem>>)
        %dma_wait3A = arith.constant 0 : i32
        %dma_wait3A_147 = tpu.memref_slice %arg7[%add3A_53, %dma_wait3A] : memref<5376x128xf32, #tpu.memory_space<vmem_shared>> -> memref<16x128xf32, #tpu.memory_space<vmem_shared>>
        %dma_wait3A_148 = arith.constant 0 : i32
        %dma_wait3A_149 = tpu.memref_slice %arg7[%add3A_53, %dma_wait3A_148] : memref<5376x128xf32, #tpu.memory_space<vmem_shared>> -> memref<16x128xf32, #tpu.memory_space<vmem_shared>>
        tpu.wait_dma2 semaphore(%run_scoped3A_143 : memref<!tpu.dma_semaphore, #tpu.memory_space<semaphore_mem>>) src(%run_scoped3A_2 : memref<16x128xf32, #tpu.memory_space<vmem>>) dst(%dma_wait3A_149 : memref<16x128xf32, #tpu.memory_space<vmem_shared>>)
        tpu.yield
      }) : () -> ()
      %mul3A_54 = arith.constant 336 : i32
      %mul3A_55 = arith.muli %arg1, %mul3A_54 : i32
      %add3A_56 = arith.constant 144 : i32
      %add3A_57 = arith.addi %mul3A_55, %add3A_56 : i32
      "tpu.region"() ({
        %run_scoped3A_143 = tpu.sem_alloc : memref<!tpu.dma_semaphore, #tpu.memory_space<semaphore_mem>>
        %dma_start3A = arith.constant 0 : i32
        %dma_start3A_144 = tpu.memref_slice %arg7[%add3A_57, %dma_start3A] : memref<5376x128xf32, #tpu.memory_space<vmem_shared>> -> memref<16x128xf32, #tpu.memory_space<vmem_shared>>
        %dma_start3A_145 = arith.constant 0 : i32
        %dma_start3A_146 = tpu.memref_slice %arg7[%add3A_57, %dma_start3A_145] : memref<5376x128xf32, #tpu.memory_space<vmem_shared>> -> memref<16x128xf32, #tpu.memory_space<vmem_shared>>
        tpu.enqueue_dma source(%run_scoped3A_2 : memref<16x128xf32, #tpu.memory_space<vmem>>) target(%dma_start3A_146 : memref<16x128xf32, #tpu.memory_space<vmem_shared>>) target_semaphore(%run_scoped3A_143 : memref<!tpu.dma_semaphore, #tpu.memory_space<semaphore_mem>>)
        %dma_wait3A = arith.constant 0 : i32
        %dma_wait3A_147 = tpu.memref_slice %arg7[%add3A_57, %dma_wait3A] : memref<5376x128xf32, #tpu.memory_space<vmem_shared>> -> memref<16x128xf32, #tpu.memory_space<vmem_shared>>
        %dma_wait3A_148 = arith.constant 0 : i32
        %dma_wait3A_149 = tpu.memref_slice %arg7[%add3A_57, %dma_wait3A_148] : memref<5376x128xf32, #tpu.memory_space<vmem_shared>> -> memref<16x128xf32, #tpu.memory_space<vmem_shared>>
        tpu.wait_dma2 semaphore(%run_scoped3A_143 : memref<!tpu.dma_semaphore, #tpu.memory_space<semaphore_mem>>) src(%run_scoped3A_2 : memref<16x128xf32, #tpu.memory_space<vmem>>) dst(%dma_wait3A_149 : memref<16x128xf32, #tpu.memory_space<vmem_shared>>)
        tpu.yield
      }) : () -> ()
      %mul3A_58 = arith.constant 336 : i32
      %mul3A_59 = arith.muli %arg1, %mul3A_58 : i32
      %add3A_60 = arith.constant 160 : i32
      %add3A_61 = arith.addi %mul3A_59, %add3A_60 : i32
      "tpu.region"() ({
        %run_scoped3A_143 = tpu.sem_alloc : memref<!tpu.dma_semaphore, #tpu.memory_space<semaphore_mem>>
        %dma_start3A = arith.constant 0 : i32
        %dma_start3A_144 = tpu.memref_slice %arg7[%add3A_61, %dma_start3A] : memref<5376x128xf32, #tpu.memory_space<vmem_shared>> -> memref<16x128xf32, #tpu.memory_space<vmem_shared>>
        %dma_start3A_145 = arith.constant 0 : i32
        %dma_start3A_146 = tpu.memref_slice %arg7[%add3A_61, %dma_start3A_145] : memref<5376x128xf32, #tpu.memory_space<vmem_shared>> -> memref<16x128xf32, #tpu.memory_space<vmem_shared>>
        tpu.enqueue_dma source(%run_scoped3A_2 : memref<16x128xf32, #tpu.memory_space<vmem>>) target(%dma_start3A_146 : memref<16x128xf32, #tpu.memory_space<vmem_shared>>) target_semaphore(%run_scoped3A_143 : memref<!tpu.dma_semaphore, #tpu.memory_space<semaphore_mem>>)
        %dma_wait3A = arith.constant 0 : i32
        %dma_wait3A_147 = tpu.memref_slice %arg7[%add3A_61, %dma_wait3A] : memref<5376x128xf32, #tpu.memory_space<vmem_shared>> -> memref<16x128xf32, #tpu.memory_space<vmem_shared>>
        %dma_wait3A_148 = arith.constant 0 : i32
        %dma_wait3A_149 = tpu.memref_slice %arg7[%add3A_61, %dma_wait3A_148] : memref<5376x128xf32, #tpu.memory_space<vmem_shared>> -> memref<16x128xf32, #tpu.memory_space<vmem_shared>>
        tpu.wait_dma2 semaphore(%run_scoped3A_143 : memref<!tpu.dma_semaphore, #tpu.memory_space<semaphore_mem>>) src(%run_scoped3A_2 : memref<16x128xf32, #tpu.memory_space<vmem>>) dst(%dma_wait3A_149 : memref<16x128xf32, #tpu.memory_space<vmem_shared>>)
        tpu.yield
      }) : () -> ()
      %mul3A_62 = arith.constant 336 : i32
      %mul3A_63 = arith.muli %arg1, %mul3A_62 : i32
      %add3A_64 = arith.constant 176 : i32
      %add3A_65 = arith.addi %mul3A_63, %add3A_64 : i32
      "tpu.region"() ({
        %run_scoped3A_143 = tpu.sem_alloc : memref<!tpu.dma_semaphore, #tpu.memory_space<semaphore_mem>>
        %dma_start3A = arith.constant 0 : i32
        %dma_start3A_144 = tpu.memref_slice %arg7[%add3A_65, %dma_start3A] : memref<5376x128xf32, #tpu.memory_space<vmem_shared>> -> memref<16x128xf32, #tpu.memory_space<vmem_shared>>
        %dma_start3A_145 = arith.constant 0 : i32
        %dma_start3A_146 = tpu.memref_slice %arg7[%add3A_65, %dma_start3A_145] : memref<5376x128xf32, #tpu.memory_space<vmem_shared>> -> memref<16x128xf32, #tpu.memory_space<vmem_shared>>
        tpu.enqueue_dma source(%run_scoped3A_2 : memref<16x128xf32, #tpu.memory_space<vmem>>) target(%dma_start3A_146 : memref<16x128xf32, #tpu.memory_space<vmem_shared>>) target_semaphore(%run_scoped3A_143 : memref<!tpu.dma_semaphore, #tpu.memory_space<semaphore_mem>>)
        %dma_wait3A = arith.constant 0 : i32
        %dma_wait3A_147 = tpu.memref_slice %arg7[%add3A_65, %dma_wait3A] : memref<5376x128xf32, #tpu.memory_space<vmem_shared>> -> memref<16x128xf32, #tpu.memory_space<vmem_shared>>
        %dma_wait3A_148 = arith.constant 0 : i32
        %dma_wait3A_149 = tpu.memref_slice %arg7[%add3A_65, %dma_wait3A_148] : memref<5376x128xf32, #tpu.memory_space<vmem_shared>> -> memref<16x128xf32, #tpu.memory_space<vmem_shared>>
        tpu.wait_dma2 semaphore(%run_scoped3A_143 : memref<!tpu.dma_semaphore, #tpu.memory_space<semaphore_mem>>) src(%run_scoped3A_2 : memref<16x128xf32, #tpu.memory_space<vmem>>) dst(%dma_wait3A_149 : memref<16x128xf32, #tpu.memory_space<vmem_shared>>)
        tpu.yield
      }) : () -> ()
      %mul3A_66 = arith.constant 336 : i32
      %mul3A_67 = arith.muli %arg1, %mul3A_66 : i32
      %add3A_68 = arith.constant 192 : i32
      %add3A_69 = arith.addi %mul3A_67, %add3A_68 : i32
      "tpu.region"() ({
        %run_scoped3A_143 = tpu.sem_alloc : memref<!tpu.dma_semaphore, #tpu.memory_space<semaphore_mem>>
        %dma_start3A = arith.constant 0 : i32
        %dma_start3A_144 = tpu.memref_slice %arg7[%add3A_69, %dma_start3A] : memref<5376x128xf32, #tpu.memory_space<vmem_shared>> -> memref<16x128xf32, #tpu.memory_space<vmem_shared>>
        %dma_start3A_145 = arith.constant 0 : i32
        %dma_start3A_146 = tpu.memref_slice %arg7[%add3A_69, %dma_start3A_145] : memref<5376x128xf32, #tpu.memory_space<vmem_shared>> -> memref<16x128xf32, #tpu.memory_space<vmem_shared>>
        tpu.enqueue_dma source(%run_scoped3A_2 : memref<16x128xf32, #tpu.memory_space<vmem>>) target(%dma_start3A_146 : memref<16x128xf32, #tpu.memory_space<vmem_shared>>) target_semaphore(%run_scoped3A_143 : memref<!tpu.dma_semaphore, #tpu.memory_space<semaphore_mem>>)
        %dma_wait3A = arith.constant 0 : i32
        %dma_wait3A_147 = tpu.memref_slice %arg7[%add3A_69, %dma_wait3A] : memref<5376x128xf32, #tpu.memory_space<vmem_shared>> -> memref<16x128xf32, #tpu.memory_space<vmem_shared>>
        %dma_wait3A_148 = arith.constant 0 : i32
        %dma_wait3A_149 = tpu.memref_slice %arg7[%add3A_69, %dma_wait3A_148] : memref<5376x128xf32, #tpu.memory_space<vmem_shared>> -> memref<16x128xf32, #tpu.memory_space<vmem_shared>>
        tpu.wait_dma2 semaphore(%run_scoped3A_143 : memref<!tpu.dma_semaphore, #tpu.memory_space<semaphore_mem>>) src(%run_scoped3A_2 : memref<16x128xf32, #tpu.memory_space<vmem>>) dst(%dma_wait3A_149 : memref<16x128xf32, #tpu.memory_space<vmem_shared>>)
        tpu.yield
      }) : () -> ()
      %mul3A_70 = arith.constant 336 : i32
      %mul3A_71 = arith.muli %arg1, %mul3A_70 : i32
      %add3A_72 = arith.constant 208 : i32
      %add3A_73 = arith.addi %mul3A_71, %add3A_72 : i32
      "tpu.region"() ({
        %run_scoped3A_143 = tpu.sem_alloc : memref<!tpu.dma_semaphore, #tpu.memory_space<semaphore_mem>>
        %dma_start3A = arith.constant 0 : i32
        %dma_start3A_144 = tpu.memref_slice %arg7[%add3A_73, %dma_start3A] : memref<5376x128xf32, #tpu.memory_space<vmem_shared>> -> memref<16x128xf32, #tpu.memory_space<vmem_shared>>
        %dma_start3A_145 = arith.constant 0 : i32
        %dma_start3A_146 = tpu.memref_slice %arg7[%add3A_73, %dma_start3A_145] : memref<5376x128xf32, #tpu.memory_space<vmem_shared>> -> memref<16x128xf32, #tpu.memory_space<vmem_shared>>
        tpu.enqueue_dma source(%run_scoped3A_2 : memref<16x128xf32, #tpu.memory_space<vmem>>) target(%dma_start3A_146 : memref<16x128xf32, #tpu.memory_space<vmem_shared>>) target_semaphore(%run_scoped3A_143 : memref<!tpu.dma_semaphore, #tpu.memory_space<semaphore_mem>>)
        %dma_wait3A = arith.constant 0 : i32
        %dma_wait3A_147 = tpu.memref_slice %arg7[%add3A_73, %dma_wait3A] : memref<5376x128xf32, #tpu.memory_space<vmem_shared>> -> memref<16x128xf32, #tpu.memory_space<vmem_shared>>
        %dma_wait3A_148 = arith.constant 0 : i32
        %dma_wait3A_149 = tpu.memref_slice %arg7[%add3A_73, %dma_wait3A_148] : memref<5376x128xf32, #tpu.memory_space<vmem_shared>> -> memref<16x128xf32, #tpu.memory_space<vmem_shared>>
        tpu.wait_dma2 semaphore(%run_scoped3A_143 : memref<!tpu.dma_semaphore, #tpu.memory_space<semaphore_mem>>) src(%run_scoped3A_2 : memref<16x128xf32, #tpu.memory_space<vmem>>) dst(%dma_wait3A_149 : memref<16x128xf32, #tpu.memory_space<vmem_shared>>)
        tpu.yield
      }) : () -> ()
      %mul3A_74 = arith.constant 336 : i32
      %mul3A_75 = arith.muli %arg1, %mul3A_74 : i32
      %add3A_76 = arith.constant 224 : i32
      %add3A_77 = arith.addi %mul3A_75, %add3A_76 : i32
      "tpu.region"() ({
        %run_scoped3A_143 = tpu.sem_alloc : memref<!tpu.dma_semaphore, #tpu.memory_space<semaphore_mem>>
        %dma_start3A = arith.constant 0 : i32
        %dma_start3A_144 = tpu.memref_slice %arg7[%add3A_77, %dma_start3A] : memref<5376x128xf32, #tpu.memory_space<vmem_shared>> -> memref<16x128xf32, #tpu.memory_space<vmem_shared>>
        %dma_start3A_145 = arith.constant 0 : i32
        %dma_start3A_146 = tpu.memref_slice %arg7[%add3A_77, %dma_start3A_145] : memref<5376x128xf32, #tpu.memory_space<vmem_shared>> -> memref<16x128xf32, #tpu.memory_space<vmem_shared>>
        tpu.enqueue_dma source(%run_scoped3A_2 : memref<16x128xf32, #tpu.memory_space<vmem>>) target(%dma_start3A_146 : memref<16x128xf32, #tpu.memory_space<vmem_shared>>) target_semaphore(%run_scoped3A_143 : memref<!tpu.dma_semaphore, #tpu.memory_space<semaphore_mem>>)
        %dma_wait3A = arith.constant 0 : i32
        %dma_wait3A_147 = tpu.memref_slice %arg7[%add3A_77, %dma_wait3A] : memref<5376x128xf32, #tpu.memory_space<vmem_shared>> -> memref<16x128xf32, #tpu.memory_space<vmem_shared>>
        %dma_wait3A_148 = arith.constant 0 : i32
        %dma_wait3A_149 = tpu.memref_slice %arg7[%add3A_77, %dma_wait3A_148] : memref<5376x128xf32, #tpu.memory_space<vmem_shared>> -> memref<16x128xf32, #tpu.memory_space<vmem_shared>>
        tpu.wait_dma2 semaphore(%run_scoped3A_143 : memref<!tpu.dma_semaphore, #tpu.memory_space<semaphore_mem>>) src(%run_scoped3A_2 : memref<16x128xf32, #tpu.memory_space<vmem>>) dst(%dma_wait3A_149 : memref<16x128xf32, #tpu.memory_space<vmem_shared>>)
        tpu.yield
      }) : () -> ()
      %mul3A_78 = arith.constant 336 : i32
      %mul3A_79 = arith.muli %arg1, %mul3A_78 : i32
      %add3A_80 = arith.constant 240 : i32
      %add3A_81 = arith.addi %mul3A_79, %add3A_80 : i32
      "tpu.region"() ({
        %run_scoped3A_143 = tpu.sem_alloc : memref<!tpu.dma_semaphore, #tpu.memory_space<semaphore_mem>>
        %dma_start3A = arith.constant 0 : i32
        %dma_start3A_144 = tpu.memref_slice %arg7[%add3A_81, %dma_start3A] : memref<5376x128xf32, #tpu.memory_space<vmem_shared>> -> memref<16x128xf32, #tpu.memory_space<vmem_shared>>
        %dma_start3A_145 = arith.constant 0 : i32
        %dma_start3A_146 = tpu.memref_slice %arg7[%add3A_81, %dma_start3A_145] : memref<5376x128xf32, #tpu.memory_space<vmem_shared>> -> memref<16x128xf32, #tpu.memory_space<vmem_shared>>
        tpu.enqueue_dma source(%run_scoped3A_2 : memref<16x128xf32, #tpu.memory_space<vmem>>) target(%dma_start3A_146 : memref<16x128xf32, #tpu.memory_space<vmem_shared>>) target_semaphore(%run_scoped3A_143 : memref<!tpu.dma_semaphore, #tpu.memory_space<semaphore_mem>>)
        %dma_wait3A = arith.constant 0 : i32
        %dma_wait3A_147 = tpu.memref_slice %arg7[%add3A_81, %dma_wait3A] : memref<5376x128xf32, #tpu.memory_space<vmem_shared>> -> memref<16x128xf32, #tpu.memory_space<vmem_shared>>
        %dma_wait3A_148 = arith.constant 0 : i32
        %dma_wait3A_149 = tpu.memref_slice %arg7[%add3A_81, %dma_wait3A_148] : memref<5376x128xf32, #tpu.memory_space<vmem_shared>> -> memref<16x128xf32, #tpu.memory_space<vmem_shared>>
        tpu.wait_dma2 semaphore(%run_scoped3A_143 : memref<!tpu.dma_semaphore, #tpu.memory_space<semaphore_mem>>) src(%run_scoped3A_2 : memref<16x128xf32, #tpu.memory_space<vmem>>) dst(%dma_wait3A_149 : memref<16x128xf32, #tpu.memory_space<vmem_shared>>)
        tpu.yield
      }) : () -> ()
      %mul3A_82 = arith.constant 336 : i32
      %mul3A_83 = arith.muli %arg1, %mul3A_82 : i32
      %add3A_84 = arith.constant 256 : i32
      %add3A_85 = arith.addi %mul3A_83, %add3A_84 : i32
      "tpu.region"() ({
        %run_scoped3A_143 = tpu.sem_alloc : memref<!tpu.dma_semaphore, #tpu.memory_space<semaphore_mem>>
        %dma_start3A = arith.constant 0 : i32
        %dma_start3A_144 = tpu.memref_slice %arg7[%add3A_85, %dma_start3A] : memref<5376x128xf32, #tpu.memory_space<vmem_shared>> -> memref<16x128xf32, #tpu.memory_space<vmem_shared>>
        %dma_start3A_145 = arith.constant 0 : i32
        %dma_start3A_146 = tpu.memref_slice %arg7[%add3A_85, %dma_start3A_145] : memref<5376x128xf32, #tpu.memory_space<vmem_shared>> -> memref<16x128xf32, #tpu.memory_space<vmem_shared>>
        tpu.enqueue_dma source(%run_scoped3A_2 : memref<16x128xf32, #tpu.memory_space<vmem>>) target(%dma_start3A_146 : memref<16x128xf32, #tpu.memory_space<vmem_shared>>) target_semaphore(%run_scoped3A_143 : memref<!tpu.dma_semaphore, #tpu.memory_space<semaphore_mem>>)
        %dma_wait3A = arith.constant 0 : i32
        %dma_wait3A_147 = tpu.memref_slice %arg7[%add3A_85, %dma_wait3A] : memref<5376x128xf32, #tpu.memory_space<vmem_shared>> -> memref<16x128xf32, #tpu.memory_space<vmem_shared>>
        %dma_wait3A_148 = arith.constant 0 : i32
        %dma_wait3A_149 = tpu.memref_slice %arg7[%add3A_85, %dma_wait3A_148] : memref<5376x128xf32, #tpu.memory_space<vmem_shared>> -> memref<16x128xf32, #tpu.memory_space<vmem_shared>>
        tpu.wait_dma2 semaphore(%run_scoped3A_143 : memref<!tpu.dma_semaphore, #tpu.memory_space<semaphore_mem>>) src(%run_scoped3A_2 : memref<16x128xf32, #tpu.memory_space<vmem>>) dst(%dma_wait3A_149 : memref<16x128xf32, #tpu.memory_space<vmem_shared>>)
        tpu.yield
      }) : () -> ()
      %mul3A_86 = arith.constant 336 : i32
      %mul3A_87 = arith.muli %arg1, %mul3A_86 : i32
      %add3A_88 = arith.constant 272 : i32
      %add3A_89 = arith.addi %mul3A_87, %add3A_88 : i32
      "tpu.region"() ({
        %run_scoped3A_143 = tpu.sem_alloc : memref<!tpu.dma_semaphore, #tpu.memory_space<semaphore_mem>>
        %dma_start3A = arith.constant 0 : i32
        %dma_start3A_144 = tpu.memref_slice %arg7[%add3A_89, %dma_start3A] : memref<5376x128xf32, #tpu.memory_space<vmem_shared>> -> memref<16x128xf32, #tpu.memory_space<vmem_shared>>
        %dma_start3A_145 = arith.constant 0 : i32
        %dma_start3A_146 = tpu.memref_slice %arg7[%add3A_89, %dma_start3A_145] : memref<5376x128xf32, #tpu.memory_space<vmem_shared>> -> memref<16x128xf32, #tpu.memory_space<vmem_shared>>
        tpu.enqueue_dma source(%run_scoped3A_2 : memref<16x128xf32, #tpu.memory_space<vmem>>) target(%dma_start3A_146 : memref<16x128xf32, #tpu.memory_space<vmem_shared>>) target_semaphore(%run_scoped3A_143 : memref<!tpu.dma_semaphore, #tpu.memory_space<semaphore_mem>>)
        %dma_wait3A = arith.constant 0 : i32
        %dma_wait3A_147 = tpu.memref_slice %arg7[%add3A_89, %dma_wait3A] : memref<5376x128xf32, #tpu.memory_space<vmem_shared>> -> memref<16x128xf32, #tpu.memory_space<vmem_shared>>
        %dma_wait3A_148 = arith.constant 0 : i32
        %dma_wait3A_149 = tpu.memref_slice %arg7[%add3A_89, %dma_wait3A_148] : memref<5376x128xf32, #tpu.memory_space<vmem_shared>> -> memref<16x128xf32, #tpu.memory_space<vmem_shared>>
        tpu.wait_dma2 semaphore(%run_scoped3A_143 : memref<!tpu.dma_semaphore, #tpu.memory_space<semaphore_mem>>) src(%run_scoped3A_2 : memref<16x128xf32, #tpu.memory_space<vmem>>) dst(%dma_wait3A_149 : memref<16x128xf32, #tpu.memory_space<vmem_shared>>)
        tpu.yield
      }) : () -> ()
      %mul3A_90 = arith.constant 336 : i32
      %mul3A_91 = arith.muli %arg1, %mul3A_90 : i32
      %add3A_92 = arith.constant 288 : i32
      %add3A_93 = arith.addi %mul3A_91, %add3A_92 : i32
      "tpu.region"() ({
        %run_scoped3A_143 = tpu.sem_alloc : memref<!tpu.dma_semaphore, #tpu.memory_space<semaphore_mem>>
        %dma_start3A = arith.constant 0 : i32
        %dma_start3A_144 = tpu.memref_slice %arg7[%add3A_93, %dma_start3A] : memref<5376x128xf32, #tpu.memory_space<vmem_shared>> -> memref<16x128xf32, #tpu.memory_space<vmem_shared>>
        %dma_start3A_145 = arith.constant 0 : i32
        %dma_start3A_146 = tpu.memref_slice %arg7[%add3A_93, %dma_start3A_145] : memref<5376x128xf32, #tpu.memory_space<vmem_shared>> -> memref<16x128xf32, #tpu.memory_space<vmem_shared>>
        tpu.enqueue_dma source(%run_scoped3A_2 : memref<16x128xf32, #tpu.memory_space<vmem>>) target(%dma_start3A_146 : memref<16x128xf32, #tpu.memory_space<vmem_shared>>) target_semaphore(%run_scoped3A_143 : memref<!tpu.dma_semaphore, #tpu.memory_space<semaphore_mem>>)
        %dma_wait3A = arith.constant 0 : i32
        %dma_wait3A_147 = tpu.memref_slice %arg7[%add3A_93, %dma_wait3A] : memref<5376x128xf32, #tpu.memory_space<vmem_shared>> -> memref<16x128xf32, #tpu.memory_space<vmem_shared>>
        %dma_wait3A_148 = arith.constant 0 : i32
        %dma_wait3A_149 = tpu.memref_slice %arg7[%add3A_93, %dma_wait3A_148] : memref<5376x128xf32, #tpu.memory_space<vmem_shared>> -> memref<16x128xf32, #tpu.memory_space<vmem_shared>>
        tpu.wait_dma2 semaphore(%run_scoped3A_143 : memref<!tpu.dma_semaphore, #tpu.memory_space<semaphore_mem>>) src(%run_scoped3A_2 : memref<16x128xf32, #tpu.memory_space<vmem>>) dst(%dma_wait3A_149 : memref<16x128xf32, #tpu.memory_space<vmem_shared>>)
        tpu.yield
      }) : () -> ()
      %mul3A_94 = arith.constant 336 : i32
      %mul3A_95 = arith.muli %arg1, %mul3A_94 : i32
      %add3A_96 = arith.constant 304 : i32
      %add3A_97 = arith.addi %mul3A_95, %add3A_96 : i32
      "tpu.region"() ({
        %run_scoped3A_143 = tpu.sem_alloc : memref<!tpu.dma_semaphore, #tpu.memory_space<semaphore_mem>>
        %dma_start3A = arith.constant 0 : i32
        %dma_start3A_144 = tpu.memref_slice %arg7[%add3A_97, %dma_start3A] : memref<5376x128xf32, #tpu.memory_space<vmem_shared>> -> memref<16x128xf32, #tpu.memory_space<vmem_shared>>
        %dma_start3A_145 = arith.constant 0 : i32
        %dma_start3A_146 = tpu.memref_slice %arg7[%add3A_97, %dma_start3A_145] : memref<5376x128xf32, #tpu.memory_space<vmem_shared>> -> memref<16x128xf32, #tpu.memory_space<vmem_shared>>
        tpu.enqueue_dma source(%run_scoped3A_2 : memref<16x128xf32, #tpu.memory_space<vmem>>) target(%dma_start3A_146 : memref<16x128xf32, #tpu.memory_space<vmem_shared>>) target_semaphore(%run_scoped3A_143 : memref<!tpu.dma_semaphore, #tpu.memory_space<semaphore_mem>>)
        %dma_wait3A = arith.constant 0 : i32
        %dma_wait3A_147 = tpu.memref_slice %arg7[%add3A_97, %dma_wait3A] : memref<5376x128xf32, #tpu.memory_space<vmem_shared>> -> memref<16x128xf32, #tpu.memory_space<vmem_shared>>
        %dma_wait3A_148 = arith.constant 0 : i32
        %dma_wait3A_149 = tpu.memref_slice %arg7[%add3A_97, %dma_wait3A_148] : memref<5376x128xf32, #tpu.memory_space<vmem_shared>> -> memref<16x128xf32, #tpu.memory_space<vmem_shared>>
        tpu.wait_dma2 semaphore(%run_scoped3A_143 : memref<!tpu.dma_semaphore, #tpu.memory_space<semaphore_mem>>) src(%run_scoped3A_2 : memref<16x128xf32, #tpu.memory_space<vmem>>) dst(%dma_wait3A_149 : memref<16x128xf32, #tpu.memory_space<vmem_shared>>)
        tpu.yield
      }) : () -> ()
      %mul3A_98 = arith.constant 336 : i32
      %mul3A_99 = arith.muli %arg1, %mul3A_98 : i32
      %add3A_100 = arith.constant 320 : i32
      %add3A_101 = arith.addi %mul3A_99, %add3A_100 : i32
      "tpu.region"() ({
        %run_scoped3A_143 = tpu.sem_alloc : memref<!tpu.dma_semaphore, #tpu.memory_space<semaphore_mem>>
        %dma_start3A = arith.constant 0 : i32
        %dma_start3A_144 = tpu.memref_slice %arg7[%add3A_101, %dma_start3A] : memref<5376x128xf32, #tpu.memory_space<vmem_shared>> -> memref<16x128xf32, #tpu.memory_space<vmem_shared>>
        %dma_start3A_145 = arith.constant 0 : i32
        %dma_start3A_146 = tpu.memref_slice %arg7[%add3A_101, %dma_start3A_145] : memref<5376x128xf32, #tpu.memory_space<vmem_shared>> -> memref<16x128xf32, #tpu.memory_space<vmem_shared>>
        tpu.enqueue_dma source(%run_scoped3A_2 : memref<16x128xf32, #tpu.memory_space<vmem>>) target(%dma_start3A_146 : memref<16x128xf32, #tpu.memory_space<vmem_shared>>) target_semaphore(%run_scoped3A_143 : memref<!tpu.dma_semaphore, #tpu.memory_space<semaphore_mem>>)
        %dma_wait3A = arith.constant 0 : i32
        %dma_wait3A_147 = tpu.memref_slice %arg7[%add3A_101, %dma_wait3A] : memref<5376x128xf32, #tpu.memory_space<vmem_shared>> -> memref<16x128xf32, #tpu.memory_space<vmem_shared>>
        %dma_wait3A_148 = arith.constant 0 : i32
        %dma_wait3A_149 = tpu.memref_slice %arg7[%add3A_101, %dma_wait3A_148] : memref<5376x128xf32, #tpu.memory_space<vmem_shared>> -> memref<16x128xf32, #tpu.memory_space<vmem_shared>>
        tpu.wait_dma2 semaphore(%run_scoped3A_143 : memref<!tpu.dma_semaphore, #tpu.memory_space<semaphore_mem>>) src(%run_scoped3A_2 : memref<16x128xf32, #tpu.memory_space<vmem>>) dst(%dma_wait3A_149 : memref<16x128xf32, #tpu.memory_space<vmem_shared>>)
        tpu.yield
      }) : () -> ()
      %barrier3A = arith.constant 0 : index
      tpu.barrier barrier_id(%barrier3A)
      %jit3A_102 = arith.constant 2 : i32
      %div3A = arith.divsi %min3A_18, %jit3A_102 : i32
      %sign3A = arith.constant 0 : i32
      %sign3A_103 = arith.cmpi sgt, %min3A_18, %sign3A : i32
      %sign3A_104 = arith.extui %sign3A_103 : i1 to i32
      %sign3A_105 = arith.constant 0 : i32
      %sign3A_106 = arith.cmpi slt, %min3A_18, %sign3A_105 : i32
      %sign3A_107 = arith.extui %sign3A_106 : i1 to i32
      %sign3A_108 = arith.subi %sign3A_104, %sign3A_107 : i32
      %sign3A_109 = arith.constant 0 : i32
      %sign3A_110 = arith.cmpi sgt, %jit3A_102, %sign3A_109 : i32
      %sign3A_111 = arith.extui %sign3A_110 : i1 to i32
      %sign3A_112 = arith.constant 0 : i32
      %sign3A_113 = arith.cmpi slt, %jit3A_102, %sign3A_112 : i32
      %sign3A_114 = arith.extui %sign3A_113 : i1 to i32
      %sign3A_115 = arith.subi %sign3A_111, %sign3A_114 : i32
      %ne3A = arith.cmpi ne, %sign3A_108, %sign3A_115 : i32
      %rem3A = arith.remsi %min3A_18, %jit3A_102 : i32
      %ne3A_116 = arith.constant 0 : i32
      %ne3A_117 = arith.cmpi ne, %rem3A, %ne3A_116 : i32
      %and3A = arith.andi %ne3A, %ne3A_117 : i1
      %sub3A = arith.constant 1 : i32
      %sub3A_118 = arith.subi %div3A, %sub3A : i32
      %select_n3A_119 = arith.select %and3A, %sub3A_118, %div3A : i32
      %sub3A_120 = arith.constant 0 : i32
      %sub3A_121 = arith.subi %select_n3A_119, %sub3A_120 : i32
      %sub3A_122 = arith.constant 1 : i32
      %sub3A_123 = arith.constant 1 : i32
      %sub3A_124 = arith.subi %sub3A_122, %sub3A_123 : i32
      %add3A_125 = arith.addi %sub3A_121, %sub3A_124 : i32
      %div3A_126 = arith.constant 1 : i32
      %div3A_127 = arith.divsi %add3A_125, %div3A_126 : i32
      %while3A = arith.constant 1 : i32
      %while3A_128 = arith.constant 0 : i32
      %while3A_129 = arith.constant 0 : i32
      %while3A_130 = arith.subi %div3A_127, %while3A_129 : i32
      %while3A_131 = arith.addi %while3A_129, %while3A_130 : i32
      %while3A_132 = arith.constant 1 : i32
      %while3A_133 = arith.divsi %while3A_130, %while3A_132 : i32
      %while3A_134 = arith.muli %while3A_133, %while3A_132 : i32
      %while3A_135 = arith.addi %while3A_129, %while3A_134 : i32
      %while3A_136 = arith.constant 1 : i32
      scf.for %while3A_143 = %while3A_129 to %while3A_135 step %while3A_136  : i32 {
        %mul3A_144 = arith.muli %while3A_143, %while3A : i32
        %add3A_145 = arith.addi %while3A_128, %mul3A_144 : i32
        %mul3A_146 = arith.constant 2 : i32
        %mul3A_147 = arith.muli %add3A_145, %mul3A_146 : i32
        %add3A_148 = arith.constant 0 : i32
        %add3A_149 = arith.addi %mul3A_147, %add3A_148 : i32
        %dma_start3A = arith.constant 0 : i32
        %dma_start3A_150 = arith.constant 0 : i32
        %dma_start3A_151 = arith.constant 0 : i32
        %dma_start3A_152 = arith.constant 0 : i32
        %dma_start3A_153 = tpu.memref_slice %run_scoped3A_1[%dma_start3A, %dma_start3A_151, %dma_start3A_152] : memref<2x128x128xf32, #tpu.memory_space<vmem>> -> memref<1x128x128xf32, #tpu.memory_space<vmem>>
        %dma_start3A_154 = tpu.memref_squeeze %dma_start3A_153 : memref<1x128x128xf32, #tpu.memory_space<vmem>> -> memref<128x128xf32, #tpu.memory_space<vmem>>
        %dma_start3A_155 = arith.constant 0 : i32
        %dma_start3A_156 = tpu.memref_slice %run_scoped3A[%add3A_149, %dma_start3A_155] : memref<164x128xi32, #tpu.memory_space<vmem>> -> memref<1x128xi32, #tpu.memory_space<vmem>>
        %dma_start3A_157 = tpu.memref_squeeze %dma_start3A_156 : memref<1x128xi32, #tpu.memory_space<vmem>> -> memref<128xi32, #tpu.memory_space<vmem>>
        %dma_start3A_158 = arith.constant 0 : i32
        %dma_start3A_159 = arith.constant 0 : i32
        %dma_start3A_160 = tpu.memref_slice %arg2[%dma_start3A_158, %dma_start3A_159] : memref<10240x128xf32, #tpu.memory_space<hbm>> -> memref<10240x128xf32, #tpu.memory_space<hbm>>
        %dma_start3A_161 = tpu.memref_slice %arg8[%dma_start3A_150] : memref<2x!tpu.dma_semaphore, #tpu.memory_space<semaphore_mem>> -> memref<1x!tpu.dma_semaphore, #tpu.memory_space<semaphore_mem>>
        %dma_start3A_162 = tpu.memref_squeeze %dma_start3A_161 : memref<1x!tpu.dma_semaphore, #tpu.memory_space<semaphore_mem>> -> memref<!tpu.dma_semaphore, #tpu.memory_space<semaphore_mem>>
        tpu.enqueue_indirect_dma source(%dma_start3A_160 : memref<10240x128xf32, #tpu.memory_space<hbm>>) target(%dma_start3A_154 : memref<128x128xf32, #tpu.memory_space<vmem>>) offsets(%dma_start3A_157 : memref<128xi32, #tpu.memory_space<vmem>>) semaphore(%dma_start3A_162 : memref<!tpu.dma_semaphore, #tpu.memory_space<semaphore_mem>>)
        %mul3A_163 = arith.constant 2 : i32
        %mul3A_164 = arith.muli %add3A_145, %mul3A_163 : i32
        %add3A_165 = arith.constant 1 : i32
        %add3A_166 = arith.addi %mul3A_164, %add3A_165 : i32
        %dma_start3A_167 = arith.constant 1 : i32
        %dma_start3A_168 = arith.constant 1 : i32
        %dma_start3A_169 = arith.constant 0 : i32
        %dma_start3A_170 = arith.constant 0 : i32
        %dma_start3A_171 = tpu.memref_slice %run_scoped3A_1[%dma_start3A_167, %dma_start3A_169, %dma_start3A_170] : memref<2x128x128xf32, #tpu.memory_space<vmem>> -> memref<1x128x128xf32, #tpu.memory_space<vmem>>
        %dma_start3A_172 = tpu.memref_squeeze %dma_start3A_171 : memref<1x128x128xf32, #tpu.memory_space<vmem>> -> memref<128x128xf32, #tpu.memory_space<vmem>>
        %dma_start3A_173 = arith.constant 0 : i32
        %dma_start3A_174 = tpu.memref_slice %run_scoped3A[%add3A_166, %dma_start3A_173] : memref<164x128xi32, #tpu.memory_space<vmem>> -> memref<1x128xi32, #tpu.memory_space<vmem>>
        %dma_start3A_175 = tpu.memref_squeeze %dma_start3A_174 : memref<1x128xi32, #tpu.memory_space<vmem>> -> memref<128xi32, #tpu.memory_space<vmem>>
        %dma_start3A_176 = arith.constant 0 : i32
        %dma_start3A_177 = arith.constant 0 : i32
        %dma_start3A_178 = tpu.memref_slice %arg2[%dma_start3A_176, %dma_start3A_177] : memref<10240x128xf32, #tpu.memory_space<hbm>> -> memref<10240x128xf32, #tpu.memory_space<hbm>>
        %dma_start3A_179 = tpu.memref_slice %arg8[%dma_start3A_168] : memref<2x!tpu.dma_semaphore, #tpu.memory_space<semaphore_mem>> -> memref<1x!tpu.dma_semaphore, #tpu.memory_space<semaphore_mem>>
        %dma_start3A_180 = tpu.memref_squeeze %dma_start3A_179 : memref<1x!tpu.dma_semaphore, #tpu.memory_space<semaphore_mem>> -> memref<!tpu.dma_semaphore, #tpu.memory_space<semaphore_mem>>
        tpu.enqueue_indirect_dma source(%dma_start3A_178 : memref<10240x128xf32, #tpu.memory_space<hbm>>) target(%dma_start3A_172 : memref<128x128xf32, #tpu.memory_space<vmem>>) offsets(%dma_start3A_175 : memref<128xi32, #tpu.memory_space<vmem>>) semaphore(%dma_start3A_180 : memref<!tpu.dma_semaphore, #tpu.memory_space<semaphore_mem>>)
        %dma_wait3A = arith.constant 0 : i32
        %dma_wait3A_181 = arith.constant 0 : i32
        %dma_wait3A_182 = arith.constant 0 : i32
        %dma_wait3A_183 = arith.constant 0 : i32
        %dma_wait3A_184 = tpu.memref_slice %run_scoped3A_1[%dma_wait3A, %dma_wait3A_182, %dma_wait3A_183] : memref<2x128x128xf32, #tpu.memory_space<vmem>> -> memref<1x128x128xf32, #tpu.memory_space<vmem>>
        %dma_wait3A_185 = tpu.memref_squeeze %dma_wait3A_184 : memref<1x128x128xf32, #tpu.memory_space<vmem>> -> memref<128x128xf32, #tpu.memory_space<vmem>>
        %dma_wait3A_186 = arith.constant 0 : i32
        %dma_wait3A_187 = tpu.memref_slice %run_scoped3A[%add3A_149, %dma_wait3A_186] : memref<164x128xi32, #tpu.memory_space<vmem>> -> memref<1x128xi32, #tpu.memory_space<vmem>>
        %dma_wait3A_188 = tpu.memref_squeeze %dma_wait3A_187 : memref<1x128xi32, #tpu.memory_space<vmem>> -> memref<128xi32, #tpu.memory_space<vmem>>
        %dma_wait3A_189 = arith.constant 0 : i32
        %dma_wait3A_190 = arith.constant 0 : i32
        %dma_wait3A_191 = tpu.memref_slice %arg2[%dma_wait3A_189, %dma_wait3A_190] : memref<10240x128xf32, #tpu.memory_space<hbm>> -> memref<10240x128xf32, #tpu.memory_space<hbm>>
        %dma_wait3A_192 = tpu.memref_slice %arg8[%dma_wait3A_181] : memref<2x!tpu.dma_semaphore, #tpu.memory_space<semaphore_mem>> -> memref<1x!tpu.dma_semaphore, #tpu.memory_space<semaphore_mem>>
        %dma_wait3A_193 = tpu.memref_squeeze %dma_wait3A_192 : memref<1x!tpu.dma_semaphore, #tpu.memory_space<semaphore_mem>> -> memref<!tpu.dma_semaphore, #tpu.memory_space<semaphore_mem>>
        tpu.wait_indirect_dma semaphore(%dma_wait3A_193 : memref<!tpu.dma_semaphore, #tpu.memory_space<semaphore_mem>>) src(%dma_wait3A_191 : memref<10240x128xf32, #tpu.memory_space<hbm>>) dst(%dma_wait3A_185 : memref<128x128xf32, #tpu.memory_space<vmem>>)
        %mul3A_194 = arith.constant 2 : i32
        %mul3A_195 = arith.muli %add3A_145, %mul3A_194 : i32
        %add3A_196 = arith.constant 0 : i32
        %add3A_197 = arith.addi %mul3A_195, %add3A_196 : i32
        %run_scoped3A_198 = arith.constant 0 : i32
        "tpu.region"() ({
          %run_scoped3A_218 = tpu.sem_alloc : memref<!tpu.dma_semaphore, #tpu.memory_space<semaphore_mem>>
          %dma_start3A_219 = arith.constant 0 : i32
          %dma_start3A_220 = arith.constant 0 : i32
          %dma_start3A_221 = tpu.memref_slice %run_scoped3A_1[%run_scoped3A_198, %dma_start3A_219, %dma_start3A_220] : memref<2x128x128xf32, #tpu.memory_space<vmem>> -> memref<1x128x128xf32, #tpu.memory_space<vmem>>
          %dma_start3A_222 = tpu.memref_squeeze %dma_start3A_221 : memref<1x128x128xf32, #tpu.memory_space<vmem>> -> memref<128x128xf32, #tpu.memory_space<vmem>>
          %dma_start3A_223 = arith.constant 0 : i32
          %dma_start3A_224 = tpu.memref_slice %run_scoped3A_0[%add3A_197, %dma_start3A_223] : memref<164x128xi32, #tpu.memory_space<vmem>> -> memref<1x128xi32, #tpu.memory_space<vmem>>
          %dma_start3A_225 = tpu.memref_squeeze %dma_start3A_224 : memref<1x128xi32, #tpu.memory_space<vmem>> -> memref<128xi32, #tpu.memory_space<vmem>>
          %dma_start3A_226 = arith.constant 0 : i32
          %dma_start3A_227 = arith.constant 0 : i32
          %dma_start3A_228 = tpu.memref_slice %arg7[%dma_start3A_226, %dma_start3A_227] : memref<5376x128xf32, #tpu.memory_space<vmem_shared>> -> memref<5376x128xf32, #tpu.memory_space<vmem_shared>>
          tpu.enqueue_indirect_dma source(%dma_start3A_222 : memref<128x128xf32, #tpu.memory_space<vmem>>) target(%dma_start3A_228 : memref<5376x128xf32, #tpu.memory_space<vmem_shared>>) offsets(%dma_start3A_225 : memref<128xi32, #tpu.memory_space<vmem>>) semaphore(%run_scoped3A_218 : memref<!tpu.dma_semaphore, #tpu.memory_space<semaphore_mem>>) {add = true}
          %dma_wait3A_229 = arith.constant 0 : i32
          %dma_wait3A_230 = arith.constant 0 : i32
          %dma_wait3A_231 = tpu.memref_slice %run_scoped3A_1[%run_scoped3A_198, %dma_wait3A_229, %dma_wait3A_230] : memref<2x128x128xf32, #tpu.memory_space<vmem>> -> memref<1x128x128xf32, #tpu.memory_space<vmem>>
          %dma_wait3A_232 = tpu.memref_squeeze %dma_wait3A_231 : memref<1x128x128xf32, #tpu.memory_space<vmem>> -> memref<128x128xf32, #tpu.memory_space<vmem>>
          %dma_wait3A_233 = arith.constant 0 : i32
          %dma_wait3A_234 = tpu.memref_slice %run_scoped3A_0[%add3A_197, %dma_wait3A_233] : memref<164x128xi32, #tpu.memory_space<vmem>> -> memref<1x128xi32, #tpu.memory_space<vmem>>
          %dma_wait3A_235 = tpu.memref_squeeze %dma_wait3A_234 : memref<1x128xi32, #tpu.memory_space<vmem>> -> memref<128xi32, #tpu.memory_space<vmem>>
          %dma_wait3A_236 = arith.constant 0 : i32
          %dma_wait3A_237 = arith.constant 0 : i32
          %dma_wait3A_238 = tpu.memref_slice %arg7[%dma_wait3A_236, %dma_wait3A_237] : memref<5376x128xf32, #tpu.memory_space<vmem_shared>> -> memref<5376x128xf32, #tpu.memory_space<vmem_shared>>
          tpu.wait_indirect_dma semaphore(%run_scoped3A_218 : memref<!tpu.dma_semaphore, #tpu.memory_space<semaphore_mem>>) src(%dma_wait3A_232 : memref<128x128xf32, #tpu.memory_space<vmem>>) dst(%dma_wait3A_238 : memref<5376x128xf32, #tpu.memory_space<vmem_shared>>)
          tpu.yield
        }) : () -> ()
        %dma_wait3A_199 = arith.constant 1 : i32
        %dma_wait3A_200 = arith.constant 1 : i32
        %dma_wait3A_201 = arith.constant 0 : i32
        %dma_wait3A_202 = arith.constant 0 : i32
        %dma_wait3A_203 = tpu.memref_slice %run_scoped3A_1[%dma_wait3A_199, %dma_wait3A_201, %dma_wait3A_202] : memref<2x128x128xf32, #tpu.memory_space<vmem>> -> memref<1x128x128xf32, #tpu.memory_space<vmem>>
        %dma_wait3A_204 = tpu.memref_squeeze %dma_wait3A_203 : memref<1x128x128xf32, #tpu.memory_space<vmem>> -> memref<128x128xf32, #tpu.memory_space<vmem>>
        %dma_wait3A_205 = arith.constant 0 : i32
        %dma_wait3A_206 = tpu.memref_slice %run_scoped3A[%add3A_166, %dma_wait3A_205] : memref<164x128xi32, #tpu.memory_space<vmem>> -> memref<1x128xi32, #tpu.memory_space<vmem>>
        %dma_wait3A_207 = tpu.memref_squeeze %dma_wait3A_206 : memref<1x128xi32, #tpu.memory_space<vmem>> -> memref<128xi32, #tpu.memory_space<vmem>>
        %dma_wait3A_208 = arith.constant 0 : i32
        %dma_wait3A_209 = arith.constant 0 : i32
        %dma_wait3A_210 = tpu.memref_slice %arg2[%dma_wait3A_208, %dma_wait3A_209] : memref<10240x128xf32, #tpu.memory_space<hbm>> -> memref<10240x128xf32, #tpu.memory_space<hbm>>
        %dma_wait3A_211 = tpu.memref_slice %arg8[%dma_wait3A_200] : memref<2x!tpu.dma_semaphore, #tpu.memory_space<semaphore_mem>> -> memref<1x!tpu.dma_semaphore, #tpu.memory_space<semaphore_mem>>
        %dma_wait3A_212 = tpu.memref_squeeze %dma_wait3A_211 : memref<1x!tpu.dma_semaphore, #tpu.memory_space<semaphore_mem>> -> memref<!tpu.dma_semaphore, #tpu.memory_space<semaphore_mem>>
        tpu.wait_indirect_dma semaphore(%dma_wait3A_212 : memref<!tpu.dma_semaphore, #tpu.memory_space<semaphore_mem>>) src(%dma_wait3A_210 : memref<10240x128xf32, #tpu.memory_space<hbm>>) dst(%dma_wait3A_204 : memref<128x128xf32, #tpu.memory_space<vmem>>)
        %mul3A_213 = arith.constant 2 : i32
        %mul3A_214 = arith.muli %add3A_145, %mul3A_213 : i32
        %add3A_215 = arith.constant 1 : i32
        %add3A_216 = arith.addi %mul3A_214, %add3A_215 : i32
        %run_scoped3A_217 = arith.constant 1 : i32
        "tpu.region"() ({
          %run_scoped3A_218 = tpu.sem_alloc : memref<!tpu.dma_semaphore, #tpu.memory_space<semaphore_mem>>
          %dma_start3A_219 = arith.constant 0 : i32
          %dma_start3A_220 = arith.constant 0 : i32
          %dma_start3A_221 = tpu.memref_slice %run_scoped3A_1[%run_scoped3A_217, %dma_start3A_219, %dma_start3A_220] : memref<2x128x128xf32, #tpu.memory_space<vmem>> -> memref<1x128x128xf32, #tpu.memory_space<vmem>>
          %dma_start3A_222 = tpu.memref_squeeze %dma_start3A_221 : memref<1x128x128xf32, #tpu.memory_space<vmem>> -> memref<128x128xf32, #tpu.memory_space<vmem>>
          %dma_start3A_223 = arith.constant 0 : i32
          %dma_start3A_224 = tpu.memref_slice %run_scoped3A_0[%add3A_216, %dma_start3A_223] : memref<164x128xi32, #tpu.memory_space<vmem>> -> memref<1x128xi32, #tpu.memory_space<vmem>>
          %dma_start3A_225 = tpu.memref_squeeze %dma_start3A_224 : memref<1x128xi32, #tpu.memory_space<vmem>> -> memref<128xi32, #tpu.memory_space<vmem>>
          %dma_start3A_226 = arith.constant 0 : i32
          %dma_start3A_227 = arith.constant 0 : i32
          %dma_start3A_228 = tpu.memref_slice %arg7[%dma_start3A_226, %dma_start3A_227] : memref<5376x128xf32, #tpu.memory_space<vmem_shared>> -> memref<5376x128xf32, #tpu.memory_space<vmem_shared>>
          tpu.enqueue_indirect_dma source(%dma_start3A_222 : memref<128x128xf32, #tpu.memory_space<vmem>>) target(%dma_start3A_228 : memref<5376x128xf32, #tpu.memory_space<vmem_shared>>) offsets(%dma_start3A_225 : memref<128xi32, #tpu.memory_space<vmem>>) semaphore(%run_scoped3A_218 : memref<!tpu.dma_semaphore, #tpu.memory_space<semaphore_mem>>) {add = true}
          %dma_wait3A_229 = arith.constant 0 : i32
          %dma_wait3A_230 = arith.constant 0 : i32
          %dma_wait3A_231 = tpu.memref_slice %run_scoped3A_1[%run_scoped3A_217, %dma_wait3A_229, %dma_wait3A_230] : memref<2x128x128xf32, #tpu.memory_space<vmem>> -> memref<1x128x128xf32, #tpu.memory_space<vmem>>
          %dma_wait3A_232 = tpu.memref_squeeze %dma_wait3A_231 : memref<1x128x128xf32, #tpu.memory_space<vmem>> -> memref<128x128xf32, #tpu.memory_space<vmem>>
          %dma_wait3A_233 = arith.constant 0 : i32
          %dma_wait3A_234 = tpu.memref_slice %run_scoped3A_0[%add3A_216, %dma_wait3A_233] : memref<164x128xi32, #tpu.memory_space<vmem>> -> memref<1x128xi32, #tpu.memory_space<vmem>>
          %dma_wait3A_235 = tpu.memref_squeeze %dma_wait3A_234 : memref<1x128xi32, #tpu.memory_space<vmem>> -> memref<128xi32, #tpu.memory_space<vmem>>
          %dma_wait3A_236 = arith.constant 0 : i32
          %dma_wait3A_237 = arith.constant 0 : i32
          %dma_wait3A_238 = tpu.memref_slice %arg7[%dma_wait3A_236, %dma_wait3A_237] : memref<5376x128xf32, #tpu.memory_space<vmem_shared>> -> memref<5376x128xf32, #tpu.memory_space<vmem_shared>>
          tpu.wait_indirect_dma semaphore(%run_scoped3A_218 : memref<!tpu.dma_semaphore, #tpu.memory_space<semaphore_mem>>) src(%dma_wait3A_232 : memref<128x128xf32, #tpu.memory_space<vmem>>) dst(%dma_wait3A_238 : memref<5376x128xf32, #tpu.memory_space<vmem_shared>>)
          tpu.yield
        }) : () -> ()
      }
      %while3A_137 = arith.constant 1 : i32
      scf.for %while3A_143 = %while3A_135 to %while3A_131 step %while3A_137  : i32 {
        %mul3A_144 = arith.muli %while3A_143, %while3A : i32
        %add3A_145 = arith.addi %while3A_128, %mul3A_144 : i32
        %mul3A_146 = arith.constant 2 : i32
        %mul3A_147 = arith.muli %add3A_145, %mul3A_146 : i32
        %add3A_148 = arith.constant 0 : i32
        %add3A_149 = arith.addi %mul3A_147, %add3A_148 : i32
        %dma_start3A = arith.constant 0 : i32
        %dma_start3A_150 = arith.constant 0 : i32
        %dma_start3A_151 = arith.constant 0 : i32
        %dma_start3A_152 = arith.constant 0 : i32
        %dma_start3A_153 = tpu.memref_slice %run_scoped3A_1[%dma_start3A, %dma_start3A_151, %dma_start3A_152] : memref<2x128x128xf32, #tpu.memory_space<vmem>> -> memref<1x128x128xf32, #tpu.memory_space<vmem>>
        %dma_start3A_154 = tpu.memref_squeeze %dma_start3A_153 : memref<1x128x128xf32, #tpu.memory_space<vmem>> -> memref<128x128xf32, #tpu.memory_space<vmem>>
        %dma_start3A_155 = arith.constant 0 : i32
        %dma_start3A_156 = tpu.memref_slice %run_scoped3A[%add3A_149, %dma_start3A_155] : memref<164x128xi32, #tpu.memory_space<vmem>> -> memref<1x128xi32, #tpu.memory_space<vmem>>
        %dma_start3A_157 = tpu.memref_squeeze %dma_start3A_156 : memref<1x128xi32, #tpu.memory_space<vmem>> -> memref<128xi32, #tpu.memory_space<vmem>>
        %dma_start3A_158 = arith.constant 0 : i32
        %dma_start3A_159 = arith.constant 0 : i32
        %dma_start3A_160 = tpu.memref_slice %arg2[%dma_start3A_158, %dma_start3A_159] : memref<10240x128xf32, #tpu.memory_space<hbm>> -> memref<10240x128xf32, #tpu.memory_space<hbm>>
        %dma_start3A_161 = tpu.memref_slice %arg8[%dma_start3A_150] : memref<2x!tpu.dma_semaphore, #tpu.memory_space<semaphore_mem>> -> memref<1x!tpu.dma_semaphore, #tpu.memory_space<semaphore_mem>>
        %dma_start3A_162 = tpu.memref_squeeze %dma_start3A_161 : memref<1x!tpu.dma_semaphore, #tpu.memory_space<semaphore_mem>> -> memref<!tpu.dma_semaphore, #tpu.memory_space<semaphore_mem>>
        tpu.enqueue_indirect_dma source(%dma_start3A_160 : memref<10240x128xf32, #tpu.memory_space<hbm>>) target(%dma_start3A_154 : memref<128x128xf32, #tpu.memory_space<vmem>>) offsets(%dma_start3A_157 : memref<128xi32, #tpu.memory_space<vmem>>) semaphore(%dma_start3A_162 : memref<!tpu.dma_semaphore, #tpu.memory_space<semaphore_mem>>)
        %mul3A_163 = arith.constant 2 : i32
        %mul3A_164 = arith.muli %add3A_145, %mul3A_163 : i32
        %add3A_165 = arith.constant 1 : i32
        %add3A_166 = arith.addi %mul3A_164, %add3A_165 : i32
        %dma_start3A_167 = arith.constant 1 : i32
        %dma_start3A_168 = arith.constant 1 : i32
        %dma_start3A_169 = arith.constant 0 : i32
        %dma_start3A_170 = arith.constant 0 : i32
        %dma_start3A_171 = tpu.memref_slice %run_scoped3A_1[%dma_start3A_167, %dma_start3A_169, %dma_start3A_170] : memref<2x128x128xf32, #tpu.memory_space<vmem>> -> memref<1x128x128xf32, #tpu.memory_space<vmem>>
        %dma_start3A_172 = tpu.memref_squeeze %dma_start3A_171 : memref<1x128x128xf32, #tpu.memory_space<vmem>> -> memref<128x128xf32, #tpu.memory_space<vmem>>
        %dma_start3A_173 = arith.constant 0 : i32
        %dma_start3A_174 = tpu.memref_slice %run_scoped3A[%add3A_166, %dma_start3A_173] : memref<164x128xi32, #tpu.memory_space<vmem>> -> memref<1x128xi32, #tpu.memory_space<vmem>>
        %dma_start3A_175 = tpu.memref_squeeze %dma_start3A_174 : memref<1x128xi32, #tpu.memory_space<vmem>> -> memref<128xi32, #tpu.memory_space<vmem>>
        %dma_start3A_176 = arith.constant 0 : i32
        %dma_start3A_177 = arith.constant 0 : i32
        %dma_start3A_178 = tpu.memref_slice %arg2[%dma_start3A_176, %dma_start3A_177] : memref<10240x128xf32, #tpu.memory_space<hbm>> -> memref<10240x128xf32, #tpu.memory_space<hbm>>
        %dma_start3A_179 = tpu.memref_slice %arg8[%dma_start3A_168] : memref<2x!tpu.dma_semaphore, #tpu.memory_space<semaphore_mem>> -> memref<1x!tpu.dma_semaphore, #tpu.memory_space<semaphore_mem>>
        %dma_start3A_180 = tpu.memref_squeeze %dma_start3A_179 : memref<1x!tpu.dma_semaphore, #tpu.memory_space<semaphore_mem>> -> memref<!tpu.dma_semaphore, #tpu.memory_space<semaphore_mem>>
        tpu.enqueue_indirect_dma source(%dma_start3A_178 : memref<10240x128xf32, #tpu.memory_space<hbm>>) target(%dma_start3A_172 : memref<128x128xf32, #tpu.memory_space<vmem>>) offsets(%dma_start3A_175 : memref<128xi32, #tpu.memory_space<vmem>>) semaphore(%dma_start3A_180 : memref<!tpu.dma_semaphore, #tpu.memory_space<semaphore_mem>>)
        %dma_wait3A = arith.constant 0 : i32
        %dma_wait3A_181 = arith.constant 0 : i32
        %dma_wait3A_182 = arith.constant 0 : i32
        %dma_wait3A_183 = arith.constant 0 : i32
        %dma_wait3A_184 = tpu.memref_slice %run_scoped3A_1[%dma_wait3A, %dma_wait3A_182, %dma_wait3A_183] : memref<2x128x128xf32, #tpu.memory_space<vmem>> -> memref<1x128x128xf32, #tpu.memory_space<vmem>>
        %dma_wait3A_185 = tpu.memref_squeeze %dma_wait3A_184 : memref<1x128x128xf32, #tpu.memory_space<vmem>> -> memref<128x128xf32, #tpu.memory_space<vmem>>
        %dma_wait3A_186 = arith.constant 0 : i32
        %dma_wait3A_187 = tpu.memref_slice %run_scoped3A[%add3A_149, %dma_wait3A_186] : memref<164x128xi32, #tpu.memory_space<vmem>> -> memref<1x128xi32, #tpu.memory_space<vmem>>
        %dma_wait3A_188 = tpu.memref_squeeze %dma_wait3A_187 : memref<1x128xi32, #tpu.memory_space<vmem>> -> memref<128xi32, #tpu.memory_space<vmem>>
        %dma_wait3A_189 = arith.constant 0 : i32
        %dma_wait3A_190 = arith.constant 0 : i32
        %dma_wait3A_191 = tpu.memref_slice %arg2[%dma_wait3A_189, %dma_wait3A_190] : memref<10240x128xf32, #tpu.memory_space<hbm>> -> memref<10240x128xf32, #tpu.memory_space<hbm>>
        %dma_wait3A_192 = tpu.memref_slice %arg8[%dma_wait3A_181] : memref<2x!tpu.dma_semaphore, #tpu.memory_space<semaphore_mem>> -> memref<1x!tpu.dma_semaphore, #tpu.memory_space<semaphore_mem>>
        %dma_wait3A_193 = tpu.memref_squeeze %dma_wait3A_192 : memref<1x!tpu.dma_semaphore, #tpu.memory_space<semaphore_mem>> -> memref<!tpu.dma_semaphore, #tpu.memory_space<semaphore_mem>>
        tpu.wait_indirect_dma semaphore(%dma_wait3A_193 : memref<!tpu.dma_semaphore, #tpu.memory_space<semaphore_mem>>) src(%dma_wait3A_191 : memref<10240x128xf32, #tpu.memory_space<hbm>>) dst(%dma_wait3A_185 : memref<128x128xf32, #tpu.memory_space<vmem>>)
        %mul3A_194 = arith.constant 2 : i32
        %mul3A_195 = arith.muli %add3A_145, %mul3A_194 : i32
        %add3A_196 = arith.constant 0 : i32
        %add3A_197 = arith.addi %mul3A_195, %add3A_196 : i32
        %run_scoped3A_198 = arith.constant 0 : i32
        "tpu.region"() ({
          %run_scoped3A_218 = tpu.sem_alloc : memref<!tpu.dma_semaphore, #tpu.memory_space<semaphore_mem>>
          %dma_start3A_219 = arith.constant 0 : i32
          %dma_start3A_220 = arith.constant 0 : i32
          %dma_start3A_221 = tpu.memref_slice %run_scoped3A_1[%run_scoped3A_198, %dma_start3A_219, %dma_start3A_220] : memref<2x128x128xf32, #tpu.memory_space<vmem>> -> memref<1x128x128xf32, #tpu.memory_space<vmem>>
          %dma_start3A_222 = tpu.memref_squeeze %dma_start3A_221 : memref<1x128x128xf32, #tpu.memory_space<vmem>> -> memref<128x128xf32, #tpu.memory_space<vmem>>
          %dma_start3A_223 = arith.constant 0 : i32
          %dma_start3A_224 = tpu.memref_slice %run_scoped3A_0[%add3A_197, %dma_start3A_223] : memref<164x128xi32, #tpu.memory_space<vmem>> -> memref<1x128xi32, #tpu.memory_space<vmem>>
          %dma_start3A_225 = tpu.memref_squeeze %dma_start3A_224 : memref<1x128xi32, #tpu.memory_space<vmem>> -> memref<128xi32, #tpu.memory_space<vmem>>
          %dma_start3A_226 = arith.constant 0 : i32
          %dma_start3A_227 = arith.constant 0 : i32
          %dma_start3A_228 = tpu.memref_slice %arg7[%dma_start3A_226, %dma_start3A_227] : memref<5376x128xf32, #tpu.memory_space<vmem_shared>> -> memref<5376x128xf32, #tpu.memory_space<vmem_shared>>
          tpu.enqueue_indirect_dma source(%dma_start3A_222 : memref<128x128xf32, #tpu.memory_space<vmem>>) target(%dma_start3A_228 : memref<5376x128xf32, #tpu.memory_space<vmem_shared>>) offsets(%dma_start3A_225 : memref<128xi32, #tpu.memory_space<vmem>>) semaphore(%run_scoped3A_218 : memref<!tpu.dma_semaphore, #tpu.memory_space<semaphore_mem>>) {add = true}
          %dma_wait3A_229 = arith.constant 0 : i32
          %dma_wait3A_230 = arith.constant 0 : i32
          %dma_wait3A_231 = tpu.memref_slice %run_scoped3A_1[%run_scoped3A_198, %dma_wait3A_229, %dma_wait3A_230] : memref<2x128x128xf32, #tpu.memory_space<vmem>> -> memref<1x128x128xf32, #tpu.memory_space<vmem>>
          %dma_wait3A_232 = tpu.memref_squeeze %dma_wait3A_231 : memref<1x128x128xf32, #tpu.memory_space<vmem>> -> memref<128x128xf32, #tpu.memory_space<vmem>>
          %dma_wait3A_233 = arith.constant 0 : i32
          %dma_wait3A_234 = tpu.memref_slice %run_scoped3A_0[%add3A_197, %dma_wait3A_233] : memref<164x128xi32, #tpu.memory_space<vmem>> -> memref<1x128xi32, #tpu.memory_space<vmem>>
          %dma_wait3A_235 = tpu.memref_squeeze %dma_wait3A_234 : memref<1x128xi32, #tpu.memory_space<vmem>> -> memref<128xi32, #tpu.memory_space<vmem>>
          %dma_wait3A_236 = arith.constant 0 : i32
          %dma_wait3A_237 = arith.constant 0 : i32
          %dma_wait3A_238 = tpu.memref_slice %arg7[%dma_wait3A_236, %dma_wait3A_237] : memref<5376x128xf32, #tpu.memory_space<vmem_shared>> -> memref<5376x128xf32, #tpu.memory_space<vmem_shared>>
          tpu.wait_indirect_dma semaphore(%run_scoped3A_218 : memref<!tpu.dma_semaphore, #tpu.memory_space<semaphore_mem>>) src(%dma_wait3A_232 : memref<128x128xf32, #tpu.memory_space<vmem>>) dst(%dma_wait3A_238 : memref<5376x128xf32, #tpu.memory_space<vmem_shared>>)
          tpu.yield
        }) : () -> ()
        %dma_wait3A_199 = arith.constant 1 : i32
        %dma_wait3A_200 = arith.constant 1 : i32
        %dma_wait3A_201 = arith.constant 0 : i32
        %dma_wait3A_202 = arith.constant 0 : i32
        %dma_wait3A_203 = tpu.memref_slice %run_scoped3A_1[%dma_wait3A_199, %dma_wait3A_201, %dma_wait3A_202] : memref<2x128x128xf32, #tpu.memory_space<vmem>> -> memref<1x128x128xf32, #tpu.memory_space<vmem>>
        %dma_wait3A_204 = tpu.memref_squeeze %dma_wait3A_203 : memref<1x128x128xf32, #tpu.memory_space<vmem>> -> memref<128x128xf32, #tpu.memory_space<vmem>>
        %dma_wait3A_205 = arith.constant 0 : i32
        %dma_wait3A_206 = tpu.memref_slice %run_scoped3A[%add3A_166, %dma_wait3A_205] : memref<164x128xi32, #tpu.memory_space<vmem>> -> memref<1x128xi32, #tpu.memory_space<vmem>>
        %dma_wait3A_207 = tpu.memref_squeeze %dma_wait3A_206 : memref<1x128xi32, #tpu.memory_space<vmem>> -> memref<128xi32, #tpu.memory_space<vmem>>
        %dma_wait3A_208 = arith.constant 0 : i32
        %dma_wait3A_209 = arith.constant 0 : i32
        %dma_wait3A_210 = tpu.memref_slice %arg2[%dma_wait3A_208, %dma_wait3A_209] : memref<10240x128xf32, #tpu.memory_space<hbm>> -> memref<10240x128xf32, #tpu.memory_space<hbm>>
        %dma_wait3A_211 = tpu.memref_slice %arg8[%dma_wait3A_200] : memref<2x!tpu.dma_semaphore, #tpu.memory_space<semaphore_mem>> -> memref<1x!tpu.dma_semaphore, #tpu.memory_space<semaphore_mem>>
        %dma_wait3A_212 = tpu.memref_squeeze %dma_wait3A_211 : memref<1x!tpu.dma_semaphore, #tpu.memory_space<semaphore_mem>> -> memref<!tpu.dma_semaphore, #tpu.memory_space<semaphore_mem>>
        tpu.wait_indirect_dma semaphore(%dma_wait3A_212 : memref<!tpu.dma_semaphore, #tpu.memory_space<semaphore_mem>>) src(%dma_wait3A_210 : memref<10240x128xf32, #tpu.memory_space<hbm>>) dst(%dma_wait3A_204 : memref<128x128xf32, #tpu.memory_space<vmem>>)
        %mul3A_213 = arith.constant 2 : i32
        %mul3A_214 = arith.muli %add3A_145, %mul3A_213 : i32
        %add3A_215 = arith.constant 1 : i32
        %add3A_216 = arith.addi %mul3A_214, %add3A_215 : i32
        %run_scoped3A_217 = arith.constant 1 : i32
        "tpu.region"() ({
          %run_scoped3A_218 = tpu.sem_alloc : memref<!tpu.dma_semaphore, #tpu.memory_space<semaphore_mem>>
          %dma_start3A_219 = arith.constant 0 : i32
          %dma_start3A_220 = arith.constant 0 : i32
          %dma_start3A_221 = tpu.memref_slice %run_scoped3A_1[%run_scoped3A_217, %dma_start3A_219, %dma_start3A_220] : memref<2x128x128xf32, #tpu.memory_space<vmem>> -> memref<1x128x128xf32, #tpu.memory_space<vmem>>
          %dma_start3A_222 = tpu.memref_squeeze %dma_start3A_221 : memref<1x128x128xf32, #tpu.memory_space<vmem>> -> memref<128x128xf32, #tpu.memory_space<vmem>>
          %dma_start3A_223 = arith.constant 0 : i32
          %dma_start3A_224 = tpu.memref_slice %run_scoped3A_0[%add3A_216, %dma_start3A_223] : memref<164x128xi32, #tpu.memory_space<vmem>> -> memref<1x128xi32, #tpu.memory_space<vmem>>
          %dma_start3A_225 = tpu.memref_squeeze %dma_start3A_224 : memref<1x128xi32, #tpu.memory_space<vmem>> -> memref<128xi32, #tpu.memory_space<vmem>>
          %dma_start3A_226 = arith.constant 0 : i32
          %dma_start3A_227 = arith.constant 0 : i32
          %dma_start3A_228 = tpu.memref_slice %arg7[%dma_start3A_226, %dma_start3A_227] : memref<5376x128xf32, #tpu.memory_space<vmem_shared>> -> memref<5376x128xf32, #tpu.memory_space<vmem_shared>>
          tpu.enqueue_indirect_dma source(%dma_start3A_222 : memref<128x128xf32, #tpu.memory_space<vmem>>) target(%dma_start3A_228 : memref<5376x128xf32, #tpu.memory_space<vmem_shared>>) offsets(%dma_start3A_225 : memref<128xi32, #tpu.memory_space<vmem>>) semaphore(%run_scoped3A_218 : memref<!tpu.dma_semaphore, #tpu.memory_space<semaphore_mem>>) {add = true}
          %dma_wait3A_229 = arith.constant 0 : i32
          %dma_wait3A_230 = arith.constant 0 : i32
          %dma_wait3A_231 = tpu.memref_slice %run_scoped3A_1[%run_scoped3A_217, %dma_wait3A_229, %dma_wait3A_230] : memref<2x128x128xf32, #tpu.memory_space<vmem>> -> memref<1x128x128xf32, #tpu.memory_space<vmem>>
          %dma_wait3A_232 = tpu.memref_squeeze %dma_wait3A_231 : memref<1x128x128xf32, #tpu.memory_space<vmem>> -> memref<128x128xf32, #tpu.memory_space<vmem>>
          %dma_wait3A_233 = arith.constant 0 : i32
          %dma_wait3A_234 = tpu.memref_slice %run_scoped3A_0[%add3A_216, %dma_wait3A_233] : memref<164x128xi32, #tpu.memory_space<vmem>> -> memref<1x128xi32, #tpu.memory_space<vmem>>
          %dma_wait3A_235 = tpu.memref_squeeze %dma_wait3A_234 : memref<1x128xi32, #tpu.memory_space<vmem>> -> memref<128xi32, #tpu.memory_space<vmem>>
          %dma_wait3A_236 = arith.constant 0 : i32
          %dma_wait3A_237 = arith.constant 0 : i32
          %dma_wait3A_238 = tpu.memref_slice %arg7[%dma_wait3A_236, %dma_wait3A_237] : memref<5376x128xf32, #tpu.memory_space<vmem_shared>> -> memref<5376x128xf32, #tpu.memory_space<vmem_shared>>
          tpu.wait_indirect_dma semaphore(%run_scoped3A_218 : memref<!tpu.dma_semaphore, #tpu.memory_space<semaphore_mem>>) src(%dma_wait3A_232 : memref<128x128xf32, #tpu.memory_space<vmem>>) dst(%dma_wait3A_238 : memref<5376x128xf32, #tpu.memory_space<vmem_shared>>)
          tpu.yield
        }) : () -> ()
      }
      %barrier3A_138 = arith.constant 0 : index
      tpu.barrier barrier_id(%barrier3A_138)
      %mul3A_139 = arith.constant 336 : i32
      %mul3A_140 = arith.muli %arg1, %mul3A_139 : i32
      %mul3A_141 = arith.constant 336 : i32
      %mul3A_142 = arith.muli %arg1, %mul3A_141 : i32
      "tpu.region"() ({
        %run_scoped3A_143 = tpu.sem_alloc : memref<!tpu.dma_semaphore, #tpu.memory_space<semaphore_mem>>
        %dma_start3A = arith.constant 0 : i32
        %dma_start3A_144 = tpu.memref_slice %arg6[%arg0, %mul3A_142, %dma_start3A] : memref<2x5376x128xf32, #tpu.memory_space<hbm>> -> memref<1x336x128xf32, #tpu.memory_space<hbm>>
        %dma_start3A_145 = tpu.memref_squeeze %dma_start3A_144 : memref<1x336x128xf32, #tpu.memory_space<hbm>> -> memref<336x128xf32, #tpu.memory_space<hbm>>
        %dma_start3A_146 = arith.constant 0 : i32
        %dma_start3A_147 = tpu.memref_slice %arg7[%mul3A_140, %dma_start3A_146] : memref<5376x128xf32, #tpu.memory_space<vmem_shared>> -> memref<336x128xf32, #tpu.memory_space<vmem_shared>>
        tpu.enqueue_dma source(%dma_start3A_147 : memref<336x128xf32, #tpu.memory_space<vmem_shared>>) target(%dma_start3A_145 : memref<336x128xf32, #tpu.memory_space<hbm>>) target_semaphore(%run_scoped3A_143 : memref<!tpu.dma_semaphore, #tpu.memory_space<semaphore_mem>>)
        %dma_wait3A = arith.constant 0 : i32
        %dma_wait3A_148 = tpu.memref_slice %arg6[%arg0, %mul3A_142, %dma_wait3A] : memref<2x5376x128xf32, #tpu.memory_space<hbm>> -> memref<1x336x128xf32, #tpu.memory_space<hbm>>
        %dma_wait3A_149 = tpu.memref_squeeze %dma_wait3A_148 : memref<1x336x128xf32, #tpu.memory_space<hbm>> -> memref<336x128xf32, #tpu.memory_space<hbm>>
        %dma_wait3A_150 = arith.constant 0 : i32
        %dma_wait3A_151 = tpu.memref_slice %arg7[%mul3A_140, %dma_wait3A_150] : memref<5376x128xf32, #tpu.memory_space<vmem_shared>> -> memref<336x128xf32, #tpu.memory_space<vmem_shared>>
        tpu.wait_dma2 semaphore(%run_scoped3A_143 : memref<!tpu.dma_semaphore, #tpu.memory_space<semaphore_mem>>) src(%dma_wait3A_151 : memref<336x128xf32, #tpu.memory_space<vmem_shared>>) dst(%dma_wait3A_149 : memref<336x128xf32, #tpu.memory_space<hbm>>)
        tpu.yield
      }) : () -> ()
      tpu.yield
    }) : () -> ()
    return
  }
}

#map = affine_map<(d0, d1) -> (0, 0, 0, 0)>
module attributes {stable_mosaic.version = 14 : i64} {
  func.func @_hist_body(%arg0: i32, %arg1: i32, %arg2: memref<2x2x2560x128xi32, #tpu.memory_space<hbm>>, %arg3: memref<2x2x16x10240xf32, #tpu.memory_space<hbm>>, %arg4: memref<160x128xi32, #tpu.memory_space<vmem>>, %arg5: memref<10240xf32, #tpu.memory_space<vmem>>) attributes {dimension_semantics = [#tpu.dimension_semantics<core_parallel>, #tpu.dimension_semantics<subcore_parallel>], iteration_bounds = array<i64: 2, 16>, scalar_prefetch = 0 : i64, scratch_operands = 2 : i64, tpu.core_type = #tpu.core_type<sc_vector_subcore>, window_params = [{transform_indices = #map}, {transform_indices = #map}]} {
    %broadcast_in_dim3A = arith.constant 1.000000e+00 : f32
    %broadcast_in_dim3A_0 = vector.broadcast %broadcast_in_dim3A : f32 to vector<16xf32>
    %scan3A = arith.constant 0 : i32
    %scan3A_1 = arith.constant 640 : i32
    %scan3A_2 = arith.addi %scan3A, %scan3A_1 : i32
    %scan3A_3 = arith.constant 1 : i32
    scf.for %scan3A_26 = %scan3A to %scan3A_2 step %scan3A_3  : i32 {
      %mul3A_27 = arith.constant 1 : i32
      %mul3A_28 = arith.muli %scan3A_26, %mul3A_27 : i32
      %add3A = arith.constant 0 : i32
      %add3A_29 = arith.addi %add3A, %mul3A_28 : i32
      %broadcast_in_dim3A_30 = arith.constant 0.000000e+00 : f32
      %broadcast_in_dim3A_31 = vector.broadcast %broadcast_in_dim3A_30 : f32 to vector<16xf32>
      %mul3A_32 = arith.constant 16 : i32
      %mul3A_33 = arith.muli %add3A_29, %mul3A_32 : i32
      %swap3A = arith.index_cast %mul3A_33 : i32 to index
      %swap3A_34 = tpu.vector_load %arg5[%swap3A] {strides = array<i32>} : memref<10240xf32, #tpu.memory_space<vmem>>, vector<16xf32>,
      tpu.vector_store %arg5[%swap3A], %broadcast_in_dim3A_31 {strides = array<i32>} : memref<10240xf32, #tpu.memory_space<vmem>>, vector<16xf32>,
    }
    %scan3A_4 = arith.constant 640 : i32
    %mul3A = arith.constant 160 : i32
    %mul3A_5 = arith.muli %arg1, %mul3A : i32
    %run_scoped3A = arith.constant 0 : i32
    "tpu.region"() ({
      %run_scoped3A_26 = tpu.sem_alloc : memref<!tpu.dma_semaphore, #tpu.memory_space<semaphore_mem>>
      %dma_start3A = arith.constant 0 : i32
      %dma_start3A_27 = tpu.memref_slice %arg2[%arg0, %run_scoped3A, %mul3A_5, %dma_start3A] : memref<2x2x2560x128xi32, #tpu.memory_space<hbm>> -> memref<1x1x160x128xi32, #tpu.memory_space<hbm>>
      %dma_start3A_28 = tpu.memref_squeeze %dma_start3A_27 : memref<1x1x160x128xi32, #tpu.memory_space<hbm>> -> memref<160x128xi32, #tpu.memory_space<hbm>>
      %dma_start3A_29 = arith.constant 0 : i32
      %dma_start3A_30 = tpu.memref_slice %arg2[%arg0, %run_scoped3A, %mul3A_5, %dma_start3A_29] : memref<2x2x2560x128xi32, #tpu.memory_space<hbm>> -> memref<1x1x160x128xi32, #tpu.memory_space<hbm>>
      %dma_start3A_31 = tpu.memref_squeeze %dma_start3A_30 : memref<1x1x160x128xi32, #tpu.memory_space<hbm>> -> memref<160x128xi32, #tpu.memory_space<hbm>>
      tpu.enqueue_dma source(%dma_start3A_31 : memref<160x128xi32, #tpu.memory_space<hbm>>) target(%arg4 : memref<160x128xi32, #tpu.memory_space<vmem>>) target_semaphore(%run_scoped3A_26 : memref<!tpu.dma_semaphore, #tpu.memory_space<semaphore_mem>>)
      %dma_wait3A = arith.constant 0 : i32
      %dma_wait3A_32 = tpu.memref_slice %arg2[%arg0, %run_scoped3A, %mul3A_5, %dma_wait3A] : memref<2x2x2560x128xi32, #tpu.memory_space<hbm>> -> memref<1x1x160x128xi32, #tpu.memory_space<hbm>>
      %dma_wait3A_33 = tpu.memref_squeeze %dma_wait3A_32 : memref<1x1x160x128xi32, #tpu.memory_space<hbm>> -> memref<160x128xi32, #tpu.memory_space<hbm>>
      %dma_wait3A_34 = arith.constant 0 : i32
      %dma_wait3A_35 = tpu.memref_slice %arg2[%arg0, %run_scoped3A, %mul3A_5, %dma_wait3A_34] : memref<2x2x2560x128xi32, #tpu.memory_space<hbm>> -> memref<1x1x160x128xi32, #tpu.memory_space<hbm>>
      %dma_wait3A_36 = tpu.memref_squeeze %dma_wait3A_35 : memref<1x1x160x128xi32, #tpu.memory_space<hbm>> -> memref<160x128xi32, #tpu.memory_space<hbm>>
      tpu.wait_dma2 semaphore(%run_scoped3A_26 : memref<!tpu.dma_semaphore, #tpu.memory_space<semaphore_mem>>) src(%dma_wait3A_36 : memref<160x128xi32, #tpu.memory_space<hbm>>) dst(%arg4 : memref<160x128xi32, #tpu.memory_space<vmem>>)
      tpu.yield
    }) : () -> ()
    %scan3A_6 = arith.constant 0 : i32
    %scan3A_7 = arith.constant 1280 : i32
    %scan3A_8 = arith.addi %scan3A_6, %scan3A_7 : i32
    %scan3A_9 = arith.constant 1 : i32
    scf.for %scan3A_26 = %scan3A_6 to %scan3A_8 step %scan3A_9  : i32 {
      %mul3A_27 = arith.constant 1 : i32
      %mul3A_28 = arith.muli %scan3A_26, %mul3A_27 : i32
      %add3A = arith.constant 0 : i32
      %add3A_29 = arith.addi %add3A, %mul3A_28 : i32
      %jit3A = arith.constant 8 : i32
      %div3A = arith.divsi %add3A_29, %jit3A : i32
      %sign3A = arith.constant 0 : i32
      %sign3A_30 = arith.cmpi sgt, %add3A_29, %sign3A : i32
      %sign3A_31 = arith.extui %sign3A_30 : i1 to i32
      %sign3A_32 = arith.constant 0 : i32
      %sign3A_33 = arith.cmpi slt, %add3A_29, %sign3A_32 : i32
      %sign3A_34 = arith.extui %sign3A_33 : i1 to i32
      %sign3A_35 = arith.subi %sign3A_31, %sign3A_34 : i32
      %sign3A_36 = arith.constant 0 : i32
      %sign3A_37 = arith.cmpi sgt, %jit3A, %sign3A_36 : i32
      %sign3A_38 = arith.extui %sign3A_37 : i1 to i32
      %sign3A_39 = arith.constant 0 : i32
      %sign3A_40 = arith.cmpi slt, %jit3A, %sign3A_39 : i32
      %sign3A_41 = arith.extui %sign3A_40 : i1 to i32
      %sign3A_42 = arith.subi %sign3A_38, %sign3A_41 : i32
      %ne3A = arith.cmpi ne, %sign3A_35, %sign3A_42 : i32
      %rem3A = arith.remsi %add3A_29, %jit3A : i32
      %ne3A_43 = arith.constant 0 : i32
      %ne3A_44 = arith.cmpi ne, %rem3A, %ne3A_43 : i32
      %and3A = arith.andi %ne3A, %ne3A_44 : i1
      %sub3A = arith.constant 1 : i32
      %sub3A_45 = arith.subi %div3A, %sub3A : i32
      %select_n3A = arith.select %and3A, %sub3A_45, %div3A : i32
      %jit3A_46 = arith.constant 8 : i32
      %eq3A = arith.constant 0 : i32
      %eq3A_47 = arith.cmpi eq, %jit3A_46, %eq3A : i32
      %jit3A_48 = arith.constant 1 : i32
      %select_n3A_49 = arith.select %eq3A_47, %jit3A_48, %jit3A_46 : i32
      %rem3A_50 = arith.remsi %add3A_29, %select_n3A_49 : i32
      %ne3A_51 = arith.constant 0 : i32
      %ne3A_52 = arith.cmpi ne, %rem3A_50, %ne3A_51 : i32
      %lt3A = arith.constant 0 : i32
      %lt3A_53 = arith.cmpi slt, %rem3A_50, %lt3A : i32
      %lt3A_54 = arith.constant 0 : i32
      %lt3A_55 = arith.cmpi slt, %select_n3A_49, %lt3A_54 : i32
      %ne3A_56 = arith.xori %lt3A_53, %lt3A_55 : i1
      %and3A_57 = arith.andi %ne3A_56, %ne3A_52 : i1
      %add3A_58 = arith.addi %rem3A_50, %select_n3A_49 : i32
      %select_n3A_59 = arith.select %and3A_57, %add3A_58, %rem3A_50 : i32
      %mul3A_60 = arith.constant 16 : i32
      %mul3A_61 = arith.muli %select_n3A_59, %mul3A_60 : i32
      %get3A = arith.index_cast %select_n3A : i32 to index
      %get3A_62 = arith.index_cast %mul3A_61 : i32 to index
      %get3A_63 = tpu.vector_load %arg4[%get3A, %get3A_62] {strides = array<i32>} : memref<160x128xi32, #tpu.memory_space<vmem>>, vector<16xi32>,
      tpu.vector_store_idx %arg5[%get3A_63], %broadcast_in_dim3A_0 {add = true} : memref<10240xf32, #tpu.memory_space<vmem>>[vector<16xi32>], vector<16xf32>,
    }
    %scan3A_10 = arith.constant 1280 : i32
    %run_scoped3A_11 = arith.constant 0 : i32
    "tpu.region"() ({
      %run_scoped3A_26 = tpu.sem_alloc : memref<!tpu.dma_semaphore, #tpu.memory_space<semaphore_mem>>
      %dma_start3A = arith.constant 0 : i32
      %dma_start3A_27 = tpu.memref_slice %arg3[%arg0, %run_scoped3A_11, %arg1, %dma_start3A] : memref<2x2x16x10240xf32, #tpu.memory_space<hbm>> -> memref<1x1x1x10240xf32, #tpu.memory_space<hbm>>
      %dma_start3A_28 = tpu.memref_squeeze %dma_start3A_27 : memref<1x1x1x10240xf32, #tpu.memory_space<hbm>> -> memref<10240xf32, #tpu.memory_space<hbm>>
      %dma_start3A_29 = arith.constant 0 : i32
      %dma_start3A_30 = tpu.memref_slice %arg3[%arg0, %run_scoped3A_11, %arg1, %dma_start3A_29] : memref<2x2x16x10240xf32, #tpu.memory_space<hbm>> -> memref<1x1x1x10240xf32, #tpu.memory_space<hbm>>
      %dma_start3A_31 = tpu.memref_squeeze %dma_start3A_30 : memref<1x1x1x10240xf32, #tpu.memory_space<hbm>> -> memref<10240xf32, #tpu.memory_space<hbm>>
      tpu.enqueue_dma source(%arg5 : memref<10240xf32, #tpu.memory_space<vmem>>) target(%dma_start3A_31 : memref<10240xf32, #tpu.memory_space<hbm>>) target_semaphore(%run_scoped3A_26 : memref<!tpu.dma_semaphore, #tpu.memory_space<semaphore_mem>>)
      %dma_wait3A = arith.constant 0 : i32
      %dma_wait3A_32 = tpu.memref_slice %arg3[%arg0, %run_scoped3A_11, %arg1, %dma_wait3A] : memref<2x2x16x10240xf32, #tpu.memory_space<hbm>> -> memref<1x1x1x10240xf32, #tpu.memory_space<hbm>>
      %dma_wait3A_33 = tpu.memref_squeeze %dma_wait3A_32 : memref<1x1x1x10240xf32, #tpu.memory_space<hbm>> -> memref<10240xf32, #tpu.memory_space<hbm>>
      %dma_wait3A_34 = arith.constant 0 : i32
      %dma_wait3A_35 = tpu.memref_slice %arg3[%arg0, %run_scoped3A_11, %arg1, %dma_wait3A_34] : memref<2x2x16x10240xf32, #tpu.memory_space<hbm>> -> memref<1x1x1x10240xf32, #tpu.memory_space<hbm>>
      %dma_wait3A_36 = tpu.memref_squeeze %dma_wait3A_35 : memref<1x1x1x10240xf32, #tpu.memory_space<hbm>> -> memref<10240xf32, #tpu.memory_space<hbm>>
      tpu.wait_dma2 semaphore(%run_scoped3A_26 : memref<!tpu.dma_semaphore, #tpu.memory_space<semaphore_mem>>) src(%arg5 : memref<10240xf32, #tpu.memory_space<vmem>>) dst(%dma_wait3A_36 : memref<10240xf32, #tpu.memory_space<hbm>>)
      tpu.yield
    }) : () -> ()
    %scan3A_12 = arith.constant 0 : i32
    %scan3A_13 = arith.constant 640 : i32
    %scan3A_14 = arith.addi %scan3A_12, %scan3A_13 : i32
    %scan3A_15 = arith.constant 1 : i32
    scf.for %scan3A_26 = %scan3A_12 to %scan3A_14 step %scan3A_15  : i32 {
      %mul3A_27 = arith.constant 1 : i32
      %mul3A_28 = arith.muli %scan3A_26, %mul3A_27 : i32
      %add3A = arith.constant 0 : i32
      %add3A_29 = arith.addi %add3A, %mul3A_28 : i32
      %broadcast_in_dim3A_30 = arith.constant 0.000000e+00 : f32
      %broadcast_in_dim3A_31 = vector.broadcast %broadcast_in_dim3A_30 : f32 to vector<16xf32>
      %mul3A_32 = arith.constant 16 : i32
      %mul3A_33 = arith.muli %add3A_29, %mul3A_32 : i32
      %swap3A = arith.index_cast %mul3A_33 : i32 to index
      %swap3A_34 = tpu.vector_load %arg5[%swap3A] {strides = array<i32>} : memref<10240xf32, #tpu.memory_space<vmem>>, vector<16xf32>,
      tpu.vector_store %arg5[%swap3A], %broadcast_in_dim3A_31 {strides = array<i32>} : memref<10240xf32, #tpu.memory_space<vmem>>, vector<16xf32>,
    }
    %scan3A_16 = arith.constant 640 : i32
    %mul3A_17 = arith.constant 160 : i32
    %mul3A_18 = arith.muli %arg1, %mul3A_17 : i32
    %run_scoped3A_19 = arith.constant 1 : i32
    "tpu.region"() ({
      %run_scoped3A_26 = tpu.sem_alloc : memref<!tpu.dma_semaphore, #tpu.memory_space<semaphore_mem>>
      %dma_start3A = arith.constant 0 : i32
      %dma_start3A_27 = tpu.memref_slice %arg2[%arg0, %run_scoped3A_19, %mul3A_18, %dma_start3A] : memref<2x2x2560x128xi32, #tpu.memory_space<hbm>> -> memref<1x1x160x128xi32, #tpu.memory_space<hbm>>
      %dma_start3A_28 = tpu.memref_squeeze %dma_start3A_27 : memref<1x1x160x128xi32, #tpu.memory_space<hbm>> -> memref<160x128xi32, #tpu.memory_space<hbm>>
      %dma_start3A_29 = arith.constant 0 : i32
      %dma_start3A_30 = tpu.memref_slice %arg2[%arg0, %run_scoped3A_19, %mul3A_18, %dma_start3A_29] : memref<2x2x2560x128xi32, #tpu.memory_space<hbm>> -> memref<1x1x160x128xi32, #tpu.memory_space<hbm>>
      %dma_start3A_31 = tpu.memref_squeeze %dma_start3A_30 : memref<1x1x160x128xi32, #tpu.memory_space<hbm>> -> memref<160x128xi32, #tpu.memory_space<hbm>>
      tpu.enqueue_dma source(%dma_start3A_31 : memref<160x128xi32, #tpu.memory_space<hbm>>) target(%arg4 : memref<160x128xi32, #tpu.memory_space<vmem>>) target_semaphore(%run_scoped3A_26 : memref<!tpu.dma_semaphore, #tpu.memory_space<semaphore_mem>>)
      %dma_wait3A = arith.constant 0 : i32
      %dma_wait3A_32 = tpu.memref_slice %arg2[%arg0, %run_scoped3A_19, %mul3A_18, %dma_wait3A] : memref<2x2x2560x128xi32, #tpu.memory_space<hbm>> -> memref<1x1x160x128xi32, #tpu.memory_space<hbm>>
      %dma_wait3A_33 = tpu.memref_squeeze %dma_wait3A_32 : memref<1x1x160x128xi32, #tpu.memory_space<hbm>> -> memref<160x128xi32, #tpu.memory_space<hbm>>
      %dma_wait3A_34 = arith.constant 0 : i32
      %dma_wait3A_35 = tpu.memref_slice %arg2[%arg0, %run_scoped3A_19, %mul3A_18, %dma_wait3A_34] : memref<2x2x2560x128xi32, #tpu.memory_space<hbm>> -> memref<1x1x160x128xi32, #tpu.memory_space<hbm>>
      %dma_wait3A_36 = tpu.memref_squeeze %dma_wait3A_35 : memref<1x1x160x128xi32, #tpu.memory_space<hbm>> -> memref<160x128xi32, #tpu.memory_space<hbm>>
      tpu.wait_dma2 semaphore(%run_scoped3A_26 : memref<!tpu.dma_semaphore, #tpu.memory_space<semaphore_mem>>) src(%dma_wait3A_36 : memref<160x128xi32, #tpu.memory_space<hbm>>) dst(%arg4 : memref<160x128xi32, #tpu.memory_space<vmem>>)
      tpu.yield
    }) : () -> ()
    %scan3A_20 = arith.constant 0 : i32
    %scan3A_21 = arith.constant 1280 : i32
    %scan3A_22 = arith.addi %scan3A_20, %scan3A_21 : i32
    %scan3A_23 = arith.constant 1 : i32
    scf.for %scan3A_26 = %scan3A_20 to %scan3A_22 step %scan3A_23  : i32 {
      %mul3A_27 = arith.constant 1 : i32
      %mul3A_28 = arith.muli %scan3A_26, %mul3A_27 : i32
      %add3A = arith.constant 0 : i32
      %add3A_29 = arith.addi %add3A, %mul3A_28 : i32
      %jit3A = arith.constant 8 : i32
      %div3A = arith.divsi %add3A_29, %jit3A : i32
      %sign3A = arith.constant 0 : i32
      %sign3A_30 = arith.cmpi sgt, %add3A_29, %sign3A : i32
      %sign3A_31 = arith.extui %sign3A_30 : i1 to i32
      %sign3A_32 = arith.constant 0 : i32
      %sign3A_33 = arith.cmpi slt, %add3A_29, %sign3A_32 : i32
      %sign3A_34 = arith.extui %sign3A_33 : i1 to i32
      %sign3A_35 = arith.subi %sign3A_31, %sign3A_34 : i32
      %sign3A_36 = arith.constant 0 : i32
      %sign3A_37 = arith.cmpi sgt, %jit3A, %sign3A_36 : i32
      %sign3A_38 = arith.extui %sign3A_37 : i1 to i32
      %sign3A_39 = arith.constant 0 : i32
      %sign3A_40 = arith.cmpi slt, %jit3A, %sign3A_39 : i32
      %sign3A_41 = arith.extui %sign3A_40 : i1 to i32
      %sign3A_42 = arith.subi %sign3A_38, %sign3A_41 : i32
      %ne3A = arith.cmpi ne, %sign3A_35, %sign3A_42 : i32
      %rem3A = arith.remsi %add3A_29, %jit3A : i32
      %ne3A_43 = arith.constant 0 : i32
      %ne3A_44 = arith.cmpi ne, %rem3A, %ne3A_43 : i32
      %and3A = arith.andi %ne3A, %ne3A_44 : i1
      %sub3A = arith.constant 1 : i32
      %sub3A_45 = arith.subi %div3A, %sub3A : i32
      %select_n3A = arith.select %and3A, %sub3A_45, %div3A : i32
      %jit3A_46 = arith.constant 8 : i32
      %eq3A = arith.constant 0 : i32
      %eq3A_47 = arith.cmpi eq, %jit3A_46, %eq3A : i32
      %jit3A_48 = arith.constant 1 : i32
      %select_n3A_49 = arith.select %eq3A_47, %jit3A_48, %jit3A_46 : i32
      %rem3A_50 = arith.remsi %add3A_29, %select_n3A_49 : i32
      %ne3A_51 = arith.constant 0 : i32
      %ne3A_52 = arith.cmpi ne, %rem3A_50, %ne3A_51 : i32
      %lt3A = arith.constant 0 : i32
      %lt3A_53 = arith.cmpi slt, %rem3A_50, %lt3A : i32
      %lt3A_54 = arith.constant 0 : i32
      %lt3A_55 = arith.cmpi slt, %select_n3A_49, %lt3A_54 : i32
      %ne3A_56 = arith.xori %lt3A_53, %lt3A_55 : i1
      %and3A_57 = arith.andi %ne3A_56, %ne3A_52 : i1
      %add3A_58 = arith.addi %rem3A_50, %select_n3A_49 : i32
      %select_n3A_59 = arith.select %and3A_57, %add3A_58, %rem3A_50 : i32
      %mul3A_60 = arith.constant 16 : i32
      %mul3A_61 = arith.muli %select_n3A_59, %mul3A_60 : i32
      %get3A = arith.index_cast %select_n3A : i32 to index
      %get3A_62 = arith.index_cast %mul3A_61 : i32 to index
      %get3A_63 = tpu.vector_load %arg4[%get3A, %get3A_62] {strides = array<i32>} : memref<160x128xi32, #tpu.memory_space<vmem>>, vector<16xi32>,
      tpu.vector_store_idx %arg5[%get3A_63], %broadcast_in_dim3A_0 {add = true} : memref<10240xf32, #tpu.memory_space<vmem>>[vector<16xi32>], vector<16xf32>,
    }
    %scan3A_24 = arith.constant 1280 : i32
    %run_scoped3A_25 = arith.constant 1 : i32
    "tpu.region"() ({
      %run_scoped3A_26 = tpu.sem_alloc : memref<!tpu.dma_semaphore, #tpu.memory_space<semaphore_mem>>
      %dma_start3A = arith.constant 0 : i32
      %dma_start3A_27 = tpu.memref_slice %arg3[%arg0, %run_scoped3A_25, %arg1, %dma_start3A] : memref<2x2x16x10240xf32, #tpu.memory_space<hbm>> -> memref<1x1x1x10240xf32, #tpu.memory_space<hbm>>
      %dma_start3A_28 = tpu.memref_squeeze %dma_start3A_27 : memref<1x1x1x10240xf32, #tpu.memory_space<hbm>> -> memref<10240xf32, #tpu.memory_space<hbm>>
      %dma_start3A_29 = arith.constant 0 : i32
      %dma_start3A_30 = tpu.memref_slice %arg3[%arg0, %run_scoped3A_25, %arg1, %dma_start3A_29] : memref<2x2x16x10240xf32, #tpu.memory_space<hbm>> -> memref<1x1x1x10240xf32, #tpu.memory_space<hbm>>
      %dma_start3A_31 = tpu.memref_squeeze %dma_start3A_30 : memref<1x1x1x10240xf32, #tpu.memory_space<hbm>> -> memref<10240xf32, #tpu.memory_space<hbm>>
      tpu.enqueue_dma source(%arg5 : memref<10240xf32, #tpu.memory_space<vmem>>) target(%dma_start3A_31 : memref<10240xf32, #tpu.memory_space<hbm>>) target_semaphore(%run_scoped3A_26 : memref<!tpu.dma_semaphore, #tpu.memory_space<semaphore_mem>>)
      %dma_wait3A = arith.constant 0 : i32
      %dma_wait3A_32 = tpu.memref_slice %arg3[%arg0, %run_scoped3A_25, %arg1, %dma_wait3A] : memref<2x2x16x10240xf32, #tpu.memory_space<hbm>> -> memref<1x1x1x10240xf32, #tpu.memory_space<hbm>>
      %dma_wait3A_33 = tpu.memref_squeeze %dma_wait3A_32 : memref<1x1x1x10240xf32, #tpu.memory_space<hbm>> -> memref<10240xf32, #tpu.memory_space<hbm>>
      %dma_wait3A_34 = arith.constant 0 : i32
      %dma_wait3A_35 = tpu.memref_slice %arg3[%arg0, %run_scoped3A_25, %arg1, %dma_wait3A_34] : memref<2x2x16x10240xf32, #tpu.memory_space<hbm>> -> memref<1x1x1x10240xf32, #tpu.memory_space<hbm>>
      %dma_wait3A_36 = tpu.memref_squeeze %dma_wait3A_35 : memref<1x1x1x10240xf32, #tpu.memory_space<hbm>> -> memref<10240xf32, #tpu.memory_space<hbm>>
      tpu.wait_dma2 semaphore(%run_scoped3A_26 : memref<!tpu.dma_semaphore, #tpu.memory_space<semaphore_mem>>) src(%arg5 : memref<10240xf32, #tpu.memory_space<vmem>>) dst(%dma_wait3A_36 : memref<10240xf32, #tpu.memory_space<hbm>>)
      tpu.yield
    }) : () -> ()
    return
  }
}

module attributes {stable_mosaic.version = 14 : i64} {
  func.func @_degt_body(%arg0: memref<64x10240xf32, #tpu.memory_space<vmem>>, %arg1: memref<10240x4xf32, #tpu.memory_space<vmem>>) attributes {dimension_semantics = [], scalar_prefetch = 0 : i64, scratch_operands = 0 : i64, tpu.core_type = #tpu.core_type<tc>} {
    %iota3A = tpu.iota {dimensions = array<i32: 0>} : vector<64x4xi32>
    %jit3A = arith.constant 16 : i32
    %div3A = vector.broadcast %jit3A : i32 to vector<64x4xi32>
    %div3A_0 = arith.divsi %iota3A, %div3A : vector<64x4xi32>
    %sign3A = arith.constant 0 : i32
    %sign3A_1 = vector.broadcast %sign3A : i32 to vector<64x4xi32>
    %sign3A_2 = arith.cmpi sgt, %iota3A, %sign3A_1 : vector<64x4xi32>
    %sign3A_3 = arith.extui %sign3A_2 : vector<64x4xi1> to vector<64x4xi32>
    %sign3A_4 = arith.constant 0 : i32
    %sign3A_5 = vector.broadcast %sign3A_4 : i32 to vector<64x4xi32>
    %sign3A_6 = arith.cmpi slt, %iota3A, %sign3A_5 : vector<64x4xi32>
    %sign3A_7 = arith.extui %sign3A_6 : vector<64x4xi1> to vector<64x4xi32>
    %sign3A_8 = arith.subi %sign3A_3, %sign3A_7 : vector<64x4xi32>
    %sign3A_9 = arith.constant 0 : i32
    %sign3A_10 = arith.cmpi sgt, %jit3A, %sign3A_9 : i32
    %sign3A_11 = arith.extui %sign3A_10 : i1 to i32
    %sign3A_12 = arith.constant 0 : i32
    %sign3A_13 = arith.cmpi slt, %jit3A, %sign3A_12 : i32
    %sign3A_14 = arith.extui %sign3A_13 : i1 to i32
    %sign3A_15 = arith.subi %sign3A_11, %sign3A_14 : i32
    %ne3A = vector.broadcast %sign3A_15 : i32 to vector<64x4xi32>
    %ne3A_16 = arith.cmpi ne, %sign3A_8, %ne3A : vector<64x4xi32>
    %rem3A = vector.broadcast %jit3A : i32 to vector<64x4xi32>
    %rem3A_17 = arith.remsi %iota3A, %rem3A : vector<64x4xi32>
    %ne3A_18 = arith.constant 0 : i32
    %ne3A_19 = vector.broadcast %ne3A_18 : i32 to vector<64x4xi32>
    %ne3A_20 = arith.cmpi ne, %rem3A_17, %ne3A_19 : vector<64x4xi32>
    %and3A = arith.andi %ne3A_16, %ne3A_20 : vector<64x4xi1>
    %sub3A = arith.constant 1 : i32
    %sub3A_21 = vector.broadcast %sub3A : i32 to vector<64x4xi32>
    %sub3A_22 = arith.subi %div3A_0, %sub3A_21 : vector<64x4xi32>
    %select_n3A = arith.select %and3A, %sub3A_22, %div3A_0 : vector<64x4xi1>, vector<64x4xi32>
    %iota3A_23 = tpu.iota {dimensions = array<i32: 1>} : vector<64x4xi32>
    %eq3A = arith.cmpi eq, %select_n3A, %iota3A_23 : vector<64x4xi32>
    %convert_element_type3A = arith.extui %eq3A : vector<64x4xi1> to vector<64x4xi32>
    %convert_element_type3A_24 = arith.sitofp %convert_element_type3A : vector<64x4xi32> to vector<64x4xf32>
    %get3A = arith.constant 0 : index
    %get3A_25 = arith.constant 0 : index
    %get3A_26 = vector.load %arg0[%get3A, %get3A_25] : memref<64x10240xf32, #tpu.memory_space<vmem>>, vector<64x10240xf32>
    %dot_general3A = arith.constant dense<0.000000e+00> : vector<10240x4xf32>
    %dot_general3A_27 = tpu.matmul %get3A_26, %convert_element_type3A_24, %dot_general3A {dimension_numbers = #tpu.dot_dimension_numbers<[0], [0], [1], [1], [0, 1, 1, 1], [], []>, precision = #tpu.contract_precision<fp32>, transpose_lhs_hint = false} : vector<64x10240xf32>, vector<64x4xf32>, vector<10240x4xf32> -> vector<10240x4xf32>
    %swap3A = arith.constant 0 : index
    %swap3A_28 = arith.constant 0 : index
    %swap3A_29 = vector.load %arg1[%swap3A, %swap3A_28] : memref<10240x4xf32, #tpu.memory_space<vmem>>, vector<10240x4xf32>
    tpu.vector_store %arg1[%swap3A, %swap3A_28], %dot_general3A_27 {strides = array<i32>} : memref<10240x4xf32, #tpu.memory_space<vmem>>, vector<10240x4xf32>,
    return
  }
}

module attributes {stable_mosaic.version = 14 : i64} {
  func.func @_prep_body(%arg0: i32, %arg1: memref<1280x128xf32, #tpu.memory_space<vmem>>, %arg2: memref<1280x4xf32, #tpu.memory_space<vmem>>, %arg3: memref<1280x128xf32, #tpu.memory_space<vmem>>) attributes {dimension_semantics = [#tpu.dimension_semantics<arbitrary>], iteration_bounds = array<i64: 8>, scalar_prefetch = 0 : i64, scratch_operands = 0 : i64, tpu.core_type = #tpu.core_type<tc>, window_params = [{transform_indices = @transform_0, window_bounds = array<i64: 1280, 128>}, {transform_indices = @transform_1, window_bounds = array<i64: 1280, 4>}, {transform_indices = @transform_2, window_bounds = array<i64: 1280, 128>}]} {
    %get3A = arith.constant 0 : index
    %get3A_0 = arith.constant 0 : index
    %get3A_1 = vector.load %arg2[%get3A, %get3A_0] : memref<1280x4xf32, #tpu.memory_space<vmem>>, vector<1280x1xf32>
    %max3A = arith.constant 1.000000e+00 : f32
    %max3A_2 = vector.broadcast %max3A : f32 to vector<1280x1xf32>
    %max3A_3 = arith.maximumf %get3A_1, %max3A_2 : vector<1280x1xf32>
    %rsqrt3A = math.rsqrt %max3A_3 : vector<1280x1xf32>
    %get3A_4 = arith.constant 0 : index
    %get3A_5 = arith.constant 0 : index
    %get3A_6 = vector.load %arg1[%get3A_4, %get3A_5] : memref<1280x128xf32, #tpu.memory_space<vmem>>, vector<1280x128xf32>
    %mul3A = vector.broadcast %rsqrt3A : vector<1280x1xf32> to vector<1280x128xf32>
    %mul3A_7 = arith.mulf %get3A_6, %mul3A : vector<1280x128xf32>
    %swap3A = arith.constant 0 : index
    %swap3A_8 = arith.constant 0 : index
    %swap3A_9 = vector.load %arg3[%swap3A, %swap3A_8] : memref<1280x128xf32, #tpu.memory_space<vmem>>, vector<1280x128xf32>
    tpu.vector_store %arg3[%swap3A, %swap3A_8], %mul3A_7 {strides = array<i32>} : memref<1280x128xf32, #tpu.memory_space<vmem>>, vector<1280x128xf32>,
    return
  }
  func.func @transform_0(%arg0: i32) -> (i32, i32) {
    %c0_i32 = arith.constant 0 : i32
    %c0_i32_0 = arith.constant 0 : i32
    return %arg0, %c0_i32 : i32, i32
  }
  func.func @transform_1(%arg0: i32) -> (i32, i32) {
    %c0_i32 = arith.constant 0 : i32
    %c0_i32_0 = arith.constant 0 : i32
    return %arg0, %c0_i32 : i32, i32
  }
  func.func @transform_2(%arg0: i32) -> (i32, i32) {
    %c0_i32 = arith.constant 0 : i32
    %c0_i32_0 = arith.constant 0 : i32
    return %arg0, %c0_i32 : i32, i32
  }
}

module attributes {stable_mosaic.version = 14 : i64} {
  func.func @_mid_body(%arg0: i32, %arg1: memref<1x1280x128xf32, #tpu.memory_space<vmem>>, %arg2: memref<1280x4xf32, #tpu.memory_space<vmem>>, %arg3: memref<128x256xf32, #tpu.memory_space<vmem>>, %arg4: memref<1x256xf32, #tpu.memory_space<vmem>>, %arg5: memref<2x1280x128xf32, #tpu.memory_space<vmem>>) attributes {dimension_semantics = [#tpu.dimension_semantics<arbitrary>], iteration_bounds = array<i64: 8>, scalar_prefetch = 0 : i64, scratch_operands = 0 : i64, tpu.core_type = #tpu.core_type<tc>, window_params = [{transform_indices = @transform_0, window_bounds = array<i64: 1, 1280, 128>}, {transform_indices = @transform_1, window_bounds = array<i64: 1280, 4>}, {pipeline_mode = #tpu.pipeline_mode<synchronous>, transform_indices = @transform_2, window_bounds = array<i64: 128, 256>}, {pipeline_mode = #tpu.pipeline_mode<synchronous>, transform_indices = @transform_3, window_bounds = array<i64: 1, 256>}, {transform_indices = @transform_4, window_bounds = array<i64: 2, 1280, 128>}]} {
    %get3A = arith.constant 0 : index
    %get3A_0 = arith.constant 0 : index
    %get3A_1 = arith.constant 0 : index
    %get3A_2 = vector.load %arg1[%get3A, %get3A_0, %get3A_1] : memref<1x1280x128xf32, #tpu.memory_space<vmem>>, vector<1x1280x128xf32>
    %get3A_3 = vector.shape_cast %get3A_2 : vector<1x1280x128xf32> to vector<1280x128xf32>
    %get3A_4 = arith.constant 0 : index
    %get3A_5 = arith.constant 0 : index
    %get3A_6 = vector.load %arg3[%get3A_4, %get3A_5] : memref<128x256xf32, #tpu.memory_space<vmem>>, vector<128x256xf32>
    %dot_general3A = arith.constant dense<0.000000e+00> : vector<1280x256xf32>
    %dot_general3A_7 = tpu.matmul %get3A_3, %get3A_6, %dot_general3A {dimension_numbers = #tpu.dot_dimension_numbers<[1], [0], [0], [1], [0, 0, 1, 1], [], []>, precision = #tpu.contract_precision<fp32>, transpose_lhs_hint = false} : vector<1280x128xf32>, vector<128x256xf32>, vector<1280x256xf32> -> vector<1280x256xf32>
    %get3A_8 = arith.constant 0 : index
    %get3A_9 = arith.constant 1 : index
    %get3A_10 = vector.load %arg2[%get3A_8, %get3A_9] : memref<1280x4xf32, #tpu.memory_space<vmem>>, vector<1280x1xf32>
    %max3A = arith.constant 1.000000e+00 : f32
    %max3A_11 = vector.broadcast %max3A : f32 to vector<1280x1xf32>
    %max3A_12 = arith.maximumf %get3A_10, %max3A_11 : vector<1280x1xf32>
    %rsqrt3A = math.rsqrt %max3A_12 : vector<1280x1xf32>
    %get3A_13 = arith.constant 0 : index
    %get3A_14 = arith.constant 2 : index
    %get3A_15 = vector.load %arg2[%get3A_13, %get3A_14] : memref<1280x4xf32, #tpu.memory_space<vmem>>, vector<1280x1xf32>
    %max3A_16 = arith.constant 1.000000e+00 : f32
    %max3A_17 = vector.broadcast %max3A_16 : f32 to vector<1280x1xf32>
    %max3A_18 = arith.maximumf %get3A_15, %max3A_17 : vector<1280x1xf32>
    %rsqrt3A_19 = math.rsqrt %max3A_18 : vector<1280x1xf32>
    %mul3A = vector.broadcast %rsqrt3A : vector<1280x1xf32> to vector<1280x256xf32>
    %mul3A_20 = arith.mulf %dot_general3A_7, %mul3A : vector<1280x256xf32>
    %get3A_21 = arith.constant 0 : index
    %get3A_22 = arith.constant 0 : index
    %get3A_23 = vector.load %arg4[%get3A_21, %get3A_22] : memref<1x256xf32, #tpu.memory_space<vmem>>, vector<1x256xf32>
    %add3A = vector.broadcast %get3A_23 : vector<1x256xf32> to vector<1280x256xf32>
    %add3A_24 = arith.addf %mul3A_20, %add3A : vector<1280x256xf32>
    %mul3A_25 = vector.broadcast %rsqrt3A_19 : vector<1280x1xf32> to vector<1280x256xf32>
    %mul3A_26 = arith.mulf %add3A_24, %mul3A_25 : vector<1280x256xf32>
    %slice3A = vector.extract_strided_slice %mul3A_26 {offsets = [0, 0], sizes = [1280, 128], strides = [1, 1]} : vector<1280x256xf32> to vector<1280x128xf32>
    %swap3A = arith.constant 0 : index
    %swap3A_27 = arith.constant 0 : index
    %swap3A_28 = arith.constant 0 : index
    %swap3A_29 = vector.load %arg5[%swap3A, %swap3A_27, %swap3A_28] : memref<2x1280x128xf32, #tpu.memory_space<vmem>>, vector<1x1280x128xf32>
    %swap3A_30 = vector.shape_cast %swap3A_29 : vector<1x1280x128xf32> to vector<1280x128xf32>
    %swap3A_31 = vector.shape_cast %slice3A : vector<1280x128xf32> to vector<1x1280x128xf32>
    tpu.vector_store %arg5[%swap3A, %swap3A_27, %swap3A_28], %swap3A_31 {strides = array<i32>} : memref<2x1280x128xf32, #tpu.memory_space<vmem>>, vector<1x1280x128xf32>,
    %slice3A_32 = vector.extract_strided_slice %mul3A_26 {offsets = [0, 128], sizes = [1280, 128], strides = [1, 1]} : vector<1280x256xf32> to vector<1280x128xf32>
    %swap3A_33 = arith.constant 1 : index
    %swap3A_34 = arith.constant 0 : index
    %swap3A_35 = arith.constant 0 : index
    %swap3A_36 = vector.load %arg5[%swap3A_33, %swap3A_34, %swap3A_35] : memref<2x1280x128xf32, #tpu.memory_space<vmem>>, vector<1x1280x128xf32>
    %swap3A_37 = vector.shape_cast %swap3A_36 : vector<1x1280x128xf32> to vector<1280x128xf32>
    %swap3A_38 = vector.shape_cast %slice3A_32 : vector<1280x128xf32> to vector<1x1280x128xf32>
    tpu.vector_store %arg5[%swap3A_33, %swap3A_34, %swap3A_35], %swap3A_38 {strides = array<i32>} : memref<2x1280x128xf32, #tpu.memory_space<vmem>>, vector<1x1280x128xf32>,
    return
  }
  func.func @transform_0(%arg0: i32) -> (i32, i32, i32) {
    %jit3A = arith.constant 4 : i32
    %div3A = arith.divsi %arg0, %jit3A : i32
    %sign3A = arith.constant 0 : i32
    %sign3A_0 = arith.cmpi sgt, %arg0, %sign3A : i32
    %sign3A_1 = arith.extui %sign3A_0 : i1 to i32
    %sign3A_2 = arith.constant 0 : i32
    %sign3A_3 = arith.cmpi slt, %arg0, %sign3A_2 : i32
    %sign3A_4 = arith.extui %sign3A_3 : i1 to i32
    %sign3A_5 = arith.subi %sign3A_1, %sign3A_4 : i32
    %sign3A_6 = arith.constant 0 : i32
    %sign3A_7 = arith.cmpi sgt, %jit3A, %sign3A_6 : i32
    %sign3A_8 = arith.extui %sign3A_7 : i1 to i32
    %sign3A_9 = arith.constant 0 : i32
    %sign3A_10 = arith.cmpi slt, %jit3A, %sign3A_9 : i32
    %sign3A_11 = arith.extui %sign3A_10 : i1 to i32
    %sign3A_12 = arith.subi %sign3A_8, %sign3A_11 : i32
    %ne3A = arith.cmpi ne, %sign3A_5, %sign3A_12 : i32
    %rem3A = arith.remsi %arg0, %jit3A : i32
    %ne3A_13 = arith.constant 0 : i32
    %ne3A_14 = arith.cmpi ne, %rem3A, %ne3A_13 : i32
    %and3A = arith.andi %ne3A, %ne3A_14 : i1
    %sub3A = arith.constant 1 : i32
    %sub3A_15 = arith.subi %div3A, %sub3A : i32
    %select_n3A = arith.select %and3A, %sub3A_15, %div3A : i32
    %jit3A_16 = arith.constant 4 : i32
    %eq3A = arith.constant 0 : i32
    %eq3A_17 = arith.cmpi eq, %jit3A_16, %eq3A : i32
    %jit3A_18 = arith.constant 1 : i32
    %select_n3A_19 = arith.select %eq3A_17, %jit3A_18, %jit3A_16 : i32
    %rem3A_20 = arith.remsi %arg0, %select_n3A_19 : i32
    %ne3A_21 = arith.constant 0 : i32
    %ne3A_22 = arith.cmpi ne, %rem3A_20, %ne3A_21 : i32
    %lt3A = arith.constant 0 : i32
    %lt3A_23 = arith.cmpi slt, %rem3A_20, %lt3A : i32
    %lt3A_24 = arith.constant 0 : i32
    %lt3A_25 = arith.cmpi slt, %select_n3A_19, %lt3A_24 : i32
    %ne3A_26 = arith.xori %lt3A_23, %lt3A_25 : i1
    %and3A_27 = arith.andi %ne3A_26, %ne3A_22 : i1
    %add3A = arith.addi %rem3A_20, %select_n3A_19 : i32
    %select_n3A_28 = arith.select %and3A_27, %add3A, %rem3A_20 : i32
    %c0_i32 = arith.constant 0 : i32
    %c0_i32_29 = arith.constant 0 : i32
    return %select_n3A, %select_n3A_28, %c0_i32 : i32, i32, i32
  }
  func.func @transform_1(%arg0: i32) -> (i32, i32) {
    %c0_i32 = arith.constant 0 : i32
    %c0_i32_0 = arith.constant 0 : i32
    return %arg0, %c0_i32 : i32, i32
  }
  func.func @transform_2(%arg0: i32) -> (i32, i32) {
    %c0_i32 = arith.constant 0 : i32
    %c0_i32_0 = arith.constant 0 : i32
    %c0_i32_1 = arith.constant 0 : i32
    return %c0_i32, %c0_i32_0 : i32, i32
  }
  func.func @transform_3(%arg0: i32) -> (i32, i32) {
    %c0_i32 = arith.constant 0 : i32
    %c0_i32_0 = arith.constant 0 : i32
    %c0_i32_1 = arith.constant 0 : i32
    return %c0_i32, %c0_i32_0 : i32, i32
  }
  func.func @transform_4(%arg0: i32) -> (i32, i32, i32) {
    %c0_i32 = arith.constant 0 : i32
    %c0_i32_0 = arith.constant 0 : i32
    %c0_i32_1 = arith.constant 0 : i32
    return %c0_i32, %arg0, %c0_i32_0 : i32, i32, i32
  }
}

module attributes {stable_mosaic.version = 14 : i64} {
  func.func @_final_body(%arg0: i32, %arg1: memref<1x2x1280x128xf32, #tpu.memory_space<vmem>>, %arg2: memref<1280x4xf32, #tpu.memory_space<vmem>>, %arg3: memref<256x256xf32, #tpu.memory_space<vmem>>, %arg4: memref<1x256xf32, #tpu.memory_space<vmem>>, %arg5: memref<256x128xf32, #tpu.memory_space<vmem>>, %arg6: memref<1x128xf32, #tpu.memory_space<vmem>>, %arg7: memref<1280x128xf32, #tpu.memory_space<vmem>>) attributes {dimension_semantics = [#tpu.dimension_semantics<arbitrary>], iteration_bounds = array<i64: 8>, scalar_prefetch = 0 : i64, scratch_operands = 0 : i64, tpu.core_type = #tpu.core_type<tc>, window_params = [{transform_indices = @transform_0, window_bounds = array<i64: 1, 2, 1280, 128>}, {transform_indices = @transform_1, window_bounds = array<i64: 1280, 4>}, {pipeline_mode = #tpu.pipeline_mode<synchronous>, transform_indices = @transform_2, window_bounds = array<i64: 256, 256>}, {pipeline_mode = #tpu.pipeline_mode<synchronous>, transform_indices = @transform_3, window_bounds = array<i64: 1, 256>}, {pipeline_mode = #tpu.pipeline_mode<synchronous>, transform_indices = @transform_4, window_bounds = array<i64: 256, 128>}, {pipeline_mode = #tpu.pipeline_mode<synchronous>, transform_indices = @transform_5, window_bounds = array<i64: 1, 128>}, {transform_indices = @transform_6, window_bounds = array<i64: 1280, 128>}]} {
    %get3A = arith.constant 0 : index
    %get3A_0 = arith.constant 0 : index
    %get3A_1 = arith.constant 0 : index
    %get3A_2 = arith.constant 0 : index
    %get3A_3 = vector.load %arg1[%get3A, %get3A_0, %get3A_1, %get3A_2] : memref<1x2x1280x128xf32, #tpu.memory_space<vmem>>, vector<1x1x1280x128xf32>
    %get3A_4 = vector.shape_cast %get3A_3 : vector<1x1x1280x128xf32> to vector<1280x128xf32>
    %get3A_5 = arith.constant 0 : index
    %get3A_6 = arith.constant 0 : index
    %get3A_7 = vector.load %arg3[%get3A_5, %get3A_6] : memref<256x256xf32, #tpu.memory_space<vmem>>, vector<128x256xf32>
    %dot_general3A = arith.constant dense<0.000000e+00> : vector<1280x256xf32>
    %dot_general3A_8 = tpu.matmul %get3A_4, %get3A_7, %dot_general3A {dimension_numbers = #tpu.dot_dimension_numbers<[1], [0], [0], [1], [0, 0, 1, 1], [], []>, precision = #tpu.contract_precision<fp32>, transpose_lhs_hint = false} : vector<1280x128xf32>, vector<128x256xf32>, vector<1280x256xf32> -> vector<1280x256xf32>
    %get3A_9 = arith.constant 0 : index
    %get3A_10 = arith.constant 1 : index
    %get3A_11 = arith.constant 0 : index
    %get3A_12 = arith.constant 0 : index
    %get3A_13 = vector.load %arg1[%get3A_9, %get3A_10, %get3A_11, %get3A_12] : memref<1x2x1280x128xf32, #tpu.memory_space<vmem>>, vector<1x1x1280x128xf32>
    %get3A_14 = vector.shape_cast %get3A_13 : vector<1x1x1280x128xf32> to vector<1280x128xf32>
    %get3A_15 = arith.constant 128 : index
    %get3A_16 = arith.constant 0 : index
    %get3A_17 = vector.load %arg3[%get3A_15, %get3A_16] : memref<256x256xf32, #tpu.memory_space<vmem>>, vector<128x256xf32>
    %dot_general3A_18 = arith.constant dense<0.000000e+00> : vector<1280x256xf32>
    %dot_general3A_19 = tpu.matmul %get3A_14, %get3A_17, %dot_general3A_18 {dimension_numbers = #tpu.dot_dimension_numbers<[1], [0], [0], [1], [0, 0, 1, 1], [], []>, precision = #tpu.contract_precision<fp32>, transpose_lhs_hint = false} : vector<1280x128xf32>, vector<128x256xf32>, vector<1280x256xf32> -> vector<1280x256xf32>
    %add3A = arith.addf %dot_general3A_8, %dot_general3A_19 : vector<1280x256xf32>
    %get3A_20 = arith.constant 0 : index
    %get3A_21 = arith.constant 3 : index
    %get3A_22 = vector.load %arg2[%get3A_20, %get3A_21] : memref<1280x4xf32, #tpu.memory_space<vmem>>, vector<1280x1xf32>
    %max3A = arith.constant 1.000000e+00 : f32
    %max3A_23 = vector.broadcast %max3A : f32 to vector<1280x1xf32>
    %max3A_24 = arith.maximumf %get3A_22, %max3A_23 : vector<1280x1xf32>
    %rsqrt3A = math.rsqrt %max3A_24 : vector<1280x1xf32>
    %mul3A = vector.broadcast %rsqrt3A : vector<1280x1xf32> to vector<1280x256xf32>
    %mul3A_25 = arith.mulf %add3A, %mul3A : vector<1280x256xf32>
    %get3A_26 = arith.constant 0 : index
    %get3A_27 = arith.constant 0 : index
    %get3A_28 = vector.load %arg4[%get3A_26, %get3A_27] : memref<1x256xf32, #tpu.memory_space<vmem>>, vector<1x256xf32>
    %add3A_29 = vector.broadcast %get3A_28 : vector<1x256xf32> to vector<1280x256xf32>
    %add3A_30 = arith.addf %mul3A_25, %add3A_29 : vector<1280x256xf32>
    %get3A_31 = arith.constant 0 : index
    %get3A_32 = arith.constant 0 : index
    %get3A_33 = vector.load %arg5[%get3A_31, %get3A_32] : memref<256x128xf32, #tpu.memory_space<vmem>>, vector<256x128xf32>
    %dot_general3A_34 = arith.constant dense<0.000000e+00> : vector<1280x128xf32>
    %dot_general3A_35 = tpu.matmul %add3A_30, %get3A_33, %dot_general3A_34 {dimension_numbers = #tpu.dot_dimension_numbers<[1], [0], [0], [1], [0, 0, 1, 1], [], []>, precision = #tpu.contract_precision<fp32>, transpose_lhs_hint = false} : vector<1280x256xf32>, vector<256x128xf32>, vector<1280x128xf32> -> vector<1280x128xf32>
    %get3A_36 = arith.constant 0 : index
    %get3A_37 = arith.constant 0 : index
    %get3A_38 = vector.load %arg6[%get3A_36, %get3A_37] : memref<1x128xf32, #tpu.memory_space<vmem>>, vector<1x128xf32>
    %add3A_39 = vector.broadcast %get3A_38 : vector<1x128xf32> to vector<1280x128xf32>
    %add3A_40 = arith.addf %dot_general3A_35, %add3A_39 : vector<1280x128xf32>
    %swap3A = arith.constant 0 : index
    %swap3A_41 = arith.constant 0 : index
    %swap3A_42 = vector.load %arg7[%swap3A, %swap3A_41] : memref<1280x128xf32, #tpu.memory_space<vmem>>, vector<1280x128xf32>
    tpu.vector_store %arg7[%swap3A, %swap3A_41], %add3A_40 {strides = array<i32>} : memref<1280x128xf32, #tpu.memory_space<vmem>>, vector<1280x128xf32>,
    return
  }
  func.func @transform_0(%arg0: i32) -> (i32, i32, i32, i32) {
    %jit3A = arith.constant 4 : i32
    %div3A = arith.divsi %arg0, %jit3A : i32
    %sign3A = arith.constant 0 : i32
    %sign3A_0 = arith.cmpi sgt, %arg0, %sign3A : i32
    %sign3A_1 = arith.extui %sign3A_0 : i1 to i32
    %sign3A_2 = arith.constant 0 : i32
    %sign3A_3 = arith.cmpi slt, %arg0, %sign3A_2 : i32
    %sign3A_4 = arith.extui %sign3A_3 : i1 to i32
    %sign3A_5 = arith.subi %sign3A_1, %sign3A_4 : i32
    %sign3A_6 = arith.constant 0 : i32
    %sign3A_7 = arith.cmpi sgt, %jit3A, %sign3A_6 : i32
    %sign3A_8 = arith.extui %sign3A_7 : i1 to i32
    %sign3A_9 = arith.constant 0 : i32
    %sign3A_10 = arith.cmpi slt, %jit3A, %sign3A_9 : i32
    %sign3A_11 = arith.extui %sign3A_10 : i1 to i32
    %sign3A_12 = arith.subi %sign3A_8, %sign3A_11 : i32
    %ne3A = arith.cmpi ne, %sign3A_5, %sign3A_12 : i32
    %rem3A = arith.remsi %arg0, %jit3A : i32
    %ne3A_13 = arith.constant 0 : i32
    %ne3A_14 = arith.cmpi ne, %rem3A, %ne3A_13 : i32
    %and3A = arith.andi %ne3A, %ne3A_14 : i1
    %sub3A = arith.constant 1 : i32
    %sub3A_15 = arith.subi %div3A, %sub3A : i32
    %select_n3A = arith.select %and3A, %sub3A_15, %div3A : i32
    %jit3A_16 = arith.constant 4 : i32
    %eq3A = arith.constant 0 : i32
    %eq3A_17 = arith.cmpi eq, %jit3A_16, %eq3A : i32
    %jit3A_18 = arith.constant 1 : i32
    %select_n3A_19 = arith.select %eq3A_17, %jit3A_18, %jit3A_16 : i32
    %rem3A_20 = arith.remsi %arg0, %select_n3A_19 : i32
    %ne3A_21 = arith.constant 0 : i32
    %ne3A_22 = arith.cmpi ne, %rem3A_20, %ne3A_21 : i32
    %lt3A = arith.constant 0 : i32
    %lt3A_23 = arith.cmpi slt, %rem3A_20, %lt3A : i32
    %lt3A_24 = arith.constant 0 : i32
    %lt3A_25 = arith.cmpi slt, %select_n3A_19, %lt3A_24 : i32
    %ne3A_26 = arith.xori %lt3A_23, %lt3A_25 : i1
    %and3A_27 = arith.andi %ne3A_26, %ne3A_22 : i1
    %add3A = arith.addi %rem3A_20, %select_n3A_19 : i32
    %select_n3A_28 = arith.select %and3A_27, %add3A, %rem3A_20 : i32
    %c0_i32 = arith.constant 0 : i32
    %c0_i32_29 = arith.constant 0 : i32
    %c0_i32_30 = arith.constant 0 : i32
    return %select_n3A, %c0_i32, %select_n3A_28, %c0_i32_29 : i32, i32, i32, i32
  }
  func.func @transform_1(%arg0: i32) -> (i32, i32) {
    %c0_i32 = arith.constant 0 : i32
    %c0_i32_0 = arith.constant 0 : i32
    return %arg0, %c0_i32 : i32, i32
  }
  func.func @transform_2(%arg0: i32) -> (i32, i32) {
    %c0_i32 = arith.constant 0 : i32
    %c0_i32_0 = arith.constant 0 : i32
    %c0_i32_1 = arith.constant 0 : i32
    return %c0_i32, %c0_i32_0 : i32, i32
  }
  func.func @transform_3(%arg0: i32) -> (i32, i32) {
    %c0_i32 = arith.constant 0 : i32
    %c0_i32_0 = arith.constant 0 : i32
    %c0_i32_1 = arith.constant 0 : i32
    return %c0_i32, %c0_i32_0 : i32, i32
  }
  func.func @transform_4(%arg0: i32) -> (i32, i32) {
    %c0_i32 = arith.constant 0 : i32
    %c0_i32_0 = arith.constant 0 : i32
    %c0_i32_1 = arith.constant 0 : i32
    return %c0_i32, %c0_i32_0 : i32, i32
  }
  func.func @transform_5(%arg0: i32) -> (i32, i32) {
    %c0_i32 = arith.constant 0 : i32
    %c0_i32_0 = arith.constant 0 : i32
    %c0_i32_1 = arith.constant 0 : i32
    return %c0_i32, %c0_i32_0 : i32, i32
  }
  func.func @transform_6(%arg0: i32) -> (i32, i32) {
    %c0_i32 = arith.constant 0 : i32
    %c0_i32_0 = arith.constant 0 : i32
    return %arg0, %c0_i32 : i32, i32
  }
}

</mosaic_0001>

<sc_bundles>
// kernel: _run.10.cloned.1.call-start
scs
__scs_entry_jumppad:
0x0: {  	(pc) =	sbr.rel $0x88, $3  }
0x1: {  	(tag) =	ssettag $0x0;
	lr =	simm.s32 $0x1  }
0x2: {  	[smem:$0x3F98] =	sst lr;
	_ =	strace $0xD0000000  }
0x3: {  	_ = 	snop  }
0x4: {  	_ = 	snop  }
0x5: {  	_ = 	snop  }
0x6: {  	_ = 	snop  }
0x7: {  	_ = 	snop  }
__scs_overlays_trampoline_lowered:
0x8: {  	[smem:$0x3FA7] =	sst s0  }
0x9: {  	[smem:$0x3FA8] =	sst s1  }
0xa: {  	[smem:$0x3FA9] =	sst s2  }
0xb: {  	[smem:$0x3FAA] =	sst s3  }
0xc: {  	[smem:$0x3FAB] =	sst s4  }
0xd: {  	[smem:$0x3FAC] =	sst s5  }
0xe: {  	[smem:$0x3FAD] =	sst s6  }
0xf: {  	[smem:$0x3FAE] =	sst s7  }
0x10: {  	[smem:$0x3FAF] =	sst s8  }
0x11: {  	[smem:$0x3FB0] =	sst s9;
	s0 =	simm.s32 @!p0 $0x0  }
0x12: {  	s1 =	sld [smem:$0x3F96];
	s0 =	simm.s32 @p0 $0x1  }
0x13: {  	[smem:$0x3FB1] =	sst s0;
	s0 =	simm.s32 @!p1 $0x0  }
0x14: {  	s2 =	sld [smem:$0x3F95];
	s0 =	simm.s32 @p1 $0x1  }
0x15: {  	[smem:$0x3FB2] =	sst s0;
	s0 =	simm.s32 @!p2 $0x0  }
0x16: {  	s3 =	sld [smem:$0x3FDB];
	s0 =	simm.s32 @p2 $0x1  }
0x17: {  	s4 =	simm.s32 $0x1BF5;
	[smem:$0x3FB4] =	sst s0  }
0x18: {  	s0 =	sld [smem:$0x3F97];
	_ =	swait.ge [sflag:s4], $0x0  }
0x19: {  	s7 =	sld [smem:$0x3F98]  }
0x1a: {  	s8 =	sadd.s32 $0xFFFFE003, lr  }
0x1b: {  	s9 =	sadd.s32 $0xFFFFFEF7, lr;
	s5 =	simm.s32 $0xFFFFFFFF;
	p2 =	slt.u32 s8, $0xFFFFF086  }
0x1c: {  	p1 =	slt.u32 s9, $0xF7A;
	s5 =	simm.s32 @!p2 $0x0  }
0x1d: {  	s5 =	simm.s32 @p1 $0x1;
	p0 =	seq.s32 s7, s2  }
0x1e: {  	s7 =	smul.u32 @!p0 $0xF7A, s2;
	p2 =	seq.s32 @!p0 s5, $0x0  }
0x1f: {  	s9 =	smul.u32 $0xF7A, s1;
	s8 =	simm.s32 @!p0 $0x1BF5;
	p2 =	por !p2, p0  }
0x20: {  	[sflag:s8] =	ssyncset.s32 @!p0 $0xFFFFF086;
	s6 =	sadd.s32 @!p0 s3, s7;
	s7 =	simm.s32 @!p0 $0x108  }
0x21: {  	s3 =	sadd.s32 s3, s9;
	s6 =	sadd.s32 @!p0 $0x88, s6;
	s7 =	simm.s32 @p2 $0x1082  }
0x22: {  	[simem:s7], [sflag:s8] =	dma.local @!p0 [hbm:s6], $0xF7A  }
0x23: {  	s9 =	sor.u32 $0xD0000000, s2;
	s6 =	simm.s32 $0x108;
	_ =	swait.ge @!p0 [sflag:s8], $0x0  }
0x24: {  	s3 =	sadd.s32 $0x88, s3;
	s6 =	simm.s32 @!p1 $0x1082;
	[sflag:s4] =	ssyncset.s32 $0xFFFFF086  }
0x25: {  	[simem:s6], [sflag:s4] =	dma.local [hbm:s3], $0xF7A  }
0x26: {  	[smem:$0x3F98] =	sst s1;
	(tag) =	ssettag s2;
	_ =	strace s9  }
0x27: {  	s1 =	sld [smem:$0x3FA8]  }
0x28: {  	s2 =	sld [smem:$0x3FA9]  }
0x29: {  	s4 =	sld [smem:$0x3FAB]  }
0x2a: {  	p0 =	seq.s32 s5, $0x0;
	s5 =	sld [smem:$0x3FAC]  }
0x2b: {  	s6 =	sld [smem:$0x3FAD]  }
0x2c: {  	s7 =	sld [smem:$0x3FAE]  }
0x2d: {  	s3 =	simm.s32 $0x108;
	s8 =	sld [smem:$0x3FAF]  }
0x2e: {  	s3 =	simm.s32 @!p0 $0x1082;
	s9 =	sld [smem:$0x3FB0]  }
0x2f: {  	lr =	sadd.s32 s0, s3;
	s0 =	sld [smem:$0x3FA7]  }
0x30: {  	s3 =	sld [smem:$0x3FAA]  }
0x31: {  	[smem:$0x3FB3] =	sst s10  }
0x32: {  	s10 =	sld [smem:$0x3FB1];
	_ =	sdelay $0x3  }
0x33: {  	p0 =	seq.s32 s10, $0x1;
	s10 =	sld [smem:$0x3FB3];
	_ =	sdelay $0x3  }
0x34: {  	[smem:$0x3FB3] =	sst s10  }
0x35: {  	s10 =	sld [smem:$0x3FB2];
	_ =	sdelay $0x3  }
0x36: {  	p1 =	seq.s32 s10, $0x1;
	s10 =	sld [smem:$0x3FB3];
	_ =	sdelay $0x3  }
0x37: {  	[smem:$0x3FB3] =	sst s10  }
0x38: {  	s10 =	sld [smem:$0x3FB4]  }
0x39: {  	_ = 	snop;
	(pc) =	sbr.ind lr, $3  }
0x3a: {  	_ = 	snop  }
0x3b: {  	_ = 	snop  }
0x3c: {  	p2 =	seq.s32 s10, $0x1;
	s10 =	sld [smem:$0x3FB3]  }
0x3d: {  	_ =	shalt  }
0x3e: {  	_ =	shalt  }
0x3f: {  	_ =	shalt  }
0x40: {  	_ =	shalt  }
0x41: {  	_ =	shalt  }
0x42: {  	_ =	shalt  }
0x43: {  	_ =	shalt  }
0x44: {  	_ =	shalt  }
0x45: {  	_ =	shalt  }
0x46: {  	_ =	shalt  }
0x47: {  	_ =	shalt  }
0x48: {  	_ =	shalt  }
0x49: {  	_ =	shalt  }
0x4a: {  	_ =	shalt  }
0x4b: {  	_ =	shalt  }
0x4c: {  	_ =	shalt  }
0x4d: {  	_ =	shalt  }
0x4e: {  	_ =	shalt  }
0x4f: {  	_ =	shalt  }
0x50: {  	_ =	shalt  }
0x51: {  	_ =	shalt  }
0x52: {  	_ =	shalt  }
0x53: {  	_ =	shalt  }
0x54: {  	_ =	shalt  }
0x55: {  	_ =	shalt  }
0x56: {  	_ =	shalt  }
0x57: {  	_ =	shalt  }
0x58: {  	_ =	shalt  }
0x59: {  	_ =	shalt  }
0x5a: {  	_ =	shalt  }
0x5b: {  	_ =	shalt  }
0x5c: {  	_ =	shalt  }
0x5d: {  	_ =	shalt  }
0x5e: {  	_ =	shalt  }
0x5f: {  	_ =	shalt  }
0x60: {  	_ =	shalt  }
0x61: {  	_ =	shalt  }
0x62: {  	_ =	shalt  }
0x63: {  	_ =	shalt  }
0x64: {  	_ =	shalt  }
0x65: {  	_ =	shalt  }
0x66: {  	_ =	shalt  }
0x67: {  	_ =	shalt  }
0x68: {  	_ =	shalt  }
0x69: {  	_ =	shalt  }
0x6a: {  	_ =	shalt  }
0x6b: {  	_ =	shalt  }
0x6c: {  	_ =	shalt  }
0x6d: {  	_ =	shalt  }
0x6e: {  	_ =	shalt  }
0x6f: {  	_ =	shalt  }
0x70: {  	_ =	shalt  }
0x71: {  	_ =	shalt  }
0x72: {  	_ =	shalt  }
0x73: {  	_ =	shalt  }
0x74: {  	_ =	shalt  }
0x75: {  	_ =	shalt  }
0x76: {  	_ =	shalt  }
0x77: {  	_ =	shalt  }
0x78: {  	_ =	shalt  }
0x79: {  	_ =	shalt  }
0x7a: {  	_ =	shalt  }
0x7b: {  	_ =	shalt  }
0x7c: {  	_ =	shalt  }
0x7d: {  	_ =	shalt  }
0x7e: {  	_ =	shalt  }
0x7f: {  	_ =	shalt  }
0x80: {  	_ =	shalt  }
0x81: {  	_ =	shalt  }
0x82: {  	_ =	shalt  }
0x83: {  	_ =	shalt  }
0x84: {  	_ =	shalt  }
0x85: {  	_ =	shalt  }
0x86: {  	_ =	shalt  }
0x87: {  	_ =	shalt  }
.Lfunc_end0:
.L_simem_size_0:
called_computation_lowered:
.L_overlay_start_0:
0x88: {  	s2 =	sld [smem:$0x3FD9]  }
0x89: {  	s3 =	sld [smem:$0x3FFE];
	_ =	sdelay $0x1  }
0x8a: {  	s1 =	srdreg.scid  }
0x8b: {  	s0 =	sand.u32 $0x1, s1  }
0x8c: {  	s17 =	sshll.u32 s0, $0xA;
	s2 =	sadd.s32 s3, s2  }
0x8d: {  	s2 =	sadd.s32 s2, s17  }
0x8e: {  	[smem:$0x3FBF] =	sst s2  }
0x8f: {  	_ = 	snop  }
0x90: {  	s2 =	sld [smem:$0x3FD0];
	(tm) =	ssettm $0x1  }
0x91: {  	s18 =	sld [smem:$0x3FFB];
	_ =	sdelay $0x3  }
0x92: {  	_ =	strace s18  }
0x93: {  	s3 =	sld [smem:$0x3FFC];
	_ =	sdelay $0x3  }
0x94: {  	_ =	strace s3  }
0x95: {  	s3 =	sld [smem:$0x3FFD];
	_ =	sdelay $0x3  }
0x96: {  	_ =	strace s3  }
0x97: {  	_ =	strace $0x8FFFFFFF  }
0x98: {  	s19 =	sld [smem:$0x3FDB];
	_ =	sdelay $0x1  }
0x99: {  	s4 =	simm.s32 $_scs_section_size  }
0x9a: {  	s5 =	simm.s32 $_size__tile_overlayer_lowered;
	s6 =	simm.s32 $_tile_overlayer_lowered  }
0x9b: {  	s22 =	simm.s32 $0x1BFF;
	s21 =	sshll.u32 s6, $0x1;
	s3 =	sadd.s32 s4, s19  }
0x9c: {  	s7 =	simm.s32 $0x0;
	s20 =	sshll.u32 s5, $0x1;
	s5 =	sadd.s32 s21, s3  }
0x9d: {  	[timem:s7], [sflag:s22] =	dma.local [hbm:s5], s20  }
0x9e: {  	_ =	swait.ge [sflag:s22], s20  }
0x9f: {  	s4 =	ssub.s32 $0x0, s20;
	[sflag:s22] =	ssyncset.done $0x0  }
0xa0: {  	[sflag:s22] =	ssyncadd.s32 s4;
	_ =	sdelay $0x1  }
0xa1: {  	s23 =	simm.s32 $0x1B8B  }
0xa2: {  	_ =	swait.ge [sflag:s23], $0x1  }
0xa3: {  	[sflag:s23] =	ssyncset.done $0x0  }
0xa4: {  	s25 =	simm.s32 $0x1B8E;
	s24 =	sld [smem:$0x3FFE];
	[sflag:s23] =	ssyncadd.s32 $0xFFFFFFFF  }
0xa5: {  	s26 =	simm.s32 $execute0_lowered;
	[smem:$0x3FD2] =	sst s25  }
0xa6: {  	s5 =	sshll.u32 s26, $0x1;
	_ =	strace $0x80000046;
	[dreg:$0x1] =	wrdreg $0xFFFFFFFF  }
0xa7: {  	s28 =	simm.s32 $_size_execute0_lowered;
	s3 =	sadd.s32 s3, s5;
	[dreg:$0x0] =	wrdreg $0x0  }
0xa8: {  	s5 =	sshll.u32 s28, $0x1;
	[dreg:$0x2] =	wrdreg s3  }
0xa9: {  	[dreg:$0x3] =	wrdreg s5  }
0xaa: {  	[dreg:$0x4] =	wrdreg $0xC0  }
0xab: {  	_ =	task [dreg:s7], $0x5FFFF  }
0xac: {  	[dreg:$0x1] =	wrdreg $0xFFFFFFFF  }
0xad: {  	[dreg:$0x0] =	wrdreg $0x60  }
0xae: {  	[dreg:$0x2] =	wrdreg s24  }
0xaf: {  	[dreg:$0x3] =	wrdreg s2  }
0xb0: {  	[dreg:$0x4] =	wrdreg $0x9  }
0xb1: {  	_ =	task.clear_ibuf [dreg:s7], $0x5FFFF;
	_ =	strace $0x90000046  }
0xb2: {  	s29 =	simm.s32 $0x9;
	_ =	strace $0x80000048  }
0xb3: {  	_ =	swait.ge [sflag:s29], $0x1  }
0xb4: {  	[sflag:s29] =	ssyncadd.s32 $0xFFFFFFFF  }
0xb5: {  	_ =	strace $0x90000048  }
0xb6: {  	_ =	sfence  }
0xb7: {  	s30 =	sld [smem:$0x0];
	_ =	sdelay $0x2  }
0xb8: {  	s31 =	sshll.u32 s1, $0xD;
	s1 =	sshrl.u32 s1, $0x2  }
0xb9: {  	s3 =	sand.u32 $0x4000, s31;
	s1 =	sadd.s32 s1, s30  }
0xba: {  	s0 =	sor.u32 s3, s0;
	s1 =	sshll.u32 s1, $0x11  }
0xbb: {  	s0 =	sor.u32 s1, s0  }
0xbc: {  	s0 =	sadd.s32 $0x8F2B, s0  }
0xbd: {  	[sflag:s0] =	ssyncadd.remote.s32 $0x1  }
0xbe: {  	_ =	sfence.sel $0xFFFF  }
0xbf: {  	[dreg:$0x0] =	wrdreg $0xFFFFFFFF;
	(pc) =	sbr.abs _section_cstart, $3  }
0xc0: {  	[dreg:$0x1] =	wrdreg $0xFFFFFFFF  }
0xc1: {  	_ =	task.clear_ibuf [dreg:s7], $0x2FFFF;
	_ =	strace $0x9FFFFFFF  }
0xc2: {  	(tm) =	ssettm $0x7FFFFFFF  }
0xc3: {  	_ =	shalt  }
tec
execute0_lowered:
.L_overlay_start_1:
0x0: {  	(tag) =	ssettag $0x1  }
0x1: {  	s3 =	rddreg [dreg:$0x0]  }
0x2: {  	s0 =	srdreg.scid;
	s1 =	stileid.u32  }
0x3: {  	s6 =	rddreg [dreg:$0x1];
	s4 =	sand.u32 $0x1, s0;
	s7 =	smul.u32 $0x5000, s1  }
0x4: {  	s2 =	simm.s32 $0x0;
	s11 =	simm.s32 $0x400;
	s5 =	smul.u32 $0xA0000, s4  }
0x5: {  	s0 =	rddreg [dreg:$0x2];
	s8 =	sshrl.u32 s1, $0x3;
	s9 =	smul.u32 $0x50000, s4  }
0x6: {  	[smem:$0x7FF] =	sst s2;
	s28 =	sshll.u32 s1, $0x7;
	s26 =	smul.u32 $0x14000, s8  }
0x7: {  	_ =	strace $0x80000047;
	s4 =	ssub.s32 $0x2, s4;
	s8 =	sand.u32 $0x380, s28  }
0x8: {  	s10 =	sshrl.u32 s4, $0x1;
	s5 =	sadd.s32 s7, s5;
	s7 =	sadd.s32 s9, s26  }
0x9: {  	s29 =	ssub.s32 s4, s10;
	s9 =	simm.s32 $0x5000;
	s5 =	sshrl.u32 s5, $0x3  }
0xa: {  	s10 =	simm.s32 $0x80;
	s30 =	sor.u32 s8, s7;
	s5 =	sadd.s32 s5, s3  }
0xb: {  	s7 =	sshrl.u32 s30, $0x3;
	s8 =	sadd.s32 $0x28000, s30;
	s3 =	sadd.s32 $0x3200, s5  }
0xc: {  	s4 =	sadd.s32 s6, s7;
	s5 =	sadd.s32 $0xD200, s5;
	s31 =	sshrl.u32 s8, $0x3  }
0xd: {  	v0 =	vimm.f32 $0.0e+00;
	v1 =	vimm.f32 $1.000000000e+00;
	s7 =	smax.u32 s29, $0x1;
	s8 =	simm.s32 $0x1;
	s6 =	sadd.s32 s6, s31  }
.LBB2_1:
0xe: {  	s12 =	simm.s32 $0x40;
	s13 =	simm.s32 $0x0  }
.LBB2_2:
0xf: {  	p0 =	sne.s32 s12, $0x9FC0;
	[tilespmem:s13+$0x5000] =	vst v0;
	s13 =	smov.u32 s12;
	s12 =	sadd.s32 $0x40, s12  }
.Ltmp0:
0x10: {  	(pc) =	sbr.rel @p0 .LBB2_2-.Ltmp0, $2  }
0x11: {  	_ =	sdelay $0x2  }
0x12: {  	s13 =	sshra.s32 s13, $0x2  }
0x13: {  	[tilespmem:s13+$0x5000] =	vst v0;
	s12 =	simm.s32 $0x0  }
0x14: {  	[tilespmem:s12], [sflag:$0x1] =	stream.linear.gather [hbm4b:s3+s12], $0x5000, $0x38;
	[tilespmem:$0x7800] =	vst v63  }
0x15: {  	s31 =	sand.u32 $0x1FE00, s12;
	_ =	swait.ge [sflag:s8], $0x5000  }
0x16: {  	s12 =	sand.u32 $0x70, s12;
	s13 =	sshrl.u32 s31, $0x2;
	[sflag:s8] =	ssyncset.done $0x0  }
0x17: {  	s12 =	sor.u32 s12, s13;
	[sflag:s8] =	ssyncadd.s32 $0xFFFFB000  }
0x18: {  	v2 =	vld [tilespmem:s12+$0x0];
	_ =	sdelay $0x4  }
0x19: {  	s14 =	simm.s32 $0x40  }
0x1a: {  	s14 =	sand.u32 $0x1FE00, s14;
	s13 =	simm.s32 $0x80;
	s12 =	simm.s32 $0x10  }
.LBB2_4:
0x1b: {  	p0 =	sne.s32 s13, $0x13FC0;
	s15 =	sand.u32 $0x70, s12;
	s14 =	sshrl.u32 s14, $0x2  }
0x1c: {  	s14 =	sor.u32 s15, s14;
	[tilespmem:v2+s9+$0x0] =	vst.idx.add.f32.msk $0xffff, v1  }
0x1d: {  	v2 =	vld [tilespmem:s14+$0x0];
	_ =	sdelay $0x1  }
.Ltmp1:
0x1e: {  	(pc) =	sbr.rel @p0 .LBB2_4-.Ltmp1, $2  }
0x1f: {  	_ =	sdelay $0x2  }
0x20: {  	s12 =	sadd.s32 $0x10, s12;
	s14 =	sand.u32 $0x1FE00, s13;
	s13 =	sadd.s32 $0x40, s13  }
0x21: {  	_ =	sdelay $0x2  }
0x22: {  	s12 =	sand.u32 $0x70, s12;
	s13 =	sshrl.u32 s14, $0x2  }
0x23: {  	[tilespmem:v2+s9+$0x0] =	vst.idx.add.f32.msk $0xffff, v1;
	s12 =	sor.u32 s12, s13  }
0x24: {  	v2 =	vld [tilespmem:s12+$0x0];
	_ =	sdelay $0x7  }
0x25: {  	[tilespmem:v2+s9+$0x0] =	vst.idx.add.f32.msk $0xffff, v1  }
0x26: {  	[hbm4b:s4+s10] =	stream.strided.scatter [tilespmem:s9], [sflag:$0x1], $0x2800, s11, s10, $0x38;
	[tilespmem:$0x7800] =	vst v63  }
0x27: {  	_ =	swait.ge [sflag:s8], $0x2800  }
0x28: {  	[sflag:s8] =	ssyncset.done $0x0  }
0x29: {  	s13 =	simm.s32 $0x0;
	s12 =	simm.s32 $0x40;
	[sflag:s8] =	ssyncadd.s32 $0xFFFFD800  }
.LBB2_6:
0x2a: {  	p0 =	sne.s32 s12, $0x9FC0;
	[tilespmem:s13+$0x5000] =	vst v0;
	s13 =	smov.u32 s12;
	s12 =	sadd.s32 $0x40, s12  }
.Ltmp2:
0x2b: {  	(pc) =	sbr.rel @p0 .LBB2_6-.Ltmp2, $2  }
0x2c: {  	_ =	sdelay $0x2  }
0x2d: {  	s13 =	sshra.s32 s13, $0x2  }
0x2e: {  	[tilespmem:s13+$0x5000] =	vst v0;
	s12 =	simm.s32 $0x0  }
0x2f: {  	[tilespmem:s12], [sflag:$0x1] =	stream.linear.gather [hbm4b:s5+s12], $0x5000, $0x38;
	[tilespmem:$0x7800] =	vst v63  }
0x30: {  	s31 =	sand.u32 $0x1FE00, s12;
	_ =	swait.ge [sflag:s8], $0x5000  }
0x31: {  	s12 =	sand.u32 $0x70, s12;
	s13 =	sshrl.u32 s31, $0x2;
	[sflag:s8] =	ssyncset.done $0x0  }
0x32: {  	s12 =	sor.u32 s12, s13;
	[sflag:s8] =	ssyncadd.s32 $0xFFFFB000  }
0x33: {  	v2 =	vld [tilespmem:s12+$0x0];
	_ =	sdelay $0x4  }
0x34: {  	s14 =	simm.s32 $0x40  }
0x35: {  	s14 =	sand.u32 $0x1FE00, s14;
	s13 =	simm.s32 $0x80;
	s12 =	simm.s32 $0x10  }
.LBB2_8:
0x36: {  	p0 =	sne.s32 s13, $0x13FC0;
	s15 =	sand.u32 $0x70, s12;
	s14 =	sshrl.u32 s14, $0x2  }
0x37: {  	s14 =	sor.u32 s15, s14;
	[tilespmem:v2+s9+$0x0] =	vst.idx.add.f32.msk $0xffff, v1  }
0x38: {  	v2 =	vld [tilespmem:s14+$0x0];
	_ =	sdelay $0x1  }
.Ltmp3:
0x39: {  	(pc) =	sbr.rel @p0 .LBB2_8-.Ltmp3, $2  }
0x3a: {  	_ =	sdelay $0x2  }
0x3b: {  	s12 =	sadd.s32 $0x10, s12;
	s14 =	sand.u32 $0x1FE00, s13;
	s13 =	sadd.s32 $0x40, s13  }
0x3c: {  	_ =	sdelay $0x2  }
0x3d: {  	s12 =	sand.u32 $0x70, s12;
	s13 =	sshrl.u32 s14, $0x2  }
0x3e: {  	[tilespmem:v2+s9+$0x0] =	vst.idx.add.f32.msk $0xffff, v1;
	s12 =	sor.u32 s12, s13  }
0x3f: {  	v2 =	vld [tilespmem:s12+$0x0];
	_ =	sdelay $0x5  }
0x40: {  	s2 =	sadd.s32 $0x1, s2  }
0x41: {  	p0 =	sne.s32 s2, s7  }
.Ltmp4:
0x42: {  	[tilespmem:v2+s9+$0x0] =	vst.idx.add.f32.msk $0xffff, v1;
	(pc) =	sbr.rel @p0 .LBB2_1-.Ltmp4, $4  }
0x43: {  	[hbm4b:s6+s10] =	stream.strided.scatter [tilespmem:s9], [sflag:$0x1], $0x2800, s11, s10, $0x38;
	[tilespmem:$0x7800] =	vst v63  }
0x44: {  	_ =	swait.ge [sflag:s8], $0x2800  }
0x45: {  	[sflag:s8] =	ssyncset.done $0x0  }
0x46: {  	[sflag:s8] =	ssyncadd.s32 $0xFFFFD800  }
0x47: {  	_ =	sfence.sel $0x180000  }
0x48: {  	[bflag:$0x0] =	sbarrier.arrive $0xFFFF  }
0x49: {  	p0 =	sne.s32 s1, $0x0;
	_ =	strace $0x90000047  }
0x4a: {  	s0 =	sadd.s32 @!p0 $0x100000, s0;
	[bflag:$0x2] =	sbarrier.arrive $0xFFFF  }
0x4b: {  	[sflag:s0] =	ssyncadd.tile.s32 @!p0 $0x1;
	_ =	shalt  }
.Lfunc_end2:
_tile_overlayer_lowered:
.L_overlay_start_2:
0x4c: {  	(tag) =	ssettag $0x2  }
0x4d: {  	s0 =	rddreg [dreg:$0x0];
	s2 =	stileid.u32  }
0x4e: {  	s1 =	rddreg [dreg:$0x1];
	p0 =	sne.s32 s2, $0x0  }
0x4f: {  	s3 =	rddreg [dreg:$0x2];
	[bflag:$0x3] =	sbarrier.arrive $0xFFFF;
	s2 =	simm.s32 @!p0 $0x1C01  }
0x50: {  	[timem:s3], [sflag:s2] =	dma.local @!p0 [hbm:s0], s1  }
0x51: {  	s0 =	simm.s32 @!p0 $0x1  }
0x52: {  	_ =	swait.ge @!p0 [sflag:s0], s1  }
0x53: {  	s1 =	ssub.s32 @!p0 $0x0, s1;
	[sflag:s0] =	ssyncset.done @!p0 $0x0  }
0x54: {  	[sflag:s0] =	ssyncadd.s32 @!p0 s1  }
0x55: {  	[bflag:$0x3] =	sbarrier.arrive $0xFFFF  }
0x56: {  	_ =	shalt  }

// kernel: _run.13.cloned.1.call-start
scs
__scs_entry_jumppad:
0x0: {  	(pc) =	sbr.rel $0x88, $3  }
0x1: {  	(tag) =	ssettag $0x0;
	lr =	simm.s32 $0x1  }
0x2: {  	[smem:$0x3F98] =	sst lr;
	_ =	strace $0xD0000000  }
0x3: {  	_ = 	snop  }
0x4: {  	_ = 	snop  }
0x5: {  	_ = 	snop  }
0x6: {  	_ = 	snop  }
0x7: {  	_ = 	snop  }
__scs_overlays_trampoline_lowered:
0x8: {  	[smem:$0x3FA7] =	sst s0  }
0x9: {  	[smem:$0x3FA8] =	sst s1  }
0xa: {  	[smem:$0x3FA9] =	sst s2  }
0xb: {  	[smem:$0x3FAA] =	sst s3  }
0xc: {  	[smem:$0x3FAB] =	sst s4  }
0xd: {  	[smem:$0x3FAC] =	sst s5  }
0xe: {  	[smem:$0x3FAD] =	sst s6  }
0xf: {  	[smem:$0x3FAE] =	sst s7  }
0x10: {  	[smem:$0x3FAF] =	sst s8  }
0x11: {  	[smem:$0x3FB0] =	sst s9;
	s0 =	simm.s32 @!p0 $0x0  }
0x12: {  	s1 =	sld [smem:$0x3F96];
	s0 =	simm.s32 @p0 $0x1  }
0x13: {  	[smem:$0x3FB1] =	sst s0;
	s0 =	simm.s32 @!p1 $0x0  }
0x14: {  	s2 =	sld [smem:$0x3F95];
	s0 =	simm.s32 @p1 $0x1  }
0x15: {  	[smem:$0x3FB2] =	sst s0;
	s0 =	simm.s32 @!p2 $0x0  }
0x16: {  	s3 =	sld [smem:$0x3FDB];
	s0 =	simm.s32 @p2 $0x1  }
0x17: {  	s4 =	simm.s32 $0x1BF5;
	[smem:$0x3FB4] =	sst s0  }
0x18: {  	s0 =	sld [smem:$0x3F97];
	_ =	swait.ge [sflag:s4], $0x0  }
0x19: {  	s7 =	sld [smem:$0x3F98]  }
0x1a: {  	s8 =	sadd.s32 $0xFFFFE003, lr  }
0x1b: {  	s9 =	sadd.s32 $0xFFFFFEF7, lr;
	s5 =	simm.s32 $0xFFFFFFFF;
	p2 =	slt.u32 s8, $0xFFFFF086  }
0x1c: {  	p1 =	slt.u32 s9, $0xF7A;
	s5 =	simm.s32 @!p2 $0x0  }
0x1d: {  	s5 =	simm.s32 @p1 $0x1;
	p0 =	seq.s32 s7, s2  }
0x1e: {  	s7 =	smul.u32 @!p0 $0xF7A, s2;
	p2 =	seq.s32 @!p0 s5, $0x0  }
0x1f: {  	s9 =	smul.u32 $0xF7A, s1;
	s8 =	simm.s32 @!p0 $0x1BF5;
	p2 =	por !p2, p0  }
0x20: {  	[sflag:s8] =	ssyncset.s32 @!p0 $0xFFFFF086;
	s6 =	sadd.s32 @!p0 s3, s7;
	s7 =	simm.s32 @!p0 $0x108  }
0x21: {  	s3 =	sadd.s32 s3, s9;
	s6 =	sadd.s32 @!p0 $0x88, s6;
	s7 =	simm.s32 @p2 $0x1082  }
0x22: {  	[simem:s7], [sflag:s8] =	dma.local @!p0 [hbm:s6], $0xF7A  }
0x23: {  	s9 =	sor.u32 $0xD0000000, s2;
	s6 =	simm.s32 $0x108;
	_ =	swait.ge @!p0 [sflag:s8], $0x0  }
0x24: {  	s3 =	sadd.s32 $0x88, s3;
	s6 =	simm.s32 @!p1 $0x1082;
	[sflag:s4] =	ssyncset.s32 $0xFFFFF086  }
0x25: {  	[simem:s6], [sflag:s4] =	dma.local [hbm:s3], $0xF7A  }
0x26: {  	[smem:$0x3F98] =	sst s1;
	(tag) =	ssettag s2;
	_ =	strace s9  }
0x27: {  	s1 =	sld [smem:$0x3FA8]  }
0x28: {  	s2 =	sld [smem:$0x3FA9]  }
0x29: {  	s4 =	sld [smem:$0x3FAB]  }
0x2a: {  	p0 =	seq.s32 s5, $0x0;
	s5 =	sld [smem:$0x3FAC]  }
0x2b: {  	s6 =	sld [smem:$0x3FAD]  }
0x2c: {  	s7 =	sld [smem:$0x3FAE]  }
0x2d: {  	s3 =	simm.s32 $0x108;
	s8 =	sld [smem:$0x3FAF]  }
0x2e: {  	s3 =	simm.s32 @!p0 $0x1082;
	s9 =	sld [smem:$0x3FB0]  }
0x2f: {  	lr =	sadd.s32 s0, s3;
	s0 =	sld [smem:$0x3FA7]  }
0x30: {  	s3 =	sld [smem:$0x3FAA]  }
0x31: {  	[smem:$0x3FB3] =	sst s10  }
0x32: {  	s10 =	sld [smem:$0x3FB1];
	_ =	sdelay $0x3  }
0x33: {  	p0 =	seq.s32 s10, $0x1;
	s10 =	sld [smem:$0x3FB3];
	_ =	sdelay $0x3  }
0x34: {  	[smem:$0x3FB3] =	sst s10  }
0x35: {  	s10 =	sld [smem:$0x3FB2];
	_ =	sdelay $0x3  }
0x36: {  	p1 =	seq.s32 s10, $0x1;
	s10 =	sld [smem:$0x3FB3];
	_ =	sdelay $0x3  }
0x37: {  	[smem:$0x3FB3] =	sst s10  }
0x38: {  	s10 =	sld [smem:$0x3FB4]  }
0x39: {  	_ = 	snop;
	(pc) =	sbr.ind lr, $3  }
0x3a: {  	_ = 	snop  }
0x3b: {  	_ = 	snop  }
0x3c: {  	p2 =	seq.s32 s10, $0x1;
	s10 =	sld [smem:$0x3FB3]  }
0x3d: {  	_ =	shalt  }
0x3e: {  	_ =	shalt  }
0x3f: {  	_ =	shalt  }
0x40: {  	_ =	shalt  }
0x41: {  	_ =	shalt  }
0x42: {  	_ =	shalt  }
0x43: {  	_ =	shalt  }
0x44: {  	_ =	shalt  }
0x45: {  	_ =	shalt  }
0x46: {  	_ =	shalt  }
0x47: {  	_ =	shalt  }
0x48: {  	_ =	shalt  }
0x49: {  	_ =	shalt  }
0x4a: {  	_ =	shalt  }
0x4b: {  	_ =	shalt  }
0x4c: {  	_ =	shalt  }
0x4d: {  	_ =	shalt  }
0x4e: {  	_ =	shalt  }
0x4f: {  	_ =	shalt  }
0x50: {  	_ =	shalt  }
0x51: {  	_ =	shalt  }
0x52: {  	_ =	shalt  }
0x53: {  	_ =	shalt  }
0x54: {  	_ =	shalt  }
0x55: {  	_ =	shalt  }
0x56: {  	_ =	shalt  }
0x57: {  	_ =	shalt  }
0x58: {  	_ =	shalt  }
0x59: {  	_ =	shalt  }
0x5a: {  	_ =	shalt  }
0x5b: {  	_ =	shalt  }
0x5c: {  	_ =	shalt  }
0x5d: {  	_ =	shalt  }
0x5e: {  	_ =	shalt  }
0x5f: {  	_ =	shalt  }
0x60: {  	_ =	shalt  }
0x61: {  	_ =	shalt  }
0x62: {  	_ =	shalt  }
0x63: {  	_ =	shalt  }
0x64: {  	_ =	shalt  }
0x65: {  	_ =	shalt  }
0x66: {  	_ =	shalt  }
0x67: {  	_ =	shalt  }
0x68: {  	_ =	shalt  }
0x69: {  	_ =	shalt  }
0x6a: {  	_ =	shalt  }
0x6b: {  	_ =	shalt  }
0x6c: {  	_ =	shalt  }
0x6d: {  	_ =	shalt  }
0x6e: {  	_ =	shalt  }
0x6f: {  	_ =	shalt  }
0x70: {  	_ =	shalt  }
0x71: {  	_ =	shalt  }
0x72: {  	_ =	shalt  }
0x73: {  	_ =	shalt  }
0x74: {  	_ =	shalt  }
0x75: {  	_ =	shalt  }
0x76: {  	_ =	shalt  }
0x77: {  	_ =	shalt  }
0x78: {  	_ =	shalt  }
0x79: {  	_ =	shalt  }
0x7a: {  	_ =	shalt  }
0x7b: {  	_ =	shalt  }
0x7c: {  	_ =	shalt  }
0x7d: {  	_ =	shalt  }
0x7e: {  	_ =	shalt  }
0x7f: {  	_ =	shalt  }
0x80: {  	_ =	shalt  }
0x81: {  	_ =	shalt  }
0x82: {  	_ =	shalt  }
0x83: {  	_ =	shalt  }
0x84: {  	_ =	shalt  }
0x85: {  	_ =	shalt  }
0x86: {  	_ =	shalt  }
0x87: {  	_ =	shalt  }
.Lfunc_end0:
.L_simem_size_0:
called_computation.1_lowered:
.L_overlay_start_0:
0x88: {  	s2 =	sld [smem:$0x3FD9]  }
0x89: {  	s3 =	sld [smem:$0x3FFE];
	_ =	sdelay $0x1  }
0x8a: {  	s1 =	srdreg.scid  }
0x8b: {  	s0 =	sand.u32 $0x1, s1  }
0x8c: {  	s17 =	sshll.u32 s0, $0xA;
	s2 =	sadd.s32 s3, s2  }
0x8d: {  	s2 =	sadd.s32 s2, s17  }
0x8e: {  	[smem:$0x3FBF] =	sst s2  }
0x8f: {  	_ = 	snop  }
0x90: {  	(tm) =	ssettm $0x1  }
0x91: {  	s18 =	sld [smem:$0x3FFB];
	_ =	sdelay $0x3  }
0x92: {  	_ =	strace s18  }
0x93: {  	s2 =	sld [smem:$0x3FFC];
	_ =	sdelay $0x3  }
0x94: {  	_ =	strace s2  }
0x95: {  	s2 =	sld [smem:$0x3FFD];
	_ =	sdelay $0x3  }
0x96: {  	_ =	strace s2  }
0x97: {  	_ =	strace $0x8FFFFFFF  }
0x98: {  	s19 =	sld [smem:$0x3FDB];
	_ =	sdelay $0x1  }
0x99: {  	s20 =	simm.s32 $_scs_section_size  }
0x9a: {  	s4 =	simm.s32 $_size__tile_overlayer_lowered;
	s5 =	simm.s32 $_tile_overlayer_lowered  }
0x9b: {  	s6 =	simm.s32 $0x1BFF;
	s21 =	sshll.u32 s5, $0x1;
	s3 =	sadd.s32 s20, s19  }
0x9c: {  	s22 =	simm.s32 $0x0;
	s4 =	sshll.u32 s4, $0x1;
	s5 =	sadd.s32 s21, s3  }
0x9d: {  	[timem:s22], [sflag:s6] =	dma.local [hbm:s5], s4  }
0x9e: {  	_ =	swait.ge [sflag:s6], s4  }
0x9f: {  	s4 =	ssub.s32 $0x0, s4;
	[sflag:s6] =	ssyncset.done $0x0  }
0xa0: {  	[sflag:s6] =	ssyncadd.s32 s4;
	_ =	sdelay $0x1  }
0xa1: {  	s23 =	simm.s32 $0x1B8B  }
0xa2: {  	_ =	swait.ge [sflag:s23], $0x1  }
0xa3: {  	[sflag:s23] =	ssyncset.done $0x0  }
0xa4: {  	[sflag:s23] =	ssyncadd.s32 $0xFFFFFFFF  }
0xa5: {  	s4 =	sld [smem:$0x0]  }
0xa6: {  	s5 =	sand.u32 $0xFFFFFFFE, s1  }
0xa7: {  	p0 =	sne.s32 s1, s5  }
0xa8: {  	s5 =	sshll.u32 @p0 s5, $0xE  }
0xa9: {  	s5 =	sadd.s32 @p0 $0x11B8D, s5;
	s6 =	sshll.u32 @p0 s4, $0x11  }
0xaa: {  	s5 =	sor.u32 @p0 s6, s5  }
0xab: {  	[sflag:s5] =	ssyncadd.remote.s32 @p0 $0x1;
	_ =	sdelay $0x1  }
0xac: {  	s5 =	simm.s32 @p0 $0x1B8D  }
0xad: {  	_ =	swait.eq @p0 [sflag:s5], $0x1  }
0xae: {  	[sflag:s5] =	ssyncadd.s32 @p0 $0xFFFFFFFF  }
0xaf: {  	s6 =	sshll.u32 @!p0 s1, $0xE  }
0xb0: {  	s6 =	sor.u32 @!p0 $0x4000, s6;
	s5 =	simm.s32 @!p0 $0x1B8D  }
0xb1: {  	s4 =	sshll.u32 @!p0 s4, $0x11;
	s6 =	sadd.s32 @!p0 $0x11B8D, s6;
	_ =	swait.eq @!p0 [sflag:s5], $0x1  }
0xb2: {  	s4 =	sor.u32 @!p0 s4, s6;
	[sflag:s5] =	ssyncadd.s32 @!p0 $0xFFFFFFFF  }
0xb3: {  	s25 =	simm.s32 $0x1B8E;
	s24 =	sld [smem:$0x3FFE];
	[sflag:s4] =	ssyncadd.remote.s32 @!p0 $0x1  }
0xb4: {  	s26 =	simm.s32 $execute0_lowered;
	[smem:$0x3FD2] =	sst s25  }
0xb5: {  	s5 =	sshll.u32 s26, $0x1;
	_ =	strace $0x80000049;
	[dreg:$0x1] =	wrdreg $0xFFFFFFFF  }
0xb6: {  	s28 =	simm.s32 $_size_execute0_lowered;
	s3 =	sadd.s32 s3, s5;
	[dreg:$0x0] =	wrdreg $0x0  }
0xb7: {  	s5 =	sshll.u32 s28, $0x1;
	[dreg:$0x2] =	wrdreg s3  }
0xb8: {  	[dreg:$0x3] =	wrdreg s5  }
0xb9: {  	[dreg:$0x4] =	wrdreg $0xC0  }
0xba: {  	_ =	task [dreg:s22], $0x5FFFF  }
0xbb: {  	[dreg:$0x1] =	wrdreg $0xFFFFFFFF  }
0xbc: {  	[dreg:$0x0] =	wrdreg $0x60  }
0xbd: {  	[dreg:$0x2] =	wrdreg s24  }
0xbe: {  	[dreg:$0x3] =	wrdreg $0xA  }
0xbf: {  	_ =	task.clear_ibuf [dreg:s22], $0x4FFFF;
	_ =	strace $0x90000049  }
0xc0: {  	s29 =	simm.s32 $0xA;
	_ =	strace $0x8000004B  }
0xc1: {  	_ =	swait.ge [sflag:s29], $0x1  }
0xc2: {  	[sflag:s29] =	ssyncadd.s32 $0xFFFFFFFF  }
0xc3: {  	_ =	strace $0x9000004B  }
0xc4: {  	_ =	sfence  }
0xc5: {  	s30 =	sld [smem:$0x0];
	_ =	sdelay $0x2  }
0xc6: {  	s31 =	sshll.u32 s1, $0xD;
	s1 =	sshrl.u32 s1, $0x2  }
0xc7: {  	s4 =	sand.u32 $0x4000, s31;
	s1 =	sadd.s32 s1, s30  }
0xc8: {  	s0 =	sor.u32 s4, s0;
	s1 =	sshll.u32 s1, $0x11  }
0xc9: {  	s0 =	sor.u32 s1, s0  }
0xca: {  	s0 =	sadd.s32 $0x8F2B, s0  }
0xcb: {  	[sflag:s0] =	ssyncadd.remote.s32 $0x1  }
0xcc: {  	_ =	sfence.sel $0xFFFF  }
0xcd: {  	[dreg:$0x0] =	wrdreg $0xFFFFFFFF;
	(pc) =	sbr.abs _section_cstart, $3  }
0xce: {  	[dreg:$0x1] =	wrdreg $0xFFFFFFFF  }
0xcf: {  	_ =	task.clear_ibuf [dreg:s22], $0x2FFFF;
	_ =	strace $0x9FFFFFFF  }
0xd0: {  	(tm) =	ssettm $0x7FFFFFFF  }
0xd1: {  	_ =	shalt  }
tec
execute0_lowered:
.L_overlay_start_1:
0x0: {  	(tag) =	ssettag $0x1  }
0x1: {  	s4 =	rddreg [dreg:$0x0]  }
0x2: {  	s0 =	rddreg [dreg:$0x1]  }
0x3: {  	s1 =	simm.s32 $0x0;
	s2 =	srdreg.scid;
	s16 =	simm.s32 $0x10600  }
0x4: {  	s17 =	simm.s32 $0x80;
	s18 =	simm.s32 $0x100;
	s19 =	simm.s32 $0x15800  }
0x5: {  	s20 =	simm.s32 $0x0;
	[smem:$0x7FF] =	sst s1;
	s5 =	sand.u32 $0x1, s2  }
0x6: {  	s3 =	sadd.s32 $0x3200, s4;
	s2 =	stileid.u32;
	s6 =	smul.u32 $0xA4000, s5  }
0x7: {  	s7 =	sadd.s32 $0x54400, s4;
	s8 =	sadd.s32 $0x2B400, s4;
	s10 =	smul.u32 $0xA400, s2  }
0x8: {  	s9 =	ssub.s32 $0x2, s5;
	s11 =	sshll.u32 s5, $0x4;
	s5 =	smul.u32 $0xA0000, s5  }
0x9: {  	v0 =	vlaneseq.u32;
	_ =	strace $0x8000004A;
	s13 =	sshll.u32 s2, $0x4;
	s14 =	smul.u32 $0x5000, s2  }
0xa: {  	s30 =	sshll.u32 s2, $0x5;
	s12 =	sshrl.u32 s9, $0x1;
	s26 =	sadd.s32 s11, s4;
	v1 =	vor.u32 s13, v0  }
0xb: {  	s15 =	sor.u32 $0x1400, s13;
	s11 =	simm.s32 $0x1;
	s13 =	simm.s32 $0x1000;
	v2 =	vmulhi.u32 $0x1111112, v1  }
0xc: {  	s6 =	sadd.s32 s10, s6;
	s28 =	ssub.s32 s9, s12;
	s4 =	sadd.s32 s14, s5  }
0xd: {  	s31 =	sadd.s32 s30, s26;
	s12 =	simm.s32 $0x800;
	s29 =	sshrl.u32 s6, $0x3;
	v2 =	vmul.u32 $0xF0, v2  }
0xe: {  	s14 =	simm.s32 $0x6200;
	s10 =	smax.u32 s28, $0x1;
	s9 =	sor.u32 $0x10, s29  }
0xf: {  	v3 =	vimm.s32 $0x0;
	vm0 =	vcmask $0x300;
	s5 =	sadd.s32 s7, s29;
	s6 =	sadd.s32 s8, s29;
	s7 =	sadd.s32 s7, s9;
	v1 =	vsub.s32 v1, v2  }
0x10: {  	vm1 =	vcmask $0x704;
	s8 =	sadd.s32 s8, s9;
	s9 =	sadd.s32 $0x2B200, s31;
	v2 =	vor.u32 s15, v0;
	s15 =	simm.s32 $0xB400;
	v1 =	vadd.s32 $0x2710, v1  }
.LBB2_1:
0x11: {  	s23 =	simm.s32 $0x0;
	s22 =	simm.s32 $0x0;
	s21 =	simm.s32 $0x0  }
.LBB2_2:
0x12: {  	s24 =	sshll.u32 s21, $0xB  }
0x13: {  	s24 =	sadd.s32 s24, s4  }
0x14: {  	s24 =	sshrl.u32 s24, $0x3  }
0x15: {  	s25 =	simm.s32 $0x0;
	s24 =	sadd.s32 s3, s24  }
0x16: {  	[tilespmem:s25], [sflag:$0x1] =	stream.linear.gather [hbm4b:s24+s25], $0x800, $0x38;
	[tilespmem:$0x15880] =	vst v63  }
0x17: {  	_ =	swait.ge [sflag:s11], $0x800  }
0x18: {  	[sflag:s11] =	ssyncset.done $0x0  }
0x19: {  	s24 =	sadd.s32 $0xA000, s24;
	[sflag:s11] =	ssyncadd.s32 $0xFFFFF800  }
0x1a: {  	[tilespmem:s12], [sflag:$0x1] =	stream.linear.gather [hbm4b:s24+s25], $0x800, $0x38;
	[tilespmem:$0x15880] =	vst v63  }
0x1b: {  	_ =	swait.ge [sflag:s11], $0x800  }
0x1c: {  	[sflag:s11] =	ssyncset.done $0x0  }
0x1d: {  	s28 =	simm.s32 $0x0;
	[sflag:s11] =	ssyncadd.s32 $0xFFFFF800  }
0x1e: {  	v9 =	vld [tilespmem:s28+$0x800];
	_ =	sdelay $0x4  }
0x1f: {  	vm4 =	vlt.s32 v9, $0x1400  }
0x20: {  	v5 =	vsel vm4, $0x1, v3  }
0x21: {  	(xrf0) =	vadd.scan.msk.s32 $0xffff, v5;
	_ =	sdelay $0x1  }
0x22: {  	s29 =	simm.s32 $0x10  }
0x23: {  	v6 =	vld [tilespmem:s29+$0x800];
	_ =	sdelay $0x1  }
0x24: {  	vm5 =	vge.s32 v9, $0x1400  }
0x25: {  	v7 =	vsel vm5, $0x1, v3;
	v8, _, _ =	vpop (xrf0)  }
0x26: {  	(xrf0) =	vadd.scan.msk.s32 $0xffff, v7;
	v4 =	vxor.u32 $0x80000000, v8  }
0x27: {  	vm2 =	vlt.s32 v6, $0x1400;
	(xrf0) =	vmax.scan.msk.u32 $0xffff, v4  }
0x28: {  	v10 =	vsel vm2, $0x1, v3  }
0x29: {  	(xrf0) =	vadd.scan.msk.s32 $0xffff, v10;
	_ =	sdelay $0x1  }
0x2a: {  	s26 =	simm.s32 $0x20  }
0x2b: {  	v11, _, _ =	vpop (xrf0);
	v4 =	vld [tilespmem:s26+$0x800]  }
0x2c: {  	v12, _, _ =	vpop (xrf0)  }
0x2d: {  	vm6 =	vge.s32 v6, $0x1400;
	(v2sf) =	vpush v12, $0xF  }
0x2e: {  	v12 =	vsel vm6, $0x1, v3;
	v13, _, _ =	vpop (xrf0)  }
0x2f: {  	(xrf0) =	vadd.scan.msk.s32 $0xffff, v12;
	v14 =	vxor.u32 $0x80000000, v13  }
0x30: {  	vm4 =	vmmov vm4;
	vm3 =	vlt.s32 v4, $0x1400;
	(xrf0) =	vmax.scan.msk.u32 $0xffff, v14  }
0x31: {  	vm5 =	vmmov vm5;
	vm4 =	vmmov vm4;
	v16 =	vsel vm3, $0x1, v3  }
0x32: {  	vm8 =	vmmov vm4;
	vm4 =	vmmov vm5;
	(xrf0) =	vadd.scan.msk.s32 $0xffff, v16  }
0x33: {  	vm5 =	vmmov vm4;
	v11 =	vsub.s32 v11, v7  }
0x34: {  	s30 =	simm.s32 $0x30;
	v20 =	vld [tilespmem:s28+$0x0];
	v22 =	vadd.s32 s23, v11;
	vm7 =	vge.s32 v4, $0x1400  }
0x35: {  	v18 =	vsel vm7, $0x1, v3;
	v14 =	vsub.s32 v8, v5;
	v5 =	vld [tilespmem:s30+$0x800];
	v7, _, _ =	vpop (xrf0)  }
0x36: {  	v15 =	vsub.s32 v13, v10;
	(xrf0) =	vadd.scan.msk.s32 $0xffff, v18;
	v10, _, _ =	vpop (xrf0)  }
0x37: {  	vm2 =	vmmov vm2;
	(v2sf) =	vpush v10, $0xF  }
0x38: {  	v19 =	vadd.s32 $0xFFFFEC00, v9;
	vm2 =	vmmov vm2;
	v21 =	vadd.s32 s22, v14;
	v11, _, _ =	vpop (xrf0)  }
0x39: {  	vm7 =	vmmov vm7;
	[tilespmem:v22+s15+$0x0] =	vst.idx.msk vm5, v20;
	vm6 =	vmmov vm6;
	v10 =	vxor.u32 $0x80000000, v11  }
0x3a: {  	vm9 =	vmmov vm6;
	vm6 =	vmmov vm3;
	vm3 =	vlt.s32 v5, $0x1400;
	(xrf0) =	vmax.scan.msk.u32 $0xffff, v10  }
0x3b: {  	[tilespmem:v22+s16+$0x0] =	vst.idx.msk vm5, v19;
	vm4 =	vge.s32 v5, $0x1400;
	v17 =	vsub.s32 v11, v16;
	v16 =	vsel vm3, $0x1, v3  }
0x3c: {  	vm7 =	vmmov vm7;
	v14 =	vsub.s32 v7, v12;
	v12 =	vld [tilespmem:s29+$0x0];
	v13 =	vsel vm4, $0x1, v3;
	v11, _, _ =	vpop (xrf0);
	(xrf0) =	vadd.scan.msk.s32 $0xffff, v16;
	s31 =	spop (v2sf)  }
0x3d: {  	v8 =	vadd.s32 $0xFFFFEC00, v6;
	[tilespmem:v21+s13+$0x0] =	vst.idx.msk vm8, v20;
	v18 =	vsub.s32 v11, v18;
	v11 =	vld [tilespmem:s26+$0x0];
	(xrf0) =	vadd.scan.msk.s32 $0xffff, v13;
	s26 =	sxor.u32 $0x80000000, s31  }
0x3e: {  	s24 =	simm.s32 $0x40;
	s25 =	simm.s32 $0x140;
	vm5 =	vmmov vm9;
	v7 =	vadd.s32 $0xFFFFEC00, v4;
	[tilespmem:v21+s14+$0x0] =	vst.idx.msk vm8, v9;
	v9 =	vadd.s32 $0xFFFFEC00, v5;
	v10 =	vld [tilespmem:s30+$0x0];
	s23 =	ssub.s32 s23, s26  }
.LBB2_3:
0x3f: {  	p0 =	sne.s32 s25, $0x1FC0;
	v19 =	vld [tilespmem:s24+$0x800];
	s22 =	sadd.s32 s22, s26;
	s23 =	sadd.s32 $0x10, s23;
	vm8 =	vmmov vm4;
	vm9 =	vmmov vm2;
	vm2 =	vmmov vm6  }
0x40: {  	v20 =	vld [tilespmem:s24+$0x0];
	v21, _, _ =	vpop (xrf0);
	v22 =	vadd.s32 s22, v15;
	v23 =	vadd.s32 s23, v14;
	v15 =	vmov v17  }
0x41: {  	vm6 =	vmmov vm3;
	v14 =	vmov v18;
	(v2sf) =	vpush v21, $0xF  }
0x42: {  	v17, _, _ =	vpop (xrf0)  }
0x43: {  	v21 =	vxor.u32 $0x80000000, v17;
	v17 =	vsub.s32 v17, v16;
	v16, _, _ =	vpop (xrf0)  }
.Ltmp0:
0x44: {  	vm4 =	vge.s32 v19, $0x1400;
	vm3 =	vlt.s32 v19, $0x1400;
	v18 =	vsub.s32 v16, v13;
	(xrf0) =	vmax.scan.msk.u32 $0xffff, v21;
	(pc) =	sbr.rel @p0 .LBB2_3-.Ltmp0, $4  }
0x45: {  	v21 =	vadd.s32 $0xFFFFEC00, v19;
	v16 =	vsel vm3, $0x1, v3;
	v13 =	vsel vm4, $0x1, v3;
	[tilespmem:v22+s13+$0x0] =	vst.idx.msk vm9, v12  }
0x46: {  	(xrf0) =	vadd.scan.msk.s32 $0xffff, v16;
	[tilespmem:v22+s14+$0x0] =	vst.idx.msk vm9, v6;
	s24 =	spop (v2sf);
	v6 =	vmovc v4;
	v4 =	vmov v5;
	v5 =	vmov v19  }
0x47: {  	(xrf0) =	vadd.scan.msk.s32 $0xffff, v13;
	s26 =	sxor.u32 $0x80000000, s24;
	[tilespmem:v23+s15+$0x0] =	vst.idx.msk vm5, v12;
	v12 =	vmovc v11;
	v11 =	vmov v10;
	v10 =	vmov v20  }
0x48: {  	s24 =	sshra.s32 s25, $0x2;
	s25 =	sadd.s32 $0x40, s25;
	[tilespmem:v23+s16+$0x0] =	vst.idx.msk vm5, v8;
	s23 =	ssub.s32 s23, s26;
	v8 =	vmovc v7;
	v7 =	vmovc v9;
	v9 =	vmov v21;
	vm5 =	vmmov vm7;
	vm7 =	vmmov vm8  }
0x49: {  	v19 =	vld [tilespmem:s24+$0x800];
	_ =	sdelay $0x2  }
0x4a: {  	v20, _, _ =	vpop (xrf0)  }
0x4b: {  	v21, _, _ =	vpop (xrf0)  }
0x4c: {  	v22 =	vxor.u32 $0x80000000, v21;
	vm9 =	vlt.s32 v19, $0x1400  }
0x4d: {  	(xrf0) =	vmax.scan.msk.u32 $0xffff, v22;
	v52 =	vsel vm9, $0x1, v3  }
0x4e: {  	(xrf0) =	vadd.scan.msk.s32 $0xffff, v52;
	_ =	sdelay $0x2  }
0x4f: {  	(v2sf) =	vpush v20, $0xF  }
0x50: {  	v53, _, _ =	vpop (xrf0)  }
0x51: {  	vm8 =	vge.s32 v19, $0x1400;
	v23, _, _ =	vpop (xrf0)  }
0x52: {  	v24 =	vsel vm8, $0x1, v3;
	v25, _, _ =	vpop (xrf0)  }
0x53: {  	(xrf0) =	vadd.scan.msk.s32 $0xffff, v24;
	(v2sf) =	vpush v23, $0xF;
	v54 =	vxor.u32 $0x80000000, v25  }
0x54: {  	(xrf0) =	vmax.scan.msk.u32 $0xffff, v54;
	_ =	sdelay $0x3  }
0x55: {  	s22 =	sadd.s32 s22, s26;
	vm2 =	vmmov vm2  }
0x56: {  	v15 =	vadd.s32 s22, v15;
	v55, _, _ =	vpop (xrf0)  }
0x57: {  	s23 =	sadd.s32 $0x10, s23;
	s25 =	spop (v2sf);
	v26, _, _ =	vpop (xrf0)  }
0x58: {  	vm6 =	vmmov vm6;
	v14 =	vadd.s32 s23, v14;
	s25 =	sxor.u32 $0x80000000, s25;
	(v2sf) =	vpush v26, $0xF  }
0x59: {  	vm6 =	vmmov vm6;
	s22 =	sadd.s32 s22, s25  }
0x5a: {  	s23 =	ssub.s32 s23, s25;
	v17 =	vadd.s32 s22, v17  }
0x5b: {  	vm3 =	vmmov vm3;
	vm7 =	vmmov vm7;
	[tilespmem:v15+s14+$0x0] =	vst.idx.msk vm2, v6;
	s23 =	sadd.s32 $0x10, s23;
	s29 =	spop (v2sf)  }
0x5c: {  	[tilespmem:v15+s13+$0x0] =	vst.idx.msk vm2, v12;
	vm2 =	vmmov vm3;
	v56 =	vadd.s32 s23, v18;
	s25 =	sxor.u32 $0x80000000, s29  }
0x5d: {  	v57 =	vsub.s32 v21, v16;
	vm3 =	vmmov vm4;
	[tilespmem:v14+s15+$0x0] =	vst.idx.msk vm5, v12;
	vm2 =	vmmov vm2;
	s22 =	sadd.s32 s22, s25  }
0x5e: {  	[tilespmem:v14+s16+$0x0] =	vst.idx.msk vm5, v8;
	vm3 =	vmmov vm3;
	s23 =	ssub.s32 s23, s25;
	v58 =	vadd.s32 s22, v57  }
0x5f: {  	v59 =	vsub.s32 v53, v13;
	vm14 =	vmmov vm9;
	vm3 =	vmmov vm3;
	[tilespmem:v17+s13+$0x0] =	vst.idx.msk vm6, v11;
	s23 =	sadd.s32 $0x10, s23;
	s30 =	spop (v2sf)  }
0x60: {  	vm4 =	vmmov vm14;
	[tilespmem:v17+s14+$0x0] =	vst.idx.msk vm6, v4;
	v4 =	vadd.s32 s23, v59;
	s25 =	sxor.u32 $0x80000000, s30  }
0x61: {  	vm15 =	vmmov vm8;
	vm4 =	vmmov vm4;
	v60 =	vsub.s32 v25, v52;
	[tilespmem:v56+s15+$0x0] =	vst.idx.msk vm7, v11;
	s22 =	sadd.s32 s22, s25  }
0x62: {  	v61 =	vld [tilespmem:s24+$0x0];
	vm5 =	vmmov vm15;
	[tilespmem:v56+s16+$0x0] =	vst.idx.msk vm7, v7;
	s23 =	ssub.s32 s23, s25;
	v62 =	vadd.s32 s22, v60  }
0x63: {  	vm5 =	vmmov vm5;
	v63 =	vsub.s32 v55, v24;
	[tilespmem:v58+s13+$0x0] =	vst.idx.msk vm2, v10;
	s23 =	sadd.s32 $0x10, s23  }
0x64: {  	s21 =	sadd.s32 $0x1, s21;
	[tilespmem:v58+s14+$0x0] =	vst.idx.msk vm2, v5;
	v5 =	vadd.s32 s23, v63  }
0x65: {  	p0 =	seq.s32 s21, $0xA;
	[tilespmem:v4+s15+$0x0] =	vst.idx.msk vm3, v10  }
.Ltmp1:
0x66: {  	[tilespmem:v4+s16+$0x0] =	vst.idx.msk vm3, v9;
	(pc) =	sbr.rel @!p0 .LBB2_2-.Ltmp1, $4  }
0x67: {  	[tilespmem:v62+s13+$0x0] =	vst.idx.msk vm4, v61;
	s31 =	spop (v2sf)  }
0x68: {  	[tilespmem:v62+s14+$0x0] =	vst.idx.msk vm4, v19;
	s24 =	sxor.u32 $0x80000000, s31  }
0x69: {  	v4 =	vadd.s32 $0xFFFFEC00, v19;
	[tilespmem:v5+s15+$0x0] =	vst.idx.msk vm5, v61;
	s23 =	ssub.s32 s23, s24  }
0x6a: {  	[tilespmem:v5+s16+$0x0] =	vst.idx.msk vm5, v4;
	s22 =	sadd.s32 s22, s24;
	s23 =	sadd.s32 $0x10, s23  }
0x6b: {  	s21 =	simm.s32 $0x0  }
0x6c: {  	v4 =	vor.u32 s21, v0  }
0x6d: {  	v8 =	vmov s23  }
0x6e: {  	v7 =	vmov s22;
	v6 =	vadd.s32 v8, v4  }
0x6f: {  	s21 =	simm.s32 $0x10;
	v5 =	vadd.s32 v7, v4;
	v4 =	vmov v6  }
.LBB2_6:
0x70: {  	_ = 	snop  }
0x71: {  	p0 =	sne.s32 s21, $0xF0  }
.Ltmp2:
0x72: {  	_ = 	snop;
	(pc) =	sbr.rel @p0 .LBB2_6-.Ltmp2, $4  }
0x73: {  	[tilespmem:v6+s16+$0x0] =	vst.idx.msk $0xffff, v2  }
0x74: {  	v9 =	vor.u32 s21, v0;
	[tilespmem:v5+s13+$0x0] =	vst.idx.msk $0xffff, v1  }
0x75: {  	[tilespmem:v5+s14+$0x0] =	vst.idx.msk $0xffff, v2;
	v10 =	vadd.s32 v7, v9;
	v6 =	vadd.s32 v8, v9  }
0x76: {  	s21 =	sadd.s32 $0x10, s21;
	[tilespmem:v4+s15+$0x0] =	vst.idx.msk $0xffff, v1;
	v5 =	vmov v10;
	v4 =	vmov v6  }
0x77: {  	s21 =	sadd.s32 $0xFF, s22;
	s23 =	sadd.s32 $0xFF, s23  }
0x78: {  	s22 =	sshra.s32 s21, $0x1F;
	s24 =	sand.u32 $0xFF, s21;
	p0 =	slt.s32 s21, $0x1  }
0x79: {  	s28 =	sand.u32 $0xFF, s23;
	s29 =	sshra.s32 s23, $0x1F;
	p1 =	sne.s32 s24, $0x0  }
0x7a: {  	p6 =	slt.s32 s23, $0x1;
	s22 =	sshrl.u32 s22, $0x18;
	p0 =	por !p0, !p1  }
0x7b: {  	s21 =	sadd.s32 s22, s21;
	s22 =	simm.s32 $0x1;
	p0 =	por !p0, !p0  }
0x7c: {  	p5 =	sne.s32 s28, $0x0;
	s21 =	sshra.s32 s21, $0x8;
	s22 =	simm.s32 @!p0 $0x0  }
0x7d: {  	s30 =	sshrl.u32 s29, $0x18;
	p0 =	por !p6, !p5;
	s21 =	ssub.s32 s21, s22  }
0x7e: {  	s22 =	sadd.s32 s30, s23;
	p0 =	por !p0, !p0;
	s23 =	simm.s32 $0x1  }
0x7f: {  	[tilespmem:v6+s16+$0x0] =	vst.idx.msk $0xffff, v2;
	s21 =	sshll.u32 s21, $0x1;
	s22 =	sshra.s32 s22, $0x8;
	s23 =	simm.s32 @!p0 $0x0  }
0x80: {  	[tilespmem:v5+s13+$0x0] =	vst.idx.msk $0xffff, v1;
	s22 =	ssub.s32 s22, s23;
	v63 =	vmov s21  }
0x81: {  	[tilespmem:v5+s14+$0x0] =	vst.idx.msk $0xffff, v2;
	s31 =	sshll.u32 s22, $0x1;
	v5 =	vnsel vm0, $0x0, v63  }
0x82: {  	[tilespmem:v4+s15+$0x0] =	vst.idx.msk $0xffff, v1;
	v4 =	vsel vm1, s31, v5  }
0x83: {  	[tilespmem:$0x15800] =	vst v4  }
0x84: {  	[tilespmem:$0x15810] =	vst v4  }
0x85: {  	[tilespmem:$0x15820] =	vst v4  }
0x86: {  	[tilespmem:$0x15830] =	vst v4  }
0x87: {  	[tilespmem:$0x15840] =	vst v4  }
0x88: {  	[tilespmem:$0x15850] =	vst v4  }
0x89: {  	[tilespmem:$0x15860] =	vst v4  }
0x8a: {  	[tilespmem:$0x15870] =	vst v4  }
0x8b: {  	[hbm4b:s5+s17] =	stream.strided.scatter [tilespmem:s13], [sflag:$0x1], $0x5200, s18, s17, $0x38;
	[tilespmem:$0x15880] =	vst v63  }
0x8c: {  	_ =	swait.ge [sflag:s11], $0x5200  }
0x8d: {  	[sflag:s11] =	ssyncset.done $0x0  }
0x8e: {  	[sflag:s11] =	ssyncadd.s32 $0xFFFFAE00  }
0x8f: {  	[hbm4b:s6+s17] =	stream.strided.scatter [tilespmem:s14], [sflag:$0x1], $0x5200, s18, s17, $0x38;
	[tilespmem:$0x15880] =	vst v63  }
0x90: {  	_ =	swait.ge [sflag:s11], $0x5200  }
0x91: {  	[sflag:s11] =	ssyncset.done $0x0  }
0x92: {  	[sflag:s11] =	ssyncadd.s32 $0xFFFFAE00  }
0x93: {  	[hbm4b:s7+s17] =	stream.strided.scatter [tilespmem:s15], [sflag:$0x1], $0x5200, s18, s17, $0x38;
	[tilespmem:$0x15880] =	vst v63  }
0x94: {  	_ =	swait.ge [sflag:s11], $0x5200  }
0x95: {  	[sflag:s11] =	ssyncset.done $0x0  }
0x96: {  	[sflag:s11] =	ssyncadd.s32 $0xFFFFAE00  }
0x97: {  	[hbm4b:s8+s17] =	stream.strided.scatter [tilespmem:s16], [sflag:$0x1], $0x5200, s18, s17, $0x38;
	[tilespmem:$0x15880] =	vst v63  }
0x98: {  	s20 =	sadd.s32 $0x1, s20;
	_ =	swait.ge [sflag:s11], $0x5200  }
0x99: {  	p0 =	sne.s32 s20, s10;
	[sflag:s11] =	ssyncset.done $0x0  }
.Ltmp3:
0x9a: {  	[sflag:s11] =	ssyncadd.s32 $0xFFFFAE00;
	(pc) =	sbr.rel @p0 .LBB2_1-.Ltmp3, $4  }
0x9b: {  	[hbm4b:s9+s1] =	stream.linear.scatter [tilespmem:s19], [sflag:$0x1], $0x80, $0x38;
	[tilespmem:$0x15880] =	vst v63  }
0x9c: {  	_ =	swait.ge [sflag:s11], $0x80  }
0x9d: {  	[sflag:s11] =	ssyncset.done $0x0  }
0x9e: {  	[sflag:s11] =	ssyncadd.s32 $0xFFFFFF80  }
0x9f: {  	_ =	sfence.sel $0x180000  }
0xa0: {  	[bflag:$0x0] =	sbarrier.arrive $0xFFFF  }
0xa1: {  	p0 =	sne.s32 s2, $0x0;
	_ =	strace $0x9000004A  }
0xa2: {  	s0 =	sadd.s32 @!p0 $0x100000, s0;
	[bflag:$0x2] =	sbarrier.arrive $0xFFFF  }
0xa3: {  	[sflag:s0] =	ssyncadd.tile.s32 @!p0 $0x1;
	_ =	shalt  }
.Lfunc_end2:
_tile_overlayer_lowered:
.L_overlay_start_2:
0xa4: {  	(tag) =	ssettag $0x2  }
0xa5: {  	s0 =	rddreg [dreg:$0x0];
	s2 =	stileid.u32  }
0xa6: {  	s1 =	rddreg [dreg:$0x1];
	p0 =	sne.s32 s2, $0x0  }
0xa7: {  	s3 =	rddreg [dreg:$0x2];
	[bflag:$0x3] =	sbarrier.arrive $0xFFFF;
	s2 =	simm.s32 @!p0 $0x1C01  }
0xa8: {  	[timem:s3], [sflag:s2] =	dma.local @!p0 [hbm:s0], s1  }
0xa9: {  	s0 =	simm.s32 @!p0 $0x1  }
0xaa: {  	_ =	swait.ge @!p0 [sflag:s0], s1  }
0xab: {  	s1 =	ssub.s32 @!p0 $0x0, s1;
	[sflag:s0] =	ssyncset.done @!p0 $0x0  }
0xac: {  	[sflag:s0] =	ssyncadd.s32 @!p0 s1  }
0xad: {  	[bflag:$0x3] =	sbarrier.arrive $0xFFFF  }
0xae: {  	_ =	shalt  }

// kernel: _run.16.cloned.1.call-start
scs
__scs_entry_jumppad:
0x0: {  	(pc) =	sbr.rel $0x88, $3  }
0x1: {  	(tag) =	ssettag $0x0;
	lr =	simm.s32 $0x1  }
0x2: {  	[smem:$0x3F98] =	sst lr;
	_ =	strace $0xD0000000  }
0x3: {  	_ = 	snop  }
0x4: {  	_ = 	snop  }
0x5: {  	_ = 	snop  }
0x6: {  	_ = 	snop  }
0x7: {  	_ = 	snop  }
__scs_overlays_trampoline_lowered:
0x8: {  	[smem:$0x3FA7] =	sst s0  }
0x9: {  	[smem:$0x3FA8] =	sst s1  }
0xa: {  	[smem:$0x3FA9] =	sst s2  }
0xb: {  	[smem:$0x3FAA] =	sst s3  }
0xc: {  	[smem:$0x3FAB] =	sst s4  }
0xd: {  	[smem:$0x3FAC] =	sst s5  }
0xe: {  	[smem:$0x3FAD] =	sst s6  }
0xf: {  	[smem:$0x3FAE] =	sst s7  }
0x10: {  	[smem:$0x3FAF] =	sst s8  }
0x11: {  	[smem:$0x3FB0] =	sst s9;
	s0 =	simm.s32 @!p0 $0x0  }
0x12: {  	s1 =	sld [smem:$0x3F96];
	s0 =	simm.s32 @p0 $0x1  }
0x13: {  	[smem:$0x3FB1] =	sst s0;
	s0 =	simm.s32 @!p1 $0x0  }
0x14: {  	s2 =	sld [smem:$0x3F95];
	s0 =	simm.s32 @p1 $0x1  }
0x15: {  	[smem:$0x3FB2] =	sst s0;
	s0 =	simm.s32 @!p2 $0x0  }
0x16: {  	s3 =	sld [smem:$0x3FDB];
	s0 =	simm.s32 @p2 $0x1  }
0x17: {  	s4 =	simm.s32 $0x1BF5;
	[smem:$0x3FB4] =	sst s0  }
0x18: {  	s0 =	sld [smem:$0x3F97];
	_ =	swait.ge [sflag:s4], $0x0  }
0x19: {  	s7 =	sld [smem:$0x3F98]  }
0x1a: {  	s8 =	sadd.s32 $0xFFFFE003, lr  }
0x1b: {  	s9 =	sadd.s32 $0xFFFFFEF7, lr;
	s5 =	simm.s32 $0xFFFFFFFF;
	p2 =	slt.u32 s8, $0xFFFFF086  }
0x1c: {  	p1 =	slt.u32 s9, $0xF7A;
	s5 =	simm.s32 @!p2 $0x0  }
0x1d: {  	s5 =	simm.s32 @p1 $0x1;
	p0 =	seq.s32 s7, s2  }
0x1e: {  	s7 =	smul.u32 @!p0 $0xF7A, s2;
	p2 =	seq.s32 @!p0 s5, $0x0  }
0x1f: {  	s9 =	smul.u32 $0xF7A, s1;
	s8 =	simm.s32 @!p0 $0x1BF5;
	p2 =	por !p2, p0  }
0x20: {  	[sflag:s8] =	ssyncset.s32 @!p0 $0xFFFFF086;
	s6 =	sadd.s32 @!p0 s3, s7;
	s7 =	simm.s32 @!p0 $0x108  }
0x21: {  	s3 =	sadd.s32 s3, s9;
	s6 =	sadd.s32 @!p0 $0x88, s6;
	s7 =	simm.s32 @p2 $0x1082  }
0x22: {  	[simem:s7], [sflag:s8] =	dma.local @!p0 [hbm:s6], $0xF7A  }
0x23: {  	s9 =	sor.u32 $0xD0000000, s2;
	s6 =	simm.s32 $0x108;
	_ =	swait.ge @!p0 [sflag:s8], $0x0  }
0x24: {  	s3 =	sadd.s32 $0x88, s3;
	s6 =	simm.s32 @!p1 $0x1082;
	[sflag:s4] =	ssyncset.s32 $0xFFFFF086  }
0x25: {  	[simem:s6], [sflag:s4] =	dma.local [hbm:s3], $0xF7A  }
0x26: {  	[smem:$0x3F98] =	sst s1;
	(tag) =	ssettag s2;
	_ =	strace s9  }
0x27: {  	s1 =	sld [smem:$0x3FA8]  }
0x28: {  	s2 =	sld [smem:$0x3FA9]  }
0x29: {  	s4 =	sld [smem:$0x3FAB]  }
0x2a: {  	p0 =	seq.s32 s5, $0x0;
	s5 =	sld [smem:$0x3FAC]  }
0x2b: {  	s6 =	sld [smem:$0x3FAD]  }
0x2c: {  	s7 =	sld [smem:$0x3FAE]  }
0x2d: {  	s3 =	simm.s32 $0x108;
	s8 =	sld [smem:$0x3FAF]  }
0x2e: {  	s3 =	simm.s32 @!p0 $0x1082;
	s9 =	sld [smem:$0x3FB0]  }
0x2f: {  	lr =	sadd.s32 s0, s3;
	s0 =	sld [smem:$0x3FA7]  }
0x30: {  	s3 =	sld [smem:$0x3FAA]  }
0x31: {  	[smem:$0x3FB3] =	sst s10  }
0x32: {  	s10 =	sld [smem:$0x3FB1];
	_ =	sdelay $0x3  }
0x33: {  	p0 =	seq.s32 s10, $0x1;
	s10 =	sld [smem:$0x3FB3];
	_ =	sdelay $0x3  }
0x34: {  	[smem:$0x3FB3] =	sst s10  }
0x35: {  	s10 =	sld [smem:$0x3FB2];
	_ =	sdelay $0x3  }
0x36: {  	p1 =	seq.s32 s10, $0x1;
	s10 =	sld [smem:$0x3FB3];
	_ =	sdelay $0x3  }
0x37: {  	[smem:$0x3FB3] =	sst s10  }
0x38: {  	s10 =	sld [smem:$0x3FB4]  }
0x39: {  	_ = 	snop;
	(pc) =	sbr.ind lr, $3  }
0x3a: {  	_ = 	snop  }
0x3b: {  	_ = 	snop  }
0x3c: {  	p2 =	seq.s32 s10, $0x1;
	s10 =	sld [smem:$0x3FB3]  }
0x3d: {  	_ =	shalt  }
0x3e: {  	_ =	shalt  }
0x3f: {  	_ =	shalt  }
0x40: {  	_ =	shalt  }
0x41: {  	_ =	shalt  }
0x42: {  	_ =	shalt  }
0x43: {  	_ =	shalt  }
0x44: {  	_ =	shalt  }
0x45: {  	_ =	shalt  }
0x46: {  	_ =	shalt  }
0x47: {  	_ =	shalt  }
0x48: {  	_ =	shalt  }
0x49: {  	_ =	shalt  }
0x4a: {  	_ =	shalt  }
0x4b: {  	_ =	shalt  }
0x4c: {  	_ =	shalt  }
0x4d: {  	_ =	shalt  }
0x4e: {  	_ =	shalt  }
0x4f: {  	_ =	shalt  }
0x50: {  	_ =	shalt  }
0x51: {  	_ =	shalt  }
0x52: {  	_ =	shalt  }
0x53: {  	_ =	shalt  }
0x54: {  	_ =	shalt  }
0x55: {  	_ =	shalt  }
0x56: {  	_ =	shalt  }
0x57: {  	_ =	shalt  }
0x58: {  	_ =	shalt  }
0x59: {  	_ =	shalt  }
0x5a: {  	_ =	shalt  }
0x5b: {  	_ =	shalt  }
0x5c: {  	_ =	shalt  }
0x5d: {  	_ =	shalt  }
0x5e: {  	_ =	shalt  }
0x5f: {  	_ =	shalt  }
0x60: {  	_ =	shalt  }
0x61: {  	_ =	shalt  }
0x62: {  	_ =	shalt  }
0x63: {  	_ =	shalt  }
0x64: {  	_ =	shalt  }
0x65: {  	_ =	shalt  }
0x66: {  	_ =	shalt  }
0x67: {  	_ =	shalt  }
0x68: {  	_ =	shalt  }
0x69: {  	_ =	shalt  }
0x6a: {  	_ =	shalt  }
0x6b: {  	_ =	shalt  }
0x6c: {  	_ =	shalt  }
0x6d: {  	_ =	shalt  }
0x6e: {  	_ =	shalt  }
0x6f: {  	_ =	shalt  }
0x70: {  	_ =	shalt  }
0x71: {  	_ =	shalt  }
0x72: {  	_ =	shalt  }
0x73: {  	_ =	shalt  }
0x74: {  	_ =	shalt  }
0x75: {  	_ =	shalt  }
0x76: {  	_ =	shalt  }
0x77: {  	_ =	shalt  }
0x78: {  	_ =	shalt  }
0x79: {  	_ =	shalt  }
0x7a: {  	_ =	shalt  }
0x7b: {  	_ =	shalt  }
0x7c: {  	_ =	shalt  }
0x7d: {  	_ =	shalt  }
0x7e: {  	_ =	shalt  }
0x7f: {  	_ =	shalt  }
0x80: {  	_ =	shalt  }
0x81: {  	_ =	shalt  }
0x82: {  	_ =	shalt  }
0x83: {  	_ =	shalt  }
0x84: {  	_ =	shalt  }
0x85: {  	_ =	shalt  }
0x86: {  	_ =	shalt  }
0x87: {  	_ =	shalt  }
.Lfunc_end0:
.L_simem_size_0:
called_computation.2_lowered:
.L_overlay_start_0:
0x88: {  	s2 =	sld [smem:$0x3FD9]  }
0x89: {  	s3 =	sld [smem:$0x3FFE];
	_ =	sdelay $0x1  }
0x8a: {  	s1 =	srdreg.scid  }
0x8b: {  	s0 =	sand.u32 $0x1, s1  }
0x8c: {  	s17 =	sshll.u32 s0, $0xA;
	s2 =	sadd.s32 s3, s2  }
0x8d: {  	s2 =	sadd.s32 s2, s17  }
0x8e: {  	[smem:$0x3FBF] =	sst s2  }
0x8f: {  	_ = 	snop  }
0x90: {  	s2 =	sld [smem:$0x3FD0];
	(tm) =	ssettm $0x1  }
0x91: {  	s18 =	sld [smem:$0x3FFB];
	_ =	sdelay $0x3  }
0x92: {  	_ =	strace s18  }
0x93: {  	s3 =	sld [smem:$0x3FFC];
	_ =	sdelay $0x3  }
0x94: {  	_ =	strace s3  }
0x95: {  	s3 =	sld [smem:$0x3FFD];
	_ =	sdelay $0x3  }
0x96: {  	_ =	strace s3  }
0x97: {  	_ =	strace $0x8FFFFFFF  }
0x98: {  	s19 =	sld [smem:$0x3FDB];
	_ =	sdelay $0x1  }
0x99: {  	s4 =	simm.s32 $_scs_section_size  }
0x9a: {  	s5 =	simm.s32 $_size__tile_overlayer_lowered;
	s6 =	simm.s32 $_tile_overlayer_lowered  }
0x9b: {  	s22 =	simm.s32 $0x1BFF;
	s21 =	sshll.u32 s6, $0x1;
	s3 =	sadd.s32 s4, s19  }
0x9c: {  	s7 =	simm.s32 $0x0;
	s20 =	sshll.u32 s5, $0x1;
	s5 =	sadd.s32 s21, s3  }
0x9d: {  	[timem:s7], [sflag:s22] =	dma.local [hbm:s5], s20  }
0x9e: {  	_ =	swait.ge [sflag:s22], s20  }
0x9f: {  	s4 =	ssub.s32 $0x0, s20;
	[sflag:s22] =	ssyncset.done $0x0  }
0xa0: {  	[sflag:s22] =	ssyncadd.s32 s4;
	_ =	sdelay $0x1  }
0xa1: {  	s23 =	simm.s32 $0x1B8B  }
0xa2: {  	_ =	swait.ge [sflag:s23], $0x1  }
0xa3: {  	[sflag:s23] =	ssyncset.done $0x0  }
0xa4: {  	s25 =	simm.s32 $0x1B8E;
	s24 =	sld [smem:$0x3FFE];
	[sflag:s23] =	ssyncadd.s32 $0xFFFFFFFF  }
0xa5: {  	s26 =	simm.s32 $execute0_lowered;
	[smem:$0x3FD2] =	sst s25  }
0xa6: {  	s5 =	sshll.u32 s26, $0x1;
	_ =	strace $0x8000004C;
	[dreg:$0x1] =	wrdreg $0xFFFFFFFF  }
0xa7: {  	s28 =	simm.s32 $_size_execute0_lowered;
	s3 =	sadd.s32 s3, s5;
	[dreg:$0x0] =	wrdreg $0x0  }
0xa8: {  	s5 =	sshll.u32 s28, $0x1;
	[dreg:$0x2] =	wrdreg s3  }
0xa9: {  	[dreg:$0x3] =	wrdreg s5  }
0xaa: {  	[dreg:$0x4] =	wrdreg $0xC0  }
0xab: {  	_ =	task [dreg:s7], $0x5FFFF  }
0xac: {  	[dreg:$0x1] =	wrdreg $0xFFFFFFFF  }
0xad: {  	[dreg:$0x0] =	wrdreg $0x60  }
0xae: {  	[dreg:$0x2] =	wrdreg s24  }
0xaf: {  	[dreg:$0x3] =	wrdreg s2  }
0xb0: {  	[dreg:$0x4] =	wrdreg $0x0  }
0xb1: {  	[dreg:$0x5] =	wrdreg $0x9  }
0xb2: {  	_ =	task.clear_ibuf [dreg:s7], $0x6FFFF;
	_ =	strace $0x9000004C  }
0xb3: {  	s29 =	simm.s32 $0x9;
	_ =	strace $0x8000004E  }
0xb4: {  	_ =	swait.ge [sflag:s29], $0x1  }
0xb5: {  	[sflag:s29] =	ssyncadd.s32 $0xFFFFFFFF  }
0xb6: {  	_ =	strace $0x9000004E  }
0xb7: {  	_ =	sfence  }
0xb8: {  	s30 =	sld [smem:$0x0];
	_ =	sdelay $0x2  }
0xb9: {  	s31 =	sshll.u32 s1, $0xD;
	s1 =	sshrl.u32 s1, $0x2  }
0xba: {  	s3 =	sand.u32 $0x4000, s31;
	s1 =	sadd.s32 s1, s30  }
0xbb: {  	s0 =	sor.u32 s3, s0;
	s1 =	sshll.u32 s1, $0x11  }
0xbc: {  	s0 =	sor.u32 s1, s0  }
0xbd: {  	s0 =	sadd.s32 $0x8F2B, s0  }
0xbe: {  	[sflag:s0] =	ssyncadd.remote.s32 $0x1  }
0xbf: {  	_ =	sfence.sel $0xFFFF  }
0xc0: {  	[dreg:$0x0] =	wrdreg $0xFFFFFFFF;
	(pc) =	sbr.abs _section_cstart, $3  }
0xc1: {  	[dreg:$0x1] =	wrdreg $0xFFFFFFFF  }
0xc2: {  	_ =	task.clear_ibuf [dreg:s7], $0x2FFFF;
	_ =	strace $0x9FFFFFFF  }
0xc3: {  	(tm) =	ssettm $0x7FFFFFFF  }
tec
execute0_lowered:
.L_overlay_start_1:
0x0: {  	(tag) =	ssettag $0x1  }
0x1: {  	s0 =	rddreg [dreg:$0x0];
	s11 =	stileid.u32  }
0x2: {  	s1 =	srdreg.scid;
	s4 =	smul.u32 $0x5400, s11  }
0x3: {  	s5 =	rddreg [dreg:$0x1];
	s3 =	simm.s32 $0x0;
	s8 =	smul.u32 $0xA800, s11  }
0x4: {  	s6 =	sand.u32 $0x1, s1;
	s10 =	sshll.u32 s11, $0x4;
	s11 =	smul.u32 $0x2A000, s11  }
0x5: {  	[smem:$0x7FF] =	sst s3;
	s1 =	smul.u32 $0x54000, s6  }
0x6: {  	s2 =	rddreg [dreg:$0x2];
	s7 =	smul.u32 $0xA8000, s6;
	_ =	strace $0x8000004D  }
0x7: {  	s16 =	ssub.s32 $0x2, s6;
	s10 =	sadd.s32 s10, s0;
	v1 =	vmov s6;
	s6 =	simm.s32 $0x80  }
0x8: {  	s17 =	sshrl.u32 s16, $0x1;
	s18 =	sshrl.u32 s11, $0x2;
	s20 =	sadd.s32 $0x3200, s10  }
0x9: {  	s10 =	simm.s32 $0x2;
	s11 =	simm.s32 $0x0;
	s1 =	sadd.s32 s4, s1  }
0xa: {  	s4 =	sadd.s32 $0x18600, s0;
	s7 =	sadd.s32 s8, s7;
	[dreg:$0x6] =	wrdreg s20  }
0xb: {  	s8 =	sadd.s32 s18, s2;
	s1 =	sshrl.u32 s1, $0x3;
	s7 =	sshrl.u32 s7, $0x3  }
0xc: {  	s21 =	sadd.s32 $0x1000, s8;
	s22 =	sadd.s32 $0x1800, s8;
	s23 =	sadd.s32 $0x2000, s8  }
0xd: {  	s24 =	sadd.s32 $0x2800, s8;
	s25 =	sadd.s32 $0x3000, s8;
	s26 =	sadd.s32 $0x3800, s8  }
0xe: {  	s18 =	sadd.s32 $0x5000, s8;
	s20 =	sadd.s32 $0x6000, s8;
	[dreg:$0x8] =	wrdreg s21  }
0xf: {  	s28 =	sadd.s32 $0x8800, s8;
	s29 =	sadd.s32 $0x9000, s8;
	[dreg:$0x9] =	wrdreg s22  }
0x10: {  	s30 =	sadd.s32 $0x9800, s8;
	s31 =	sadd.s32 $0xA000, s8;
	[dreg:$0xa] =	wrdreg s23  }
0x11: {  	s9 =	sadd.s32 s1, s0;
	s0 =	sadd.s32 s7, s0;
	[dreg:$0xb] =	wrdreg s24  }
0x12: {  	s7 =	ssub.s32 s16, s17;
	s1 =	sadd.s32 s5, s1;
	[dreg:$0xc] =	wrdreg s25  }
0x13: {  	[dreg:$0xd] =	wrdreg s26;
	s16 =	sadd.s32 $0x4000, s8;
	s17 =	sadd.s32 $0x4800, s8  }
0x14: {  	s21 =	sadd.s32 $0x6800, s8;
	s22 =	sadd.s32 $0x7000, s8;
	s25 =	sadd.s32 $0x7800, s8  }
.Ltmp0:
0x15: {  	s26 =	sadd.s32 $0x8000, s8;
	s5 =	simm.s32 $0x1;
	(pc) =	sbr.rel .LBB2_1-.Ltmp0, $4  }
0x16: {  	[dreg:$0x4] =	wrdreg s1;
	s19 =	sadd.s32 $0x3600, s9;
	s1 =	sadd.s32 $0x800, s8  }
0x17: {  	s23 =	sadd.s32 $0x7D400, s0;
	s24 =	smax.u32 s7, $0x1;
	s0 =	simm.s32 $0x3  }
0x18: {  	v2 =	vlaneseq.u32;
	s7 =	simm.s32 $0x14C00;
	s9 =	simm.s32 $0x18C00;
	[dreg:$0x5] =	wrdreg s19  }
0x19: {  	v0 =	vimm.f32 $0.0e+00;
	vm0 =	veq.s32 v1, v2;
	[dreg:$0x7] =	wrdreg s1;
	s19 =	sadd.s32 $0x5800, s8;
	s1 =	simm.s32 $0x1CC00  }
.LBB2_6:
0x1a: {  	[sflag:s0] =	ssyncadd.s32 $0xFFFFC000  }
.LBB2_7:
0x1b: {  	s12 =	stileid.u32;
	s11 =	sadd.s32 $0x1, s11  }
0x1c: {  	[bflag:$0x0] =	sbarrier.arrive $0xFFFF;
	s12 =	sshll.u32 s12, $0x6;
	p0 =	sne.s32 s11, s24  }
.Ltmp1:
0x1d: {  	s13 =	sshrl.u32 s8, $0x3;
	s12 =	sor.u32 $0x1C03, s12;
	(pc) =	sbr.rel @!p0 .LBB2_8-.Ltmp1, $4  }
0x1e: {  	[hbm:s23], [sflag:s12] =	dma.local [spmem:s13], $0x1500  }
0x1f: {  	_ =	swait.ge [sflag:s0], $0x1500  }
0x20: {  	[sflag:s0] =	ssyncset.done $0x0  }
0x21: {  	[sflag:s0] =	ssyncadd.s32 $0xFFFFEB00  }
.LBB2_1:
0x22: {  	s12 =	sand.u32 $0x1E00, s3  }
0x23: {  	s13 =	sand.u32 $0x70, s3;
	s14 =	sshrl.u32 s12, $0x2  }
0x24: {  	s12 =	simm.s32 $0x40;
	s14 =	sor.u32 s13, s14;
	s13 =	simm.s32 $0x0  }
.LBB2_2:
0x25: {  	p0 =	sne.s32 s12, $0x1FC0  }
0x26: {  	[tilespmem:s14+$0x1CC00] =	vst v0;
	s13 =	sadd.s32 $0x10, s13;
	s14 =	smov.u32 s12;
	s12 =	sadd.s32 $0x40, s12  }
.Ltmp2:
0x27: {  	(pc) =	sbr.rel @p0 .LBB2_2-.Ltmp2, $4  }
0x28: {  	_ = 	snop  }
0x29: {  	s14 =	sand.u32 $0x1E00, s14  }
0x2a: {  	s15 =	sand.u32 $0x70, s13;
	s14 =	sshrl.u32 s14, $0x2  }
0x2b: {  	s14 =	sor.u32 s15, s14  }
0x2c: {  	[tilespmem:s14+$0x1CC00] =	vst v0;
	s12 =	rddreg [dreg:$0x4];
	s13 =	simm.s32 $0xA800  }
0x2d: {  	[tilespmem:s13], [sflag:$0x3] =	stream.linear.gather [hbm4b:s12+s3], $0x5200, $0x38;
	[tilespmem:$0x1D480] =	vst v63  }
0x2e: {  	_ =	swait.ge [sflag:s0], $0x5200  }
0x2f: {  	[sflag:s0] =	ssyncset.done $0x0  }
0x30: {  	s15 =	simm.s32 $0xFA00;
	s14 =	rddreg [dreg:$0x5];
	[sflag:s0] =	ssyncadd.s32 $0xFFFFAE00  }
0x31: {  	[tilespmem:s15], [sflag:$0x3] =	stream.linear.gather [hbm4b:s14+s3], $0x5200, $0x38;
	[tilespmem:$0x1D480] =	vst v63  }
0x32: {  	_ =	swait.ge [sflag:s0], $0x5200  }
0x33: {  	[sflag:s0] =	ssyncset.done $0x0  }
0x34: {  	s15 =	simm.s32 $0x1D400;
	s14 =	rddreg [dreg:$0x6];
	[sflag:s0] =	ssyncadd.s32 $0xFFFFAE00  }
0x35: {  	[tilespmem:s15], [sflag:$0x3] =	stream.linear.gather [hbm4b:s14+s3], $0x80, $0x38;
	[tilespmem:$0x1D480] =	vst v63  }
0x36: {  	_ =	swait.ge [sflag:s0], $0x80  }
0x37: {  	[sflag:s0] =	ssyncset.done $0x0  }
0x38: {  	[sflag:s0] =	ssyncadd.s32 $0xFFFFFF80  }
0x39: {  	v1 =	vld [tilespmem:$0x1D400];
	_ =	sdelay $0x4  }
0x3a: {  	v1 =	vxor.u32 $0x80000000, v1  }
0x3b: {  	v1 =	vnsel vm0, $0x80000000, v1  }
0x3c: {  	(xrf0) =	vmax.scan.msk.u32 $0xffff, v1;
	_ =	sdelay $0x5  }
0x3d: {  	v1, _, _ =	vpop (xrf0)  }
0x3e: {  	(v2sf) =	vpush v1, $0xF;
	_ =	sdelay $0xd  }
0x3f: {  	[spmem:s8] =	stream.linear.scatter [tilespmem:s1], [sflag:$0x3], $0x800, $0x38;
	[tilespmem:$0x1D480] =	vst v63  }
0x40: {  	s12 =	spop (v2sf)  }
0x41: {  	_ =	swait.ge [sflag:s0], $0x800  }
0x42: {  	[sflag:s0] =	ssyncset.done $0x0  }
0x43: {  	s14 =	rddreg [dreg:$0x7];
	[sflag:s0] =	ssyncadd.s32 $0xFFFFF800  }
0x44: {  	[spmem:s14] =	stream.linear.scatter [tilespmem:s1], [sflag:$0x3], $0x800, $0x38;
	[tilespmem:$0x1D480] =	vst v63  }
0x45: {  	_ =	swait.ge [sflag:s0], $0x800  }
0x46: {  	[sflag:s0] =	ssyncset.done $0x0  }
0x47: {  	s15 =	rddreg [dreg:$0x8];
	[sflag:s0] =	ssyncadd.s32 $0xFFFFF800  }
0x48: {  	[spmem:s15] =	stream.linear.scatter [tilespmem:s1], [sflag:$0x3], $0x800, $0x38;
	[tilespmem:$0x1D480] =	vst v63  }
0x49: {  	_ =	swait.ge [sflag:s0], $0x800  }
0x4a: {  	[sflag:s0] =	ssyncset.done $0x0  }
0x4b: {  	s14 =	rddreg [dreg:$0x9];
	[sflag:s0] =	ssyncadd.s32 $0xFFFFF800  }
0x4c: {  	[spmem:s14] =	stream.linear.scatter [tilespmem:s1], [sflag:$0x3], $0x800, $0x38;
	[tilespmem:$0x1D480] =	vst v63  }
0x4d: {  	_ =	swait.ge [sflag:s0], $0x800  }
0x4e: {  	[sflag:s0] =	ssyncset.done $0x0  }
0x4f: {  	s15 =	rddreg [dreg:$0xa];
	[sflag:s0] =	ssyncadd.s32 $0xFFFFF800  }
0x50: {  	[spmem:s15] =	stream.linear.scatter [tilespmem:s1], [sflag:$0x3], $0x800, $0x38;
	[tilespmem:$0x1D480] =	vst v63  }
0x51: {  	_ =	swait.ge [sflag:s0], $0x800  }
0x52: {  	[sflag:s0] =	ssyncset.done $0x0  }
0x53: {  	s14 =	rddreg [dreg:$0xb];
	[sflag:s0] =	ssyncadd.s32 $0xFFFFF800  }
0x54: {  	[spmem:s14] =	stream.linear.scatter [tilespmem:s1], [sflag:$0x3], $0x800, $0x38;
	[tilespmem:$0x1D480] =	vst v63  }
0x55: {  	_ =	swait.ge [sflag:s0], $0x800  }
0x56: {  	[sflag:s0] =	ssyncset.done $0x0  }
0x57: {  	s15 =	rddreg [dreg:$0xc];
	[sflag:s0] =	ssyncadd.s32 $0xFFFFF800  }
0x58: {  	[spmem:s15] =	stream.linear.scatter [tilespmem:s1], [sflag:$0x3], $0x800, $0x38;
	[tilespmem:$0x1D480] =	vst v63  }
0x59: {  	_ =	swait.ge [sflag:s0], $0x800  }
0x5a: {  	[sflag:s0] =	ssyncset.done $0x0  }
0x5b: {  	s14 =	rddreg [dreg:$0xd];
	[sflag:s0] =	ssyncadd.s32 $0xFFFFF800  }
0x5c: {  	[spmem:s14] =	stream.linear.scatter [tilespmem:s1], [sflag:$0x3], $0x800, $0x38;
	[tilespmem:$0x1D480] =	vst v63  }
0x5d: {  	_ =	swait.ge [sflag:s0], $0x800  }
0x5e: {  	[sflag:s0] =	ssyncset.done $0x0  }
0x5f: {  	[sflag:s0] =	ssyncadd.s32 $0xFFFFF800  }
0x60: {  	[spmem:s16] =	stream.linear.scatter [tilespmem:s1], [sflag:$0x3], $0x800, $0x38;
	[tilespmem:$0x1D480] =	vst v63  }
0x61: {  	_ =	swait.ge [sflag:s0], $0x800  }
0x62: {  	[sflag:s0] =	ssyncset.done $0x0  }
0x63: {  	[sflag:s0] =	ssyncadd.s32 $0xFFFFF800  }
0x64: {  	[spmem:s17] =	stream.linear.scatter [tilespmem:s1], [sflag:$0x3], $0x800, $0x38;
	[tilespmem:$0x1D480] =	vst v63  }
0x65: {  	_ =	swait.ge [sflag:s0], $0x800  }
0x66: {  	[sflag:s0] =	ssyncset.done $0x0  }
0x67: {  	[sflag:s0] =	ssyncadd.s32 $0xFFFFF800  }
0x68: {  	[spmem:s18] =	stream.linear.scatter [tilespmem:s1], [sflag:$0x3], $0x800, $0x38;
	[tilespmem:$0x1D480] =	vst v63  }
0x69: {  	_ =	swait.ge [sflag:s0], $0x800  }
0x6a: {  	[sflag:s0] =	ssyncset.done $0x0  }
0x6b: {  	[sflag:s0] =	ssyncadd.s32 $0xFFFFF800  }
0x6c: {  	[spmem:s19] =	stream.linear.scatter [tilespmem:s1], [sflag:$0x3], $0x800, $0x38;
	[tilespmem:$0x1D480] =	vst v63  }
0x6d: {  	_ =	swait.ge [sflag:s0], $0x800  }
0x6e: {  	[sflag:s0] =	ssyncset.done $0x0  }
0x6f: {  	[sflag:s0] =	ssyncadd.s32 $0xFFFFF800  }
0x70: {  	[spmem:s20] =	stream.linear.scatter [tilespmem:s1], [sflag:$0x3], $0x800, $0x38;
	[tilespmem:$0x1D480] =	vst v63  }
0x71: {  	_ =	swait.ge [sflag:s0], $0x800  }
0x72: {  	[sflag:s0] =	ssyncset.done $0x0  }
0x73: {  	[sflag:s0] =	ssyncadd.s32 $0xFFFFF800  }
0x74: {  	[spmem:s21] =	stream.linear.scatter [tilespmem:s1], [sflag:$0x3], $0x800, $0x38;
	[tilespmem:$0x1D480] =	vst v63  }
0x75: {  	_ =	swait.ge [sflag:s0], $0x800  }
0x76: {  	[sflag:s0] =	ssyncset.done $0x0  }
0x77: {  	[sflag:s0] =	ssyncadd.s32 $0xFFFFF800  }
0x78: {  	[spmem:s22] =	stream.linear.scatter [tilespmem:s1], [sflag:$0x3], $0x800, $0x38;
	[tilespmem:$0x1D480] =	vst v63  }
0x79: {  	_ =	swait.ge [sflag:s0], $0x800  }
0x7a: {  	[sflag:s0] =	ssyncset.done $0x0  }
0x7b: {  	[sflag:s0] =	ssyncadd.s32 $0xFFFFF800  }
0x7c: {  	[spmem:s25] =	stream.linear.scatter [tilespmem:s1], [sflag:$0x3], $0x800, $0x38;
	[tilespmem:$0x1D480] =	vst v63  }
0x7d: {  	_ =	swait.ge [sflag:s0], $0x800  }
0x7e: {  	[sflag:s0] =	ssyncset.done $0x0  }
0x7f: {  	[sflag:s0] =	ssyncadd.s32 $0xFFFFF800  }
0x80: {  	[spmem:s26] =	stream.linear.scatter [tilespmem:s1], [sflag:$0x3], $0x800, $0x38;
	[tilespmem:$0x1D480] =	vst v63  }
0x81: {  	_ =	swait.ge [sflag:s0], $0x800  }
0x82: {  	[sflag:s0] =	ssyncset.done $0x0  }
0x83: {  	p1 =	sgt.s32 s12, $0xFFFFFFFF;
	s15 =	sxor.u32 $0x80000000, s12;
	[sflag:s0] =	ssyncadd.s32 $0xFFFFF800  }
0x84: {  	[spmem:s28] =	stream.linear.scatter [tilespmem:s1], [sflag:$0x3], $0x800, $0x38;
	[tilespmem:$0x1D480] =	vst v63  }
0x85: {  	p0 =	slt.s32 s15, $0xA4;
	s14 =	smov.u32 s15;
	_ =	swait.ge [sflag:s0], $0x800  }
0x86: {  	p5 =	slt.s32 s15, $0x1;
	s14 =	simm.s32 @!p0 $0xA4;
	[sflag:s0] =	ssyncset.done $0x0  }
0x87: {  	p0 =	por p1, p5;
	s13 =	sand.u32 $0x1, s14;
	[sflag:s0] =	ssyncadd.s32 $0xFFFFF800  }
0x88: {  	[spmem:s29] =	stream.linear.scatter [tilespmem:s1], [sflag:$0x3], $0x800, $0x38;
	[tilespmem:$0x1D480] =	vst v63  }
0x89: {  	s15 =	sshrl.u32 s14, $0x1F;
	p6 =	seq.s32 s13, $0x1;
	_ =	swait.ge [sflag:s0], $0x800  }
0x8a: {  	s12 =	sadd.s32 s15, s14;
	p0 =	por !p0, !p6;
	[sflag:s0] =	ssyncset.done $0x0  }
0x8b: {  	s13 =	simm.s32 $0x1;
	p0 =	por !p0, !p0;
	[sflag:s0] =	ssyncadd.s32 $0xFFFFF800  }
0x8c: {  	[spmem:s30] =	stream.linear.scatter [tilespmem:s1], [sflag:$0x3], $0x800, $0x38;
	[tilespmem:$0x1D480] =	vst v63  }
0x8d: {  	s12 =	sshra.s32 s12, $0x1;
	s13 =	simm.s32 @!p0 $0x0;
	_ =	swait.ge [sflag:s0], $0x800  }
0x8e: {  	s13 =	ssub.s32 s12, s13;
	[sflag:s0] =	ssyncset.done $0x0  }
0x8f: {  	p0 =	slt.s32 s13, $0x1;
	[sflag:s0] =	ssyncadd.s32 $0xFFFFF800  }
0x90: {  	[spmem:s31] =	stream.linear.scatter [tilespmem:s1], [sflag:$0x3], $0x800, $0x38;
	[tilespmem:$0x1D480] =	vst v63  }
.Ltmp3:
0x91: {  	_ =	swait.ge [sflag:s0], $0x800;
	(pc) =	sbr.rel @p0 .LBB2_7-.Ltmp3, $3  }
0x92: {  	[sflag:s0] =	ssyncset.done $0x0  }
0x93: {  	[sflag:s0] =	ssyncadd.s32 $0xFFFFF800  }
0x94: {  	[bflag:$0x0] =	sbarrier.arrive $0xFFFF;
	_ =	sdelay $0x1  }
0x95: {  	s12 =	simm.s32 $0xA800  }
0x96: {  	[tilespmem:s7], [sflag:$0x1] =	stream.indirect.gather [hbm4b:s4+s6], $0x80, s12, s6, $0xb8;
	[tilespmem:$0x1D480] =	vst v63  }
0x97: {  	s14 =	simm.s32 $0xA880  }
0x98: {  	[tilespmem:s9], [sflag:$0x2] =	stream.indirect.gather [hbm4b:s4+s6], $0x80, s14, s6, $0xb8;
	[tilespmem:$0x1D480] =	vst v63  }
0x99: {  	_ =	swait.ge [sflag:s5], $0x4000  }
0x9a: {  	[sflag:s5] =	ssyncset.done $0x0  }
0x9b: {  	s15 =	simm.s32 $0xFA00;
	[sflag:s5] =	ssyncadd.s32 $0xFFFFC000  }
0x9c: {  	[spmem:s2] =	stream.indirect.scatter.add.f32 [tilespmem:s7], [sflag:$0x3], $0x80, s15, s6, $0xb8;
	[tilespmem:$0x1D480] =	vst v63  }
0x9d: {  	_ =	swait.ge [sflag:s0], $0x4000  }
0x9e: {  	s13 =	ssub.s32 $0x0, s13;
	[sflag:s0] =	ssyncset.done $0x0  }
0x9f: {  	s13 =	sadd.s32 $0x1, s13;
	[sflag:s0] =	ssyncadd.s32 $0xFFFFC000  }
0xa0: {  	p0 =	seq.s32 s13, $0x0;
	_ =	swait.ge [sflag:s10], $0x4000  }
.Ltmp4:
0xa1: {  	[sflag:s10] =	ssyncset.done $0x0;
	(pc) =	sbr.rel @p0 .LBB2_6-.Ltmp4, $4  }
0xa2: {  	s15 =	simm.s32 $0xFA80;
	[sflag:s10] =	ssyncadd.s32 $0xFFFFC000  }
0xa3: {  	[spmem:s2] =	stream.indirect.scatter.add.f32 [tilespmem:s9], [sflag:$0x3], $0x80, s15, s6, $0xb8;
	[tilespmem:$0x1D480] =	vst v63  }
0xa4: {  	_ =	swait.ge [sflag:s0], $0x4000  }
0xa5: {  	s14 =	simm.s32 $0xFB00;
	[sflag:s0] =	ssyncset.done $0x0  }
.LBB2_5:
0xa6: {  	s13 =	sadd.s32 $0x1, s13;
	[sflag:s0] =	ssyncadd.s32 $0xFFFFC000;
	s12 =	sadd.s32 $0x100, s12  }
0xa7: {  	[tilespmem:s7], [sflag:$0x1] =	stream.indirect.gather [hbm4b:s4+s6], $0x80, s12, s6, $0xb8;
	[tilespmem:$0x1D480] =	vst v63  }
0xa8: {  	s15 =	sadd.s32 $0x80, s12;
	p0 =	seq.s32 s13, $0x0  }
0xa9: {  	[tilespmem:s9], [sflag:$0x2] =	stream.indirect.gather [hbm4b:s4+s6], $0x80, s15, s6, $0xb8;
	[tilespmem:$0x1D480] =	vst v63  }
0xaa: {  	_ =	swait.ge [sflag:s5], $0x4000  }
0xab: {  	[sflag:s5] =	ssyncset.done $0x0  }
0xac: {  	[sflag:s5] =	ssyncadd.s32 $0xFFFFC000  }
0xad: {  	[spmem:s2] =	stream.indirect.scatter.add.f32 [tilespmem:s7], [sflag:$0x3], $0x80, s14, s6, $0xb8;
	[tilespmem:$0x1D480] =	vst v63  }
0xae: {  	_ =	swait.ge [sflag:s0], $0x4000  }
0xaf: {  	[sflag:s0] =	ssyncset.done $0x0  }
0xb0: {  	[sflag:s0] =	ssyncadd.s32 $0xFFFFC000  }
0xb1: {  	_ =	swait.ge [sflag:s10], $0x4000  }
.Ltmp5:
0xb2: {  	[sflag:s10] =	ssyncset.done $0x0;
	(pc) =	sbr.rel @!p0 .LBB2_5-.Ltmp5, $4  }
0xb3: {  	s15 =	sadd.s32 $0x80, s14;
	[sflag:s10] =	ssyncadd.s32 $0xFFFFC000  }
0xb4: {  	[spmem:s2] =	stream.indirect.scatter.add.f32 [tilespmem:s9], [sflag:$0x3], $0x80, s15, s6, $0xb8;
	[tilespmem:$0x1D480] =	vst v63  }
0xb5: {  	_ =	swait.ge [sflag:s0], $0x4000  }
0xb6: {  	s14 =	sadd.s32 $0x100, s14;
	[sflag:s0] =	ssyncset.done $0x0  }
.Ltmp6:
0xb7: {  	_ = 	snop;
	(pc) =	sbr.rel .LBB2_6-.Ltmp6, $1  }
0xb8: {  	_ =	sdelay $0x3  }
.LBB2_8:
0xb9: {  	_ =	sfence.sel $0x180000  }
0xba: {  	[bflag:$0x0] =	sbarrier.arrive $0xFFFF  }
0xbb: {  	_ =	strace $0x9000004D  }
0xbc: {  	s0 =	stileid.u32;
	[bflag:$0x2] =	sbarrier.arrive $0xFFFF  }
0xbd: {  	p0 =	sne.s32 s0, $0x0;
	s0 =	rddreg [dreg:$0x3]  }
0xbe: {  	s0 =	sadd.s32 @!p0 $0x100000, s0  }
0xbf: {  	[sflag:s0] =	ssyncadd.tile.s32 @!p0 $0x1;
	_ =	shalt  }
.Lfunc_end2:
_tile_overlayer_lowered:
.L_overlay_start_2:
0xc0: {  	(tag) =	ssettag $0x2  }
0xc1: {  	s0 =	rddreg [dreg:$0x0];
	s2 =	stileid.u32  }
0xc2: {  	s1 =	rddreg [dreg:$0x1];
	p0 =	sne.s32 s2, $0x0  }
0xc3: {  	s3 =	rddreg [dreg:$0x2];
	[bflag:$0x3] =	sbarrier.arrive $0xFFFF;
	s2 =	simm.s32 @!p0 $0x1C03  }
0xc4: {  	[timem:s3], [sflag:s2] =	dma.local @!p0 [hbm:s0], s1  }
0xc5: {  	s0 =	simm.s32 @!p0 $0x3  }
0xc6: {  	_ =	swait.ge @!p0 [sflag:s0], s1  }
0xc7: {  	s1 =	ssub.s32 @!p0 $0x0, s1;
	[sflag:s0] =	ssyncset.done @!p0 $0x0  }
0xc8: {  	[sflag:s0] =	ssyncadd.s32 @!p0 s1  }
0xc9: {  	[bflag:$0x3] =	sbarrier.arrive $0xFFFF  }
0xca: {  	_ =	shalt  }

// kernel: _run.19.cloned.1.call-start
scs
__scs_entry_jumppad:
0x0: {  	(pc) =	sbr.rel $0x88, $3  }
0x1: {  	(tag) =	ssettag $0x0;
	lr =	simm.s32 $0x1  }
0x2: {  	[smem:$0x3F98] =	sst lr;
	_ =	strace $0xD0000000  }
0x3: {  	_ = 	snop  }
0x4: {  	_ = 	snop  }
0x5: {  	_ = 	snop  }
0x6: {  	_ = 	snop  }
0x7: {  	_ = 	snop  }
__scs_overlays_trampoline_lowered:
0x8: {  	[smem:$0x3FA7] =	sst s0  }
0x9: {  	[smem:$0x3FA8] =	sst s1  }
0xa: {  	[smem:$0x3FA9] =	sst s2  }
0xb: {  	[smem:$0x3FAA] =	sst s3  }
0xc: {  	[smem:$0x3FAB] =	sst s4  }
0xd: {  	[smem:$0x3FAC] =	sst s5  }
0xe: {  	[smem:$0x3FAD] =	sst s6  }
0xf: {  	[smem:$0x3FAE] =	sst s7  }
0x10: {  	[smem:$0x3FAF] =	sst s8  }
0x11: {  	[smem:$0x3FB0] =	sst s9;
	s0 =	simm.s32 @!p0 $0x0  }
0x12: {  	s1 =	sld [smem:$0x3F96];
	s0 =	simm.s32 @p0 $0x1  }
0x13: {  	[smem:$0x3FB1] =	sst s0;
	s0 =	simm.s32 @!p1 $0x0  }
0x14: {  	s2 =	sld [smem:$0x3F95];
	s0 =	simm.s32 @p1 $0x1  }
0x15: {  	[smem:$0x3FB2] =	sst s0;
	s0 =	simm.s32 @!p2 $0x0  }
0x16: {  	s3 =	sld [smem:$0x3FDB];
	s0 =	simm.s32 @p2 $0x1  }
0x17: {  	s4 =	simm.s32 $0x1BF5;
	[smem:$0x3FB4] =	sst s0  }
0x18: {  	s0 =	sld [smem:$0x3F97];
	_ =	swait.ge [sflag:s4], $0x0  }
0x19: {  	s7 =	sld [smem:$0x3F98]  }
0x1a: {  	s8 =	sadd.s32 $0xFFFFE003, lr  }
0x1b: {  	s9 =	sadd.s32 $0xFFFFFEF7, lr;
	s5 =	simm.s32 $0xFFFFFFFF;
	p2 =	slt.u32 s8, $0xFFFFF086  }
0x1c: {  	p1 =	slt.u32 s9, $0xF7A;
	s5 =	simm.s32 @!p2 $0x0  }
0x1d: {  	s5 =	simm.s32 @p1 $0x1;
	p0 =	seq.s32 s7, s2  }
0x1e: {  	s7 =	smul.u32 @!p0 $0xF7A, s2;
	p2 =	seq.s32 @!p0 s5, $0x0  }
0x1f: {  	s9 =	smul.u32 $0xF7A, s1;
	s8 =	simm.s32 @!p0 $0x1BF5;
	p2 =	por !p2, p0  }
0x20: {  	[sflag:s8] =	ssyncset.s32 @!p0 $0xFFFFF086;
	s6 =	sadd.s32 @!p0 s3, s7;
	s7 =	simm.s32 @!p0 $0x108  }
0x21: {  	s3 =	sadd.s32 s3, s9;
	s6 =	sadd.s32 @!p0 $0x88, s6;
	s7 =	simm.s32 @p2 $0x1082  }
0x22: {  	[simem:s7], [sflag:s8] =	dma.local @!p0 [hbm:s6], $0xF7A  }
0x23: {  	s9 =	sor.u32 $0xD0000000, s2;
	s6 =	simm.s32 $0x108;
	_ =	swait.ge @!p0 [sflag:s8], $0x0  }
0x24: {  	s3 =	sadd.s32 $0x88, s3;
	s6 =	simm.s32 @!p1 $0x1082;
	[sflag:s4] =	ssyncset.s32 $0xFFFFF086  }
0x25: {  	[simem:s6], [sflag:s4] =	dma.local [hbm:s3], $0xF7A  }
0x26: {  	[smem:$0x3F98] =	sst s1;
	(tag) =	ssettag s2;
	_ =	strace s9  }
0x27: {  	s1 =	sld [smem:$0x3FA8]  }
0x28: {  	s2 =	sld [smem:$0x3FA9]  }
0x29: {  	s4 =	sld [smem:$0x3FAB]  }
0x2a: {  	p0 =	seq.s32 s5, $0x0;
	s5 =	sld [smem:$0x3FAC]  }
0x2b: {  	s6 =	sld [smem:$0x3FAD]  }
0x2c: {  	s7 =	sld [smem:$0x3FAE]  }
0x2d: {  	s3 =	simm.s32 $0x108;
	s8 =	sld [smem:$0x3FAF]  }
0x2e: {  	s3 =	simm.s32 @!p0 $0x1082;
	s9 =	sld [smem:$0x3FB0]  }
0x2f: {  	lr =	sadd.s32 s0, s3;
	s0 =	sld [smem:$0x3FA7]  }
0x30: {  	s3 =	sld [smem:$0x3FAA]  }
0x31: {  	[smem:$0x3FB3] =	sst s10  }
0x32: {  	s10 =	sld [smem:$0x3FB1];
	_ =	sdelay $0x3  }
0x33: {  	p0 =	seq.s32 s10, $0x1;
	s10 =	sld [smem:$0x3FB3];
	_ =	sdelay $0x3  }
0x34: {  	[smem:$0x3FB3] =	sst s10  }
0x35: {  	s10 =	sld [smem:$0x3FB2];
	_ =	sdelay $0x3  }
0x36: {  	p1 =	seq.s32 s10, $0x1;
	s10 =	sld [smem:$0x3FB3];
	_ =	sdelay $0x3  }
0x37: {  	[smem:$0x3FB3] =	sst s10  }
0x38: {  	s10 =	sld [smem:$0x3FB4]  }
0x39: {  	_ = 	snop;
	(pc) =	sbr.ind lr, $3  }
0x3a: {  	_ = 	snop  }
0x3b: {  	_ = 	snop  }
0x3c: {  	p2 =	seq.s32 s10, $0x1;
	s10 =	sld [smem:$0x3FB3]  }
0x3d: {  	_ =	shalt  }
0x3e: {  	_ =	shalt  }
0x3f: {  	_ =	shalt  }
0x40: {  	_ =	shalt  }
0x41: {  	_ =	shalt  }
0x42: {  	_ =	shalt  }
0x43: {  	_ =	shalt  }
0x44: {  	_ =	shalt  }
0x45: {  	_ =	shalt  }
0x46: {  	_ =	shalt  }
0x47: {  	_ =	shalt  }
0x48: {  	_ =	shalt  }
0x49: {  	_ =	shalt  }
0x4a: {  	_ =	shalt  }
0x4b: {  	_ =	shalt  }
0x4c: {  	_ =	shalt  }
0x4d: {  	_ =	shalt  }
0x4e: {  	_ =	shalt  }
0x4f: {  	_ =	shalt  }
0x50: {  	_ =	shalt  }
0x51: {  	_ =	shalt  }
0x52: {  	_ =	shalt  }
0x53: {  	_ =	shalt  }
0x54: {  	_ =	shalt  }
0x55: {  	_ =	shalt  }
0x56: {  	_ =	shalt  }
0x57: {  	_ =	shalt  }
0x58: {  	_ =	shalt  }
0x59: {  	_ =	shalt  }
0x5a: {  	_ =	shalt  }
0x5b: {  	_ =	shalt  }
0x5c: {  	_ =	shalt  }
0x5d: {  	_ =	shalt  }
0x5e: {  	_ =	shalt  }
0x5f: {  	_ =	shalt  }
0x60: {  	_ =	shalt  }
0x61: {  	_ =	shalt  }
0x62: {  	_ =	shalt  }
0x63: {  	_ =	shalt  }
0x64: {  	_ =	shalt  }
0x65: {  	_ =	shalt  }
0x66: {  	_ =	shalt  }
0x67: {  	_ =	shalt  }
0x68: {  	_ =	shalt  }
0x69: {  	_ =	shalt  }
0x6a: {  	_ =	shalt  }
0x6b: {  	_ =	shalt  }
0x6c: {  	_ =	shalt  }
0x6d: {  	_ =	shalt  }
0x6e: {  	_ =	shalt  }
0x6f: {  	_ =	shalt  }
0x70: {  	_ =	shalt  }
0x71: {  	_ =	shalt  }
0x72: {  	_ =	shalt  }
0x73: {  	_ =	shalt  }
0x74: {  	_ =	shalt  }
0x75: {  	_ =	shalt  }
0x76: {  	_ =	shalt  }
0x77: {  	_ =	shalt  }
0x78: {  	_ =	shalt  }
0x79: {  	_ =	shalt  }
0x7a: {  	_ =	shalt  }
0x7b: {  	_ =	shalt  }
0x7c: {  	_ =	shalt  }
0x7d: {  	_ =	shalt  }
0x7e: {  	_ =	shalt  }
0x7f: {  	_ =	shalt  }
0x80: {  	_ =	shalt  }
0x81: {  	_ =	shalt  }
0x82: {  	_ =	shalt  }
0x83: {  	_ =	shalt  }
0x84: {  	_ =	shalt  }
0x85: {  	_ =	shalt  }
0x86: {  	_ =	shalt  }
0x87: {  	_ =	shalt  }
.Lfunc_end0:
.L_simem_size_0:
called_computation.3_lowered:
.L_overlay_start_0:
0x88: {  	s2 =	sld [smem:$0x3FD9]  }
0x89: {  	s3 =	sld [smem:$0x3FFE];
	_ =	sdelay $0x1  }
0x8a: {  	s1 =	srdreg.scid  }
0x8b: {  	s0 =	sand.u32 $0x1, s1  }
0x8c: {  	s16 =	sshll.u32 s0, $0xA;
	s2 =	sadd.s32 s3, s2  }
0x8d: {  	s2 =	sadd.s32 s2, s16  }
0x8e: {  	[smem:$0x3FBF] =	sst s2  }
0x8f: {  	_ = 	snop  }
0x90: {  	(tm) =	ssettm $0x1  }
0x91: {  	s17 =	sld [smem:$0x3FFB];
	_ =	sdelay $0x3  }
0x92: {  	_ =	strace s17  }
0x93: {  	s2 =	sld [smem:$0x3FFC];
	_ =	sdelay $0x3  }
0x94: {  	_ =	strace s2  }
0x95: {  	s2 =	sld [smem:$0x3FFD];
	_ =	sdelay $0x3  }
0x96: {  	_ =	strace s2  }
0x97: {  	_ =	strace $0x8FFFFFFF  }
0x98: {  	s18 =	sld [smem:$0x3FDB];
	_ =	sdelay $0x1  }
0x99: {  	s19 =	simm.s32 $_scs_section_size  }
0x9a: {  	s4 =	simm.s32 $_size__tile_overlayer_lowered;
	s5 =	simm.s32 $_tile_overlayer_lowered  }
0x9b: {  	s22 =	simm.s32 $0x1BFF;
	s21 =	sshll.u32 s5, $0x1;
	s2 =	sadd.s32 s19, s18  }
0x9c: {  	s6 =	simm.s32 $0x0;
	s20 =	sshll.u32 s4, $0x1;
	s4 =	sadd.s32 s21, s2  }
0x9d: {  	[timem:s6], [sflag:s22] =	dma.local [hbm:s4], s20  }
0x9e: {  	_ =	swait.ge [sflag:s22], s20  }
0x9f: {  	s3 =	ssub.s32 $0x0, s20;
	[sflag:s22] =	ssyncset.done $0x0  }
0xa0: {  	[sflag:s22] =	ssyncadd.s32 s3;
	_ =	sdelay $0x1  }
0xa1: {  	s23 =	simm.s32 $0x1B8B  }
0xa2: {  	_ =	swait.ge [sflag:s23], $0x1  }
0xa3: {  	[sflag:s23] =	ssyncset.done $0x0  }
0xa4: {  	s25 =	simm.s32 $0x1B8E;
	s24 =	sld [smem:$0x3FFE];
	[sflag:s23] =	ssyncadd.s32 $0xFFFFFFFF  }
0xa5: {  	s26 =	simm.s32 $execute0_lowered;
	[smem:$0x3FD2] =	sst s25  }
0xa6: {  	s4 =	sshll.u32 s26, $0x1;
	_ =	strace $0x8000004F;
	[dreg:$0x1] =	wrdreg $0xFFFFFFFF  }
0xa7: {  	s28 =	simm.s32 $_size_execute0_lowered;
	s2 =	sadd.s32 s2, s4;
	[dreg:$0x0] =	wrdreg $0x0  }
0xa8: {  	s4 =	sshll.u32 s28, $0x1;
	[dreg:$0x2] =	wrdreg s2  }
0xa9: {  	[dreg:$0x3] =	wrdreg s4  }
0xaa: {  	[dreg:$0x4] =	wrdreg $0xC0  }
0xab: {  	_ =	task [dreg:s6], $0x5FFFF  }
0xac: {  	[dreg:$0x1] =	wrdreg $0xFFFFFFFF  }
0xad: {  	[dreg:$0x0] =	wrdreg $0x60  }
0xae: {  	[dreg:$0x2] =	wrdreg s24  }
0xaf: {  	[dreg:$0x3] =	wrdreg $0x0  }
0xb0: {  	[dreg:$0x4] =	wrdreg $0x9  }
0xb1: {  	_ =	task.clear_ibuf [dreg:s6], $0x5FFFF;
	_ =	strace $0x9000004F  }
0xb2: {  	s29 =	simm.s32 $0x9;
	_ =	strace $0x80000051  }
0xb3: {  	_ =	swait.ge [sflag:s29], $0x1  }
0xb4: {  	[sflag:s29] =	ssyncadd.s32 $0xFFFFFFFF  }
0xb5: {  	_ =	strace $0x90000051  }
0xb6: {  	_ =	sfence  }
0xb7: {  	s30 =	sld [smem:$0x0];
	_ =	sdelay $0x2  }
0xb8: {  	s31 =	sshll.u32 s1, $0xD;
	s1 =	sshrl.u32 s1, $0x2  }
0xb9: {  	s3 =	sand.u32 $0x4000, s31;
	s1 =	sadd.s32 s1, s30  }
0xba: {  	s0 =	sor.u32 s3, s0;
	s1 =	sshll.u32 s1, $0x11  }
0xbb: {  	s0 =	sor.u32 s1, s0  }
0xbc: {  	s0 =	sadd.s32 $0x8F2B, s0  }
0xbd: {  	[sflag:s0] =	ssyncadd.remote.s32 $0x1  }
0xbe: {  	_ =	sfence.sel $0xFFFF  }
0xbf: {  	[dreg:$0x0] =	wrdreg $0xFFFFFFFF;
	(pc) =	sbr.abs _section_cstart, $3  }
0xc0: {  	[dreg:$0x1] =	wrdreg $0xFFFFFFFF  }
0xc1: {  	_ =	task.clear_ibuf [dreg:s6], $0x2FFFF;
	_ =	strace $0x9FFFFFFF  }
0xc2: {  	(tm) =	ssettm $0x7FFFFFFF  }
0xc3: {  	_ =	shalt  }
tec
execute0_lowered:
.L_overlay_start_1:
0x0: {  	(tag) =	ssettag $0x1  }
0x1: {  	s0 =	srdreg.scid;
	s9 =	stileid.u32  }
0x2: {  	s1 =	rddreg [dreg:$0x0];
	s4 =	smul.u32 $0x5400, s9  }
0x3: {  	s2 =	rddreg [dreg:$0x1];
	s3 =	simm.s32 $0x0;
	s6 =	smul.u32 $0xA800, s9  }
0x4: {  	s8 =	sand.u32 $0x1, s0;
	s7 =	sshll.u32 s9, $0x4;
	s9 =	smul.u32 $0x2A000, s9  }
0x5: {  	[smem:$0x7FF] =	sst s3;
	s0 =	smul.u32 $0x54000, s8  }
0x6: {  	s5 =	smul.u32 $0x150000, s8;
	_ =	strace $0x80000050;
	s18 =	ssub.s32 $0x2, s8  }
0x7: {  	s10 =	sadd.s32 s7, s1;
	v1 =	vmov s8;
	s8 =	simm.s32 $0x1;
	s19 =	sshrl.u32 s18, $0x1  }
0x8: {  	s20 =	sshrl.u32 s9, $0x2;
	s22 =	sadd.s32 $0x3400, s10;
	s0 =	sadd.s32 s4, s0  }
0x9: {  	s4 =	sadd.s32 $0x6A600, s1;
	s5 =	sadd.s32 s6, s5;
	s6 =	ssub.s32 s18, s19  }
0xa: {  	s7 =	sadd.s32 s20, s2;
	[dreg:$0x5] =	wrdreg s22;
	s22 =	sadd.s32 $0x92600, s1  }
0xb: {  	s0 =	sshrl.u32 s0, $0x3;
	s5 =	sshrl.u32 s5, $0x3;
	s16 =	sadd.s32 $0x800, s7  }
0xc: {  	s17 =	sadd.s32 $0x1000, s7;
	s18 =	sadd.s32 $0x1800, s7;
	s19 =	sadd.s32 $0x2000, s7  }
0xd: {  	s20 =	sadd.s32 $0x2800, s7;
	s25 =	sadd.s32 $0x3000, s7;
	s26 =	sadd.s32 $0x3800, s7  }
0xe: {  	s28 =	sadd.s32 $0x4000, s7;
	s29 =	sadd.s32 $0x4800, s7;
	s10 =	smax.u32 s6, $0x1  }
0xf: {  	s30 =	sadd.s32 $0x5000, s7;
	s11 =	sadd.s32 $0x6800, s7;
	[dreg:$0x8] =	wrdreg s10  }
0x10: {  	s31 =	sadd.s32 $0x5800, s7;
	s12 =	sadd.s32 $0x7000, s7;
	[dreg:$0x9] =	wrdreg s11  }
0x11: {  	s23 =	sadd.s32 $0x6000, s7;
	s13 =	sadd.s32 $0x7800, s7;
	[dreg:$0xa] =	wrdreg s12  }
0x12: {  	s14 =	sadd.s32 $0x8000, s7;
	s15 =	sadd.s32 $0x8800, s7;
	[dreg:$0xb] =	wrdreg s13  }
0x13: {  	s0 =	sadd.s32 s0, s1;
	s5 =	sadd.s32 s5, s1;
	[dreg:$0xc] =	wrdreg s14  }
0x14: {  	s1 =	smov.u32 s23;
	[dreg:$0xd] =	wrdreg s15;
	s23 =	sadd.s32 $0x9800, s7  }
0x15: {  	s6 =	simm.s32 $0x1CC00;
	s21 =	sadd.s32 $0x40600, s0;
	[dreg:$0xf] =	wrdreg s23  }
0x16: {  	s10 =	simm.s32 $0x0;
	s0 =	sadd.s32 $0x55600, s0;
	[dreg:$0x3] =	wrdreg s21  }
.Ltmp0:
0x17: {  	s24 =	sadd.s32 $0xBA600, s5;
	[dreg:$0x4] =	wrdreg s0;
	(pc) =	sbr.rel .LBB2_1-.Ltmp0, $4  }
0x18: {  	s9 =	sadd.s32 $0xCF600, s5;
	s5 =	simm.s32 $0x3;
	[dreg:$0x6] =	wrdreg s24  }
0x19: {  	s23 =	simm.s32 $0x14C00;
	[dreg:$0x7] =	wrdreg s9;
	s21 =	sadd.s32 $0x9000, s7  }
0x1a: {  	v2 =	vlaneseq.u32;
	s24 =	sadd.s32 $0xA000, s7;
	s9 =	simm.s32 $0x2;
	[dreg:$0xe] =	wrdreg s21  }
0x1b: {  	v0 =	vimm.f32 $0.0e+00;
	vm0 =	veq.s32 v1, v2;
	[dreg:$0x10] =	wrdreg s24;
	s21 =	simm.s32 $0x80;
	s24 =	simm.s32 $0x18C00  }
.LBB2_10:
0x1c: {  	s16 =	smov.u32 s17;
	s17 =	smov.u32 s18  }
0x1d: {  	s18 =	smov.u32 s19;
	s19 =	smov.u32 s25;
	s25 =	smov.u32 s26  }
0x1e: {  	s26 =	smov.u32 s28;
	s28 =	smov.u32 s29;
	s29 =	smov.u32 s30  }
0x1f: {  	s30 =	smov.u32 s31;
	s31 =	smov.u32 s1;
	s1 =	smov.u32 s0  }
.LBB2_13:
0x20: {  	s15 =	sadd.s32 $0xFFFFFF80, s14;
	[sflag:s5] =	ssyncadd.s32 @p0 $0xFFFFC000  }
0x21: {  	[tilespmem:s23], [sflag:$0x1] =	stream.indirect.gather [hbm4b:s22+s21], $0x80, s15, s21, $0xb8;
	[tilespmem:$0x1D480] =	vst v63  }
0x22: {  	_ = 	snop  }
0x23: {  	[tilespmem:s24], [sflag:$0x2] =	stream.indirect.gather [hbm4b:s22+s21], $0x80, s14, s21, $0xb8;
	[tilespmem:$0x1D480] =	vst v63  }
0x24: {  	_ =	swait.ge [sflag:s8], $0x4000  }
0x25: {  	[sflag:s8] =	ssyncset.done $0x0  }
0x26: {  	s15 =	sadd.s32 $0xFFFFFF80, s13;
	[sflag:s8] =	ssyncadd.s32 $0xFFFFC000  }
0x27: {  	[spmem:s2] =	stream.indirect.scatter.add.f32 [tilespmem:s23], [sflag:$0x3], $0x80, s15, s21, $0xb8;
	[tilespmem:$0x1D480] =	vst v63  }
0x28: {  	_ =	swait.ge [sflag:s5], $0x4000  }
0x29: {  	[sflag:s5] =	ssyncset.done $0x0  }
0x2a: {  	[sflag:s5] =	ssyncadd.s32 $0xFFFFC000  }
0x2b: {  	_ =	swait.ge [sflag:s9], $0x4000  }
0x2c: {  	[sflag:s9] =	ssyncset.done $0x0  }
0x2d: {  	[sflag:s9] =	ssyncadd.s32 $0xFFFFC000  }
0x2e: {  	[spmem:s2] =	stream.indirect.scatter.add.f32 [tilespmem:s24], [sflag:$0x3], $0x80, s13, s21, $0xb8;
	[tilespmem:$0x1D480] =	vst v63  }
0x2f: {  	_ =	swait.ge [sflag:s5], $0x4000  }
0x30: {  	[sflag:s5] =	ssyncset.done $0x0  }
0x31: {  	[sflag:s5] =	ssyncadd.s32 $0xFFFFC000  }
.LBB2_14:
0x32: {  	[bflag:$0x0] =	sbarrier.arrive $0xFFFF  }
0x33: {  	s0 =	rddreg [dreg:$0x7]  }
0x34: {  	[hbm:s0], [sflag:s11] =	dma.local [spmem:s12], $0x1500  }
0x35: {  	_ =	swait.ge [sflag:s5], $0x1500  }
0x36: {  	s10 =	sadd.s32 $0x1, s10;
	s15 =	rddreg [dreg:$0x8]  }
0x37: {  	p0 =	sne.s32 s10, s15  }
.Ltmp1:
0x38: {  	_ = 	snop;
	(pc) =	sbr.rel @!p0 .LBB2_15-.Ltmp1, $3  }
0x39: {  	_ =	sdelay $0x1  }
0x3a: {  	[sflag:s5] =	ssyncset.done $0x0  }
0x3b: {  	[sflag:s5] =	ssyncadd.s32 $0xFFFFEB00  }
.LBB2_1:
0x3c: {  	s11 =	sand.u32 $0x1E00, s3  }
0x3d: {  	s12 =	sand.u32 $0x70, s3;
	s13 =	sshrl.u32 s11, $0x2  }
0x3e: {  	s11 =	simm.s32 $0x40;
	s13 =	sor.u32 s12, s13;
	s12 =	simm.s32 $0x0  }
.LBB2_2:
0x3f: {  	p0 =	sne.s32 s11, $0x1FC0  }
0x40: {  	[tilespmem:s13+$0x1CC00] =	vst v0;
	s12 =	sadd.s32 $0x10, s12;
	s13 =	smov.u32 s11;
	s11 =	sadd.s32 $0x40, s11  }
.Ltmp2:
0x41: {  	(pc) =	sbr.rel @p0 .LBB2_2-.Ltmp2, $4  }
0x42: {  	_ = 	snop  }
0x43: {  	s13 =	sand.u32 $0x1E00, s13  }
0x44: {  	s14 =	sand.u32 $0x70, s12;
	s13 =	sshrl.u32 s13, $0x2  }
0x45: {  	s13 =	sor.u32 s14, s13  }
0x46: {  	[tilespmem:s13+$0x1CC00] =	vst v0;
	s11 =	rddreg [dreg:$0x3];
	s0 =	simm.s32 $0xA800  }
0x47: {  	[tilespmem:s0], [sflag:$0x3] =	stream.linear.gather [hbm4b:s11+s3], $0x5200, $0x38;
	[tilespmem:$0x1D480] =	vst v63  }
0x48: {  	_ =	swait.ge [sflag:s5], $0x5200  }
0x49: {  	[sflag:s5] =	ssyncset.done $0x0  }
0x4a: {  	s13 =	simm.s32 $0xFA00;
	s12 =	rddreg [dreg:$0x4];
	[sflag:s5] =	ssyncadd.s32 $0xFFFFAE00  }
0x4b: {  	[tilespmem:s13], [sflag:$0x3] =	stream.linear.gather [hbm4b:s12+s3], $0x5200, $0x38;
	[tilespmem:$0x1D480] =	vst v63  }
0x4c: {  	_ =	swait.ge [sflag:s5], $0x5200  }
0x4d: {  	[sflag:s5] =	ssyncset.done $0x0  }
0x4e: {  	s15 =	simm.s32 $0x1D400;
	s14 =	rddreg [dreg:$0x5];
	[sflag:s5] =	ssyncadd.s32 $0xFFFFAE00  }
0x4f: {  	[tilespmem:s15], [sflag:$0x3] =	stream.linear.gather [hbm4b:s14+s3], $0x80, $0x38;
	[tilespmem:$0x1D480] =	vst v63  }
0x50: {  	_ =	swait.ge [sflag:s5], $0x80  }
0x51: {  	[sflag:s5] =	ssyncset.done $0x0  }
0x52: {  	[sflag:s5] =	ssyncadd.s32 $0xFFFFFF80  }
0x53: {  	v1 =	vld [tilespmem:$0x1D400];
	_ =	sdelay $0x4  }
0x54: {  	v1 =	vxor.u32 $0x80000000, v1  }
0x55: {  	v1 =	vnsel vm0, $0x80000000, v1  }
0x56: {  	(xrf0) =	vmax.scan.msk.u32 $0xffff, v1;
	_ =	sdelay $0x5  }
0x57: {  	v1, _, _ =	vpop (xrf0)  }
0x58: {  	(v2sf) =	vpush v1, $0xF;
	_ =	sdelay $0xd  }
0x59: {  	[spmem:s7] =	stream.linear.scatter [tilespmem:s6], [sflag:$0x3], $0x800, $0x38;
	[tilespmem:$0x1D480] =	vst v63  }
0x5a: {  	s11 =	spop (v2sf)  }
0x5b: {  	_ =	swait.ge [sflag:s5], $0x800  }
0x5c: {  	[sflag:s5] =	ssyncset.done $0x0  }
0x5d: {  	[sflag:s5] =	ssyncadd.s32 $0xFFFFF800  }
0x5e: {  	[spmem:s16] =	stream.linear.scatter [tilespmem:s6], [sflag:$0x3], $0x800, $0x38;
	[tilespmem:$0x1D480] =	vst v63  }
0x5f: {  	_ =	swait.ge [sflag:s5], $0x800  }
0x60: {  	[sflag:s5] =	ssyncset.done $0x0  }
0x61: {  	[sflag:s5] =	ssyncadd.s32 $0xFFFFF800  }
0x62: {  	[spmem:s17] =	stream.linear.scatter [tilespmem:s6], [sflag:$0x3], $0x800, $0x38;
	[tilespmem:$0x1D480] =	vst v63  }
0x63: {  	_ =	swait.ge [sflag:s5], $0x800  }
0x64: {  	[sflag:s5] =	ssyncset.done $0x0  }
0x65: {  	[sflag:s5] =	ssyncadd.s32 $0xFFFFF800  }
0x66: {  	[spmem:s18] =	stream.linear.scatter [tilespmem:s6], [sflag:$0x3], $0x800, $0x38;
	[tilespmem:$0x1D480] =	vst v63  }
0x67: {  	_ =	swait.ge [sflag:s5], $0x800  }
0x68: {  	[sflag:s5] =	ssyncset.done $0x0  }
0x69: {  	[sflag:s5] =	ssyncadd.s32 $0xFFFFF800  }
0x6a: {  	[spmem:s19] =	stream.linear.scatter [tilespmem:s6], [sflag:$0x3], $0x800, $0x38;
	[tilespmem:$0x1D480] =	vst v63  }
0x6b: {  	_ =	swait.ge [sflag:s5], $0x800  }
0x6c: {  	[sflag:s5] =	ssyncset.done $0x0  }
0x6d: {  	[sflag:s5] =	ssyncadd.s32 $0xFFFFF800  }
0x6e: {  	[spmem:s20] =	stream.linear.scatter [tilespmem:s6], [sflag:$0x3], $0x800, $0x38;
	[tilespmem:$0x1D480] =	vst v63  }
0x6f: {  	_ =	swait.ge [sflag:s5], $0x800  }
0x70: {  	[sflag:s5] =	ssyncset.done $0x0  }
0x71: {  	[sflag:s5] =	ssyncadd.s32 $0xFFFFF800  }
0x72: {  	[spmem:s25] =	stream.linear.scatter [tilespmem:s6], [sflag:$0x3], $0x800, $0x38;
	[tilespmem:$0x1D480] =	vst v63  }
0x73: {  	_ =	swait.ge [sflag:s5], $0x800  }
0x74: {  	[sflag:s5] =	ssyncset.done $0x0  }
0x75: {  	[sflag:s5] =	ssyncadd.s32 $0xFFFFF800  }
0x76: {  	[spmem:s26] =	stream.linear.scatter [tilespmem:s6], [sflag:$0x3], $0x800, $0x38;
	[tilespmem:$0x1D480] =	vst v63  }
0x77: {  	_ =	swait.ge [sflag:s5], $0x800  }
0x78: {  	[sflag:s5] =	ssyncset.done $0x0  }
0x79: {  	[sflag:s5] =	ssyncadd.s32 $0xFFFFF800  }
0x7a: {  	[spmem:s28] =	stream.linear.scatter [tilespmem:s6], [sflag:$0x3], $0x800, $0x38;
	[tilespmem:$0x1D480] =	vst v63  }
0x7b: {  	_ =	swait.ge [sflag:s5], $0x800  }
0x7c: {  	[sflag:s5] =	ssyncset.done $0x0  }
0x7d: {  	[sflag:s5] =	ssyncadd.s32 $0xFFFFF800  }
0x7e: {  	[spmem:s29] =	stream.linear.scatter [tilespmem:s6], [sflag:$0x3], $0x800, $0x38;
	[tilespmem:$0x1D480] =	vst v63  }
0x7f: {  	_ =	swait.ge [sflag:s5], $0x800  }
0x80: {  	[sflag:s5] =	ssyncset.done $0x0  }
0x81: {  	[sflag:s5] =	ssyncadd.s32 $0xFFFFF800  }
0x82: {  	[spmem:s30] =	stream.linear.scatter [tilespmem:s6], [sflag:$0x3], $0x800, $0x38;
	[tilespmem:$0x1D480] =	vst v63  }
0x83: {  	_ =	swait.ge [sflag:s5], $0x800  }
0x84: {  	[sflag:s5] =	ssyncset.done $0x0  }
0x85: {  	[sflag:s5] =	ssyncadd.s32 $0xFFFFF800  }
0x86: {  	[spmem:s31] =	stream.linear.scatter [tilespmem:s6], [sflag:$0x3], $0x800, $0x38;
	[tilespmem:$0x1D480] =	vst v63  }
0x87: {  	_ =	swait.ge [sflag:s5], $0x800  }
0x88: {  	[sflag:s5] =	ssyncset.done $0x0  }
0x89: {  	[sflag:s5] =	ssyncadd.s32 $0xFFFFF800  }
0x8a: {  	[spmem:s1] =	stream.linear.scatter [tilespmem:s6], [sflag:$0x3], $0x800, $0x38;
	[tilespmem:$0x1D480] =	vst v63  }
0x8b: {  	_ =	swait.ge [sflag:s5], $0x800  }
0x8c: {  	[sflag:s5] =	ssyncset.done $0x0  }
0x8d: {  	s12 =	rddreg [dreg:$0x9];
	[sflag:s5] =	ssyncadd.s32 $0xFFFFF800  }
0x8e: {  	[spmem:s12] =	stream.linear.scatter [tilespmem:s6], [sflag:$0x3], $0x800, $0x38;
	[tilespmem:$0x1D480] =	vst v63  }
0x8f: {  	_ =	swait.ge [sflag:s5], $0x800  }
0x90: {  	[sflag:s5] =	ssyncset.done $0x0  }
0x91: {  	s13 =	rddreg [dreg:$0xa];
	[sflag:s5] =	ssyncadd.s32 $0xFFFFF800  }
0x92: {  	[spmem:s13] =	stream.linear.scatter [tilespmem:s6], [sflag:$0x3], $0x800, $0x38;
	[tilespmem:$0x1D480] =	vst v63  }
0x93: {  	_ =	swait.ge [sflag:s5], $0x800  }
0x94: {  	[sflag:s5] =	ssyncset.done $0x0  }
0x95: {  	s14 =	rddreg [dreg:$0xb];
	[sflag:s5] =	ssyncadd.s32 $0xFFFFF800  }
0x96: {  	[spmem:s14] =	stream.linear.scatter [tilespmem:s6], [sflag:$0x3], $0x800, $0x38;
	[tilespmem:$0x1D480] =	vst v63  }
0x97: {  	_ =	swait.ge [sflag:s5], $0x800  }
0x98: {  	[sflag:s5] =	ssyncset.done $0x0  }
0x99: {  	s15 =	rddreg [dreg:$0xc];
	[sflag:s5] =	ssyncadd.s32 $0xFFFFF800  }
0x9a: {  	[spmem:s15] =	stream.linear.scatter [tilespmem:s6], [sflag:$0x3], $0x800, $0x38;
	[tilespmem:$0x1D480] =	vst v63  }
0x9b: {  	_ =	swait.ge [sflag:s5], $0x800  }
0x9c: {  	[sflag:s5] =	ssyncset.done $0x0  }
0x9d: {  	s12 =	rddreg [dreg:$0xd];
	[sflag:s5] =	ssyncadd.s32 $0xFFFFF800  }
0x9e: {  	[spmem:s12] =	stream.linear.scatter [tilespmem:s6], [sflag:$0x3], $0x800, $0x38;
	[tilespmem:$0x1D480] =	vst v63  }
0x9f: {  	_ =	swait.ge [sflag:s5], $0x800  }
0xa0: {  	[sflag:s5] =	ssyncset.done $0x0  }
0xa1: {  	s13 =	rddreg [dreg:$0xe];
	[sflag:s5] =	ssyncadd.s32 $0xFFFFF800  }
0xa2: {  	[spmem:s13] =	stream.linear.scatter [tilespmem:s6], [sflag:$0x3], $0x800, $0x38;
	[tilespmem:$0x1D480] =	vst v63  }
0xa3: {  	s12 =	sxor.u32 $0x80000000, s11;
	_ =	swait.ge [sflag:s5], $0x800  }
0xa4: {  	p1 =	sgt.s32 s11, $0xFFFFFFFF;
	p0 =	slt.s32 s12, $0xA4;
	[sflag:s5] =	ssyncset.done $0x0  }
0xa5: {  	s13 =	smov.u32 s12;
	s14 =	rddreg [dreg:$0xf];
	[sflag:s5] =	ssyncadd.s32 $0xFFFFF800  }
0xa6: {  	[spmem:s14] =	stream.linear.scatter [tilespmem:s6], [sflag:$0x3], $0x800, $0x38;
	[tilespmem:$0x1D480] =	vst v63  }
0xa7: {  	p5 =	slt.s32 s12, $0x1;
	s13 =	simm.s32 @!p0 $0xA4;
	_ =	swait.ge [sflag:s5], $0x800  }
0xa8: {  	p0 =	por p1, p5;
	s14 =	sand.u32 $0x1, s13;
	[sflag:s5] =	ssyncset.done $0x0  }
0xa9: {  	p6 =	seq.s32 s14, $0x1;
	s15 =	rddreg [dreg:$0x10];
	[sflag:s5] =	ssyncadd.s32 $0xFFFFF800  }
0xaa: {  	[spmem:s15] =	stream.linear.scatter [tilespmem:s6], [sflag:$0x3], $0x800, $0x38;
	[tilespmem:$0x1D480] =	vst v63  }
0xab: {  	p0 =	por !p0, !p6;
	s15 =	sshrl.u32 s13, $0x1F  }
0xac: {  	s12 =	simm.s32 $0x1;
	p0 =	por !p0, !p0;
	s11 =	sadd.s32 s15, s13  }
0xad: {  	s12 =	simm.s32 @!p0 $0x0;
	s11 =	sshra.s32 s11, $0x1  }
0xae: {  	s11 =	ssub.s32 s11, s12  }
0xaf: {  	p0 =	slt.s32 s11, $0x1  }
.Ltmp3:
0xb0: {  	_ =	swait.ge [sflag:s5], $0x800;
	(pc) =	sbr.rel @p0 .LBB2_7-.Ltmp3, $4  }
0xb1: {  	[sflag:s5] =	ssyncset.done $0x0  }
0xb2: {  	[sflag:s5] =	ssyncadd.s32 $0xFFFFF800  }
0xb3: {  	[bflag:$0x0] =	sbarrier.arrive $0xFFFF  }
0xb4: {  	s13 =	ssub.s32 $0x0, s11  }
0xb5: {  	s11 =	simm.s32 $0xA800  }
0xb6: {  	[tilespmem:s23], [sflag:$0x1] =	stream.indirect.gather [hbm4b:s4+s21], $0x80, s11, s21, $0xb8;
	[tilespmem:$0x1D480] =	vst v63  }
0xb7: {  	s12 =	simm.s32 $0xA880  }
0xb8: {  	[tilespmem:s24], [sflag:$0x2] =	stream.indirect.gather [hbm4b:s4+s21], $0x80, s12, s21, $0xb8;
	[tilespmem:$0x1D480] =	vst v63  }
0xb9: {  	_ =	swait.ge [sflag:s8], $0x4000  }
0xba: {  	[sflag:s8] =	ssyncset.done $0x0  }
0xbb: {  	s15 =	simm.s32 $0xFA00;
	[sflag:s8] =	ssyncadd.s32 $0xFFFFC000  }
0xbc: {  	[spmem:s2] =	stream.indirect.scatter.add.f32 [tilespmem:s23], [sflag:$0x3], $0x80, s15, s21, $0xb8;
	[tilespmem:$0x1D480] =	vst v63  }
0xbd: {  	_ =	swait.ge [sflag:s5], $0x4000  }
0xbe: {  	[sflag:s5] =	ssyncset.done $0x0  }
0xbf: {  	s12 =	sadd.s32 $0x1, s13;
	[sflag:s5] =	ssyncadd.s32 $0xFFFFC000  }
0xc0: {  	p1 =	seq.s32 s12, $0x0;
	_ =	swait.ge [sflag:s9], $0x4000  }
.Ltmp4:
0xc1: {  	[sflag:s9] =	ssyncset.done $0x0;
	(pc) =	sbr.rel @p1 .LBB2_6-.Ltmp4, $4  }
0xc2: {  	s14 =	simm.s32 $0xFA80;
	[sflag:s9] =	ssyncadd.s32 $0xFFFFC000  }
0xc3: {  	[spmem:s2] =	stream.indirect.scatter.add.f32 [tilespmem:s24], [sflag:$0x3], $0x80, s14, s21, $0xb8;
	[tilespmem:$0x1D480] =	vst v63  }
0xc4: {  	_ =	swait.ge [sflag:s5], $0x4000  }
0xc5: {  	s14 =	simm.s32 $0xFB00;
	[sflag:s5] =	ssyncset.done $0x0  }
.LBB2_5:
0xc6: {  	s12 =	sadd.s32 $0x1, s12;
	[sflag:s5] =	ssyncadd.s32 $0xFFFFC000;
	s11 =	sadd.s32 $0x100, s11  }
0xc7: {  	[tilespmem:s23], [sflag:$0x1] =	stream.indirect.gather [hbm4b:s4+s21], $0x80, s11, s21, $0xb8;
	[tilespmem:$0x1D480] =	vst v63  }
0xc8: {  	s15 =	sadd.s32 $0x80, s11;
	p1 =	seq.s32 s12, $0x0  }
0xc9: {  	[tilespmem:s24], [sflag:$0x2] =	stream.indirect.gather [hbm4b:s4+s21], $0x80, s15, s21, $0xb8;
	[tilespmem:$0x1D480] =	vst v63  }
0xca: {  	_ =	swait.ge [sflag:s8], $0x4000  }
0xcb: {  	[sflag:s8] =	ssyncset.done $0x0  }
0xcc: {  	[sflag:s8] =	ssyncadd.s32 $0xFFFFC000  }
0xcd: {  	[spmem:s2] =	stream.indirect.scatter.add.f32 [tilespmem:s23], [sflag:$0x3], $0x80, s14, s21, $0xb8;
	[tilespmem:$0x1D480] =	vst v63  }
0xce: {  	_ =	swait.ge [sflag:s5], $0x4000  }
0xcf: {  	[sflag:s5] =	ssyncset.done $0x0  }
0xd0: {  	[sflag:s5] =	ssyncadd.s32 $0xFFFFC000  }
0xd1: {  	_ =	swait.ge [sflag:s9], $0x4000  }
.Ltmp5:
0xd2: {  	[sflag:s9] =	ssyncset.done $0x0;
	(pc) =	sbr.rel @!p1 .LBB2_5-.Ltmp5, $4  }
0xd3: {  	s15 =	sadd.s32 $0x80, s14;
	[sflag:s9] =	ssyncadd.s32 $0xFFFFC000  }
0xd4: {  	[spmem:s2] =	stream.indirect.scatter.add.f32 [tilespmem:s24], [sflag:$0x3], $0x80, s15, s21, $0xb8;
	[tilespmem:$0x1D480] =	vst v63  }
0xd5: {  	_ =	swait.ge [sflag:s5], $0x4000  }
0xd6: {  	s14 =	sadd.s32 $0x100, s14;
	[sflag:s5] =	ssyncset.done $0x0  }
.LBB2_6:
0xd7: {  	[sflag:s5] =	ssyncadd.s32 $0xFFFFC000  }
.LBB2_7:
0xd8: {  	s11 =	stileid.u32  }
0xd9: {  	[bflag:$0x0] =	sbarrier.arrive $0xFFFF;
	s11 =	sshll.u32 s11, $0x6  }
0xda: {  	s12 =	sshrl.u32 s7, $0x3;
	s0 =	rddreg [dreg:$0x6];
	s11 =	sor.u32 $0x1C03, s11  }
0xdb: {  	[hbm:s0], [sflag:s11] =	dma.local [spmem:s12], $0x1500  }
0xdc: {  	_ =	swait.ge [sflag:s5], $0x1500  }
0xdd: {  	[sflag:s5] =	ssyncset.done $0x0  }
0xde: {  	[sflag:s5] =	ssyncadd.s32 $0xFFFFEB00  }
0xdf: {  	[spmem:s7] =	stream.linear.scatter [tilespmem:s6], [sflag:$0x3], $0x800, $0x38;
	[tilespmem:$0x1D480] =	vst v63  }
0xe0: {  	_ =	swait.ge [sflag:s5], $0x800  }
0xe1: {  	[sflag:s5] =	ssyncset.done $0x0  }
0xe2: {  	[sflag:s5] =	ssyncadd.s32 $0xFFFFF800  }
0xe3: {  	[spmem:s16] =	stream.linear.scatter [tilespmem:s6], [sflag:$0x3], $0x800, $0x38;
	[tilespmem:$0x1D480] =	vst v63  }
0xe4: {  	_ =	swait.ge [sflag:s5], $0x800  }
0xe5: {  	[sflag:s5] =	ssyncset.done $0x0  }
0xe6: {  	[sflag:s5] =	ssyncadd.s32 $0xFFFFF800  }
0xe7: {  	[spmem:s17] =	stream.linear.scatter [tilespmem:s6], [sflag:$0x3], $0x800, $0x38;
	[tilespmem:$0x1D480] =	vst v63  }
0xe8: {  	_ =	swait.ge [sflag:s5], $0x800  }
0xe9: {  	[sflag:s5] =	ssyncset.done $0x0  }
0xea: {  	[sflag:s5] =	ssyncadd.s32 $0xFFFFF800  }
0xeb: {  	[spmem:s18] =	stream.linear.scatter [tilespmem:s6], [sflag:$0x3], $0x800, $0x38;
	[tilespmem:$0x1D480] =	vst v63  }
0xec: {  	_ =	swait.ge [sflag:s5], $0x800  }
0xed: {  	[sflag:s5] =	ssyncset.done $0x0  }
0xee: {  	[sflag:s5] =	ssyncadd.s32 $0xFFFFF800  }
0xef: {  	[spmem:s19] =	stream.linear.scatter [tilespmem:s6], [sflag:$0x3], $0x800, $0x38;
	[tilespmem:$0x1D480] =	vst v63  }
0xf0: {  	_ =	swait.ge [sflag:s5], $0x800  }
0xf1: {  	[sflag:s5] =	ssyncset.done $0x0  }
0xf2: {  	[sflag:s5] =	ssyncadd.s32 $0xFFFFF800  }
0xf3: {  	[spmem:s20] =	stream.linear.scatter [tilespmem:s6], [sflag:$0x3], $0x800, $0x38;
	[tilespmem:$0x1D480] =	vst v63  }
0xf4: {  	_ =	swait.ge [sflag:s5], $0x800  }
0xf5: {  	[sflag:s5] =	ssyncset.done $0x0  }
0xf6: {  	[sflag:s5] =	ssyncadd.s32 $0xFFFFF800  }
0xf7: {  	[spmem:s25] =	stream.linear.scatter [tilespmem:s6], [sflag:$0x3], $0x800, $0x38;
	[tilespmem:$0x1D480] =	vst v63  }
0xf8: {  	_ =	swait.ge [sflag:s5], $0x800  }
0xf9: {  	[sflag:s5] =	ssyncset.done $0x0  }
0xfa: {  	[sflag:s5] =	ssyncadd.s32 $0xFFFFF800  }
0xfb: {  	[spmem:s26] =	stream.linear.scatter [tilespmem:s6], [sflag:$0x3], $0x800, $0x38;
	[tilespmem:$0x1D480] =	vst v63  }
0xfc: {  	_ =	swait.ge [sflag:s5], $0x800  }
0xfd: {  	[sflag:s5] =	ssyncset.done $0x0  }
0xfe: {  	[sflag:s5] =	ssyncadd.s32 $0xFFFFF800  }
0xff: {  	[spmem:s28] =	stream.linear.scatter [tilespmem:s6], [sflag:$0x3], $0x800, $0x38;
	[tilespmem:$0x1D480] =	vst v63  }
0x100: {  	_ =	swait.ge [sflag:s5], $0x800  }
0x101: {  	[sflag:s5] =	ssyncset.done $0x0  }
0x102: {  	[sflag:s5] =	ssyncadd.s32 $0xFFFFF800  }
0x103: {  	[spmem:s29] =	stream.linear.scatter [tilespmem:s6], [sflag:$0x3], $0x800, $0x38;
	[tilespmem:$0x1D480] =	vst v63  }
0x104: {  	_ =	swait.ge [sflag:s5], $0x800  }
0x105: {  	[sflag:s5] =	ssyncset.done $0x0  }
0x106: {  	[sflag:s5] =	ssyncadd.s32 $0xFFFFF800  }
0x107: {  	[spmem:s30] =	stream.linear.scatter [tilespmem:s6], [sflag:$0x3], $0x800, $0x38;
	[tilespmem:$0x1D480] =	vst v63  }
0x108: {  	_ =	swait.ge [sflag:s5], $0x800  }
0x109: {  	[sflag:s5] =	ssyncset.done $0x0  }
0x10a: {  	[sflag:s5] =	ssyncadd.s32 $0xFFFFF800  }
0x10b: {  	[spmem:s31] =	stream.linear.scatter [tilespmem:s6], [sflag:$0x3], $0x800, $0x38;
	[tilespmem:$0x1D480] =	vst v63  }
0x10c: {  	_ =	swait.ge [sflag:s5], $0x800  }
0x10d: {  	[sflag:s5] =	ssyncset.done $0x0  }
0x10e: {  	[sflag:s5] =	ssyncadd.s32 $0xFFFFF800  }
0x10f: {  	[spmem:s1] =	stream.linear.scatter [tilespmem:s6], [sflag:$0x3], $0x800, $0x38;
	[tilespmem:$0x1D480] =	vst v63  }
0x110: {  	_ =	swait.ge [sflag:s5], $0x800  }
0x111: {  	[sflag:s5] =	ssyncset.done $0x0  }
0x112: {  	s14 =	rddreg [dreg:$0x9];
	[sflag:s5] =	ssyncadd.s32 $0xFFFFF800  }
0x113: {  	[spmem:s14] =	stream.linear.scatter [tilespmem:s6], [sflag:$0x3], $0x800, $0x38;
	[tilespmem:$0x1D480] =	vst v63  }
0x114: {  	_ =	swait.ge [sflag:s5], $0x800  }
0x115: {  	[sflag:s5] =	ssyncset.done $0x0  }
0x116: {  	s15 =	rddreg [dreg:$0xa];
	[sflag:s5] =	ssyncadd.s32 $0xFFFFF800  }
0x117: {  	[spmem:s15] =	stream.linear.scatter [tilespmem:s6], [sflag:$0x3], $0x800, $0x38;
	[tilespmem:$0x1D480] =	vst v63  }
0x118: {  	_ =	swait.ge [sflag:s5], $0x800  }
0x119: {  	[sflag:s5] =	ssyncset.done $0x0  }
0x11a: {  	s14 =	rddreg [dreg:$0xb];
	[sflag:s5] =	ssyncadd.s32 $0xFFFFF800  }
0x11b: {  	[spmem:s14] =	stream.linear.scatter [tilespmem:s6], [sflag:$0x3], $0x800, $0x38;
	[tilespmem:$0x1D480] =	vst v63  }
0x11c: {  	_ =	swait.ge [sflag:s5], $0x800  }
0x11d: {  	[sflag:s5] =	ssyncset.done $0x0  }
0x11e: {  	s15 =	rddreg [dreg:$0xc];
	[sflag:s5] =	ssyncadd.s32 $0xFFFFF800  }
0x11f: {  	[spmem:s15] =	stream.linear.scatter [tilespmem:s6], [sflag:$0x3], $0x800, $0x38;
	[tilespmem:$0x1D480] =	vst v63  }
0x120: {  	_ =	swait.ge [sflag:s5], $0x800  }
0x121: {  	[sflag:s5] =	ssyncset.done $0x0  }
0x122: {  	s14 =	rddreg [dreg:$0xd];
	[sflag:s5] =	ssyncadd.s32 $0xFFFFF800  }
0x123: {  	[spmem:s14] =	stream.linear.scatter [tilespmem:s6], [sflag:$0x3], $0x800, $0x38;
	[tilespmem:$0x1D480] =	vst v63  }
0x124: {  	_ =	swait.ge [sflag:s5], $0x800  }
0x125: {  	[sflag:s5] =	ssyncset.done $0x0  }
0x126: {  	s15 =	rddreg [dreg:$0xe];
	[sflag:s5] =	ssyncadd.s32 $0xFFFFF800  }
0x127: {  	[spmem:s15] =	stream.linear.scatter [tilespmem:s6], [sflag:$0x3], $0x800, $0x38;
	[tilespmem:$0x1D480] =	vst v63  }
0x128: {  	_ =	swait.ge [sflag:s5], $0x800  }
0x129: {  	[sflag:s5] =	ssyncset.done $0x0  }
0x12a: {  	s14 =	rddreg [dreg:$0xf];
	[sflag:s5] =	ssyncadd.s32 $0xFFFFF800  }
0x12b: {  	[spmem:s14] =	stream.linear.scatter [tilespmem:s6], [sflag:$0x3], $0x800, $0x38;
	[tilespmem:$0x1D480] =	vst v63  }
0x12c: {  	_ =	swait.ge [sflag:s5], $0x800  }
0x12d: {  	[sflag:s5] =	ssyncset.done $0x0  }
0x12e: {  	s15 =	rddreg [dreg:$0x10];
	[sflag:s5] =	ssyncadd.s32 $0xFFFFF800  }
0x12f: {  	[spmem:s15] =	stream.linear.scatter [tilespmem:s6], [sflag:$0x3], $0x800, $0x38;
	[tilespmem:$0x1D480] =	vst v63  }
.Ltmp6:
0x130: {  	_ =	swait.ge [sflag:s5], $0x800;
	(pc) =	sbr.rel @p0 .LBB2_14-.Ltmp6, $3  }
0x131: {  	[sflag:s5] =	ssyncset.done $0x0  }
0x132: {  	[sflag:s5] =	ssyncadd.s32 $0xFFFFF800  }
0x133: {  	[bflag:$0x0] =	sbarrier.arrive $0xFFFF;
	_ =	sdelay $0x1  }
0x134: {  	s15 =	sadd.s32 $0x1, s13  }
0x135: {  	p1 =	seq.s32 s15, $0x0  }
.Ltmp7:
0x136: {  	_ = 	snop;
	(pc) =	sbr.rel @p1 .LBB2_13-.Ltmp7, $2  }
0x137: {  	_ =	sdelay $0x2  }
0x138: {  	s13 =	simm.s32 $0xFA80;
	s14 =	simm.s32 $0xA880;
	p0 =	por $0x0, $0x0  }
0x139: {  	s0 =	smov.u32 s1;
	s1 =	smov.u32 s31;
	s31 =	smov.u32 s30  }
0x13a: {  	s30 =	smov.u32 s29;
	s29 =	smov.u32 s28;
	s28 =	smov.u32 s26  }
0x13b: {  	s26 =	smov.u32 s25;
	s25 =	smov.u32 s19;
	s19 =	smov.u32 s18  }
0x13c: {  	s18 =	smov.u32 s17;
	s17 =	smov.u32 s16;
	s16 =	simm.s32 $0xA800  }
0x13d: {  	[tilespmem:s23], [sflag:$0x1] =	stream.indirect.gather [hbm4b:s22+s21], $0x80, s16, s21, $0xb8;
	[tilespmem:$0x1D480] =	vst v63  }
0x13e: {  	_ = 	snop  }
0x13f: {  	[tilespmem:s24], [sflag:$0x2] =	stream.indirect.gather [hbm4b:s22+s21], $0x80, s14, s21, $0xb8;
	[tilespmem:$0x1D480] =	vst v63  }
0x140: {  	_ =	swait.ge [sflag:s8], $0x4000  }
0x141: {  	[sflag:s8] =	ssyncset.done $0x0  }
0x142: {  	s16 =	simm.s32 $0xFA00;
	[sflag:s8] =	ssyncadd.s32 $0xFFFFC000  }
0x143: {  	[spmem:s2] =	stream.indirect.scatter.add.f32 [tilespmem:s23], [sflag:$0x3], $0x80, s16, s21, $0xb8;
	[tilespmem:$0x1D480] =	vst v63  }
0x144: {  	_ =	swait.ge [sflag:s5], $0x4000  }
0x145: {  	[sflag:s5] =	ssyncset.done $0x0  }
0x146: {  	s15 =	sadd.s32 $0x1, s15;
	[sflag:s5] =	ssyncadd.s32 $0xFFFFC000  }
0x147: {  	p1 =	seq.s32 s15, $0x0;
	_ =	swait.ge [sflag:s9], $0x4000  }
.Ltmp8:
0x148: {  	[sflag:s9] =	ssyncset.done $0x0;
	(pc) =	sbr.rel @p1 .LBB2_10-.Ltmp8, $4  }
0x149: {  	[sflag:s9] =	ssyncadd.s32 $0xFFFFC000  }
0x14a: {  	[spmem:s2] =	stream.indirect.scatter.add.f32 [tilespmem:s24], [sflag:$0x3], $0x80, s13, s21, $0xb8;
	[tilespmem:$0x1D480] =	vst v63  }
0x14b: {  	p0 =	por $0x1, $0x1;
	_ =	swait.ge [sflag:s5], $0x4000  }
0x14c: {  	s14 =	simm.s32 $0xA980;
	s13 =	simm.s32 $0xFB80;
	[sflag:s5] =	ssyncset.done $0x0  }
.LBB2_11:
0x14d: {  	s15 =	sadd.s32 $0x1, s15;
	s16 =	sadd.s32 $0xFFFFFF80, s14;
	[sflag:s5] =	ssyncadd.s32 $0xFFFFC000  }
0x14e: {  	[tilespmem:s23], [sflag:$0x1] =	stream.indirect.gather [hbm4b:s22+s21], $0x80, s16, s21, $0xb8;
	[tilespmem:$0x1D480] =	vst v63  }
0x14f: {  	p1 =	seq.s32 s15, $0x0  }
0x150: {  	[tilespmem:s24], [sflag:$0x2] =	stream.indirect.gather [hbm4b:s22+s21], $0x80, s14, s21, $0xb8;
	[tilespmem:$0x1D480] =	vst v63  }
0x151: {  	_ =	swait.ge [sflag:s8], $0x4000  }
0x152: {  	[sflag:s8] =	ssyncset.done $0x0  }
0x153: {  	s16 =	sadd.s32 $0xFFFFFF80, s13;
	[sflag:s8] =	ssyncadd.s32 $0xFFFFC000  }
0x154: {  	[spmem:s2] =	stream.indirect.scatter.add.f32 [tilespmem:s23], [sflag:$0x3], $0x80, s16, s21, $0xb8;
	[tilespmem:$0x1D480] =	vst v63  }
0x155: {  	_ =	swait.ge [sflag:s5], $0x4000  }
0x156: {  	[sflag:s5] =	ssyncset.done $0x0  }
0x157: {  	[sflag:s5] =	ssyncadd.s32 $0xFFFFC000  }
0x158: {  	_ =	swait.ge [sflag:s9], $0x4000  }
.Ltmp9:
0x159: {  	[sflag:s9] =	ssyncset.done $0x0;
	(pc) =	sbr.rel @!p1 .LBB2_11-.Ltmp9, $4  }
0x15a: {  	[sflag:s9] =	ssyncadd.s32 $0xFFFFC000  }
0x15b: {  	[spmem:s2] =	stream.indirect.scatter.add.f32 [tilespmem:s24], [sflag:$0x3], $0x80, s13, s21, $0xb8;
	[tilespmem:$0x1D480] =	vst v63  }
0x15c: {  	_ =	swait.ge [sflag:s5], $0x4000  }
0x15d: {  	s14 =	sadd.s32 $0x100, s14;
	s13 =	sadd.s32 $0x100, s13;
	[sflag:s5] =	ssyncset.done $0x0  }
.Ltmp10:
0x15e: {  	(pc) =	sbr.rel .LBB2_13-.Ltmp10, $4  }
0x15f: {  	s16 =	smov.u32 s17;
	s17 =	smov.u32 s18  }
0x160: {  	s18 =	smov.u32 s19;
	s19 =	smov.u32 s25;
	s25 =	smov.u32 s26  }
0x161: {  	s26 =	smov.u32 s28;
	s28 =	smov.u32 s29;
	s29 =	smov.u32 s30  }
0x162: {  	s30 =	smov.u32 s31;
	s31 =	smov.u32 s1;
	s1 =	smov.u32 s0  }
.LBB2_15:
0x163: {  	_ =	sfence.sel $0x180000  }
0x164: {  	[bflag:$0x0] =	sbarrier.arrive $0xFFFF  }
0x165: {  	_ =	strace $0x90000050  }
0x166: {  	s0 =	stileid.u32;
	[bflag:$0x2] =	sbarrier.arrive $0xFFFF  }
0x167: {  	p0 =	sne.s32 s0, $0x0;
	s0 =	rddreg [dreg:$0x2]  }
0x168: {  	s0 =	sadd.s32 @!p0 $0x100000, s0  }
0x169: {  	[sflag:s0] =	ssyncadd.tile.s32 @!p0 $0x1;
	_ =	shalt  }
.Lfunc_end2:
_tile_overlayer_lowered:
.L_overlay_start_2:
0x16a: {  	(tag) =	ssettag $0x2  }
0x16b: {  	s0 =	rddreg [dreg:$0x0];
	s2 =	stileid.u32  }
0x16c: {  	s1 =	rddreg [dreg:$0x1];
	p0 =	sne.s32 s2, $0x0  }
0x16d: {  	s3 =	rddreg [dreg:$0x2];
	[bflag:$0x3] =	sbarrier.arrive $0xFFFF;
	s2 =	simm.s32 @!p0 $0x1C03  }
0x16e: {  	[timem:s3], [sflag:s2] =	dma.local @!p0 [hbm:s0], s1  }
0x16f: {  	s0 =	simm.s32 @!p0 $0x3  }
0x170: {  	_ =	swait.ge @!p0 [sflag:s0], s1  }
0x171: {  	s1 =	ssub.s32 @!p0 $0x0, s1;
	[sflag:s0] =	ssyncset.done @!p0 $0x0  }
0x172: {  	[sflag:s0] =	ssyncadd.s32 @!p0 s1  }
0x173: {  	[bflag:$0x3] =	sbarrier.arrive $0xFFFF  }
0x174: {  	_ =	shalt  }

</sc_bundles>
